<compile_context>
chip_gen: v7x
topology: tpu7x:2x2x1
jax: 0.10.2.dev20260603
libtpu: 0.0.44.dev20260713+nightly
codegen_flags: <defaults>
</compile_context>

<pallas_src>
import functools

import jax
import jax.numpy as jnp
from jax import lax
from jax.experimental import pallas as pl
from jax.experimental.pallas import tpu as pltpu
from jax.experimental.pallas import tpu_sc as plsc

N = 10000
E = 320000
D = 128
NG = 128
NCLS = 16

KE = 80
EPT = E // 32
NCH = EPT // KE
XCH = N // KE

_mesh = plsc.VectorSubcoreMesh(core_axis_name="c", subcore_axis_name="s")


def _rr16(s, nch, body):
    for k in range(nch // 16):
        body(s + 16 * k)
    rem = nch % 16
    if rem:
        @pl.when(s < rem)
        def _():
            body(s + 16 * (nch // 16))



@functools.partial(
    pl.kernel,
    out_type=(
        jax.ShapeDtypeStruct((2, 2, 16, 16, N // 2), jnp.float32),
        jax.ShapeDtypeStruct((N, D), jnp.float32),
    ),
    mesh=_mesh,
    scratch_types=[
        pltpu.VMEM((EPT,), jnp.int32),
        pltpu.VMEM((16, N // 2), jnp.float32),
        pltpu.VMEM((4 * KE,), jnp.int32),
        pltpu.VMEM((KE, D), jnp.float32),
        pltpu.VMEM((KE, D), jnp.float32),
        pltpu.SemaphoreType.DMA,
        pltpu.SemaphoreType.DMA,
    ],
    compiler_params=pltpu.CompilerParams(needs_layout_passes=False),
)
def _sc_deg_emb(col_hbm, x_hbm, embed_hbm, degp_hbm, h0_hbm,
                colbuf, hist, xidx, rows0, rows1, semc, seme):
    c = lax.axis_index("c")
    s = lax.axis_index("s")
    w = s * 2 + c

    ebase = (c * 16 + s) * EPT
    cl_ = pltpu.async_copy(col_hbm.at[pl.ds(ebase, EPT)], colbuf, semc)

    erows = [rows0, rows1]
    nfull = XCH // 32
    rem = XCH % 32
    my_chunks = [w + 32 * k for k in range(nfull)]
    for k, ch in enumerate(my_chunks):
        pltpu.sync_copy(x_hbm.at[pl.ds(ch * KE, KE)],
                        xidx.at[pl.ds(k * KE, KE)])
    extra = w + 32 * nfull
    @pl.when(w < rem)
    def _():
        pltpu.sync_copy(x_hbm.at[pl.ds(extra * KE, KE)],
                        xidx.at[pl.ds(nfull * KE, KE)])

    def fire_emb(k, buf):
        return pltpu.async_copy(
            embed_hbm.at[xidx.at[pl.ds(k * KE, KE)]], erows[buf], seme)

    h0_ = fire_emb(0, 0)
    h1_ = fire_emb(1, 1)

    zv = jnp.zeros((16,), jnp.float32)
    ov = jnp.full((16,), 1.0, jnp.float32)
    lane = lax.iota(jnp.int32, 16)
    NR = N // 2

    cl_.wait()

    for p in range(2):
        lo = p * NR

        def zero_it(i, _):
            for l in range(16):
                hist[l, pl.ds(i * 16, 16)] = zv
            return 0
        lax.fori_loop(0, NR // 16, zero_it, 0)

        def deg_it(i, _):
            colv = colbuf[pl.ds(i * 16, 16)]
            il = colv - lo
            msk = (il >= 0) & (il < NR)
            ilc = jnp.clip(il, 0, NR - 1)
            cur = plsc.load_gather(hist, [lane, ilc], mask=msk)
            plsc.store_scatter(hist, [lane, ilc], cur + ov, mask=msk)
            return 0
        lax.fori_loop(0, EPT // 16, deg_it, 0)

        pltpu.sync_copy(hist, degp_hbm.at[p, c, s])

    h0_.wait()
    pltpu.sync_copy(erows[0], h0_hbm.at[pl.ds(my_chunks[0] * KE, KE)])
    h2_ = fire_emb(2, 0)
    h1_.wait()
    pltpu.sync_copy(erows[1], h0_hbm.at[pl.ds(my_chunks[1] * KE, KE)])
    @pl.when(w < rem)
    def _():
        fire_emb(nfull, 1)
    h2_.wait()
    pltpu.sync_copy(erows[0], h0_hbm.at[pl.ds(my_chunks[2] * KE, KE)])
    @pl.when(w < rem)
    def _():
        pltpu.make_async_copy(embed_hbm.at[xidx.at[pl.ds(nfull * KE, KE)]],
                              erows[1], seme).wait()
        pltpu.sync_copy(erows[1], h0_hbm.at[pl.ds(extra * KE, KE)])


@functools.partial(
    pl.kernel,
    out_type=jax.ShapeDtypeStruct((2, N, D), jnp.float32),
    mesh=_mesh,
    scratch_types=[
        pltpu.VMEM_SHARED((N, D), jnp.float32),
        pltpu.VMEM((KE,), jnp.int32),
        pltpu.VMEM((KE,), jnp.int32),
        pltpu.VMEM((KE,), jnp.int32),
        pltpu.VMEM((KE,), jnp.int32),
        pltpu.VMEM((KE,), jnp.int32),
        pltpu.VMEM((KE,), jnp.int32),
        pltpu.VMEM((KE,), jnp.int32),
        pltpu.VMEM((KE,), jnp.int32),
        pltpu.VMEM((KE, D), jnp.float32),
        pltpu.VMEM((KE, D), jnp.float32),
        pltpu.VMEM((KE, D), jnp.float32),
        pltpu.VMEM((KE, D), jnp.float32),
        pltpu.SemaphoreType.DMA,
        pltpu.SemaphoreType.DMA,
        pltpu.SemaphoreType.DMA,
        pltpu.SemaphoreType.DMA,
        pltpu.SemaphoreType.DMA,
        pltpu.SemaphoreType.DMA,
        pltpu.SemaphoreType.DMA,
        pltpu.SemaphoreType.DMA,
        pltpu.SemaphoreType.DMA,
        pltpu.SemaphoreType.DMA,
        pltpu.SemaphoreType.DMA,
        pltpu.SemaphoreType.DMA,
    ],
)
def _sc_edge(row_hbm, col_hbm, g_hbm, accp_hbm,
             acc, ri0, ri1, ri2, ri3, ci0, ci1, ci2, ci3,
             rw0, rw1, rw2, rw3,
             si0, si1, si2, si3, sg0, sg1, sg2, sg3, ss0, ss1, ss2, ss3):
    c = lax.axis_index("c")
    s = lax.axis_index("s")
    ridx = [ri0, ri1, ri2, ri3]
    cidx = [ci0, ci1, ci2, ci3]
    rows = [rw0, rw1, rw2, rw3]
    semi = [si0, si1, si2, si3]
    semg = [sg0, sg1, sg2, sg3]
    sems = [ss0, ss1, ss2, ss3]

    zv = jnp.zeros((16,), jnp.float32)

    def fill(i, _):
        for jj in range(D // 16):
            rw0[i, pl.ds(jj * 16, 16)] = zv
        return 0
    lax.fori_loop(0, KE, fill, 0)

    ebase = (c * 16 + s) * EPT

    def load_idx(j, b):
        off = pl.multiple_of(ebase + j * KE, 8)
        pltpu.async_copy(row_hbm.at[pl.ds(off, KE)], ridx[b], semi[b])
        pltpu.async_copy(col_hbm.at[pl.ds(off, KE)], cidx[b], semi[b])

    def wait_idx(b):
        pltpu.make_async_copy(row_hbm.at[pl.ds(0, KE)], ridx[b], semi[b]).wait()
        pltpu.make_async_copy(col_hbm.at[pl.ds(0, KE)], cidx[b], semi[b]).wait()

    def gather(b):
        pltpu.async_copy(g_hbm.at[ridx[b]], rows[b], semg[b])

    def wait_gather(b):
        pltpu.make_async_copy(g_hbm.at[ridx[b]], rows[b], semg[b]).wait()

    def scatter(b):
        pltpu.async_copy(rows[b], acc.at[cidx[b]], sems[b], add=True)

    def wait_scatter(b):
        pltpu.make_async_copy(rows[b], acc.at[cidx[b]], sems[b]).wait()

    load_idx(0, 0)
    load_idx(1, 1)
    load_idx(2, 2)
    _rr16(s, XCH, lambda ch: pltpu.sync_copy(rw0, acc.at[pl.ds(ch * KE, KE)]))
    plsc.subcore_barrier()

    wait_idx(0)
    gather(0)
    wait_idx(1)
    gather(1)

    wait_gather(0)
    scatter(0)
    load_idx(3, 3)
    wait_idx(2)
    gather(2)

    def edge_it(k, _):
        for i in range(4):
            j = 4 * k + 1 + i
            b = (1 + i) % 4
            wait_gather(b)
            scatter(b)
            wait_scatter((b + 3) % 4)
            load_idx(j + 3, (b + 3) % 4)
            wait_idx((b + 2) % 4)
            gather((b + 2) % 4)
        return 0
    lax.fori_loop(0, 30, edge_it, 0)

    wait_gather(1)
    scatter(1)
    wait_scatter(0)
    load_idx(124, 0)
    wait_idx(3)
    gather(3)
    wait_gather(2)
    scatter(2)
    wait_idx(0)
    gather(0)
    wait_gather(3)
    scatter(3)
    wait_gather(0)
    scatter(0)
    wait_scatter(1)
    wait_scatter(2)
    wait_scatter(3)
    wait_scatter(0)

    plsc.subcore_barrier()
    _rr16(s, XCH, lambda ch: pltpu.sync_copy(
        acc.at[pl.ds(ch * KE, KE)], accp_hbm.at[c, pl.ds(ch * KE, KE)]))



def _tc1_body(degp_ref, h0_ref, w1_ref, g1_ref, dis_ref):
    ones512 = jnp.ones((512, 1), jnp.float32)
    dims = (((0,), (0,)), ((), ()))
    d = jnp.concatenate(
        [lax.dot_general(degp_ref[0], ones512, dims,
                         preferred_element_type=jnp.float32),
         lax.dot_general(degp_ref[1], ones512, dims,
                         preferred_element_type=jnp.float32)], axis=0)
    dis = lax.rsqrt(d + 1.0)
    g1_ref[...] = jnp.dot(h0_ref[...], w1_ref[...],
                          preferred_element_type=jnp.float32) * dis
    dis_ref[...] = dis


def _tc2_body(accp_ref, g1_ref, dis_ref, b1_ref, w2_ref, g2_ref):
    dis = dis_ref[...]
    h1 = jnp.maximum(dis * (accp_ref[0] + accp_ref[1] + g1_ref[...])
                     + b1_ref[...], 0.0)
    g2_ref[...] = jnp.dot(h1, w2_ref[...],
                          preferred_element_type=jnp.float32) * dis


def _tc3_body(accp_ref, g2_ref, dis_ref, b2_ref, batch_ref, wl_ref, bl_ref,
              out_ref):
    dis = dis_ref[...]
    h2 = jnp.maximum(dis * (accp_ref[0] + accp_ref[1] + g2_ref[...])
                     + b2_ref[...], 0.0)
    gid = lax.broadcasted_iota(jnp.int32, (N, NG), 1)
    eh = (batch_ref[...] == gid).astype(jnp.float32)
    sums = lax.dot_general(eh, h2, (((0,), (0,)), ((), ())),
                           preferred_element_type=jnp.float32)
    cnt = lax.dot_general(eh, jnp.ones((N, 1), jnp.float32),
                          (((0,), (0,)), ((), ())),
                          preferred_element_type=jnp.float32)
    pooled = sums / jnp.maximum(cnt, 1.0)
    out_ref[...] = jnp.dot(pooled, wl_ref[...],
                           preferred_element_type=jnp.float32) + bl_ref[...]


_tc1 = pl.pallas_call(
    _tc1_body,
    out_shape=(jax.ShapeDtypeStruct((N, D), jnp.float32),
               jax.ShapeDtypeStruct((N, 1), jnp.float32)))
_tc2 = pl.pallas_call(
    _tc2_body,
    out_shape=jax.ShapeDtypeStruct((N, D), jnp.float32))
_tc3 = pl.pallas_call(
    _tc3_body,
    out_shape=jax.ShapeDtypeStruct((NG, NCLS), jnp.float32))


def kernel(x, edge_index, batch, embed, W1, b1, W2, b2, Wl, bl):
    x = x.reshape(-1).astype(jnp.int32)
    row = edge_index[0].astype(jnp.int32)
    col = edge_index[1].astype(jnp.int32)
    batch2 = batch.reshape(-1, 1).astype(jnp.int32)

    degp, h0 = _sc_deg_emb(col, x, embed)
    g1, dis = _tc1(degp.reshape(2, 512, N // 2), h0, W1)
    acc1 = _sc_edge(row, col, g1)
    g2 = _tc2(acc1, g1, dis, b1.reshape(1, -1), W2)
    acc2 = _sc_edge(row, col, g2)
    return _tc3(acc2, g2, dis, b2.reshape(1, -1), batch2, Wl, bl.reshape(1, -1))

# --- scband reference (transcript-rebuilt; emitter-appended) ---
"""Pipeline reference for scband-gcngraph-classifier-88648124990850 (READ-ONLY COPY).

The authoritative reference and input builder live on the scoring server;
editing this copy changes nothing except your own understanding.
"""

import jax, jax.numpy as jnp
import numpy as np

N_NODES = 10000
N_EDGES = 320000
VOCAB = 100000
EMB = 128
HID = 128
NCLS = 16
NGRAPH = 128


def setup_inputs(seed: int = 0) -> dict:
    key = jax.random.key(seed)
    ks = jax.random.split(key, 12)
    x = jax.random.randint(ks[0], (N_NODES,), 0, VOCAB)
    edge_index = jax.random.randint(ks[1], (2, N_EDGES), 0, N_NODES)
    batch = jnp.sort(jax.random.randint(ks[2], (N_NODES,), 0, NGRAPH))
    embed = jax.random.normal(ks[3], (VOCAB, EMB), dtype=jnp.float32) * 0.02
    W1 = jax.random.normal(ks[4], (EMB, HID), dtype=jnp.float32) * (1.0 / np.sqrt(EMB))
    b1 = jnp.zeros((HID,), dtype=jnp.float32)
    W2 = jax.random.normal(ks[5], (HID, HID), dtype=jnp.float32) * (1.0 / np.sqrt(HID))
    b2 = jnp.zeros((HID,), dtype=jnp.float32)
    Wl = jax.random.normal(ks[6], (HID, NCLS), dtype=jnp.float32) * (1.0 / np.sqrt(HID))
    bl = jnp.zeros((NCLS,), dtype=jnp.float32)
    return {"x": x, "edge_index": edge_index, "batch": batch, "embed": embed,
            "W1": W1, "b1": b1, "W2": W2, "b2": b2, "Wl": Wl, "bl": bl}


def _gcn_conv(h, row, col, W, b, n):
    # GCNConv with symmetric normalization (self-loops already appended to row/col)
    deg = jax.ops.segment_sum(jnp.ones(row.shape[0], h.dtype), col, num_segments=n)
    dis = jnp.where(deg > 0, jax.lax.rsqrt(jnp.maximum(deg, 1e-12)), 0.0)
    norm = dis[row] * dis[col]
    hw = h @ W
    msg = hw[row] * norm[:, None]
    out = jax.ops.segment_sum(msg, col, num_segments=n)
    return out + b


def reference(x, edge_index, batch, embed, W1, b1, W2, b2, Wl, bl):
    n = x.shape[0]
    x = x.reshape(-1)  # data.x.squeeze()
    loop = jnp.arange(n)
    row = jnp.concatenate([edge_index[0], loop])
    col = jnp.concatenate([edge_index[1], loop])
    h = embed[x]  # embedding lookup
    h = jax.nn.relu(_gcn_conv(h, row, col, W1, b1, n))
    h = jax.nn.relu(_gcn_conv(h, row, col, W2, b2, n))
    # global_mean_pool
    sums = jax.ops.segment_sum(h, batch, num_segments=NGRAPH)
    cnt = jax.ops.segment_sum(jnp.ones((n,), h.dtype), batch, num_segments=NGRAPH)
    pooled = sums / jnp.maximum(cnt, 1.0)[:, None]
    return pooled @ Wl + bl

if __name__ == "__main__":
    import jax
    _d = setup_inputs()
    print(jax.jit(kernel)(*tuple(_d.values())))

</pallas_src>

<mosaic_0001>
#map = affine_map<(d0, d1) -> (0)>
#map1 = affine_map<(d0, d1) -> (0, 0)>
#map2 = affine_map<(d0, d1) -> (0, 0, 0)>
module attributes {stable_mosaic.version = 14 : i64} {
  func.func @_sc_edge(%arg0: i32, %arg1: i32, %arg2: memref<320000xi32, #tpu.memory_space<hbm>>, %arg3: memref<320000xi32, #tpu.memory_space<hbm>>, %arg4: memref<10000x128xf32, #tpu.memory_space<hbm>>, %arg5: memref<2x10000x128xf32, #tpu.memory_space<hbm>>, %arg6: memref<10000x128xf32, #tpu.memory_space<vmem_shared>>, %arg7: memref<80xi32, #tpu.memory_space<vmem>>, %arg8: memref<80xi32, #tpu.memory_space<vmem>>, %arg9: memref<80xi32, #tpu.memory_space<vmem>>, %arg10: memref<80xi32, #tpu.memory_space<vmem>>, %arg11: memref<80xi32, #tpu.memory_space<vmem>>, %arg12: memref<80xi32, #tpu.memory_space<vmem>>, %arg13: memref<80xi32, #tpu.memory_space<vmem>>, %arg14: memref<80xi32, #tpu.memory_space<vmem>>, %arg15: memref<80x128xf32, #tpu.memory_space<vmem>>, %arg16: memref<80x128xf32, #tpu.memory_space<vmem>>, %arg17: memref<80x128xf32, #tpu.memory_space<vmem>>, %arg18: memref<80x128xf32, #tpu.memory_space<vmem>>, %arg19: memref<!tpu.dma_semaphore, #tpu.memory_space<semaphore_mem>>, %arg20: memref<!tpu.dma_semaphore, #tpu.memory_space<semaphore_mem>>, %arg21: memref<!tpu.dma_semaphore, #tpu.memory_space<semaphore_mem>>, %arg22: memref<!tpu.dma_semaphore, #tpu.memory_space<semaphore_mem>>, %arg23: memref<!tpu.dma_semaphore, #tpu.memory_space<semaphore_mem>>, %arg24: memref<!tpu.dma_semaphore, #tpu.memory_space<semaphore_mem>>, %arg25: memref<!tpu.dma_semaphore, #tpu.memory_space<semaphore_mem>>, %arg26: memref<!tpu.dma_semaphore, #tpu.memory_space<semaphore_mem>>, %arg27: memref<!tpu.dma_semaphore, #tpu.memory_space<semaphore_mem>>, %arg28: memref<!tpu.dma_semaphore, #tpu.memory_space<semaphore_mem>>, %arg29: memref<!tpu.dma_semaphore, #tpu.memory_space<semaphore_mem>>, %arg30: memref<!tpu.dma_semaphore, #tpu.memory_space<semaphore_mem>>) attributes {dimension_semantics = [#tpu.dimension_semantics<core_parallel>, #tpu.dimension_semantics<subcore_parallel>], iteration_bounds = array<i64: 2, 16>, scalar_prefetch = 0 : i64, scratch_operands = 25 : i64, tpu.core_type = #tpu.core_type<sc_vector_subcore>, window_params = [{transform_indices = #map}, {transform_indices = #map}, {transform_indices = #map1}, {transform_indices = #map2}]} {
    %broadcast_in_dim3A = arith.constant 0.000000e+00 : f32
    %broadcast_in_dim3A_0 = vector.broadcast %broadcast_in_dim3A : f32 to vector<16xf32>
    %scan3A = arith.constant 0 : i32
    %scan3A_1 = arith.constant 0 : i32
    %scan3A_2 = arith.constant 80 : i32
    %scan3A_3 = arith.addi %scan3A_1, %scan3A_2 : i32
    %scan3A_4 = arith.constant 1 : i32
    %scan3A_5 = scf.for %scan3A_227 = %scan3A_1 to %scan3A_3 step %scan3A_4 iter_args(%scan3A_228 = %scan3A) -> (i32)  : i32 {
      %swap3A = arith.index_cast %scan3A_227 : i32 to index
      %swap3A_229 = arith.constant 0 : index
      %swap3A_230 = tpu.vector_load %arg15[%swap3A, %swap3A_229] {strides = array<i32>} : memref<80x128xf32, #tpu.memory_space<vmem>>, vector<1x16xf32>,
      %swap3A_231 = vector.shape_cast %swap3A_230 : vector<1x16xf32> to vector<16xf32>
      %swap3A_232 = vector.shape_cast %broadcast_in_dim3A_0 : vector<16xf32> to vector<1x16xf32>
      tpu.vector_store %arg15[%swap3A, %swap3A_229], %swap3A_232 {strides = array<i32>} : memref<80x128xf32, #tpu.memory_space<vmem>>, vector<1x16xf32>,
      %swap3A_233 = arith.index_cast %scan3A_227 : i32 to index
      %swap3A_234 = arith.constant 16 : index
      %swap3A_235 = tpu.vector_load %arg15[%swap3A_233, %swap3A_234] {strides = array<i32>} : memref<80x128xf32, #tpu.memory_space<vmem>>, vector<1x16xf32>,
      %swap3A_236 = vector.shape_cast %swap3A_235 : vector<1x16xf32> to vector<16xf32>
      %swap3A_237 = vector.shape_cast %broadcast_in_dim3A_0 : vector<16xf32> to vector<1x16xf32>
      tpu.vector_store %arg15[%swap3A_233, %swap3A_234], %swap3A_237 {strides = array<i32>} : memref<80x128xf32, #tpu.memory_space<vmem>>, vector<1x16xf32>,
      %swap3A_238 = arith.index_cast %scan3A_227 : i32 to index
      %swap3A_239 = arith.constant 32 : index
      %swap3A_240 = tpu.vector_load %arg15[%swap3A_238, %swap3A_239] {strides = array<i32>} : memref<80x128xf32, #tpu.memory_space<vmem>>, vector<1x16xf32>,
      %swap3A_241 = vector.shape_cast %swap3A_240 : vector<1x16xf32> to vector<16xf32>
      %swap3A_242 = vector.shape_cast %broadcast_in_dim3A_0 : vector<16xf32> to vector<1x16xf32>
      tpu.vector_store %arg15[%swap3A_238, %swap3A_239], %swap3A_242 {strides = array<i32>} : memref<80x128xf32, #tpu.memory_space<vmem>>, vector<1x16xf32>,
      %swap3A_243 = arith.index_cast %scan3A_227 : i32 to index
      %swap3A_244 = arith.constant 48 : index
      %swap3A_245 = tpu.vector_load %arg15[%swap3A_243, %swap3A_244] {strides = array<i32>} : memref<80x128xf32, #tpu.memory_space<vmem>>, vector<1x16xf32>,
      %swap3A_246 = vector.shape_cast %swap3A_245 : vector<1x16xf32> to vector<16xf32>
      %swap3A_247 = vector.shape_cast %broadcast_in_dim3A_0 : vector<16xf32> to vector<1x16xf32>
      tpu.vector_store %arg15[%swap3A_243, %swap3A_244], %swap3A_247 {strides = array<i32>} : memref<80x128xf32, #tpu.memory_space<vmem>>, vector<1x16xf32>,
      %swap3A_248 = arith.index_cast %scan3A_227 : i32 to index
      %swap3A_249 = arith.constant 64 : index
      %swap3A_250 = tpu.vector_load %arg15[%swap3A_248, %swap3A_249] {strides = array<i32>} : memref<80x128xf32, #tpu.memory_space<vmem>>, vector<1x16xf32>,
      %swap3A_251 = vector.shape_cast %swap3A_250 : vector<1x16xf32> to vector<16xf32>
      %swap3A_252 = vector.shape_cast %broadcast_in_dim3A_0 : vector<16xf32> to vector<1x16xf32>
      tpu.vector_store %arg15[%swap3A_248, %swap3A_249], %swap3A_252 {strides = array<i32>} : memref<80x128xf32, #tpu.memory_space<vmem>>, vector<1x16xf32>,
      %swap3A_253 = arith.index_cast %scan3A_227 : i32 to index
      %swap3A_254 = arith.constant 80 : index
      %swap3A_255 = tpu.vector_load %arg15[%swap3A_253, %swap3A_254] {strides = array<i32>} : memref<80x128xf32, #tpu.memory_space<vmem>>, vector<1x16xf32>,
      %swap3A_256 = vector.shape_cast %swap3A_255 : vector<1x16xf32> to vector<16xf32>
      %swap3A_257 = vector.shape_cast %broadcast_in_dim3A_0 : vector<16xf32> to vector<1x16xf32>
      tpu.vector_store %arg15[%swap3A_253, %swap3A_254], %swap3A_257 {strides = array<i32>} : memref<80x128xf32, #tpu.memory_space<vmem>>, vector<1x16xf32>,
      %swap3A_258 = arith.index_cast %scan3A_227 : i32 to index
      %swap3A_259 = arith.constant 96 : index
      %swap3A_260 = tpu.vector_load %arg15[%swap3A_258, %swap3A_259] {strides = array<i32>} : memref<80x128xf32, #tpu.memory_space<vmem>>, vector<1x16xf32>,
      %swap3A_261 = vector.shape_cast %swap3A_260 : vector<1x16xf32> to vector<16xf32>
      %swap3A_262 = vector.shape_cast %broadcast_in_dim3A_0 : vector<16xf32> to vector<1x16xf32>
      tpu.vector_store %arg15[%swap3A_258, %swap3A_259], %swap3A_262 {strides = array<i32>} : memref<80x128xf32, #tpu.memory_space<vmem>>, vector<1x16xf32>,
      %swap3A_263 = arith.index_cast %scan3A_227 : i32 to index
      %swap3A_264 = arith.constant 112 : index
      %swap3A_265 = tpu.vector_load %arg15[%swap3A_263, %swap3A_264] {strides = array<i32>} : memref<80x128xf32, #tpu.memory_space<vmem>>, vector<1x16xf32>,
      %swap3A_266 = vector.shape_cast %swap3A_265 : vector<1x16xf32> to vector<16xf32>
      %swap3A_267 = vector.shape_cast %broadcast_in_dim3A_0 : vector<16xf32> to vector<1x16xf32>
      tpu.vector_store %arg15[%swap3A_263, %swap3A_264], %swap3A_267 {strides = array<i32>} : memref<80x128xf32, #tpu.memory_space<vmem>>, vector<1x16xf32>,
      %scan3A_268 = arith.constant 0 : i32
      scf.yield %scan3A_268 : i32
    }
    %scan3A_6 = arith.constant 80 : i32
    %mul3A = arith.constant 16 : i32
    %mul3A_7 = arith.muli %arg0, %mul3A : i32
    %add3A = arith.addi %mul3A_7, %arg1 : i32
    %mul3A_8 = arith.constant 10000 : i32
    %mul3A_9 = arith.muli %add3A, %mul3A_8 : i32
    %add3A_10 = arith.constant 0 : i32
    %add3A_11 = arith.addi %mul3A_9, %add3A_10 : i32
    %multiple_of3A = tpu.assume_multiple %add3A_11, 8 : i32
    %dma_start3A = tpu.memref_slice %arg2[%multiple_of3A] : memref<320000xi32, #tpu.memory_space<hbm>> -> memref<80xi32, #tpu.memory_space<hbm>>
    %dma_start3A_12 = tpu.memref_slice %arg2[%multiple_of3A] : memref<320000xi32, #tpu.memory_space<hbm>> -> memref<80xi32, #tpu.memory_space<hbm>>
    tpu.enqueue_dma source(%dma_start3A_12 : memref<80xi32, #tpu.memory_space<hbm>>) target(%arg7 : memref<80xi32, #tpu.memory_space<vmem>>) target_semaphore(%arg19 : memref<!tpu.dma_semaphore, #tpu.memory_space<semaphore_mem>>)
    %dma_start3A_13 = tpu.memref_slice %arg3[%multiple_of3A] : memref<320000xi32, #tpu.memory_space<hbm>> -> memref<80xi32, #tpu.memory_space<hbm>>
    %dma_start3A_14 = tpu.memref_slice %arg3[%multiple_of3A] : memref<320000xi32, #tpu.memory_space<hbm>> -> memref<80xi32, #tpu.memory_space<hbm>>
    tpu.enqueue_dma source(%dma_start3A_14 : memref<80xi32, #tpu.memory_space<hbm>>) target(%arg11 : memref<80xi32, #tpu.memory_space<vmem>>) target_semaphore(%arg19 : memref<!tpu.dma_semaphore, #tpu.memory_space<semaphore_mem>>)
    %add3A_15 = arith.constant 80 : i32
    %add3A_16 = arith.addi %mul3A_9, %add3A_15 : i32
    %multiple_of3A_17 = tpu.assume_multiple %add3A_16, 8 : i32
    %dma_start3A_18 = tpu.memref_slice %arg2[%multiple_of3A_17] : memref<320000xi32, #tpu.memory_space<hbm>> -> memref<80xi32, #tpu.memory_space<hbm>>
    %dma_start3A_19 = tpu.memref_slice %arg2[%multiple_of3A_17] : memref<320000xi32, #tpu.memory_space<hbm>> -> memref<80xi32, #tpu.memory_space<hbm>>
    tpu.enqueue_dma source(%dma_start3A_19 : memref<80xi32, #tpu.memory_space<hbm>>) target(%arg8 : memref<80xi32, #tpu.memory_space<vmem>>) target_semaphore(%arg20 : memref<!tpu.dma_semaphore, #tpu.memory_space<semaphore_mem>>)
    %dma_start3A_20 = tpu.memref_slice %arg3[%multiple_of3A_17] : memref<320000xi32, #tpu.memory_space<hbm>> -> memref<80xi32, #tpu.memory_space<hbm>>
    %dma_start3A_21 = tpu.memref_slice %arg3[%multiple_of3A_17] : memref<320000xi32, #tpu.memory_space<hbm>> -> memref<80xi32, #tpu.memory_space<hbm>>
    tpu.enqueue_dma source(%dma_start3A_21 : memref<80xi32, #tpu.memory_space<hbm>>) target(%arg12 : memref<80xi32, #tpu.memory_space<vmem>>) target_semaphore(%arg20 : memref<!tpu.dma_semaphore, #tpu.memory_space<semaphore_mem>>)
    %add3A_22 = arith.constant 160 : i32
    %add3A_23 = arith.addi %mul3A_9, %add3A_22 : i32
    %multiple_of3A_24 = tpu.assume_multiple %add3A_23, 8 : i32
    %dma_start3A_25 = tpu.memref_slice %arg2[%multiple_of3A_24] : memref<320000xi32, #tpu.memory_space<hbm>> -> memref<80xi32, #tpu.memory_space<hbm>>
    %dma_start3A_26 = tpu.memref_slice %arg2[%multiple_of3A_24] : memref<320000xi32, #tpu.memory_space<hbm>> -> memref<80xi32, #tpu.memory_space<hbm>>
    tpu.enqueue_dma source(%dma_start3A_26 : memref<80xi32, #tpu.memory_space<hbm>>) target(%arg9 : memref<80xi32, #tpu.memory_space<vmem>>) target_semaphore(%arg21 : memref<!tpu.dma_semaphore, #tpu.memory_space<semaphore_mem>>)
    %dma_start3A_27 = tpu.memref_slice %arg3[%multiple_of3A_24] : memref<320000xi32, #tpu.memory_space<hbm>> -> memref<80xi32, #tpu.memory_space<hbm>>
    %dma_start3A_28 = tpu.memref_slice %arg3[%multiple_of3A_24] : memref<320000xi32, #tpu.memory_space<hbm>> -> memref<80xi32, #tpu.memory_space<hbm>>
    tpu.enqueue_dma source(%dma_start3A_28 : memref<80xi32, #tpu.memory_space<hbm>>) target(%arg13 : memref<80xi32, #tpu.memory_space<vmem>>) target_semaphore(%arg21 : memref<!tpu.dma_semaphore, #tpu.memory_space<semaphore_mem>>)
    %add3A_29 = arith.constant 0 : i32
    %add3A_30 = arith.addi %arg1, %add3A_29 : i32
    %mul3A_31 = arith.constant 80 : i32
    %mul3A_32 = arith.muli %add3A_30, %mul3A_31 : i32
    "tpu.region"() ({
      %run_scoped3A = tpu.sem_alloc : memref<!tpu.dma_semaphore, #tpu.memory_space<semaphore_mem>>
      %dma_start3A_227 = arith.constant 0 : i32
      %dma_start3A_228 = tpu.memref_slice %arg6[%mul3A_32, %dma_start3A_227] : memref<10000x128xf32, #tpu.memory_space<vmem_shared>> -> memref<80x128xf32, #tpu.memory_space<vmem_shared>>
      %dma_start3A_229 = arith.constant 0 : i32
      %dma_start3A_230 = tpu.memref_slice %arg6[%mul3A_32, %dma_start3A_229] : memref<10000x128xf32, #tpu.memory_space<vmem_shared>> -> memref<80x128xf32, #tpu.memory_space<vmem_shared>>
      tpu.enqueue_dma source(%arg15 : memref<80x128xf32, #tpu.memory_space<vmem>>) target(%dma_start3A_230 : memref<80x128xf32, #tpu.memory_space<vmem_shared>>) target_semaphore(%run_scoped3A : memref<!tpu.dma_semaphore, #tpu.memory_space<semaphore_mem>>)
      %dma_wait3A_231 = arith.constant 0 : i32
      %dma_wait3A_232 = tpu.memref_slice %arg6[%mul3A_32, %dma_wait3A_231] : memref<10000x128xf32, #tpu.memory_space<vmem_shared>> -> memref<80x128xf32, #tpu.memory_space<vmem_shared>>
      %dma_wait3A_233 = arith.constant 0 : i32
      %dma_wait3A_234 = tpu.memref_slice %arg6[%mul3A_32, %dma_wait3A_233] : memref<10000x128xf32, #tpu.memory_space<vmem_shared>> -> memref<80x128xf32, #tpu.memory_space<vmem_shared>>
      tpu.wait_dma2 semaphore(%run_scoped3A : memref<!tpu.dma_semaphore, #tpu.memory_space<semaphore_mem>>) src(%arg15 : memref<80x128xf32, #tpu.memory_space<vmem>>) dst(%dma_wait3A_234 : memref<80x128xf32, #tpu.memory_space<vmem_shared>>)
      tpu.yield
    }) : () -> ()
    %add3A_33 = arith.constant 16 : i32
    %add3A_34 = arith.addi %arg1, %add3A_33 : i32
    %mul3A_35 = arith.constant 80 : i32
    %mul3A_36 = arith.muli %add3A_34, %mul3A_35 : i32
    "tpu.region"() ({
      %run_scoped3A = tpu.sem_alloc : memref<!tpu.dma_semaphore, #tpu.memory_space<semaphore_mem>>
      %dma_start3A_227 = arith.constant 0 : i32
      %dma_start3A_228 = tpu.memref_slice %arg6[%mul3A_36, %dma_start3A_227] : memref<10000x128xf32, #tpu.memory_space<vmem_shared>> -> memref<80x128xf32, #tpu.memory_space<vmem_shared>>
      %dma_start3A_229 = arith.constant 0 : i32
      %dma_start3A_230 = tpu.memref_slice %arg6[%mul3A_36, %dma_start3A_229] : memref<10000x128xf32, #tpu.memory_space<vmem_shared>> -> memref<80x128xf32, #tpu.memory_space<vmem_shared>>
      tpu.enqueue_dma source(%arg15 : memref<80x128xf32, #tpu.memory_space<vmem>>) target(%dma_start3A_230 : memref<80x128xf32, #tpu.memory_space<vmem_shared>>) target_semaphore(%run_scoped3A : memref<!tpu.dma_semaphore, #tpu.memory_space<semaphore_mem>>)
      %dma_wait3A_231 = arith.constant 0 : i32
      %dma_wait3A_232 = tpu.memref_slice %arg6[%mul3A_36, %dma_wait3A_231] : memref<10000x128xf32, #tpu.memory_space<vmem_shared>> -> memref<80x128xf32, #tpu.memory_space<vmem_shared>>
      %dma_wait3A_233 = arith.constant 0 : i32
      %dma_wait3A_234 = tpu.memref_slice %arg6[%mul3A_36, %dma_wait3A_233] : memref<10000x128xf32, #tpu.memory_space<vmem_shared>> -> memref<80x128xf32, #tpu.memory_space<vmem_shared>>
      tpu.wait_dma2 semaphore(%run_scoped3A : memref<!tpu.dma_semaphore, #tpu.memory_space<semaphore_mem>>) src(%arg15 : memref<80x128xf32, #tpu.memory_space<vmem>>) dst(%dma_wait3A_234 : memref<80x128xf32, #tpu.memory_space<vmem_shared>>)
      tpu.yield
    }) : () -> ()
    %add3A_37 = arith.constant 32 : i32
    %add3A_38 = arith.addi %arg1, %add3A_37 : i32
    %mul3A_39 = arith.constant 80 : i32
    %mul3A_40 = arith.muli %add3A_38, %mul3A_39 : i32
    "tpu.region"() ({
      %run_scoped3A = tpu.sem_alloc : memref<!tpu.dma_semaphore, #tpu.memory_space<semaphore_mem>>
      %dma_start3A_227 = arith.constant 0 : i32
      %dma_start3A_228 = tpu.memref_slice %arg6[%mul3A_40, %dma_start3A_227] : memref<10000x128xf32, #tpu.memory_space<vmem_shared>> -> memref<80x128xf32, #tpu.memory_space<vmem_shared>>
      %dma_start3A_229 = arith.constant 0 : i32
      %dma_start3A_230 = tpu.memref_slice %arg6[%mul3A_40, %dma_start3A_229] : memref<10000x128xf32, #tpu.memory_space<vmem_shared>> -> memref<80x128xf32, #tpu.memory_space<vmem_shared>>
      tpu.enqueue_dma source(%arg15 : memref<80x128xf32, #tpu.memory_space<vmem>>) target(%dma_start3A_230 : memref<80x128xf32, #tpu.memory_space<vmem_shared>>) target_semaphore(%run_scoped3A : memref<!tpu.dma_semaphore, #tpu.memory_space<semaphore_mem>>)
      %dma_wait3A_231 = arith.constant 0 : i32
      %dma_wait3A_232 = tpu.memref_slice %arg6[%mul3A_40, %dma_wait3A_231] : memref<10000x128xf32, #tpu.memory_space<vmem_shared>> -> memref<80x128xf32, #tpu.memory_space<vmem_shared>>
      %dma_wait3A_233 = arith.constant 0 : i32
      %dma_wait3A_234 = tpu.memref_slice %arg6[%mul3A_40, %dma_wait3A_233] : memref<10000x128xf32, #tpu.memory_space<vmem_shared>> -> memref<80x128xf32, #tpu.memory_space<vmem_shared>>
      tpu.wait_dma2 semaphore(%run_scoped3A : memref<!tpu.dma_semaphore, #tpu.memory_space<semaphore_mem>>) src(%arg15 : memref<80x128xf32, #tpu.memory_space<vmem>>) dst(%dma_wait3A_234 : memref<80x128xf32, #tpu.memory_space<vmem_shared>>)
      tpu.yield
    }) : () -> ()
    %add3A_41 = arith.constant 48 : i32
    %add3A_42 = arith.addi %arg1, %add3A_41 : i32
    %mul3A_43 = arith.constant 80 : i32
    %mul3A_44 = arith.muli %add3A_42, %mul3A_43 : i32
    "tpu.region"() ({
      %run_scoped3A = tpu.sem_alloc : memref<!tpu.dma_semaphore, #tpu.memory_space<semaphore_mem>>
      %dma_start3A_227 = arith.constant 0 : i32
      %dma_start3A_228 = tpu.memref_slice %arg6[%mul3A_44, %dma_start3A_227] : memref<10000x128xf32, #tpu.memory_space<vmem_shared>> -> memref<80x128xf32, #tpu.memory_space<vmem_shared>>
      %dma_start3A_229 = arith.constant 0 : i32
      %dma_start3A_230 = tpu.memref_slice %arg6[%mul3A_44, %dma_start3A_229] : memref<10000x128xf32, #tpu.memory_space<vmem_shared>> -> memref<80x128xf32, #tpu.memory_space<vmem_shared>>
      tpu.enqueue_dma source(%arg15 : memref<80x128xf32, #tpu.memory_space<vmem>>) target(%dma_start3A_230 : memref<80x128xf32, #tpu.memory_space<vmem_shared>>) target_semaphore(%run_scoped3A : memref<!tpu.dma_semaphore, #tpu.memory_space<semaphore_mem>>)
      %dma_wait3A_231 = arith.constant 0 : i32
      %dma_wait3A_232 = tpu.memref_slice %arg6[%mul3A_44, %dma_wait3A_231] : memref<10000x128xf32, #tpu.memory_space<vmem_shared>> -> memref<80x128xf32, #tpu.memory_space<vmem_shared>>
      %dma_wait3A_233 = arith.constant 0 : i32
      %dma_wait3A_234 = tpu.memref_slice %arg6[%mul3A_44, %dma_wait3A_233] : memref<10000x128xf32, #tpu.memory_space<vmem_shared>> -> memref<80x128xf32, #tpu.memory_space<vmem_shared>>
      tpu.wait_dma2 semaphore(%run_scoped3A : memref<!tpu.dma_semaphore, #tpu.memory_space<semaphore_mem>>) src(%arg15 : memref<80x128xf32, #tpu.memory_space<vmem>>) dst(%dma_wait3A_234 : memref<80x128xf32, #tpu.memory_space<vmem_shared>>)
      tpu.yield
    }) : () -> ()
    %add3A_45 = arith.constant 64 : i32
    %add3A_46 = arith.addi %arg1, %add3A_45 : i32
    %mul3A_47 = arith.constant 80 : i32
    %mul3A_48 = arith.muli %add3A_46, %mul3A_47 : i32
    "tpu.region"() ({
      %run_scoped3A = tpu.sem_alloc : memref<!tpu.dma_semaphore, #tpu.memory_space<semaphore_mem>>
      %dma_start3A_227 = arith.constant 0 : i32
      %dma_start3A_228 = tpu.memref_slice %arg6[%mul3A_48, %dma_start3A_227] : memref<10000x128xf32, #tpu.memory_space<vmem_shared>> -> memref<80x128xf32, #tpu.memory_space<vmem_shared>>
      %dma_start3A_229 = arith.constant 0 : i32
      %dma_start3A_230 = tpu.memref_slice %arg6[%mul3A_48, %dma_start3A_229] : memref<10000x128xf32, #tpu.memory_space<vmem_shared>> -> memref<80x128xf32, #tpu.memory_space<vmem_shared>>
      tpu.enqueue_dma source(%arg15 : memref<80x128xf32, #tpu.memory_space<vmem>>) target(%dma_start3A_230 : memref<80x128xf32, #tpu.memory_space<vmem_shared>>) target_semaphore(%run_scoped3A : memref<!tpu.dma_semaphore, #tpu.memory_space<semaphore_mem>>)
      %dma_wait3A_231 = arith.constant 0 : i32
      %dma_wait3A_232 = tpu.memref_slice %arg6[%mul3A_48, %dma_wait3A_231] : memref<10000x128xf32, #tpu.memory_space<vmem_shared>> -> memref<80x128xf32, #tpu.memory_space<vmem_shared>>
      %dma_wait3A_233 = arith.constant 0 : i32
      %dma_wait3A_234 = tpu.memref_slice %arg6[%mul3A_48, %dma_wait3A_233] : memref<10000x128xf32, #tpu.memory_space<vmem_shared>> -> memref<80x128xf32, #tpu.memory_space<vmem_shared>>
      tpu.wait_dma2 semaphore(%run_scoped3A : memref<!tpu.dma_semaphore, #tpu.memory_space<semaphore_mem>>) src(%arg15 : memref<80x128xf32, #tpu.memory_space<vmem>>) dst(%dma_wait3A_234 : memref<80x128xf32, #tpu.memory_space<vmem_shared>>)
      tpu.yield
    }) : () -> ()
    %add3A_49 = arith.constant 80 : i32
    %add3A_50 = arith.addi %arg1, %add3A_49 : i32
    %mul3A_51 = arith.constant 80 : i32
    %mul3A_52 = arith.muli %add3A_50, %mul3A_51 : i32
    "tpu.region"() ({
      %run_scoped3A = tpu.sem_alloc : memref<!tpu.dma_semaphore, #tpu.memory_space<semaphore_mem>>
      %dma_start3A_227 = arith.constant 0 : i32
      %dma_start3A_228 = tpu.memref_slice %arg6[%mul3A_52, %dma_start3A_227] : memref<10000x128xf32, #tpu.memory_space<vmem_shared>> -> memref<80x128xf32, #tpu.memory_space<vmem_shared>>
      %dma_start3A_229 = arith.constant 0 : i32
      %dma_start3A_230 = tpu.memref_slice %arg6[%mul3A_52, %dma_start3A_229] : memref<10000x128xf32, #tpu.memory_space<vmem_shared>> -> memref<80x128xf32, #tpu.memory_space<vmem_shared>>
      tpu.enqueue_dma source(%arg15 : memref<80x128xf32, #tpu.memory_space<vmem>>) target(%dma_start3A_230 : memref<80x128xf32, #tpu.memory_space<vmem_shared>>) target_semaphore(%run_scoped3A : memref<!tpu.dma_semaphore, #tpu.memory_space<semaphore_mem>>)
      %dma_wait3A_231 = arith.constant 0 : i32
      %dma_wait3A_232 = tpu.memref_slice %arg6[%mul3A_52, %dma_wait3A_231] : memref<10000x128xf32, #tpu.memory_space<vmem_shared>> -> memref<80x128xf32, #tpu.memory_space<vmem_shared>>
      %dma_wait3A_233 = arith.constant 0 : i32
      %dma_wait3A_234 = tpu.memref_slice %arg6[%mul3A_52, %dma_wait3A_233] : memref<10000x128xf32, #tpu.memory_space<vmem_shared>> -> memref<80x128xf32, #tpu.memory_space<vmem_shared>>
      tpu.wait_dma2 semaphore(%run_scoped3A : memref<!tpu.dma_semaphore, #tpu.memory_space<semaphore_mem>>) src(%arg15 : memref<80x128xf32, #tpu.memory_space<vmem>>) dst(%dma_wait3A_234 : memref<80x128xf32, #tpu.memory_space<vmem_shared>>)
      tpu.yield
    }) : () -> ()
    %add3A_53 = arith.constant 96 : i32
    %add3A_54 = arith.addi %arg1, %add3A_53 : i32
    %mul3A_55 = arith.constant 80 : i32
    %mul3A_56 = arith.muli %add3A_54, %mul3A_55 : i32
    "tpu.region"() ({
      %run_scoped3A = tpu.sem_alloc : memref<!tpu.dma_semaphore, #tpu.memory_space<semaphore_mem>>
      %dma_start3A_227 = arith.constant 0 : i32
      %dma_start3A_228 = tpu.memref_slice %arg6[%mul3A_56, %dma_start3A_227] : memref<10000x128xf32, #tpu.memory_space<vmem_shared>> -> memref<80x128xf32, #tpu.memory_space<vmem_shared>>
      %dma_start3A_229 = arith.constant 0 : i32
      %dma_start3A_230 = tpu.memref_slice %arg6[%mul3A_56, %dma_start3A_229] : memref<10000x128xf32, #tpu.memory_space<vmem_shared>> -> memref<80x128xf32, #tpu.memory_space<vmem_shared>>
      tpu.enqueue_dma source(%arg15 : memref<80x128xf32, #tpu.memory_space<vmem>>) target(%dma_start3A_230 : memref<80x128xf32, #tpu.memory_space<vmem_shared>>) target_semaphore(%run_scoped3A : memref<!tpu.dma_semaphore, #tpu.memory_space<semaphore_mem>>)
      %dma_wait3A_231 = arith.constant 0 : i32
      %dma_wait3A_232 = tpu.memref_slice %arg6[%mul3A_56, %dma_wait3A_231] : memref<10000x128xf32, #tpu.memory_space<vmem_shared>> -> memref<80x128xf32, #tpu.memory_space<vmem_shared>>
      %dma_wait3A_233 = arith.constant 0 : i32
      %dma_wait3A_234 = tpu.memref_slice %arg6[%mul3A_56, %dma_wait3A_233] : memref<10000x128xf32, #tpu.memory_space<vmem_shared>> -> memref<80x128xf32, #tpu.memory_space<vmem_shared>>
      tpu.wait_dma2 semaphore(%run_scoped3A : memref<!tpu.dma_semaphore, #tpu.memory_space<semaphore_mem>>) src(%arg15 : memref<80x128xf32, #tpu.memory_space<vmem>>) dst(%dma_wait3A_234 : memref<80x128xf32, #tpu.memory_space<vmem_shared>>)
      tpu.yield
    }) : () -> ()
    %lt3A = arith.constant 13 : i32
    %lt3A_57 = arith.cmpi slt, %arg1, %lt3A : i32
    %convert_element_type3A = arith.extui %lt3A_57 : i1 to i32
    %cond3A = arith.constant 0 : i32
    %cond3A_58 = arith.cmpi ne, %convert_element_type3A, %cond3A : i32
    scf.if %cond3A_58 {
      %add3A_227 = arith.constant 112 : i32
      %add3A_228 = arith.addi %arg1, %add3A_227 : i32
      %mul3A_229 = arith.constant 80 : i32
      %mul3A_230 = arith.muli %add3A_228, %mul3A_229 : i32
      "tpu.region"() ({
        %run_scoped3A = tpu.sem_alloc : memref<!tpu.dma_semaphore, #tpu.memory_space<semaphore_mem>>
        %dma_start3A_231 = arith.constant 0 : i32
        %dma_start3A_232 = tpu.memref_slice %arg6[%mul3A_230, %dma_start3A_231] : memref<10000x128xf32, #tpu.memory_space<vmem_shared>> -> memref<80x128xf32, #tpu.memory_space<vmem_shared>>
        %dma_start3A_233 = arith.constant 0 : i32
        %dma_start3A_234 = tpu.memref_slice %arg6[%mul3A_230, %dma_start3A_233] : memref<10000x128xf32, #tpu.memory_space<vmem_shared>> -> memref<80x128xf32, #tpu.memory_space<vmem_shared>>
        tpu.enqueue_dma source(%arg15 : memref<80x128xf32, #tpu.memory_space<vmem>>) target(%dma_start3A_234 : memref<80x128xf32, #tpu.memory_space<vmem_shared>>) target_semaphore(%run_scoped3A : memref<!tpu.dma_semaphore, #tpu.memory_space<semaphore_mem>>)
        %dma_wait3A_235 = arith.constant 0 : i32
        %dma_wait3A_236 = tpu.memref_slice %arg6[%mul3A_230, %dma_wait3A_235] : memref<10000x128xf32, #tpu.memory_space<vmem_shared>> -> memref<80x128xf32, #tpu.memory_space<vmem_shared>>
        %dma_wait3A_237 = arith.constant 0 : i32
        %dma_wait3A_238 = tpu.memref_slice %arg6[%mul3A_230, %dma_wait3A_237] : memref<10000x128xf32, #tpu.memory_space<vmem_shared>> -> memref<80x128xf32, #tpu.memory_space<vmem_shared>>
        tpu.wait_dma2 semaphore(%run_scoped3A : memref<!tpu.dma_semaphore, #tpu.memory_space<semaphore_mem>>) src(%arg15 : memref<80x128xf32, #tpu.memory_space<vmem>>) dst(%dma_wait3A_238 : memref<80x128xf32, #tpu.memory_space<vmem_shared>>)
        tpu.yield
      }) : () -> ()
    } else {
    }
    %barrier3A = arith.constant 0 : index
    tpu.barrier barrier_id(%barrier3A)
    %dma_wait3A = arith.constant 0 : i32
    %dma_wait3A_59 = tpu.memref_slice %arg2[%dma_wait3A] : memref<320000xi32, #tpu.memory_space<hbm>> -> memref<80xi32, #tpu.memory_space<hbm>>
    %dma_wait3A_60 = arith.constant 0 : i32
    %dma_wait3A_61 = tpu.memref_slice %arg2[%dma_wait3A_60] : memref<320000xi32, #tpu.memory_space<hbm>> -> memref<80xi32, #tpu.memory_space<hbm>>
    tpu.wait_dma2 semaphore(%arg19 : memref<!tpu.dma_semaphore, #tpu.memory_space<semaphore_mem>>) src(%dma_wait3A_61 : memref<80xi32, #tpu.memory_space<hbm>>) dst(%arg7 : memref<80xi32, #tpu.memory_space<vmem>>)
    %dma_wait3A_62 = arith.constant 0 : i32
    %dma_wait3A_63 = tpu.memref_slice %arg3[%dma_wait3A_62] : memref<320000xi32, #tpu.memory_space<hbm>> -> memref<80xi32, #tpu.memory_space<hbm>>
    %dma_wait3A_64 = arith.constant 0 : i32
    %dma_wait3A_65 = tpu.memref_slice %arg3[%dma_wait3A_64] : memref<320000xi32, #tpu.memory_space<hbm>> -> memref<80xi32, #tpu.memory_space<hbm>>
    tpu.wait_dma2 semaphore(%arg19 : memref<!tpu.dma_semaphore, #tpu.memory_space<semaphore_mem>>) src(%dma_wait3A_65 : memref<80xi32, #tpu.memory_space<hbm>>) dst(%arg11 : memref<80xi32, #tpu.memory_space<vmem>>)
    %dma_start3A_66 = arith.constant 0 : i32
    %dma_start3A_67 = arith.constant 0 : i32
    %dma_start3A_68 = tpu.memref_slice %arg4[%dma_start3A_66, %dma_start3A_67] : memref<10000x128xf32, #tpu.memory_space<hbm>> -> memref<10000x128xf32, #tpu.memory_space<hbm>>
    tpu.enqueue_indirect_dma source(%dma_start3A_68 : memref<10000x128xf32, #tpu.memory_space<hbm>>) target(%arg15 : memref<80x128xf32, #tpu.memory_space<vmem>>) offsets(%arg7 : memref<80xi32, #tpu.memory_space<vmem>>) semaphore(%arg23 : memref<!tpu.dma_semaphore, #tpu.memory_space<semaphore_mem>>)
    %dma_wait3A_69 = arith.constant 0 : i32
    %dma_wait3A_70 = tpu.memref_slice %arg2[%dma_wait3A_69] : memref<320000xi32, #tpu.memory_space<hbm>> -> memref<80xi32, #tpu.memory_space<hbm>>
    %dma_wait3A_71 = arith.constant 0 : i32
    %dma_wait3A_72 = tpu.memref_slice %arg2[%dma_wait3A_71] : memref<320000xi32, #tpu.memory_space<hbm>> -> memref<80xi32, #tpu.memory_space<hbm>>
    tpu.wait_dma2 semaphore(%arg20 : memref<!tpu.dma_semaphore, #tpu.memory_space<semaphore_mem>>) src(%dma_wait3A_72 : memref<80xi32, #tpu.memory_space<hbm>>) dst(%arg8 : memref<80xi32, #tpu.memory_space<vmem>>)
    %dma_wait3A_73 = arith.constant 0 : i32
    %dma_wait3A_74 = tpu.memref_slice %arg3[%dma_wait3A_73] : memref<320000xi32, #tpu.memory_space<hbm>> -> memref<80xi32, #tpu.memory_space<hbm>>
    %dma_wait3A_75 = arith.constant 0 : i32
    %dma_wait3A_76 = tpu.memref_slice %arg3[%dma_wait3A_75] : memref<320000xi32, #tpu.memory_space<hbm>> -> memref<80xi32, #tpu.memory_space<hbm>>
    tpu.wait_dma2 semaphore(%arg20 : memref<!tpu.dma_semaphore, #tpu.memory_space<semaphore_mem>>) src(%dma_wait3A_76 : memref<80xi32, #tpu.memory_space<hbm>>) dst(%arg12 : memref<80xi32, #tpu.memory_space<vmem>>)
    %dma_start3A_77 = arith.constant 0 : i32
    %dma_start3A_78 = arith.constant 0 : i32
    %dma_start3A_79 = tpu.memref_slice %arg4[%dma_start3A_77, %dma_start3A_78] : memref<10000x128xf32, #tpu.memory_space<hbm>> -> memref<10000x128xf32, #tpu.memory_space<hbm>>
    tpu.enqueue_indirect_dma source(%dma_start3A_79 : memref<10000x128xf32, #tpu.memory_space<hbm>>) target(%arg16 : memref<80x128xf32, #tpu.memory_space<vmem>>) offsets(%arg8 : memref<80xi32, #tpu.memory_space<vmem>>) semaphore(%arg24 : memref<!tpu.dma_semaphore, #tpu.memory_space<semaphore_mem>>)
    %dma_wait3A_80 = arith.constant 0 : i32
    %dma_wait3A_81 = arith.constant 0 : i32
    %dma_wait3A_82 = tpu.memref_slice %arg4[%dma_wait3A_80, %dma_wait3A_81] : memref<10000x128xf32, #tpu.memory_space<hbm>> -> memref<10000x128xf32, #tpu.memory_space<hbm>>
    tpu.wait_indirect_dma semaphore(%arg23 : memref<!tpu.dma_semaphore, #tpu.memory_space<semaphore_mem>>) src(%dma_wait3A_82 : memref<10000x128xf32, #tpu.memory_space<hbm>>) dst(%arg15 : memref<80x128xf32, #tpu.memory_space<vmem>>)
    %dma_start3A_83 = arith.constant 0 : i32
    %dma_start3A_84 = arith.constant 0 : i32
    %dma_start3A_85 = tpu.memref_slice %arg6[%dma_start3A_83, %dma_start3A_84] : memref<10000x128xf32, #tpu.memory_space<vmem_shared>> -> memref<10000x128xf32, #tpu.memory_space<vmem_shared>>
    tpu.enqueue_indirect_dma source(%arg15 : memref<80x128xf32, #tpu.memory_space<vmem>>) target(%dma_start3A_85 : memref<10000x128xf32, #tpu.memory_space<vmem_shared>>) offsets(%arg11 : memref<80xi32, #tpu.memory_space<vmem>>) semaphore(%arg27 : memref<!tpu.dma_semaphore, #tpu.memory_space<semaphore_mem>>) {add = true}
    %add3A_86 = arith.constant 240 : i32
    %add3A_87 = arith.addi %mul3A_9, %add3A_86 : i32
    %multiple_of3A_88 = tpu.assume_multiple %add3A_87, 8 : i32
    %dma_start3A_89 = tpu.memref_slice %arg2[%multiple_of3A_88] : memref<320000xi32, #tpu.memory_space<hbm>> -> memref<80xi32, #tpu.memory_space<hbm>>
    %dma_start3A_90 = tpu.memref_slice %arg2[%multiple_of3A_88] : memref<320000xi32, #tpu.memory_space<hbm>> -> memref<80xi32, #tpu.memory_space<hbm>>
    tpu.enqueue_dma source(%dma_start3A_90 : memref<80xi32, #tpu.memory_space<hbm>>) target(%arg10 : memref<80xi32, #tpu.memory_space<vmem>>) target_semaphore(%arg22 : memref<!tpu.dma_semaphore, #tpu.memory_space<semaphore_mem>>)
    %dma_start3A_91 = tpu.memref_slice %arg3[%multiple_of3A_88] : memref<320000xi32, #tpu.memory_space<hbm>> -> memref<80xi32, #tpu.memory_space<hbm>>
    %dma_start3A_92 = tpu.memref_slice %arg3[%multiple_of3A_88] : memref<320000xi32, #tpu.memory_space<hbm>> -> memref<80xi32, #tpu.memory_space<hbm>>
    tpu.enqueue_dma source(%dma_start3A_92 : memref<80xi32, #tpu.memory_space<hbm>>) target(%arg14 : memref<80xi32, #tpu.memory_space<vmem>>) target_semaphore(%arg22 : memref<!tpu.dma_semaphore, #tpu.memory_space<semaphore_mem>>)
    %dma_wait3A_93 = arith.constant 0 : i32
    %dma_wait3A_94 = tpu.memref_slice %arg2[%dma_wait3A_93] : memref<320000xi32, #tpu.memory_space<hbm>> -> memref<80xi32, #tpu.memory_space<hbm>>
    %dma_wait3A_95 = arith.constant 0 : i32
    %dma_wait3A_96 = tpu.memref_slice %arg2[%dma_wait3A_95] : memref<320000xi32, #tpu.memory_space<hbm>> -> memref<80xi32, #tpu.memory_space<hbm>>
    tpu.wait_dma2 semaphore(%arg21 : memref<!tpu.dma_semaphore, #tpu.memory_space<semaphore_mem>>) src(%dma_wait3A_96 : memref<80xi32, #tpu.memory_space<hbm>>) dst(%arg9 : memref<80xi32, #tpu.memory_space<vmem>>)
    %dma_wait3A_97 = arith.constant 0 : i32
    %dma_wait3A_98 = tpu.memref_slice %arg3[%dma_wait3A_97] : memref<320000xi32, #tpu.memory_space<hbm>> -> memref<80xi32, #tpu.memory_space<hbm>>
    %dma_wait3A_99 = arith.constant 0 : i32
    %dma_wait3A_100 = tpu.memref_slice %arg3[%dma_wait3A_99] : memref<320000xi32, #tpu.memory_space<hbm>> -> memref<80xi32, #tpu.memory_space<hbm>>
    tpu.wait_dma2 semaphore(%arg21 : memref<!tpu.dma_semaphore, #tpu.memory_space<semaphore_mem>>) src(%dma_wait3A_100 : memref<80xi32, #tpu.memory_space<hbm>>) dst(%arg13 : memref<80xi32, #tpu.memory_space<vmem>>)
    %dma_start3A_101 = arith.constant 0 : i32
    %dma_start3A_102 = arith.constant 0 : i32
    %dma_start3A_103 = tpu.memref_slice %arg4[%dma_start3A_101, %dma_start3A_102] : memref<10000x128xf32, #tpu.memory_space<hbm>> -> memref<10000x128xf32, #tpu.memory_space<hbm>>
    tpu.enqueue_indirect_dma source(%dma_start3A_103 : memref<10000x128xf32, #tpu.memory_space<hbm>>) target(%arg17 : memref<80x128xf32, #tpu.memory_space<vmem>>) offsets(%arg9 : memref<80xi32, #tpu.memory_space<vmem>>) semaphore(%arg25 : memref<!tpu.dma_semaphore, #tpu.memory_space<semaphore_mem>>)
    %scan3A_104 = arith.constant 0 : i32
    %scan3A_105 = arith.constant 0 : i32
    %scan3A_106 = arith.constant 30 : i32
    %scan3A_107 = arith.addi %scan3A_105, %scan3A_106 : i32
    %scan3A_108 = arith.constant 1 : i32
    %scan3A_109 = scf.for %scan3A_227 = %scan3A_105 to %scan3A_107 step %scan3A_108 iter_args(%scan3A_228 = %scan3A_104) -> (i32)  : i32 {
      %mul3A_229 = arith.constant 4 : i32
      %mul3A_230 = arith.muli %mul3A_229, %scan3A_227 : i32
      %add3A_231 = arith.constant 1 : i32
      %add3A_232 = arith.addi %mul3A_230, %add3A_231 : i32
      %add3A_233 = arith.constant 0 : i32
      %add3A_234 = arith.addi %add3A_232, %add3A_233 : i32
      %dma_wait3A_235 = arith.constant 0 : i32
      %dma_wait3A_236 = arith.constant 0 : i32
      %dma_wait3A_237 = tpu.memref_slice %arg4[%dma_wait3A_235, %dma_wait3A_236] : memref<10000x128xf32, #tpu.memory_space<hbm>> -> memref<10000x128xf32, #tpu.memory_space<hbm>>
      tpu.wait_indirect_dma semaphore(%arg24 : memref<!tpu.dma_semaphore, #tpu.memory_space<semaphore_mem>>) src(%dma_wait3A_237 : memref<10000x128xf32, #tpu.memory_space<hbm>>) dst(%arg16 : memref<80x128xf32, #tpu.memory_space<vmem>>)
      %dma_start3A_238 = arith.constant 0 : i32
      %dma_start3A_239 = arith.constant 0 : i32
      %dma_start3A_240 = tpu.memref_slice %arg6[%dma_start3A_238, %dma_start3A_239] : memref<10000x128xf32, #tpu.memory_space<vmem_shared>> -> memref<10000x128xf32, #tpu.memory_space<vmem_shared>>
      tpu.enqueue_indirect_dma source(%arg16 : memref<80x128xf32, #tpu.memory_space<vmem>>) target(%dma_start3A_240 : memref<10000x128xf32, #tpu.memory_space<vmem_shared>>) offsets(%arg12 : memref<80xi32, #tpu.memory_space<vmem>>) semaphore(%arg28 : memref<!tpu.dma_semaphore, #tpu.memory_space<semaphore_mem>>) {add = true}
      %dma_wait3A_241 = arith.constant 0 : i32
      %dma_wait3A_242 = arith.constant 0 : i32
      %dma_wait3A_243 = tpu.memref_slice %arg6[%dma_wait3A_241, %dma_wait3A_242] : memref<10000x128xf32, #tpu.memory_space<vmem_shared>> -> memref<10000x128xf32, #tpu.memory_space<vmem_shared>>
      tpu.wait_indirect_dma semaphore(%arg27 : memref<!tpu.dma_semaphore, #tpu.memory_space<semaphore_mem>>) src(%arg15 : memref<80x128xf32, #tpu.memory_space<vmem>>) dst(%dma_wait3A_243 : memref<10000x128xf32, #tpu.memory_space<vmem_shared>>)
      %add3A_244 = arith.constant 3 : i32
      %add3A_245 = arith.addi %add3A_234, %add3A_244 : i32
      %mul3A_246 = arith.constant 80 : i32
      %mul3A_247 = arith.muli %add3A_245, %mul3A_246 : i32
      %add3A_248 = arith.addi %mul3A_9, %mul3A_247 : i32
      %multiple_of3A_249 = tpu.assume_multiple %add3A_248, 8 : i32
      %dma_start3A_250 = tpu.memref_slice %arg2[%multiple_of3A_249] : memref<320000xi32, #tpu.memory_space<hbm>> -> memref<80xi32, #tpu.memory_space<hbm>>
      %dma_start3A_251 = tpu.memref_slice %arg2[%multiple_of3A_249] : memref<320000xi32, #tpu.memory_space<hbm>> -> memref<80xi32, #tpu.memory_space<hbm>>
      tpu.enqueue_dma source(%dma_start3A_251 : memref<80xi32, #tpu.memory_space<hbm>>) target(%arg7 : memref<80xi32, #tpu.memory_space<vmem>>) target_semaphore(%arg19 : memref<!tpu.dma_semaphore, #tpu.memory_space<semaphore_mem>>)
      %dma_start3A_252 = tpu.memref_slice %arg3[%multiple_of3A_249] : memref<320000xi32, #tpu.memory_space<hbm>> -> memref<80xi32, #tpu.memory_space<hbm>>
      %dma_start3A_253 = tpu.memref_slice %arg3[%multiple_of3A_249] : memref<320000xi32, #tpu.memory_space<hbm>> -> memref<80xi32, #tpu.memory_space<hbm>>
      tpu.enqueue_dma source(%dma_start3A_253 : memref<80xi32, #tpu.memory_space<hbm>>) target(%arg11 : memref<80xi32, #tpu.memory_space<vmem>>) target_semaphore(%arg19 : memref<!tpu.dma_semaphore, #tpu.memory_space<semaphore_mem>>)
      %dma_wait3A_254 = arith.constant 0 : i32
      %dma_wait3A_255 = tpu.memref_slice %arg2[%dma_wait3A_254] : memref<320000xi32, #tpu.memory_space<hbm>> -> memref<80xi32, #tpu.memory_space<hbm>>
      %dma_wait3A_256 = arith.constant 0 : i32
      %dma_wait3A_257 = tpu.memref_slice %arg2[%dma_wait3A_256] : memref<320000xi32, #tpu.memory_space<hbm>> -> memref<80xi32, #tpu.memory_space<hbm>>
      tpu.wait_dma2 semaphore(%arg22 : memref<!tpu.dma_semaphore, #tpu.memory_space<semaphore_mem>>) src(%dma_wait3A_257 : memref<80xi32, #tpu.memory_space<hbm>>) dst(%arg10 : memref<80xi32, #tpu.memory_space<vmem>>)
      %dma_wait3A_258 = arith.constant 0 : i32
      %dma_wait3A_259 = tpu.memref_slice %arg3[%dma_wait3A_258] : memref<320000xi32, #tpu.memory_space<hbm>> -> memref<80xi32, #tpu.memory_space<hbm>>
      %dma_wait3A_260 = arith.constant 0 : i32
      %dma_wait3A_261 = tpu.memref_slice %arg3[%dma_wait3A_260] : memref<320000xi32, #tpu.memory_space<hbm>> -> memref<80xi32, #tpu.memory_space<hbm>>
      tpu.wait_dma2 semaphore(%arg22 : memref<!tpu.dma_semaphore, #tpu.memory_space<semaphore_mem>>) src(%dma_wait3A_261 : memref<80xi32, #tpu.memory_space<hbm>>) dst(%arg14 : memref<80xi32, #tpu.memory_space<vmem>>)
      %dma_start3A_262 = arith.constant 0 : i32
      %dma_start3A_263 = arith.constant 0 : i32
      %dma_start3A_264 = tpu.memref_slice %arg4[%dma_start3A_262, %dma_start3A_263] : memref<10000x128xf32, #tpu.memory_space<hbm>> -> memref<10000x128xf32, #tpu.memory_space<hbm>>
      tpu.enqueue_indirect_dma source(%dma_start3A_264 : memref<10000x128xf32, #tpu.memory_space<hbm>>) target(%arg18 : memref<80x128xf32, #tpu.memory_space<vmem>>) offsets(%arg10 : memref<80xi32, #tpu.memory_space<vmem>>) semaphore(%arg26 : memref<!tpu.dma_semaphore, #tpu.memory_space<semaphore_mem>>)
      %mul3A_265 = arith.constant 4 : i32
      %mul3A_266 = arith.muli %mul3A_265, %scan3A_227 : i32
      %add3A_267 = arith.constant 1 : i32
      %add3A_268 = arith.addi %mul3A_266, %add3A_267 : i32
      %add3A_269 = arith.constant 1 : i32
      %add3A_270 = arith.addi %add3A_268, %add3A_269 : i32
      %dma_wait3A_271 = arith.constant 0 : i32
      %dma_wait3A_272 = arith.constant 0 : i32
      %dma_wait3A_273 = tpu.memref_slice %arg4[%dma_wait3A_271, %dma_wait3A_272] : memref<10000x128xf32, #tpu.memory_space<hbm>> -> memref<10000x128xf32, #tpu.memory_space<hbm>>
      tpu.wait_indirect_dma semaphore(%arg25 : memref<!tpu.dma_semaphore, #tpu.memory_space<semaphore_mem>>) src(%dma_wait3A_273 : memref<10000x128xf32, #tpu.memory_space<hbm>>) dst(%arg17 : memref<80x128xf32, #tpu.memory_space<vmem>>)
      %dma_start3A_274 = arith.constant 0 : i32
      %dma_start3A_275 = arith.constant 0 : i32
      %dma_start3A_276 = tpu.memref_slice %arg6[%dma_start3A_274, %dma_start3A_275] : memref<10000x128xf32, #tpu.memory_space<vmem_shared>> -> memref<10000x128xf32, #tpu.memory_space<vmem_shared>>
      tpu.enqueue_indirect_dma source(%arg17 : memref<80x128xf32, #tpu.memory_space<vmem>>) target(%dma_start3A_276 : memref<10000x128xf32, #tpu.memory_space<vmem_shared>>) offsets(%arg13 : memref<80xi32, #tpu.memory_space<vmem>>) semaphore(%arg29 : memref<!tpu.dma_semaphore, #tpu.memory_space<semaphore_mem>>) {add = true}
      %dma_wait3A_277 = arith.constant 0 : i32
      %dma_wait3A_278 = arith.constant 0 : i32
      %dma_wait3A_279 = tpu.memref_slice %arg6[%dma_wait3A_277, %dma_wait3A_278] : memref<10000x128xf32, #tpu.memory_space<vmem_shared>> -> memref<10000x128xf32, #tpu.memory_space<vmem_shared>>
      tpu.wait_indirect_dma semaphore(%arg28 : memref<!tpu.dma_semaphore, #tpu.memory_space<semaphore_mem>>) src(%arg16 : memref<80x128xf32, #tpu.memory_space<vmem>>) dst(%dma_wait3A_279 : memref<10000x128xf32, #tpu.memory_space<vmem_shared>>)
      %add3A_280 = arith.constant 3 : i32
      %add3A_281 = arith.addi %add3A_270, %add3A_280 : i32
      %mul3A_282 = arith.constant 80 : i32
      %mul3A_283 = arith.muli %add3A_281, %mul3A_282 : i32
      %add3A_284 = arith.addi %mul3A_9, %mul3A_283 : i32
      %multiple_of3A_285 = tpu.assume_multiple %add3A_284, 8 : i32
      %dma_start3A_286 = tpu.memref_slice %arg2[%multiple_of3A_285] : memref<320000xi32, #tpu.memory_space<hbm>> -> memref<80xi32, #tpu.memory_space<hbm>>
      %dma_start3A_287 = tpu.memref_slice %arg2[%multiple_of3A_285] : memref<320000xi32, #tpu.memory_space<hbm>> -> memref<80xi32, #tpu.memory_space<hbm>>
      tpu.enqueue_dma source(%dma_start3A_287 : memref<80xi32, #tpu.memory_space<hbm>>) target(%arg8 : memref<80xi32, #tpu.memory_space<vmem>>) target_semaphore(%arg20 : memref<!tpu.dma_semaphore, #tpu.memory_space<semaphore_mem>>)
      %dma_start3A_288 = tpu.memref_slice %arg3[%multiple_of3A_285] : memref<320000xi32, #tpu.memory_space<hbm>> -> memref<80xi32, #tpu.memory_space<hbm>>
      %dma_start3A_289 = tpu.memref_slice %arg3[%multiple_of3A_285] : memref<320000xi32, #tpu.memory_space<hbm>> -> memref<80xi32, #tpu.memory_space<hbm>>
      tpu.enqueue_dma source(%dma_start3A_289 : memref<80xi32, #tpu.memory_space<hbm>>) target(%arg12 : memref<80xi32, #tpu.memory_space<vmem>>) target_semaphore(%arg20 : memref<!tpu.dma_semaphore, #tpu.memory_space<semaphore_mem>>)
      %dma_wait3A_290 = arith.constant 0 : i32
      %dma_wait3A_291 = tpu.memref_slice %arg2[%dma_wait3A_290] : memref<320000xi32, #tpu.memory_space<hbm>> -> memref<80xi32, #tpu.memory_space<hbm>>
      %dma_wait3A_292 = arith.constant 0 : i32
      %dma_wait3A_293 = tpu.memref_slice %arg2[%dma_wait3A_292] : memref<320000xi32, #tpu.memory_space<hbm>> -> memref<80xi32, #tpu.memory_space<hbm>>
      tpu.wait_dma2 semaphore(%arg19 : memref<!tpu.dma_semaphore, #tpu.memory_space<semaphore_mem>>) src(%dma_wait3A_293 : memref<80xi32, #tpu.memory_space<hbm>>) dst(%arg7 : memref<80xi32, #tpu.memory_space<vmem>>)
      %dma_wait3A_294 = arith.constant 0 : i32
      %dma_wait3A_295 = tpu.memref_slice %arg3[%dma_wait3A_294] : memref<320000xi32, #tpu.memory_space<hbm>> -> memref<80xi32, #tpu.memory_space<hbm>>
      %dma_wait3A_296 = arith.constant 0 : i32
      %dma_wait3A_297 = tpu.memref_slice %arg3[%dma_wait3A_296] : memref<320000xi32, #tpu.memory_space<hbm>> -> memref<80xi32, #tpu.memory_space<hbm>>
      tpu.wait_dma2 semaphore(%arg19 : memref<!tpu.dma_semaphore, #tpu.memory_space<semaphore_mem>>) src(%dma_wait3A_297 : memref<80xi32, #tpu.memory_space<hbm>>) dst(%arg11 : memref<80xi32, #tpu.memory_space<vmem>>)
      %dma_start3A_298 = arith.constant 0 : i32
      %dma_start3A_299 = arith.constant 0 : i32
      %dma_start3A_300 = tpu.memref_slice %arg4[%dma_start3A_298, %dma_start3A_299] : memref<10000x128xf32, #tpu.memory_space<hbm>> -> memref<10000x128xf32, #tpu.memory_space<hbm>>
      tpu.enqueue_indirect_dma source(%dma_start3A_300 : memref<10000x128xf32, #tpu.memory_space<hbm>>) target(%arg15 : memref<80x128xf32, #tpu.memory_space<vmem>>) offsets(%arg7 : memref<80xi32, #tpu.memory_space<vmem>>) semaphore(%arg23 : memref<!tpu.dma_semaphore, #tpu.memory_space<semaphore_mem>>)
      %mul3A_301 = arith.constant 4 : i32
      %mul3A_302 = arith.muli %mul3A_301, %scan3A_227 : i32
      %add3A_303 = arith.constant 1 : i32
      %add3A_304 = arith.addi %mul3A_302, %add3A_303 : i32
      %add3A_305 = arith.constant 2 : i32
      %add3A_306 = arith.addi %add3A_304, %add3A_305 : i32
      %dma_wait3A_307 = arith.constant 0 : i32
      %dma_wait3A_308 = arith.constant 0 : i32
      %dma_wait3A_309 = tpu.memref_slice %arg4[%dma_wait3A_307, %dma_wait3A_308] : memref<10000x128xf32, #tpu.memory_space<hbm>> -> memref<10000x128xf32, #tpu.memory_space<hbm>>
      tpu.wait_indirect_dma semaphore(%arg26 : memref<!tpu.dma_semaphore, #tpu.memory_space<semaphore_mem>>) src(%dma_wait3A_309 : memref<10000x128xf32, #tpu.memory_space<hbm>>) dst(%arg18 : memref<80x128xf32, #tpu.memory_space<vmem>>)
      %dma_start3A_310 = arith.constant 0 : i32
      %dma_start3A_311 = arith.constant 0 : i32
      %dma_start3A_312 = tpu.memref_slice %arg6[%dma_start3A_310, %dma_start3A_311] : memref<10000x128xf32, #tpu.memory_space<vmem_shared>> -> memref<10000x128xf32, #tpu.memory_space<vmem_shared>>
      tpu.enqueue_indirect_dma source(%arg18 : memref<80x128xf32, #tpu.memory_space<vmem>>) target(%dma_start3A_312 : memref<10000x128xf32, #tpu.memory_space<vmem_shared>>) offsets(%arg14 : memref<80xi32, #tpu.memory_space<vmem>>) semaphore(%arg30 : memref<!tpu.dma_semaphore, #tpu.memory_space<semaphore_mem>>) {add = true}
      %dma_wait3A_313 = arith.constant 0 : i32
      %dma_wait3A_314 = arith.constant 0 : i32
      %dma_wait3A_315 = tpu.memref_slice %arg6[%dma_wait3A_313, %dma_wait3A_314] : memref<10000x128xf32, #tpu.memory_space<vmem_shared>> -> memref<10000x128xf32, #tpu.memory_space<vmem_shared>>
      tpu.wait_indirect_dma semaphore(%arg29 : memref<!tpu.dma_semaphore, #tpu.memory_space<semaphore_mem>>) src(%arg17 : memref<80x128xf32, #tpu.memory_space<vmem>>) dst(%dma_wait3A_315 : memref<10000x128xf32, #tpu.memory_space<vmem_shared>>)
      %add3A_316 = arith.constant 3 : i32
      %add3A_317 = arith.addi %add3A_306, %add3A_316 : i32
      %mul3A_318 = arith.constant 80 : i32
      %mul3A_319 = arith.muli %add3A_317, %mul3A_318 : i32
      %add3A_320 = arith.addi %mul3A_9, %mul3A_319 : i32
      %multiple_of3A_321 = tpu.assume_multiple %add3A_320, 8 : i32
      %dma_start3A_322 = tpu.memref_slice %arg2[%multiple_of3A_321] : memref<320000xi32, #tpu.memory_space<hbm>> -> memref<80xi32, #tpu.memory_space<hbm>>
      %dma_start3A_323 = tpu.memref_slice %arg2[%multiple_of3A_321] : memref<320000xi32, #tpu.memory_space<hbm>> -> memref<80xi32, #tpu.memory_space<hbm>>
      tpu.enqueue_dma source(%dma_start3A_323 : memref<80xi32, #tpu.memory_space<hbm>>) target(%arg9 : memref<80xi32, #tpu.memory_space<vmem>>) target_semaphore(%arg21 : memref<!tpu.dma_semaphore, #tpu.memory_space<semaphore_mem>>)
      %dma_start3A_324 = tpu.memref_slice %arg3[%multiple_of3A_321] : memref<320000xi32, #tpu.memory_space<hbm>> -> memref<80xi32, #tpu.memory_space<hbm>>
      %dma_start3A_325 = tpu.memref_slice %arg3[%multiple_of3A_321] : memref<320000xi32, #tpu.memory_space<hbm>> -> memref<80xi32, #tpu.memory_space<hbm>>
      tpu.enqueue_dma source(%dma_start3A_325 : memref<80xi32, #tpu.memory_space<hbm>>) target(%arg13 : memref<80xi32, #tpu.memory_space<vmem>>) target_semaphore(%arg21 : memref<!tpu.dma_semaphore, #tpu.memory_space<semaphore_mem>>)
      %dma_wait3A_326 = arith.constant 0 : i32
      %dma_wait3A_327 = tpu.memref_slice %arg2[%dma_wait3A_326] : memref<320000xi32, #tpu.memory_space<hbm>> -> memref<80xi32, #tpu.memory_space<hbm>>
      %dma_wait3A_328 = arith.constant 0 : i32
      %dma_wait3A_329 = tpu.memref_slice %arg2[%dma_wait3A_328] : memref<320000xi32, #tpu.memory_space<hbm>> -> memref<80xi32, #tpu.memory_space<hbm>>
      tpu.wait_dma2 semaphore(%arg20 : memref<!tpu.dma_semaphore, #tpu.memory_space<semaphore_mem>>) src(%dma_wait3A_329 : memref<80xi32, #tpu.memory_space<hbm>>) dst(%arg8 : memref<80xi32, #tpu.memory_space<vmem>>)
      %dma_wait3A_330 = arith.constant 0 : i32
      %dma_wait3A_331 = tpu.memref_slice %arg3[%dma_wait3A_330] : memref<320000xi32, #tpu.memory_space<hbm>> -> memref<80xi32, #tpu.memory_space<hbm>>
      %dma_wait3A_332 = arith.constant 0 : i32
      %dma_wait3A_333 = tpu.memref_slice %arg3[%dma_wait3A_332] : memref<320000xi32, #tpu.memory_space<hbm>> -> memref<80xi32, #tpu.memory_space<hbm>>
      tpu.wait_dma2 semaphore(%arg20 : memref<!tpu.dma_semaphore, #tpu.memory_space<semaphore_mem>>) src(%dma_wait3A_333 : memref<80xi32, #tpu.memory_space<hbm>>) dst(%arg12 : memref<80xi32, #tpu.memory_space<vmem>>)
      %dma_start3A_334 = arith.constant 0 : i32
      %dma_start3A_335 = arith.constant 0 : i32
      %dma_start3A_336 = tpu.memref_slice %arg4[%dma_start3A_334, %dma_start3A_335] : memref<10000x128xf32, #tpu.memory_space<hbm>> -> memref<10000x128xf32, #tpu.memory_space<hbm>>
      tpu.enqueue_indirect_dma source(%dma_start3A_336 : memref<10000x128xf32, #tpu.memory_space<hbm>>) target(%arg16 : memref<80x128xf32, #tpu.memory_space<vmem>>) offsets(%arg8 : memref<80xi32, #tpu.memory_space<vmem>>) semaphore(%arg24 : memref<!tpu.dma_semaphore, #tpu.memory_space<semaphore_mem>>)
      %mul3A_337 = arith.constant 4 : i32
      %mul3A_338 = arith.muli %mul3A_337, %scan3A_227 : i32
      %add3A_339 = arith.constant 1 : i32
      %add3A_340 = arith.addi %mul3A_338, %add3A_339 : i32
      %add3A_341 = arith.constant 3 : i32
      %add3A_342 = arith.addi %add3A_340, %add3A_341 : i32
      %dma_wait3A_343 = arith.constant 0 : i32
      %dma_wait3A_344 = arith.constant 0 : i32
      %dma_wait3A_345 = tpu.memref_slice %arg4[%dma_wait3A_343, %dma_wait3A_344] : memref<10000x128xf32, #tpu.memory_space<hbm>> -> memref<10000x128xf32, #tpu.memory_space<hbm>>
      tpu.wait_indirect_dma semaphore(%arg23 : memref<!tpu.dma_semaphore, #tpu.memory_space<semaphore_mem>>) src(%dma_wait3A_345 : memref<10000x128xf32, #tpu.memory_space<hbm>>) dst(%arg15 : memref<80x128xf32, #tpu.memory_space<vmem>>)
      %dma_start3A_346 = arith.constant 0 : i32
      %dma_start3A_347 = arith.constant 0 : i32
      %dma_start3A_348 = tpu.memref_slice %arg6[%dma_start3A_346, %dma_start3A_347] : memref<10000x128xf32, #tpu.memory_space<vmem_shared>> -> memref<10000x128xf32, #tpu.memory_space<vmem_shared>>
      tpu.enqueue_indirect_dma source(%arg15 : memref<80x128xf32, #tpu.memory_space<vmem>>) target(%dma_start3A_348 : memref<10000x128xf32, #tpu.memory_space<vmem_shared>>) offsets(%arg11 : memref<80xi32, #tpu.memory_space<vmem>>) semaphore(%arg27 : memref<!tpu.dma_semaphore, #tpu.memory_space<semaphore_mem>>) {add = true}
      %dma_wait3A_349 = arith.constant 0 : i32
      %dma_wait3A_350 = arith.constant 0 : i32
      %dma_wait3A_351 = tpu.memref_slice %arg6[%dma_wait3A_349, %dma_wait3A_350] : memref<10000x128xf32, #tpu.memory_space<vmem_shared>> -> memref<10000x128xf32, #tpu.memory_space<vmem_shared>>
      tpu.wait_indirect_dma semaphore(%arg30 : memref<!tpu.dma_semaphore, #tpu.memory_space<semaphore_mem>>) src(%arg18 : memref<80x128xf32, #tpu.memory_space<vmem>>) dst(%dma_wait3A_351 : memref<10000x128xf32, #tpu.memory_space<vmem_shared>>)
      %add3A_352 = arith.constant 3 : i32
      %add3A_353 = arith.addi %add3A_342, %add3A_352 : i32
      %mul3A_354 = arith.constant 80 : i32
      %mul3A_355 = arith.muli %add3A_353, %mul3A_354 : i32
      %add3A_356 = arith.addi %mul3A_9, %mul3A_355 : i32
      %multiple_of3A_357 = tpu.assume_multiple %add3A_356, 8 : i32
      %dma_start3A_358 = tpu.memref_slice %arg2[%multiple_of3A_357] : memref<320000xi32, #tpu.memory_space<hbm>> -> memref<80xi32, #tpu.memory_space<hbm>>
      %dma_start3A_359 = tpu.memref_slice %arg2[%multiple_of3A_357] : memref<320000xi32, #tpu.memory_space<hbm>> -> memref<80xi32, #tpu.memory_space<hbm>>
      tpu.enqueue_dma source(%dma_start3A_359 : memref<80xi32, #tpu.memory_space<hbm>>) target(%arg10 : memref<80xi32, #tpu.memory_space<vmem>>) target_semaphore(%arg22 : memref<!tpu.dma_semaphore, #tpu.memory_space<semaphore_mem>>)
      %dma_start3A_360 = tpu.memref_slice %arg3[%multiple_of3A_357] : memref<320000xi32, #tpu.memory_space<hbm>> -> memref<80xi32, #tpu.memory_space<hbm>>
      %dma_start3A_361 = tpu.memref_slice %arg3[%multiple_of3A_357] : memref<320000xi32, #tpu.memory_space<hbm>> -> memref<80xi32, #tpu.memory_space<hbm>>
      tpu.enqueue_dma source(%dma_start3A_361 : memref<80xi32, #tpu.memory_space<hbm>>) target(%arg14 : memref<80xi32, #tpu.memory_space<vmem>>) target_semaphore(%arg22 : memref<!tpu.dma_semaphore, #tpu.memory_space<semaphore_mem>>)
      %dma_wait3A_362 = arith.constant 0 : i32
      %dma_wait3A_363 = tpu.memref_slice %arg2[%dma_wait3A_362] : memref<320000xi32, #tpu.memory_space<hbm>> -> memref<80xi32, #tpu.memory_space<hbm>>
      %dma_wait3A_364 = arith.constant 0 : i32
      %dma_wait3A_365 = tpu.memref_slice %arg2[%dma_wait3A_364] : memref<320000xi32, #tpu.memory_space<hbm>> -> memref<80xi32, #tpu.memory_space<hbm>>
      tpu.wait_dma2 semaphore(%arg21 : memref<!tpu.dma_semaphore, #tpu.memory_space<semaphore_mem>>) src(%dma_wait3A_365 : memref<80xi32, #tpu.memory_space<hbm>>) dst(%arg9 : memref<80xi32, #tpu.memory_space<vmem>>)
      %dma_wait3A_366 = arith.constant 0 : i32
      %dma_wait3A_367 = tpu.memref_slice %arg3[%dma_wait3A_366] : memref<320000xi32, #tpu.memory_space<hbm>> -> memref<80xi32, #tpu.memory_space<hbm>>
      %dma_wait3A_368 = arith.constant 0 : i32
      %dma_wait3A_369 = tpu.memref_slice %arg3[%dma_wait3A_368] : memref<320000xi32, #tpu.memory_space<hbm>> -> memref<80xi32, #tpu.memory_space<hbm>>
      tpu.wait_dma2 semaphore(%arg21 : memref<!tpu.dma_semaphore, #tpu.memory_space<semaphore_mem>>) src(%dma_wait3A_369 : memref<80xi32, #tpu.memory_space<hbm>>) dst(%arg13 : memref<80xi32, #tpu.memory_space<vmem>>)
      %dma_start3A_370 = arith.constant 0 : i32
      %dma_start3A_371 = arith.constant 0 : i32
      %dma_start3A_372 = tpu.memref_slice %arg4[%dma_start3A_370, %dma_start3A_371] : memref<10000x128xf32, #tpu.memory_space<hbm>> -> memref<10000x128xf32, #tpu.memory_space<hbm>>
      tpu.enqueue_indirect_dma source(%dma_start3A_372 : memref<10000x128xf32, #tpu.memory_space<hbm>>) target(%arg17 : memref<80x128xf32, #tpu.memory_space<vmem>>) offsets(%arg9 : memref<80xi32, #tpu.memory_space<vmem>>) semaphore(%arg25 : memref<!tpu.dma_semaphore, #tpu.memory_space<semaphore_mem>>)
      %scan3A_373 = arith.constant 0 : i32
      scf.yield %scan3A_373 : i32
    }
    %scan3A_110 = arith.constant 30 : i32
    %dma_wait3A_111 = arith.constant 0 : i32
    %dma_wait3A_112 = arith.constant 0 : i32
    %dma_wait3A_113 = tpu.memref_slice %arg4[%dma_wait3A_111, %dma_wait3A_112] : memref<10000x128xf32, #tpu.memory_space<hbm>> -> memref<10000x128xf32, #tpu.memory_space<hbm>>
    tpu.wait_indirect_dma semaphore(%arg24 : memref<!tpu.dma_semaphore, #tpu.memory_space<semaphore_mem>>) src(%dma_wait3A_113 : memref<10000x128xf32, #tpu.memory_space<hbm>>) dst(%arg16 : memref<80x128xf32, #tpu.memory_space<vmem>>)
    %dma_start3A_114 = arith.constant 0 : i32
    %dma_start3A_115 = arith.constant 0 : i32
    %dma_start3A_116 = tpu.memref_slice %arg6[%dma_start3A_114, %dma_start3A_115] : memref<10000x128xf32, #tpu.memory_space<vmem_shared>> -> memref<10000x128xf32, #tpu.memory_space<vmem_shared>>
    tpu.enqueue_indirect_dma source(%arg16 : memref<80x128xf32, #tpu.memory_space<vmem>>) target(%dma_start3A_116 : memref<10000x128xf32, #tpu.memory_space<vmem_shared>>) offsets(%arg12 : memref<80xi32, #tpu.memory_space<vmem>>) semaphore(%arg28 : memref<!tpu.dma_semaphore, #tpu.memory_space<semaphore_mem>>) {add = true}
    %dma_wait3A_117 = arith.constant 0 : i32
    %dma_wait3A_118 = arith.constant 0 : i32
    %dma_wait3A_119 = tpu.memref_slice %arg6[%dma_wait3A_117, %dma_wait3A_118] : memref<10000x128xf32, #tpu.memory_space<vmem_shared>> -> memref<10000x128xf32, #tpu.memory_space<vmem_shared>>
    tpu.wait_indirect_dma semaphore(%arg27 : memref<!tpu.dma_semaphore, #tpu.memory_space<semaphore_mem>>) src(%arg15 : memref<80x128xf32, #tpu.memory_space<vmem>>) dst(%dma_wait3A_119 : memref<10000x128xf32, #tpu.memory_space<vmem_shared>>)
    %add3A_120 = arith.constant 9920 : i32
    %add3A_121 = arith.addi %mul3A_9, %add3A_120 : i32
    %multiple_of3A_122 = tpu.assume_multiple %add3A_121, 8 : i32
    %dma_start3A_123 = tpu.memref_slice %arg2[%multiple_of3A_122] : memref<320000xi32, #tpu.memory_space<hbm>> -> memref<80xi32, #tpu.memory_space<hbm>>
    %dma_start3A_124 = tpu.memref_slice %arg2[%multiple_of3A_122] : memref<320000xi32, #tpu.memory_space<hbm>> -> memref<80xi32, #tpu.memory_space<hbm>>
    tpu.enqueue_dma source(%dma_start3A_124 : memref<80xi32, #tpu.memory_space<hbm>>) target(%arg7 : memref<80xi32, #tpu.memory_space<vmem>>) target_semaphore(%arg19 : memref<!tpu.dma_semaphore, #tpu.memory_space<semaphore_mem>>)
    %dma_start3A_125 = tpu.memref_slice %arg3[%multiple_of3A_122] : memref<320000xi32, #tpu.memory_space<hbm>> -> memref<80xi32, #tpu.memory_space<hbm>>
    %dma_start3A_126 = tpu.memref_slice %arg3[%multiple_of3A_122] : memref<320000xi32, #tpu.memory_space<hbm>> -> memref<80xi32, #tpu.memory_space<hbm>>
    tpu.enqueue_dma source(%dma_start3A_126 : memref<80xi32, #tpu.memory_space<hbm>>) target(%arg11 : memref<80xi32, #tpu.memory_space<vmem>>) target_semaphore(%arg19 : memref<!tpu.dma_semaphore, #tpu.memory_space<semaphore_mem>>)
    %dma_wait3A_127 = arith.constant 0 : i32
    %dma_wait3A_128 = tpu.memref_slice %arg2[%dma_wait3A_127] : memref<320000xi32, #tpu.memory_space<hbm>> -> memref<80xi32, #tpu.memory_space<hbm>>
    %dma_wait3A_129 = arith.constant 0 : i32
    %dma_wait3A_130 = tpu.memref_slice %arg2[%dma_wait3A_129] : memref<320000xi32, #tpu.memory_space<hbm>> -> memref<80xi32, #tpu.memory_space<hbm>>
    tpu.wait_dma2 semaphore(%arg22 : memref<!tpu.dma_semaphore, #tpu.memory_space<semaphore_mem>>) src(%dma_wait3A_130 : memref<80xi32, #tpu.memory_space<hbm>>) dst(%arg10 : memref<80xi32, #tpu.memory_space<vmem>>)
    %dma_wait3A_131 = arith.constant 0 : i32
    %dma_wait3A_132 = tpu.memref_slice %arg3[%dma_wait3A_131] : memref<320000xi32, #tpu.memory_space<hbm>> -> memref<80xi32, #tpu.memory_space<hbm>>
    %dma_wait3A_133 = arith.constant 0 : i32
    %dma_wait3A_134 = tpu.memref_slice %arg3[%dma_wait3A_133] : memref<320000xi32, #tpu.memory_space<hbm>> -> memref<80xi32, #tpu.memory_space<hbm>>
    tpu.wait_dma2 semaphore(%arg22 : memref<!tpu.dma_semaphore, #tpu.memory_space<semaphore_mem>>) src(%dma_wait3A_134 : memref<80xi32, #tpu.memory_space<hbm>>) dst(%arg14 : memref<80xi32, #tpu.memory_space<vmem>>)
    %dma_start3A_135 = arith.constant 0 : i32
    %dma_start3A_136 = arith.constant 0 : i32
    %dma_start3A_137 = tpu.memref_slice %arg4[%dma_start3A_135, %dma_start3A_136] : memref<10000x128xf32, #tpu.memory_space<hbm>> -> memref<10000x128xf32, #tpu.memory_space<hbm>>
    tpu.enqueue_indirect_dma source(%dma_start3A_137 : memref<10000x128xf32, #tpu.memory_space<hbm>>) target(%arg18 : memref<80x128xf32, #tpu.memory_space<vmem>>) offsets(%arg10 : memref<80xi32, #tpu.memory_space<vmem>>) semaphore(%arg26 : memref<!tpu.dma_semaphore, #tpu.memory_space<semaphore_mem>>)
    %dma_wait3A_138 = arith.constant 0 : i32
    %dma_wait3A_139 = arith.constant 0 : i32
    %dma_wait3A_140 = tpu.memref_slice %arg4[%dma_wait3A_138, %dma_wait3A_139] : memref<10000x128xf32, #tpu.memory_space<hbm>> -> memref<10000x128xf32, #tpu.memory_space<hbm>>
    tpu.wait_indirect_dma semaphore(%arg25 : memref<!tpu.dma_semaphore, #tpu.memory_space<semaphore_mem>>) src(%dma_wait3A_140 : memref<10000x128xf32, #tpu.memory_space<hbm>>) dst(%arg17 : memref<80x128xf32, #tpu.memory_space<vmem>>)
    %dma_start3A_141 = arith.constant 0 : i32
    %dma_start3A_142 = arith.constant 0 : i32
    %dma_start3A_143 = tpu.memref_slice %arg6[%dma_start3A_141, %dma_start3A_142] : memref<10000x128xf32, #tpu.memory_space<vmem_shared>> -> memref<10000x128xf32, #tpu.memory_space<vmem_shared>>
    tpu.enqueue_indirect_dma source(%arg17 : memref<80x128xf32, #tpu.memory_space<vmem>>) target(%dma_start3A_143 : memref<10000x128xf32, #tpu.memory_space<vmem_shared>>) offsets(%arg13 : memref<80xi32, #tpu.memory_space<vmem>>) semaphore(%arg29 : memref<!tpu.dma_semaphore, #tpu.memory_space<semaphore_mem>>) {add = true}
    %dma_wait3A_144 = arith.constant 0 : i32
    %dma_wait3A_145 = tpu.memref_slice %arg2[%dma_wait3A_144] : memref<320000xi32, #tpu.memory_space<hbm>> -> memref<80xi32, #tpu.memory_space<hbm>>
    %dma_wait3A_146 = arith.constant 0 : i32
    %dma_wait3A_147 = tpu.memref_slice %arg2[%dma_wait3A_146] : memref<320000xi32, #tpu.memory_space<hbm>> -> memref<80xi32, #tpu.memory_space<hbm>>
    tpu.wait_dma2 semaphore(%arg19 : memref<!tpu.dma_semaphore, #tpu.memory_space<semaphore_mem>>) src(%dma_wait3A_147 : memref<80xi32, #tpu.memory_space<hbm>>) dst(%arg7 : memref<80xi32, #tpu.memory_space<vmem>>)
    %dma_wait3A_148 = arith.constant 0 : i32
    %dma_wait3A_149 = tpu.memref_slice %arg3[%dma_wait3A_148] : memref<320000xi32, #tpu.memory_space<hbm>> -> memref<80xi32, #tpu.memory_space<hbm>>
    %dma_wait3A_150 = arith.constant 0 : i32
    %dma_wait3A_151 = tpu.memref_slice %arg3[%dma_wait3A_150] : memref<320000xi32, #tpu.memory_space<hbm>> -> memref<80xi32, #tpu.memory_space<hbm>>
    tpu.wait_dma2 semaphore(%arg19 : memref<!tpu.dma_semaphore, #tpu.memory_space<semaphore_mem>>) src(%dma_wait3A_151 : memref<80xi32, #tpu.memory_space<hbm>>) dst(%arg11 : memref<80xi32, #tpu.memory_space<vmem>>)
    %dma_start3A_152 = arith.constant 0 : i32
    %dma_start3A_153 = arith.constant 0 : i32
    %dma_start3A_154 = tpu.memref_slice %arg4[%dma_start3A_152, %dma_start3A_153] : memref<10000x128xf32, #tpu.memory_space<hbm>> -> memref<10000x128xf32, #tpu.memory_space<hbm>>
    tpu.enqueue_indirect_dma source(%dma_start3A_154 : memref<10000x128xf32, #tpu.memory_space<hbm>>) target(%arg15 : memref<80x128xf32, #tpu.memory_space<vmem>>) offsets(%arg7 : memref<80xi32, #tpu.memory_space<vmem>>) semaphore(%arg23 : memref<!tpu.dma_semaphore, #tpu.memory_space<semaphore_mem>>)
    %dma_wait3A_155 = arith.constant 0 : i32
    %dma_wait3A_156 = arith.constant 0 : i32
    %dma_wait3A_157 = tpu.memref_slice %arg4[%dma_wait3A_155, %dma_wait3A_156] : memref<10000x128xf32, #tpu.memory_space<hbm>> -> memref<10000x128xf32, #tpu.memory_space<hbm>>
    tpu.wait_indirect_dma semaphore(%arg26 : memref<!tpu.dma_semaphore, #tpu.memory_space<semaphore_mem>>) src(%dma_wait3A_157 : memref<10000x128xf32, #tpu.memory_space<hbm>>) dst(%arg18 : memref<80x128xf32, #tpu.memory_space<vmem>>)
    %dma_start3A_158 = arith.constant 0 : i32
    %dma_start3A_159 = arith.constant 0 : i32
    %dma_start3A_160 = tpu.memref_slice %arg6[%dma_start3A_158, %dma_start3A_159] : memref<10000x128xf32, #tpu.memory_space<vmem_shared>> -> memref<10000x128xf32, #tpu.memory_space<vmem_shared>>
    tpu.enqueue_indirect_dma source(%arg18 : memref<80x128xf32, #tpu.memory_space<vmem>>) target(%dma_start3A_160 : memref<10000x128xf32, #tpu.memory_space<vmem_shared>>) offsets(%arg14 : memref<80xi32, #tpu.memory_space<vmem>>) semaphore(%arg30 : memref<!tpu.dma_semaphore, #tpu.memory_space<semaphore_mem>>) {add = true}
    %dma_wait3A_161 = arith.constant 0 : i32
    %dma_wait3A_162 = arith.constant 0 : i32
    %dma_wait3A_163 = tpu.memref_slice %arg4[%dma_wait3A_161, %dma_wait3A_162] : memref<10000x128xf32, #tpu.memory_space<hbm>> -> memref<10000x128xf32, #tpu.memory_space<hbm>>
    tpu.wait_indirect_dma semaphore(%arg23 : memref<!tpu.dma_semaphore, #tpu.memory_space<semaphore_mem>>) src(%dma_wait3A_163 : memref<10000x128xf32, #tpu.memory_space<hbm>>) dst(%arg15 : memref<80x128xf32, #tpu.memory_space<vmem>>)
    %dma_start3A_164 = arith.constant 0 : i32
    %dma_start3A_165 = arith.constant 0 : i32
    %dma_start3A_166 = tpu.memref_slice %arg6[%dma_start3A_164, %dma_start3A_165] : memref<10000x128xf32, #tpu.memory_space<vmem_shared>> -> memref<10000x128xf32, #tpu.memory_space<vmem_shared>>
    tpu.enqueue_indirect_dma source(%arg15 : memref<80x128xf32, #tpu.memory_space<vmem>>) target(%dma_start3A_166 : memref<10000x128xf32, #tpu.memory_space<vmem_shared>>) offsets(%arg11 : memref<80xi32, #tpu.memory_space<vmem>>) semaphore(%arg27 : memref<!tpu.dma_semaphore, #tpu.memory_space<semaphore_mem>>) {add = true}
    %dma_wait3A_167 = arith.constant 0 : i32
    %dma_wait3A_168 = arith.constant 0 : i32
    %dma_wait3A_169 = tpu.memref_slice %arg6[%dma_wait3A_167, %dma_wait3A_168] : memref<10000x128xf32, #tpu.memory_space<vmem_shared>> -> memref<10000x128xf32, #tpu.memory_space<vmem_shared>>
    tpu.wait_indirect_dma semaphore(%arg28 : memref<!tpu.dma_semaphore, #tpu.memory_space<semaphore_mem>>) src(%arg16 : memref<80x128xf32, #tpu.memory_space<vmem>>) dst(%dma_wait3A_169 : memref<10000x128xf32, #tpu.memory_space<vmem_shared>>)
    %dma_wait3A_170 = arith.constant 0 : i32
    %dma_wait3A_171 = arith.constant 0 : i32
    %dma_wait3A_172 = tpu.memref_slice %arg6[%dma_wait3A_170, %dma_wait3A_171] : memref<10000x128xf32, #tpu.memory_space<vmem_shared>> -> memref<10000x128xf32, #tpu.memory_space<vmem_shared>>
    tpu.wait_indirect_dma semaphore(%arg29 : memref<!tpu.dma_semaphore, #tpu.memory_space<semaphore_mem>>) src(%arg17 : memref<80x128xf32, #tpu.memory_space<vmem>>) dst(%dma_wait3A_172 : memref<10000x128xf32, #tpu.memory_space<vmem_shared>>)
    %dma_wait3A_173 = arith.constant 0 : i32
    %dma_wait3A_174 = arith.constant 0 : i32
    %dma_wait3A_175 = tpu.memref_slice %arg6[%dma_wait3A_173, %dma_wait3A_174] : memref<10000x128xf32, #tpu.memory_space<vmem_shared>> -> memref<10000x128xf32, #tpu.memory_space<vmem_shared>>
    tpu.wait_indirect_dma semaphore(%arg30 : memref<!tpu.dma_semaphore, #tpu.memory_space<semaphore_mem>>) src(%arg18 : memref<80x128xf32, #tpu.memory_space<vmem>>) dst(%dma_wait3A_175 : memref<10000x128xf32, #tpu.memory_space<vmem_shared>>)
    %dma_wait3A_176 = arith.constant 0 : i32
    %dma_wait3A_177 = arith.constant 0 : i32
    %dma_wait3A_178 = tpu.memref_slice %arg6[%dma_wait3A_176, %dma_wait3A_177] : memref<10000x128xf32, #tpu.memory_space<vmem_shared>> -> memref<10000x128xf32, #tpu.memory_space<vmem_shared>>
    tpu.wait_indirect_dma semaphore(%arg27 : memref<!tpu.dma_semaphore, #tpu.memory_space<semaphore_mem>>) src(%arg15 : memref<80x128xf32, #tpu.memory_space<vmem>>) dst(%dma_wait3A_178 : memref<10000x128xf32, #tpu.memory_space<vmem_shared>>)
    %barrier3A_179 = arith.constant 0 : index
    tpu.barrier barrier_id(%barrier3A_179)
    %add3A_180 = arith.constant 0 : i32
    %add3A_181 = arith.addi %arg1, %add3A_180 : i32
    %mul3A_182 = arith.constant 80 : i32
    %mul3A_183 = arith.muli %add3A_181, %mul3A_182 : i32
    %mul3A_184 = arith.constant 80 : i32
    %mul3A_185 = arith.muli %add3A_181, %mul3A_184 : i32
    "tpu.region"() ({
      %run_scoped3A = tpu.sem_alloc : memref<!tpu.dma_semaphore, #tpu.memory_space<semaphore_mem>>
      %dma_start3A_227 = arith.constant 0 : i32
      %dma_start3A_228 = tpu.memref_slice %arg5[%arg0, %mul3A_185, %dma_start3A_227] : memref<2x10000x128xf32, #tpu.memory_space<hbm>> -> memref<1x80x128xf32, #tpu.memory_space<hbm>>
      %dma_start3A_229 = tpu.memref_squeeze %dma_start3A_228 : memref<1x80x128xf32, #tpu.memory_space<hbm>> -> memref<80x128xf32, #tpu.memory_space<hbm>>
      %dma_start3A_230 = arith.constant 0 : i32
      %dma_start3A_231 = tpu.memref_slice %arg6[%mul3A_183, %dma_start3A_230] : memref<10000x128xf32, #tpu.memory_space<vmem_shared>> -> memref<80x128xf32, #tpu.memory_space<vmem_shared>>
      tpu.enqueue_dma source(%dma_start3A_231 : memref<80x128xf32, #tpu.memory_space<vmem_shared>>) target(%dma_start3A_229 : memref<80x128xf32, #tpu.memory_space<hbm>>) target_semaphore(%run_scoped3A : memref<!tpu.dma_semaphore, #tpu.memory_space<semaphore_mem>>)
      %dma_wait3A_232 = arith.constant 0 : i32
      %dma_wait3A_233 = tpu.memref_slice %arg5[%arg0, %mul3A_185, %dma_wait3A_232] : memref<2x10000x128xf32, #tpu.memory_space<hbm>> -> memref<1x80x128xf32, #tpu.memory_space<hbm>>
      %dma_wait3A_234 = tpu.memref_squeeze %dma_wait3A_233 : memref<1x80x128xf32, #tpu.memory_space<hbm>> -> memref<80x128xf32, #tpu.memory_space<hbm>>
      %dma_wait3A_235 = arith.constant 0 : i32
      %dma_wait3A_236 = tpu.memref_slice %arg6[%mul3A_183, %dma_wait3A_235] : memref<10000x128xf32, #tpu.memory_space<vmem_shared>> -> memref<80x128xf32, #tpu.memory_space<vmem_shared>>
      tpu.wait_dma2 semaphore(%run_scoped3A : memref<!tpu.dma_semaphore, #tpu.memory_space<semaphore_mem>>) src(%dma_wait3A_236 : memref<80x128xf32, #tpu.memory_space<vmem_shared>>) dst(%dma_wait3A_234 : memref<80x128xf32, #tpu.memory_space<hbm>>)
      tpu.yield
    }) : () -> ()
    %add3A_186 = arith.constant 16 : i32
    %add3A_187 = arith.addi %arg1, %add3A_186 : i32
    %mul3A_188 = arith.constant 80 : i32
    %mul3A_189 = arith.muli %add3A_187, %mul3A_188 : i32
    %mul3A_190 = arith.constant 80 : i32
    %mul3A_191 = arith.muli %add3A_187, %mul3A_190 : i32
    "tpu.region"() ({
      %run_scoped3A = tpu.sem_alloc : memref<!tpu.dma_semaphore, #tpu.memory_space<semaphore_mem>>
      %dma_start3A_227 = arith.constant 0 : i32
      %dma_start3A_228 = tpu.memref_slice %arg5[%arg0, %mul3A_191, %dma_start3A_227] : memref<2x10000x128xf32, #tpu.memory_space<hbm>> -> memref<1x80x128xf32, #tpu.memory_space<hbm>>
      %dma_start3A_229 = tpu.memref_squeeze %dma_start3A_228 : memref<1x80x128xf32, #tpu.memory_space<hbm>> -> memref<80x128xf32, #tpu.memory_space<hbm>>
      %dma_start3A_230 = arith.constant 0 : i32
      %dma_start3A_231 = tpu.memref_slice %arg6[%mul3A_189, %dma_start3A_230] : memref<10000x128xf32, #tpu.memory_space<vmem_shared>> -> memref<80x128xf32, #tpu.memory_space<vmem_shared>>
      tpu.enqueue_dma source(%dma_start3A_231 : memref<80x128xf32, #tpu.memory_space<vmem_shared>>) target(%dma_start3A_229 : memref<80x128xf32, #tpu.memory_space<hbm>>) target_semaphore(%run_scoped3A : memref<!tpu.dma_semaphore, #tpu.memory_space<semaphore_mem>>)
      %dma_wait3A_232 = arith.constant 0 : i32
      %dma_wait3A_233 = tpu.memref_slice %arg5[%arg0, %mul3A_191, %dma_wait3A_232] : memref<2x10000x128xf32, #tpu.memory_space<hbm>> -> memref<1x80x128xf32, #tpu.memory_space<hbm>>
      %dma_wait3A_234 = tpu.memref_squeeze %dma_wait3A_233 : memref<1x80x128xf32, #tpu.memory_space<hbm>> -> memref<80x128xf32, #tpu.memory_space<hbm>>
      %dma_wait3A_235 = arith.constant 0 : i32
      %dma_wait3A_236 = tpu.memref_slice %arg6[%mul3A_189, %dma_wait3A_235] : memref<10000x128xf32, #tpu.memory_space<vmem_shared>> -> memref<80x128xf32, #tpu.memory_space<vmem_shared>>
      tpu.wait_dma2 semaphore(%run_scoped3A : memref<!tpu.dma_semaphore, #tpu.memory_space<semaphore_mem>>) src(%dma_wait3A_236 : memref<80x128xf32, #tpu.memory_space<vmem_shared>>) dst(%dma_wait3A_234 : memref<80x128xf32, #tpu.memory_space<hbm>>)
      tpu.yield
    }) : () -> ()
    %add3A_192 = arith.constant 32 : i32
    %add3A_193 = arith.addi %arg1, %add3A_192 : i32
    %mul3A_194 = arith.constant 80 : i32
    %mul3A_195 = arith.muli %add3A_193, %mul3A_194 : i32
    %mul3A_196 = arith.constant 80 : i32
    %mul3A_197 = arith.muli %add3A_193, %mul3A_196 : i32
    "tpu.region"() ({
      %run_scoped3A = tpu.sem_alloc : memref<!tpu.dma_semaphore, #tpu.memory_space<semaphore_mem>>
      %dma_start3A_227 = arith.constant 0 : i32
      %dma_start3A_228 = tpu.memref_slice %arg5[%arg0, %mul3A_197, %dma_start3A_227] : memref<2x10000x128xf32, #tpu.memory_space<hbm>> -> memref<1x80x128xf32, #tpu.memory_space<hbm>>
      %dma_start3A_229 = tpu.memref_squeeze %dma_start3A_228 : memref<1x80x128xf32, #tpu.memory_space<hbm>> -> memref<80x128xf32, #tpu.memory_space<hbm>>
      %dma_start3A_230 = arith.constant 0 : i32
      %dma_start3A_231 = tpu.memref_slice %arg6[%mul3A_195, %dma_start3A_230] : memref<10000x128xf32, #tpu.memory_space<vmem_shared>> -> memref<80x128xf32, #tpu.memory_space<vmem_shared>>
      tpu.enqueue_dma source(%dma_start3A_231 : memref<80x128xf32, #tpu.memory_space<vmem_shared>>) target(%dma_start3A_229 : memref<80x128xf32, #tpu.memory_space<hbm>>) target_semaphore(%run_scoped3A : memref<!tpu.dma_semaphore, #tpu.memory_space<semaphore_mem>>)
      %dma_wait3A_232 = arith.constant 0 : i32
      %dma_wait3A_233 = tpu.memref_slice %arg5[%arg0, %mul3A_197, %dma_wait3A_232] : memref<2x10000x128xf32, #tpu.memory_space<hbm>> -> memref<1x80x128xf32, #tpu.memory_space<hbm>>
      %dma_wait3A_234 = tpu.memref_squeeze %dma_wait3A_233 : memref<1x80x128xf32, #tpu.memory_space<hbm>> -> memref<80x128xf32, #tpu.memory_space<hbm>>
      %dma_wait3A_235 = arith.constant 0 : i32
      %dma_wait3A_236 = tpu.memref_slice %arg6[%mul3A_195, %dma_wait3A_235] : memref<10000x128xf32, #tpu.memory_space<vmem_shared>> -> memref<80x128xf32, #tpu.memory_space<vmem_shared>>
      tpu.wait_dma2 semaphore(%run_scoped3A : memref<!tpu.dma_semaphore, #tpu.memory_space<semaphore_mem>>) src(%dma_wait3A_236 : memref<80x128xf32, #tpu.memory_space<vmem_shared>>) dst(%dma_wait3A_234 : memref<80x128xf32, #tpu.memory_space<hbm>>)
      tpu.yield
    }) : () -> ()
    %add3A_198 = arith.constant 48 : i32
    %add3A_199 = arith.addi %arg1, %add3A_198 : i32
    %mul3A_200 = arith.constant 80 : i32
    %mul3A_201 = arith.muli %add3A_199, %mul3A_200 : i32
    %mul3A_202 = arith.constant 80 : i32
    %mul3A_203 = arith.muli %add3A_199, %mul3A_202 : i32
    "tpu.region"() ({
      %run_scoped3A = tpu.sem_alloc : memref<!tpu.dma_semaphore, #tpu.memory_space<semaphore_mem>>
      %dma_start3A_227 = arith.constant 0 : i32
      %dma_start3A_228 = tpu.memref_slice %arg5[%arg0, %mul3A_203, %dma_start3A_227] : memref<2x10000x128xf32, #tpu.memory_space<hbm>> -> memref<1x80x128xf32, #tpu.memory_space<hbm>>
      %dma_start3A_229 = tpu.memref_squeeze %dma_start3A_228 : memref<1x80x128xf32, #tpu.memory_space<hbm>> -> memref<80x128xf32, #tpu.memory_space<hbm>>
      %dma_start3A_230 = arith.constant 0 : i32
      %dma_start3A_231 = tpu.memref_slice %arg6[%mul3A_201, %dma_start3A_230] : memref<10000x128xf32, #tpu.memory_space<vmem_shared>> -> memref<80x128xf32, #tpu.memory_space<vmem_shared>>
      tpu.enqueue_dma source(%dma_start3A_231 : memref<80x128xf32, #tpu.memory_space<vmem_shared>>) target(%dma_start3A_229 : memref<80x128xf32, #tpu.memory_space<hbm>>) target_semaphore(%run_scoped3A : memref<!tpu.dma_semaphore, #tpu.memory_space<semaphore_mem>>)
      %dma_wait3A_232 = arith.constant 0 : i32
      %dma_wait3A_233 = tpu.memref_slice %arg5[%arg0, %mul3A_203, %dma_wait3A_232] : memref<2x10000x128xf32, #tpu.memory_space<hbm>> -> memref<1x80x128xf32, #tpu.memory_space<hbm>>
      %dma_wait3A_234 = tpu.memref_squeeze %dma_wait3A_233 : memref<1x80x128xf32, #tpu.memory_space<hbm>> -> memref<80x128xf32, #tpu.memory_space<hbm>>
      %dma_wait3A_235 = arith.constant 0 : i32
      %dma_wait3A_236 = tpu.memref_slice %arg6[%mul3A_201, %dma_wait3A_235] : memref<10000x128xf32, #tpu.memory_space<vmem_shared>> -> memref<80x128xf32, #tpu.memory_space<vmem_shared>>
      tpu.wait_dma2 semaphore(%run_scoped3A : memref<!tpu.dma_semaphore, #tpu.memory_space<semaphore_mem>>) src(%dma_wait3A_236 : memref<80x128xf32, #tpu.memory_space<vmem_shared>>) dst(%dma_wait3A_234 : memref<80x128xf32, #tpu.memory_space<hbm>>)
      tpu.yield
    }) : () -> ()
    %add3A_204 = arith.constant 64 : i32
    %add3A_205 = arith.addi %arg1, %add3A_204 : i32
    %mul3A_206 = arith.constant 80 : i32
    %mul3A_207 = arith.muli %add3A_205, %mul3A_206 : i32
    %mul3A_208 = arith.constant 80 : i32
    %mul3A_209 = arith.muli %add3A_205, %mul3A_208 : i32
    "tpu.region"() ({
      %run_scoped3A = tpu.sem_alloc : memref<!tpu.dma_semaphore, #tpu.memory_space<semaphore_mem>>
      %dma_start3A_227 = arith.constant 0 : i32
      %dma_start3A_228 = tpu.memref_slice %arg5[%arg0, %mul3A_209, %dma_start3A_227] : memref<2x10000x128xf32, #tpu.memory_space<hbm>> -> memref<1x80x128xf32, #tpu.memory_space<hbm>>
      %dma_start3A_229 = tpu.memref_squeeze %dma_start3A_228 : memref<1x80x128xf32, #tpu.memory_space<hbm>> -> memref<80x128xf32, #tpu.memory_space<hbm>>
      %dma_start3A_230 = arith.constant 0 : i32
      %dma_start3A_231 = tpu.memref_slice %arg6[%mul3A_207, %dma_start3A_230] : memref<10000x128xf32, #tpu.memory_space<vmem_shared>> -> memref<80x128xf32, #tpu.memory_space<vmem_shared>>
      tpu.enqueue_dma source(%dma_start3A_231 : memref<80x128xf32, #tpu.memory_space<vmem_shared>>) target(%dma_start3A_229 : memref<80x128xf32, #tpu.memory_space<hbm>>) target_semaphore(%run_scoped3A : memref<!tpu.dma_semaphore, #tpu.memory_space<semaphore_mem>>)
      %dma_wait3A_232 = arith.constant 0 : i32
      %dma_wait3A_233 = tpu.memref_slice %arg5[%arg0, %mul3A_209, %dma_wait3A_232] : memref<2x10000x128xf32, #tpu.memory_space<hbm>> -> memref<1x80x128xf32, #tpu.memory_space<hbm>>
      %dma_wait3A_234 = tpu.memref_squeeze %dma_wait3A_233 : memref<1x80x128xf32, #tpu.memory_space<hbm>> -> memref<80x128xf32, #tpu.memory_space<hbm>>
      %dma_wait3A_235 = arith.constant 0 : i32
      %dma_wait3A_236 = tpu.memref_slice %arg6[%mul3A_207, %dma_wait3A_235] : memref<10000x128xf32, #tpu.memory_space<vmem_shared>> -> memref<80x128xf32, #tpu.memory_space<vmem_shared>>
      tpu.wait_dma2 semaphore(%run_scoped3A : memref<!tpu.dma_semaphore, #tpu.memory_space<semaphore_mem>>) src(%dma_wait3A_236 : memref<80x128xf32, #tpu.memory_space<vmem_shared>>) dst(%dma_wait3A_234 : memref<80x128xf32, #tpu.memory_space<hbm>>)
      tpu.yield
    }) : () -> ()
    %add3A_210 = arith.constant 80 : i32
    %add3A_211 = arith.addi %arg1, %add3A_210 : i32
    %mul3A_212 = arith.constant 80 : i32
    %mul3A_213 = arith.muli %add3A_211, %mul3A_212 : i32
    %mul3A_214 = arith.constant 80 : i32
    %mul3A_215 = arith.muli %add3A_211, %mul3A_214 : i32
    "tpu.region"() ({
      %run_scoped3A = tpu.sem_alloc : memref<!tpu.dma_semaphore, #tpu.memory_space<semaphore_mem>>
      %dma_start3A_227 = arith.constant 0 : i32
      %dma_start3A_228 = tpu.memref_slice %arg5[%arg0, %mul3A_215, %dma_start3A_227] : memref<2x10000x128xf32, #tpu.memory_space<hbm>> -> memref<1x80x128xf32, #tpu.memory_space<hbm>>
      %dma_start3A_229 = tpu.memref_squeeze %dma_start3A_228 : memref<1x80x128xf32, #tpu.memory_space<hbm>> -> memref<80x128xf32, #tpu.memory_space<hbm>>
      %dma_start3A_230 = arith.constant 0 : i32
      %dma_start3A_231 = tpu.memref_slice %arg6[%mul3A_213, %dma_start3A_230] : memref<10000x128xf32, #tpu.memory_space<vmem_shared>> -> memref<80x128xf32, #tpu.memory_space<vmem_shared>>
      tpu.enqueue_dma source(%dma_start3A_231 : memref<80x128xf32, #tpu.memory_space<vmem_shared>>) target(%dma_start3A_229 : memref<80x128xf32, #tpu.memory_space<hbm>>) target_semaphore(%run_scoped3A : memref<!tpu.dma_semaphore, #tpu.memory_space<semaphore_mem>>)
      %dma_wait3A_232 = arith.constant 0 : i32
      %dma_wait3A_233 = tpu.memref_slice %arg5[%arg0, %mul3A_215, %dma_wait3A_232] : memref<2x10000x128xf32, #tpu.memory_space<hbm>> -> memref<1x80x128xf32, #tpu.memory_space<hbm>>
      %dma_wait3A_234 = tpu.memref_squeeze %dma_wait3A_233 : memref<1x80x128xf32, #tpu.memory_space<hbm>> -> memref<80x128xf32, #tpu.memory_space<hbm>>
      %dma_wait3A_235 = arith.constant 0 : i32
      %dma_wait3A_236 = tpu.memref_slice %arg6[%mul3A_213, %dma_wait3A_235] : memref<10000x128xf32, #tpu.memory_space<vmem_shared>> -> memref<80x128xf32, #tpu.memory_space<vmem_shared>>
      tpu.wait_dma2 semaphore(%run_scoped3A : memref<!tpu.dma_semaphore, #tpu.memory_space<semaphore_mem>>) src(%dma_wait3A_236 : memref<80x128xf32, #tpu.memory_space<vmem_shared>>) dst(%dma_wait3A_234 : memref<80x128xf32, #tpu.memory_space<hbm>>)
      tpu.yield
    }) : () -> ()
    %add3A_216 = arith.constant 96 : i32
    %add3A_217 = arith.addi %arg1, %add3A_216 : i32
    %mul3A_218 = arith.constant 80 : i32
    %mul3A_219 = arith.muli %add3A_217, %mul3A_218 : i32
    %mul3A_220 = arith.constant 80 : i32
    %mul3A_221 = arith.muli %add3A_217, %mul3A_220 : i32
    "tpu.region"() ({
      %run_scoped3A = tpu.sem_alloc : memref<!tpu.dma_semaphore, #tpu.memory_space<semaphore_mem>>
      %dma_start3A_227 = arith.constant 0 : i32
      %dma_start3A_228 = tpu.memref_slice %arg5[%arg0, %mul3A_221, %dma_start3A_227] : memref<2x10000x128xf32, #tpu.memory_space<hbm>> -> memref<1x80x128xf32, #tpu.memory_space<hbm>>
      %dma_start3A_229 = tpu.memref_squeeze %dma_start3A_228 : memref<1x80x128xf32, #tpu.memory_space<hbm>> -> memref<80x128xf32, #tpu.memory_space<hbm>>
      %dma_start3A_230 = arith.constant 0 : i32
      %dma_start3A_231 = tpu.memref_slice %arg6[%mul3A_219, %dma_start3A_230] : memref<10000x128xf32, #tpu.memory_space<vmem_shared>> -> memref<80x128xf32, #tpu.memory_space<vmem_shared>>
      tpu.enqueue_dma source(%dma_start3A_231 : memref<80x128xf32, #tpu.memory_space<vmem_shared>>) target(%dma_start3A_229 : memref<80x128xf32, #tpu.memory_space<hbm>>) target_semaphore(%run_scoped3A : memref<!tpu.dma_semaphore, #tpu.memory_space<semaphore_mem>>)
      %dma_wait3A_232 = arith.constant 0 : i32
      %dma_wait3A_233 = tpu.memref_slice %arg5[%arg0, %mul3A_221, %dma_wait3A_232] : memref<2x10000x128xf32, #tpu.memory_space<hbm>> -> memref<1x80x128xf32, #tpu.memory_space<hbm>>
      %dma_wait3A_234 = tpu.memref_squeeze %dma_wait3A_233 : memref<1x80x128xf32, #tpu.memory_space<hbm>> -> memref<80x128xf32, #tpu.memory_space<hbm>>
      %dma_wait3A_235 = arith.constant 0 : i32
      %dma_wait3A_236 = tpu.memref_slice %arg6[%mul3A_219, %dma_wait3A_235] : memref<10000x128xf32, #tpu.memory_space<vmem_shared>> -> memref<80x128xf32, #tpu.memory_space<vmem_shared>>
      tpu.wait_dma2 semaphore(%run_scoped3A : memref<!tpu.dma_semaphore, #tpu.memory_space<semaphore_mem>>) src(%dma_wait3A_236 : memref<80x128xf32, #tpu.memory_space<vmem_shared>>) dst(%dma_wait3A_234 : memref<80x128xf32, #tpu.memory_space<hbm>>)
      tpu.yield
    }) : () -> ()
    %lt3A_222 = arith.constant 13 : i32
    %lt3A_223 = arith.cmpi slt, %arg1, %lt3A_222 : i32
    %convert_element_type3A_224 = arith.extui %lt3A_223 : i1 to i32
    %cond3A_225 = arith.constant 0 : i32
    %cond3A_226 = arith.cmpi ne, %convert_element_type3A_224, %cond3A_225 : i32
    scf.if %cond3A_226 {
      %add3A_227 = arith.constant 112 : i32
      %add3A_228 = arith.addi %arg1, %add3A_227 : i32
      %mul3A_229 = arith.constant 80 : i32
      %mul3A_230 = arith.muli %add3A_228, %mul3A_229 : i32
      %mul3A_231 = arith.constant 80 : i32
      %mul3A_232 = arith.muli %add3A_228, %mul3A_231 : i32
      "tpu.region"() ({
        %run_scoped3A = tpu.sem_alloc : memref<!tpu.dma_semaphore, #tpu.memory_space<semaphore_mem>>
        %dma_start3A_233 = arith.constant 0 : i32
        %dma_start3A_234 = tpu.memref_slice %arg5[%arg0, %mul3A_232, %dma_start3A_233] : memref<2x10000x128xf32, #tpu.memory_space<hbm>> -> memref<1x80x128xf32, #tpu.memory_space<hbm>>
        %dma_start3A_235 = tpu.memref_squeeze %dma_start3A_234 : memref<1x80x128xf32, #tpu.memory_space<hbm>> -> memref<80x128xf32, #tpu.memory_space<hbm>>
        %dma_start3A_236 = arith.constant 0 : i32
        %dma_start3A_237 = tpu.memref_slice %arg6[%mul3A_230, %dma_start3A_236] : memref<10000x128xf32, #tpu.memory_space<vmem_shared>> -> memref<80x128xf32, #tpu.memory_space<vmem_shared>>
        tpu.enqueue_dma source(%dma_start3A_237 : memref<80x128xf32, #tpu.memory_space<vmem_shared>>) target(%dma_start3A_235 : memref<80x128xf32, #tpu.memory_space<hbm>>) target_semaphore(%run_scoped3A : memref<!tpu.dma_semaphore, #tpu.memory_space<semaphore_mem>>)
        %dma_wait3A_238 = arith.constant 0 : i32
        %dma_wait3A_239 = tpu.memref_slice %arg5[%arg0, %mul3A_232, %dma_wait3A_238] : memref<2x10000x128xf32, #tpu.memory_space<hbm>> -> memref<1x80x128xf32, #tpu.memory_space<hbm>>
        %dma_wait3A_240 = tpu.memref_squeeze %dma_wait3A_239 : memref<1x80x128xf32, #tpu.memory_space<hbm>> -> memref<80x128xf32, #tpu.memory_space<hbm>>
        %dma_wait3A_241 = arith.constant 0 : i32
        %dma_wait3A_242 = tpu.memref_slice %arg6[%mul3A_230, %dma_wait3A_241] : memref<10000x128xf32, #tpu.memory_space<vmem_shared>> -> memref<80x128xf32, #tpu.memory_space<vmem_shared>>
        tpu.wait_dma2 semaphore(%run_scoped3A : memref<!tpu.dma_semaphore, #tpu.memory_space<semaphore_mem>>) src(%dma_wait3A_242 : memref<80x128xf32, #tpu.memory_space<vmem_shared>>) dst(%dma_wait3A_240 : memref<80x128xf32, #tpu.memory_space<hbm>>)
        tpu.yield
      }) : () -> ()
    } else {
    }
    return
  }
}

#map = affine_map<(d0, d1) -> (0)>
#map1 = affine_map<(d0, d1) -> (0, 0)>
#map2 = affine_map<(d0, d1) -> (0, 0, 0, 0, 0)>
module attributes {stable_mosaic.version = 14 : i64} {
  func.func @_sc_deg_emb(%arg0: i32, %arg1: i32, %arg2: memref<320000xi32, #tpu.memory_space<hbm>>, %arg3: memref<10000xi32, #tpu.memory_space<hbm>>, %arg4: memref<100000x128xf32, #tpu.memory_space<hbm>>, %arg5: memref<2x2x16x16x5000xf32, #tpu.memory_space<hbm>>, %arg6: memref<10000x128xf32, #tpu.memory_space<hbm>>, %arg7: memref<10000xi32, #tpu.memory_space<vmem>>, %arg8: memref<16x5000xf32, #tpu.memory_space<vmem>>, %arg9: memref<320xi32, #tpu.memory_space<vmem>>, %arg10: memref<80x128xf32, #tpu.memory_space<vmem>>, %arg11: memref<80x128xf32, #tpu.memory_space<vmem>>, %arg12: memref<!tpu.dma_semaphore, #tpu.memory_space<semaphore_mem>>, %arg13: memref<!tpu.dma_semaphore, #tpu.memory_space<semaphore_mem>>) attributes {dimension_semantics = [#tpu.dimension_semantics<core_parallel>, #tpu.dimension_semantics<subcore_parallel>], iteration_bounds = array<i64: 2, 16>, scalar_prefetch = 0 : i64, scratch_operands = 7 : i64, tpu.core_type = #tpu.core_type<sc_vector_subcore>, window_params = [{transform_indices = #map}, {transform_indices = #map}, {transform_indices = #map1}, {transform_indices = #map2}, {transform_indices = #map1}]} {
    %mul3A = arith.constant 2 : i32
    %mul3A_0 = arith.muli %arg1, %mul3A : i32
    %add3A = arith.addi %mul3A_0, %arg0 : i32
    %mul3A_1 = arith.constant 16 : i32
    %mul3A_2 = arith.muli %arg0, %mul3A_1 : i32
    %add3A_3 = arith.addi %mul3A_2, %arg1 : i32
    %mul3A_4 = arith.constant 10000 : i32
    %mul3A_5 = arith.muli %add3A_3, %mul3A_4 : i32
    %dma_start3A = tpu.memref_slice %arg2[%mul3A_5] : memref<320000xi32, #tpu.memory_space<hbm>> -> memref<10000xi32, #tpu.memory_space<hbm>>
    %dma_start3A_6 = tpu.memref_slice %arg2[%mul3A_5] : memref<320000xi32, #tpu.memory_space<hbm>> -> memref<10000xi32, #tpu.memory_space<hbm>>
    tpu.enqueue_dma source(%dma_start3A_6 : memref<10000xi32, #tpu.memory_space<hbm>>) target(%arg7 : memref<10000xi32, #tpu.memory_space<vmem>>) target_semaphore(%arg12 : memref<!tpu.dma_semaphore, #tpu.memory_space<semaphore_mem>>)
    %add3A_7 = arith.constant 0 : i32
    %add3A_8 = arith.addi %add3A, %add3A_7 : i32
    %add3A_9 = arith.constant 32 : i32
    %add3A_10 = arith.addi %add3A, %add3A_9 : i32
    %add3A_11 = arith.constant 64 : i32
    %add3A_12 = arith.addi %add3A, %add3A_11 : i32
    %mul3A_13 = arith.constant 80 : i32
    %mul3A_14 = arith.muli %add3A_8, %mul3A_13 : i32
    "tpu.region"() ({
      %run_scoped3A_101 = tpu.sem_alloc : memref<!tpu.dma_semaphore, #tpu.memory_space<semaphore_mem>>
      %dma_start3A_102 = arith.constant 0 : i32
      %dma_start3A_103 = tpu.memref_slice %arg9[%dma_start3A_102] : memref<320xi32, #tpu.memory_space<vmem>> -> memref<80xi32, #tpu.memory_space<vmem>>
      %dma_start3A_104 = tpu.memref_slice %arg3[%mul3A_14] : memref<10000xi32, #tpu.memory_space<hbm>> -> memref<80xi32, #tpu.memory_space<hbm>>
      %dma_start3A_105 = arith.constant 0 : i32
      %dma_start3A_106 = tpu.memref_slice %arg9[%dma_start3A_105] : memref<320xi32, #tpu.memory_space<vmem>> -> memref<80xi32, #tpu.memory_space<vmem>>
      %dma_start3A_107 = tpu.memref_slice %arg3[%mul3A_14] : memref<10000xi32, #tpu.memory_space<hbm>> -> memref<80xi32, #tpu.memory_space<hbm>>
      tpu.enqueue_dma source(%dma_start3A_107 : memref<80xi32, #tpu.memory_space<hbm>>) target(%dma_start3A_106 : memref<80xi32, #tpu.memory_space<vmem>>) target_semaphore(%run_scoped3A_101 : memref<!tpu.dma_semaphore, #tpu.memory_space<semaphore_mem>>)
      %dma_wait3A_108 = arith.constant 0 : i32
      %dma_wait3A_109 = tpu.memref_slice %arg9[%dma_wait3A_108] : memref<320xi32, #tpu.memory_space<vmem>> -> memref<80xi32, #tpu.memory_space<vmem>>
      %dma_wait3A_110 = tpu.memref_slice %arg3[%mul3A_14] : memref<10000xi32, #tpu.memory_space<hbm>> -> memref<80xi32, #tpu.memory_space<hbm>>
      %dma_wait3A_111 = arith.constant 0 : i32
      %dma_wait3A_112 = tpu.memref_slice %arg9[%dma_wait3A_111] : memref<320xi32, #tpu.memory_space<vmem>> -> memref<80xi32, #tpu.memory_space<vmem>>
      %dma_wait3A_113 = tpu.memref_slice %arg3[%mul3A_14] : memref<10000xi32, #tpu.memory_space<hbm>> -> memref<80xi32, #tpu.memory_space<hbm>>
      tpu.wait_dma2 semaphore(%run_scoped3A_101 : memref<!tpu.dma_semaphore, #tpu.memory_space<semaphore_mem>>) src(%dma_wait3A_113 : memref<80xi32, #tpu.memory_space<hbm>>) dst(%dma_wait3A_112 : memref<80xi32, #tpu.memory_space<vmem>>)
      tpu.yield
    }) : () -> ()
    %mul3A_15 = arith.constant 80 : i32
    %mul3A_16 = arith.muli %add3A_10, %mul3A_15 : i32
    "tpu.region"() ({
      %run_scoped3A_101 = tpu.sem_alloc : memref<!tpu.dma_semaphore, #tpu.memory_space<semaphore_mem>>
      %dma_start3A_102 = arith.constant 80 : i32
      %dma_start3A_103 = tpu.memref_slice %arg9[%dma_start3A_102] : memref<320xi32, #tpu.memory_space<vmem>> -> memref<80xi32, #tpu.memory_space<vmem>>
      %dma_start3A_104 = tpu.memref_slice %arg3[%mul3A_16] : memref<10000xi32, #tpu.memory_space<hbm>> -> memref<80xi32, #tpu.memory_space<hbm>>
      %dma_start3A_105 = arith.constant 80 : i32
      %dma_start3A_106 = tpu.memref_slice %arg9[%dma_start3A_105] : memref<320xi32, #tpu.memory_space<vmem>> -> memref<80xi32, #tpu.memory_space<vmem>>
      %dma_start3A_107 = tpu.memref_slice %arg3[%mul3A_16] : memref<10000xi32, #tpu.memory_space<hbm>> -> memref<80xi32, #tpu.memory_space<hbm>>
      tpu.enqueue_dma source(%dma_start3A_107 : memref<80xi32, #tpu.memory_space<hbm>>) target(%dma_start3A_106 : memref<80xi32, #tpu.memory_space<vmem>>) target_semaphore(%run_scoped3A_101 : memref<!tpu.dma_semaphore, #tpu.memory_space<semaphore_mem>>)
      %dma_wait3A_108 = arith.constant 80 : i32
      %dma_wait3A_109 = tpu.memref_slice %arg9[%dma_wait3A_108] : memref<320xi32, #tpu.memory_space<vmem>> -> memref<80xi32, #tpu.memory_space<vmem>>
      %dma_wait3A_110 = tpu.memref_slice %arg3[%mul3A_16] : memref<10000xi32, #tpu.memory_space<hbm>> -> memref<80xi32, #tpu.memory_space<hbm>>
      %dma_wait3A_111 = arith.constant 80 : i32
      %dma_wait3A_112 = tpu.memref_slice %arg9[%dma_wait3A_111] : memref<320xi32, #tpu.memory_space<vmem>> -> memref<80xi32, #tpu.memory_space<vmem>>
      %dma_wait3A_113 = tpu.memref_slice %arg3[%mul3A_16] : memref<10000xi32, #tpu.memory_space<hbm>> -> memref<80xi32, #tpu.memory_space<hbm>>
      tpu.wait_dma2 semaphore(%run_scoped3A_101 : memref<!tpu.dma_semaphore, #tpu.memory_space<semaphore_mem>>) src(%dma_wait3A_113 : memref<80xi32, #tpu.memory_space<hbm>>) dst(%dma_wait3A_112 : memref<80xi32, #tpu.memory_space<vmem>>)
      tpu.yield
    }) : () -> ()
    %mul3A_17 = arith.constant 80 : i32
    %mul3A_18 = arith.muli %add3A_12, %mul3A_17 : i32
    "tpu.region"() ({
      %run_scoped3A_101 = tpu.sem_alloc : memref<!tpu.dma_semaphore, #tpu.memory_space<semaphore_mem>>
      %dma_start3A_102 = arith.constant 160 : i32
      %dma_start3A_103 = tpu.memref_slice %arg9[%dma_start3A_102] : memref<320xi32, #tpu.memory_space<vmem>> -> memref<80xi32, #tpu.memory_space<vmem>>
      %dma_start3A_104 = tpu.memref_slice %arg3[%mul3A_18] : memref<10000xi32, #tpu.memory_space<hbm>> -> memref<80xi32, #tpu.memory_space<hbm>>
      %dma_start3A_105 = arith.constant 160 : i32
      %dma_start3A_106 = tpu.memref_slice %arg9[%dma_start3A_105] : memref<320xi32, #tpu.memory_space<vmem>> -> memref<80xi32, #tpu.memory_space<vmem>>
      %dma_start3A_107 = tpu.memref_slice %arg3[%mul3A_18] : memref<10000xi32, #tpu.memory_space<hbm>> -> memref<80xi32, #tpu.memory_space<hbm>>
      tpu.enqueue_dma source(%dma_start3A_107 : memref<80xi32, #tpu.memory_space<hbm>>) target(%dma_start3A_106 : memref<80xi32, #tpu.memory_space<vmem>>) target_semaphore(%run_scoped3A_101 : memref<!tpu.dma_semaphore, #tpu.memory_space<semaphore_mem>>)
      %dma_wait3A_108 = arith.constant 160 : i32
      %dma_wait3A_109 = tpu.memref_slice %arg9[%dma_wait3A_108] : memref<320xi32, #tpu.memory_space<vmem>> -> memref<80xi32, #tpu.memory_space<vmem>>
      %dma_wait3A_110 = tpu.memref_slice %arg3[%mul3A_18] : memref<10000xi32, #tpu.memory_space<hbm>> -> memref<80xi32, #tpu.memory_space<hbm>>
      %dma_wait3A_111 = arith.constant 160 : i32
      %dma_wait3A_112 = tpu.memref_slice %arg9[%dma_wait3A_111] : memref<320xi32, #tpu.memory_space<vmem>> -> memref<80xi32, #tpu.memory_space<vmem>>
      %dma_wait3A_113 = tpu.memref_slice %arg3[%mul3A_18] : memref<10000xi32, #tpu.memory_space<hbm>> -> memref<80xi32, #tpu.memory_space<hbm>>
      tpu.wait_dma2 semaphore(%run_scoped3A_101 : memref<!tpu.dma_semaphore, #tpu.memory_space<semaphore_mem>>) src(%dma_wait3A_113 : memref<80xi32, #tpu.memory_space<hbm>>) dst(%dma_wait3A_112 : memref<80xi32, #tpu.memory_space<vmem>>)
      tpu.yield
    }) : () -> ()
    %add3A_19 = arith.constant 96 : i32
    %add3A_20 = arith.addi %add3A, %add3A_19 : i32
    %lt3A = arith.constant 29 : i32
    %lt3A_21 = arith.cmpi slt, %add3A, %lt3A : i32
    %convert_element_type3A = arith.extui %lt3A_21 : i1 to i32
    %cond3A = arith.constant 0 : i32
    %cond3A_22 = arith.cmpi ne, %convert_element_type3A, %cond3A : i32
    scf.if %cond3A_22 {
      %mul3A_101 = arith.constant 80 : i32
      %mul3A_102 = arith.muli %add3A_20, %mul3A_101 : i32
      "tpu.region"() ({
        %run_scoped3A_103 = tpu.sem_alloc : memref<!tpu.dma_semaphore, #tpu.memory_space<semaphore_mem>>
        %dma_start3A_104 = arith.constant 240 : i32
        %dma_start3A_105 = tpu.memref_slice %arg9[%dma_start3A_104] : memref<320xi32, #tpu.memory_space<vmem>> -> memref<80xi32, #tpu.memory_space<vmem>>
        %dma_start3A_106 = tpu.memref_slice %arg3[%mul3A_102] : memref<10000xi32, #tpu.memory_space<hbm>> -> memref<80xi32, #tpu.memory_space<hbm>>
        %dma_start3A_107 = arith.constant 240 : i32
        %dma_start3A_108 = tpu.memref_slice %arg9[%dma_start3A_107] : memref<320xi32, #tpu.memory_space<vmem>> -> memref<80xi32, #tpu.memory_space<vmem>>
        %dma_start3A_109 = tpu.memref_slice %arg3[%mul3A_102] : memref<10000xi32, #tpu.memory_space<hbm>> -> memref<80xi32, #tpu.memory_space<hbm>>
        tpu.enqueue_dma source(%dma_start3A_109 : memref<80xi32, #tpu.memory_space<hbm>>) target(%dma_start3A_108 : memref<80xi32, #tpu.memory_space<vmem>>) target_semaphore(%run_scoped3A_103 : memref<!tpu.dma_semaphore, #tpu.memory_space<semaphore_mem>>)
        %dma_wait3A_110 = arith.constant 240 : i32
        %dma_wait3A_111 = tpu.memref_slice %arg9[%dma_wait3A_110] : memref<320xi32, #tpu.memory_space<vmem>> -> memref<80xi32, #tpu.memory_space<vmem>>
        %dma_wait3A_112 = tpu.memref_slice %arg3[%mul3A_102] : memref<10000xi32, #tpu.memory_space<hbm>> -> memref<80xi32, #tpu.memory_space<hbm>>
        %dma_wait3A_113 = arith.constant 240 : i32
        %dma_wait3A_114 = tpu.memref_slice %arg9[%dma_wait3A_113] : memref<320xi32, #tpu.memory_space<vmem>> -> memref<80xi32, #tpu.memory_space<vmem>>
        %dma_wait3A_115 = tpu.memref_slice %arg3[%mul3A_102] : memref<10000xi32, #tpu.memory_space<hbm>> -> memref<80xi32, #tpu.memory_space<hbm>>
        tpu.wait_dma2 semaphore(%run_scoped3A_103 : memref<!tpu.dma_semaphore, #tpu.memory_space<semaphore_mem>>) src(%dma_wait3A_115 : memref<80xi32, #tpu.memory_space<hbm>>) dst(%dma_wait3A_114 : memref<80xi32, #tpu.memory_space<vmem>>)
        tpu.yield
      }) : () -> ()
    } else {
    }
    %dma_start3A_23 = arith.constant 0 : i32
    %dma_start3A_24 = tpu.memref_slice %arg9[%dma_start3A_23] : memref<320xi32, #tpu.memory_space<vmem>> -> memref<80xi32, #tpu.memory_space<vmem>>
    %dma_start3A_25 = arith.constant 0 : i32
    %dma_start3A_26 = arith.constant 0 : i32
    %dma_start3A_27 = tpu.memref_slice %arg4[%dma_start3A_25, %dma_start3A_26] : memref<100000x128xf32, #tpu.memory_space<hbm>> -> memref<100000x128xf32, #tpu.memory_space<hbm>>
    tpu.enqueue_indirect_dma source(%dma_start3A_27 : memref<100000x128xf32, #tpu.memory_space<hbm>>) target(%arg10 : memref<80x128xf32, #tpu.memory_space<vmem>>) offsets(%dma_start3A_24 : memref<80xi32, #tpu.memory_space<vmem>>) semaphore(%arg13 : memref<!tpu.dma_semaphore, #tpu.memory_space<semaphore_mem>>)
    %dma_start3A_28 = arith.constant 80 : i32
    %dma_start3A_29 = tpu.memref_slice %arg9[%dma_start3A_28] : memref<320xi32, #tpu.memory_space<vmem>> -> memref<80xi32, #tpu.memory_space<vmem>>
    %dma_start3A_30 = arith.constant 0 : i32
    %dma_start3A_31 = arith.constant 0 : i32
    %dma_start3A_32 = tpu.memref_slice %arg4[%dma_start3A_30, %dma_start3A_31] : memref<100000x128xf32, #tpu.memory_space<hbm>> -> memref<100000x128xf32, #tpu.memory_space<hbm>>
    tpu.enqueue_indirect_dma source(%dma_start3A_32 : memref<100000x128xf32, #tpu.memory_space<hbm>>) target(%arg11 : memref<80x128xf32, #tpu.memory_space<vmem>>) offsets(%dma_start3A_29 : memref<80xi32, #tpu.memory_space<vmem>>) semaphore(%arg13 : memref<!tpu.dma_semaphore, #tpu.memory_space<semaphore_mem>>)
    %broadcast_in_dim3A = arith.constant 0.000000e+00 : f32
    %broadcast_in_dim3A_33 = vector.broadcast %broadcast_in_dim3A : f32 to vector<16xf32>
    %broadcast_in_dim3A_34 = arith.constant 1.000000e+00 : f32
    %broadcast_in_dim3A_35 = vector.broadcast %broadcast_in_dim3A_34 : f32 to vector<16xf32>
    %iota3A = tpu.iota {dimensions = array<i32: 0>} : vector<16xi32>
    %dma_wait3A = tpu.memref_slice %arg2[%mul3A_5] : memref<320000xi32, #tpu.memory_space<hbm>> -> memref<10000xi32, #tpu.memory_space<hbm>>
    %dma_wait3A_36 = tpu.memref_slice %arg2[%mul3A_5] : memref<320000xi32, #tpu.memory_space<hbm>> -> memref<10000xi32, #tpu.memory_space<hbm>>
    tpu.wait_dma2 semaphore(%arg12 : memref<!tpu.dma_semaphore, #tpu.memory_space<semaphore_mem>>) src(%dma_wait3A_36 : memref<10000xi32, #tpu.memory_space<hbm>>) dst(%arg7 : memref<10000xi32, #tpu.memory_space<vmem>>)
    %scan3A = arith.constant 0 : i32
    %scan3A_37 = arith.constant 0 : i32
    %scan3A_38 = arith.constant 312 : i32
    %scan3A_39 = arith.addi %scan3A_37, %scan3A_38 : i32
    %scan3A_40 = arith.constant 1 : i32
    %scan3A_41 = scf.for %scan3A_101 = %scan3A_37 to %scan3A_39 step %scan3A_40 iter_args(%scan3A_102 = %scan3A) -> (i32)  : i32 {
      %mul3A_103 = arith.constant 16 : i32
      %mul3A_104 = arith.muli %scan3A_101, %mul3A_103 : i32
      %swap3A = arith.constant 0 : i32
      %swap3A_105 = arith.index_cast %swap3A : i32 to index
      %swap3A_106 = arith.index_cast %mul3A_104 : i32 to index
      %swap3A_107 = tpu.vector_load %arg8[%swap3A_105, %swap3A_106] {strides = array<i32>} : memref<16x5000xf32, #tpu.memory_space<vmem>>, vector<16xf32>,
      tpu.vector_store %arg8[%swap3A_105, %swap3A_106], %broadcast_in_dim3A_33 {strides = array<i32>} : memref<16x5000xf32, #tpu.memory_space<vmem>>, vector<16xf32>,
      %mul3A_108 = arith.constant 16 : i32
      %mul3A_109 = arith.muli %scan3A_101, %mul3A_108 : i32
      %swap3A_110 = arith.constant 1 : i32
      %swap3A_111 = arith.index_cast %swap3A_110 : i32 to index
      %swap3A_112 = arith.index_cast %mul3A_109 : i32 to index
      %swap3A_113 = tpu.vector_load %arg8[%swap3A_111, %swap3A_112] {strides = array<i32>} : memref<16x5000xf32, #tpu.memory_space<vmem>>, vector<16xf32>,
      tpu.vector_store %arg8[%swap3A_111, %swap3A_112], %broadcast_in_dim3A_33 {strides = array<i32>} : memref<16x5000xf32, #tpu.memory_space<vmem>>, vector<16xf32>,
      %mul3A_114 = arith.constant 16 : i32
      %mul3A_115 = arith.muli %scan3A_101, %mul3A_114 : i32
      %swap3A_116 = arith.constant 2 : i32
      %swap3A_117 = arith.index_cast %swap3A_116 : i32 to index
      %swap3A_118 = arith.index_cast %mul3A_115 : i32 to index
      %swap3A_119 = tpu.vector_load %arg8[%swap3A_117, %swap3A_118] {strides = array<i32>} : memref<16x5000xf32, #tpu.memory_space<vmem>>, vector<16xf32>,
      tpu.vector_store %arg8[%swap3A_117, %swap3A_118], %broadcast_in_dim3A_33 {strides = array<i32>} : memref<16x5000xf32, #tpu.memory_space<vmem>>, vector<16xf32>,
      %mul3A_120 = arith.constant 16 : i32
      %mul3A_121 = arith.muli %scan3A_101, %mul3A_120 : i32
      %swap3A_122 = arith.constant 3 : i32
      %swap3A_123 = arith.index_cast %swap3A_122 : i32 to index
      %swap3A_124 = arith.index_cast %mul3A_121 : i32 to index
      %swap3A_125 = tpu.vector_load %arg8[%swap3A_123, %swap3A_124] {strides = array<i32>} : memref<16x5000xf32, #tpu.memory_space<vmem>>, vector<16xf32>,
      tpu.vector_store %arg8[%swap3A_123, %swap3A_124], %broadcast_in_dim3A_33 {strides = array<i32>} : memref<16x5000xf32, #tpu.memory_space<vmem>>, vector<16xf32>,
      %mul3A_126 = arith.constant 16 : i32
      %mul3A_127 = arith.muli %scan3A_101, %mul3A_126 : i32
      %swap3A_128 = arith.constant 4 : i32
      %swap3A_129 = arith.index_cast %swap3A_128 : i32 to index
      %swap3A_130 = arith.index_cast %mul3A_127 : i32 to index
      %swap3A_131 = tpu.vector_load %arg8[%swap3A_129, %swap3A_130] {strides = array<i32>} : memref<16x5000xf32, #tpu.memory_space<vmem>>, vector<16xf32>,
      tpu.vector_store %arg8[%swap3A_129, %swap3A_130], %broadcast_in_dim3A_33 {strides = array<i32>} : memref<16x5000xf32, #tpu.memory_space<vmem>>, vector<16xf32>,
      %mul3A_132 = arith.constant 16 : i32
      %mul3A_133 = arith.muli %scan3A_101, %mul3A_132 : i32
      %swap3A_134 = arith.constant 5 : i32
      %swap3A_135 = arith.index_cast %swap3A_134 : i32 to index
      %swap3A_136 = arith.index_cast %mul3A_133 : i32 to index
      %swap3A_137 = tpu.vector_load %arg8[%swap3A_135, %swap3A_136] {strides = array<i32>} : memref<16x5000xf32, #tpu.memory_space<vmem>>, vector<16xf32>,
      tpu.vector_store %arg8[%swap3A_135, %swap3A_136], %broadcast_in_dim3A_33 {strides = array<i32>} : memref<16x5000xf32, #tpu.memory_space<vmem>>, vector<16xf32>,
      %mul3A_138 = arith.constant 16 : i32
      %mul3A_139 = arith.muli %scan3A_101, %mul3A_138 : i32
      %swap3A_140 = arith.constant 6 : i32
      %swap3A_141 = arith.index_cast %swap3A_140 : i32 to index
      %swap3A_142 = arith.index_cast %mul3A_139 : i32 to index
      %swap3A_143 = tpu.vector_load %arg8[%swap3A_141, %swap3A_142] {strides = array<i32>} : memref<16x5000xf32, #tpu.memory_space<vmem>>, vector<16xf32>,
      tpu.vector_store %arg8[%swap3A_141, %swap3A_142], %broadcast_in_dim3A_33 {strides = array<i32>} : memref<16x5000xf32, #tpu.memory_space<vmem>>, vector<16xf32>,
      %mul3A_144 = arith.constant 16 : i32
      %mul3A_145 = arith.muli %scan3A_101, %mul3A_144 : i32
      %swap3A_146 = arith.constant 7 : i32
      %swap3A_147 = arith.index_cast %swap3A_146 : i32 to index
      %swap3A_148 = arith.index_cast %mul3A_145 : i32 to index
      %swap3A_149 = tpu.vector_load %arg8[%swap3A_147, %swap3A_148] {strides = array<i32>} : memref<16x5000xf32, #tpu.memory_space<vmem>>, vector<16xf32>,
      tpu.vector_store %arg8[%swap3A_147, %swap3A_148], %broadcast_in_dim3A_33 {strides = array<i32>} : memref<16x5000xf32, #tpu.memory_space<vmem>>, vector<16xf32>,
      %mul3A_150 = arith.constant 16 : i32
      %mul3A_151 = arith.muli %scan3A_101, %mul3A_150 : i32
      %swap3A_152 = arith.constant 8 : i32
      %swap3A_153 = arith.index_cast %swap3A_152 : i32 to index
      %swap3A_154 = arith.index_cast %mul3A_151 : i32 to index
      %swap3A_155 = tpu.vector_load %arg8[%swap3A_153, %swap3A_154] {strides = array<i32>} : memref<16x5000xf32, #tpu.memory_space<vmem>>, vector<16xf32>,
      tpu.vector_store %arg8[%swap3A_153, %swap3A_154], %broadcast_in_dim3A_33 {strides = array<i32>} : memref<16x5000xf32, #tpu.memory_space<vmem>>, vector<16xf32>,
      %mul3A_156 = arith.constant 16 : i32
      %mul3A_157 = arith.muli %scan3A_101, %mul3A_156 : i32
      %swap3A_158 = arith.constant 9 : i32
      %swap3A_159 = arith.index_cast %swap3A_158 : i32 to index
      %swap3A_160 = arith.index_cast %mul3A_157 : i32 to index
      %swap3A_161 = tpu.vector_load %arg8[%swap3A_159, %swap3A_160] {strides = array<i32>} : memref<16x5000xf32, #tpu.memory_space<vmem>>, vector<16xf32>,
      tpu.vector_store %arg8[%swap3A_159, %swap3A_160], %broadcast_in_dim3A_33 {strides = array<i32>} : memref<16x5000xf32, #tpu.memory_space<vmem>>, vector<16xf32>,
      %mul3A_162 = arith.constant 16 : i32
      %mul3A_163 = arith.muli %scan3A_101, %mul3A_162 : i32
      %swap3A_164 = arith.constant 10 : i32
      %swap3A_165 = arith.index_cast %swap3A_164 : i32 to index
      %swap3A_166 = arith.index_cast %mul3A_163 : i32 to index
      %swap3A_167 = tpu.vector_load %arg8[%swap3A_165, %swap3A_166] {strides = array<i32>} : memref<16x5000xf32, #tpu.memory_space<vmem>>, vector<16xf32>,
      tpu.vector_store %arg8[%swap3A_165, %swap3A_166], %broadcast_in_dim3A_33 {strides = array<i32>} : memref<16x5000xf32, #tpu.memory_space<vmem>>, vector<16xf32>,
      %mul3A_168 = arith.constant 16 : i32
      %mul3A_169 = arith.muli %scan3A_101, %mul3A_168 : i32
      %swap3A_170 = arith.constant 11 : i32
      %swap3A_171 = arith.index_cast %swap3A_170 : i32 to index
      %swap3A_172 = arith.index_cast %mul3A_169 : i32 to index
      %swap3A_173 = tpu.vector_load %arg8[%swap3A_171, %swap3A_172] {strides = array<i32>} : memref<16x5000xf32, #tpu.memory_space<vmem>>, vector<16xf32>,
      tpu.vector_store %arg8[%swap3A_171, %swap3A_172], %broadcast_in_dim3A_33 {strides = array<i32>} : memref<16x5000xf32, #tpu.memory_space<vmem>>, vector<16xf32>,
      %mul3A_174 = arith.constant 16 : i32
      %mul3A_175 = arith.muli %scan3A_101, %mul3A_174 : i32
      %swap3A_176 = arith.constant 12 : i32
      %swap3A_177 = arith.index_cast %swap3A_176 : i32 to index
      %swap3A_178 = arith.index_cast %mul3A_175 : i32 to index
      %swap3A_179 = tpu.vector_load %arg8[%swap3A_177, %swap3A_178] {strides = array<i32>} : memref<16x5000xf32, #tpu.memory_space<vmem>>, vector<16xf32>,
      tpu.vector_store %arg8[%swap3A_177, %swap3A_178], %broadcast_in_dim3A_33 {strides = array<i32>} : memref<16x5000xf32, #tpu.memory_space<vmem>>, vector<16xf32>,
      %mul3A_180 = arith.constant 16 : i32
      %mul3A_181 = arith.muli %scan3A_101, %mul3A_180 : i32
      %swap3A_182 = arith.constant 13 : i32
      %swap3A_183 = arith.index_cast %swap3A_182 : i32 to index
      %swap3A_184 = arith.index_cast %mul3A_181 : i32 to index
      %swap3A_185 = tpu.vector_load %arg8[%swap3A_183, %swap3A_184] {strides = array<i32>} : memref<16x5000xf32, #tpu.memory_space<vmem>>, vector<16xf32>,
      tpu.vector_store %arg8[%swap3A_183, %swap3A_184], %broadcast_in_dim3A_33 {strides = array<i32>} : memref<16x5000xf32, #tpu.memory_space<vmem>>, vector<16xf32>,
      %mul3A_186 = arith.constant 16 : i32
      %mul3A_187 = arith.muli %scan3A_101, %mul3A_186 : i32
      %swap3A_188 = arith.constant 14 : i32
      %swap3A_189 = arith.index_cast %swap3A_188 : i32 to index
      %swap3A_190 = arith.index_cast %mul3A_187 : i32 to index
      %swap3A_191 = tpu.vector_load %arg8[%swap3A_189, %swap3A_190] {strides = array<i32>} : memref<16x5000xf32, #tpu.memory_space<vmem>>, vector<16xf32>,
      tpu.vector_store %arg8[%swap3A_189, %swap3A_190], %broadcast_in_dim3A_33 {strides = array<i32>} : memref<16x5000xf32, #tpu.memory_space<vmem>>, vector<16xf32>,
      %mul3A_192 = arith.constant 16 : i32
      %mul3A_193 = arith.muli %scan3A_101, %mul3A_192 : i32
      %swap3A_194 = arith.constant 15 : i32
      %swap3A_195 = arith.index_cast %swap3A_194 : i32 to index
      %swap3A_196 = arith.index_cast %mul3A_193 : i32 to index
      %swap3A_197 = tpu.vector_load %arg8[%swap3A_195, %swap3A_196] {strides = array<i32>} : memref<16x5000xf32, #tpu.memory_space<vmem>>, vector<16xf32>,
      tpu.vector_store %arg8[%swap3A_195, %swap3A_196], %broadcast_in_dim3A_33 {strides = array<i32>} : memref<16x5000xf32, #tpu.memory_space<vmem>>, vector<16xf32>,
      %scan3A_198 = arith.constant 0 : i32
      scf.yield %scan3A_198 : i32
    }
    %scan3A_42 = arith.constant 312 : i32
    %scan3A_43 = arith.constant 0 : i32
    %scan3A_44 = arith.constant 0 : i32
    %scan3A_45 = arith.constant 625 : i32
    %scan3A_46 = arith.addi %scan3A_44, %scan3A_45 : i32
    %scan3A_47 = arith.constant 1 : i32
    %scan3A_48 = scf.for %scan3A_101 = %scan3A_44 to %scan3A_46 step %scan3A_47 iter_args(%scan3A_102 = %scan3A_43) -> (i32)  : i32 {
      %mul3A_103 = arith.constant 16 : i32
      %mul3A_104 = arith.muli %scan3A_101, %mul3A_103 : i32
      %get3A = arith.index_cast %mul3A_104 : i32 to index
      %get3A_105 = tpu.vector_load %arg7[%get3A] {strides = array<i32>} : memref<10000xi32, #tpu.memory_space<vmem>>, vector<16xi32>,
      %sub3A = arith.constant 0 : i32
      %sub3A_106 = vector.broadcast %sub3A : i32 to vector<16xi32>
      %sub3A_107 = arith.subi %get3A_105, %sub3A_106 : vector<16xi32>
      %ge3A = arith.constant 0 : i32
      %ge3A_108 = vector.broadcast %ge3A : i32 to vector<16xi32>
      %ge3A_109 = arith.cmpi sge, %sub3A_107, %ge3A_108 : vector<16xi32>
      %lt3A_110 = arith.constant 5000 : i32
      %lt3A_111 = vector.broadcast %lt3A_110 : i32 to vector<16xi32>
      %lt3A_112 = arith.cmpi slt, %sub3A_107, %lt3A_111 : vector<16xi32>
      %and3A = arith.andi %ge3A_109, %lt3A_112 : vector<16xi1>
      %jit3A = arith.constant 0 : i32
      %jit3A_113 = arith.constant 4999 : i32
      %max3A = vector.broadcast %jit3A : i32 to vector<16xi32>
      %max3A_114 = arith.maxsi %max3A, %sub3A_107 : vector<16xi32>
      %min3A = vector.broadcast %jit3A_113 : i32 to vector<16xi32>
      %min3A_115 = arith.minsi %min3A, %max3A_114 : vector<16xi32>
      %gather3A = tpu.vector_load_idx %arg8[%iota3A, %min3A_115] masked %and3A : memref<16x5000xf32, #tpu.memory_space<vmem>>[vector<16xi32>, vector<16xi32>], vector<16xf32>, vector<16xi1>
      %add3A_116 = arith.addf %gather3A, %broadcast_in_dim3A_35 : vector<16xf32>
      tpu.vector_store_idx %arg8[%iota3A, %min3A_115], %add3A_116 masked %and3A : memref<16x5000xf32, #tpu.memory_space<vmem>>[vector<16xi32>, vector<16xi32>], vector<16xf32>, vector<16xi1>
      %scan3A_117 = arith.constant 0 : i32
      scf.yield %scan3A_117 : i32
    }
    %scan3A_49 = arith.constant 625 : i32
    %run_scoped3A = arith.constant 0 : i32
    "tpu.region"() ({
      %run_scoped3A_101 = tpu.sem_alloc : memref<!tpu.dma_semaphore, #tpu.memory_space<semaphore_mem>>
      %dma_start3A_102 = arith.constant 0 : i32
      %dma_start3A_103 = arith.constant 0 : i32
      %dma_start3A_104 = tpu.memref_slice %arg5[%run_scoped3A, %arg0, %arg1, %dma_start3A_102, %dma_start3A_103] : memref<2x2x16x16x5000xf32, #tpu.memory_space<hbm>> -> memref<1x1x1x16x5000xf32, #tpu.memory_space<hbm>>
      %dma_start3A_105 = tpu.memref_squeeze %dma_start3A_104 : memref<1x1x1x16x5000xf32, #tpu.memory_space<hbm>> -> memref<16x5000xf32, #tpu.memory_space<hbm>>
      %dma_start3A_106 = arith.constant 0 : i32
      %dma_start3A_107 = arith.constant 0 : i32
      %dma_start3A_108 = tpu.memref_slice %arg5[%run_scoped3A, %arg0, %arg1, %dma_start3A_106, %dma_start3A_107] : memref<2x2x16x16x5000xf32, #tpu.memory_space<hbm>> -> memref<1x1x1x16x5000xf32, #tpu.memory_space<hbm>>
      %dma_start3A_109 = tpu.memref_squeeze %dma_start3A_108 : memref<1x1x1x16x5000xf32, #tpu.memory_space<hbm>> -> memref<16x5000xf32, #tpu.memory_space<hbm>>
      tpu.enqueue_dma source(%arg8 : memref<16x5000xf32, #tpu.memory_space<vmem>>) target(%dma_start3A_109 : memref<16x5000xf32, #tpu.memory_space<hbm>>) target_semaphore(%run_scoped3A_101 : memref<!tpu.dma_semaphore, #tpu.memory_space<semaphore_mem>>)
      %dma_wait3A_110 = arith.constant 0 : i32
      %dma_wait3A_111 = arith.constant 0 : i32
      %dma_wait3A_112 = tpu.memref_slice %arg5[%run_scoped3A, %arg0, %arg1, %dma_wait3A_110, %dma_wait3A_111] : memref<2x2x16x16x5000xf32, #tpu.memory_space<hbm>> -> memref<1x1x1x16x5000xf32, #tpu.memory_space<hbm>>
      %dma_wait3A_113 = tpu.memref_squeeze %dma_wait3A_112 : memref<1x1x1x16x5000xf32, #tpu.memory_space<hbm>> -> memref<16x5000xf32, #tpu.memory_space<hbm>>
      %dma_wait3A_114 = arith.constant 0 : i32
      %dma_wait3A_115 = arith.constant 0 : i32
      %dma_wait3A_116 = tpu.memref_slice %arg5[%run_scoped3A, %arg0, %arg1, %dma_wait3A_114, %dma_wait3A_115] : memref<2x2x16x16x5000xf32, #tpu.memory_space<hbm>> -> memref<1x1x1x16x5000xf32, #tpu.memory_space<hbm>>
      %dma_wait3A_117 = tpu.memref_squeeze %dma_wait3A_116 : memref<1x1x1x16x5000xf32, #tpu.memory_space<hbm>> -> memref<16x5000xf32, #tpu.memory_space<hbm>>
      tpu.wait_dma2 semaphore(%run_scoped3A_101 : memref<!tpu.dma_semaphore, #tpu.memory_space<semaphore_mem>>) src(%arg8 : memref<16x5000xf32, #tpu.memory_space<vmem>>) dst(%dma_wait3A_117 : memref<16x5000xf32, #tpu.memory_space<hbm>>)
      tpu.yield
    }) : () -> ()
    %scan3A_50 = arith.constant 0 : i32
    %scan3A_51 = arith.constant 0 : i32
    %scan3A_52 = arith.constant 312 : i32
    %scan3A_53 = arith.addi %scan3A_51, %scan3A_52 : i32
    %scan3A_54 = arith.constant 1 : i32
    %scan3A_55 = scf.for %scan3A_101 = %scan3A_51 to %scan3A_53 step %scan3A_54 iter_args(%scan3A_102 = %scan3A_50) -> (i32)  : i32 {
      %mul3A_103 = arith.constant 16 : i32
      %mul3A_104 = arith.muli %scan3A_101, %mul3A_103 : i32
      %swap3A = arith.constant 0 : i32
      %swap3A_105 = arith.index_cast %swap3A : i32 to index
      %swap3A_106 = arith.index_cast %mul3A_104 : i32 to index
      %swap3A_107 = tpu.vector_load %arg8[%swap3A_105, %swap3A_106] {strides = array<i32>} : memref<16x5000xf32, #tpu.memory_space<vmem>>, vector<16xf32>,
      tpu.vector_store %arg8[%swap3A_105, %swap3A_106], %broadcast_in_dim3A_33 {strides = array<i32>} : memref<16x5000xf32, #tpu.memory_space<vmem>>, vector<16xf32>,
      %mul3A_108 = arith.constant 16 : i32
      %mul3A_109 = arith.muli %scan3A_101, %mul3A_108 : i32
      %swap3A_110 = arith.constant 1 : i32
      %swap3A_111 = arith.index_cast %swap3A_110 : i32 to index
      %swap3A_112 = arith.index_cast %mul3A_109 : i32 to index
      %swap3A_113 = tpu.vector_load %arg8[%swap3A_111, %swap3A_112] {strides = array<i32>} : memref<16x5000xf32, #tpu.memory_space<vmem>>, vector<16xf32>,
      tpu.vector_store %arg8[%swap3A_111, %swap3A_112], %broadcast_in_dim3A_33 {strides = array<i32>} : memref<16x5000xf32, #tpu.memory_space<vmem>>, vector<16xf32>,
      %mul3A_114 = arith.constant 16 : i32
      %mul3A_115 = arith.muli %scan3A_101, %mul3A_114 : i32
      %swap3A_116 = arith.constant 2 : i32
      %swap3A_117 = arith.index_cast %swap3A_116 : i32 to index
      %swap3A_118 = arith.index_cast %mul3A_115 : i32 to index
      %swap3A_119 = tpu.vector_load %arg8[%swap3A_117, %swap3A_118] {strides = array<i32>} : memref<16x5000xf32, #tpu.memory_space<vmem>>, vector<16xf32>,
      tpu.vector_store %arg8[%swap3A_117, %swap3A_118], %broadcast_in_dim3A_33 {strides = array<i32>} : memref<16x5000xf32, #tpu.memory_space<vmem>>, vector<16xf32>,
      %mul3A_120 = arith.constant 16 : i32
      %mul3A_121 = arith.muli %scan3A_101, %mul3A_120 : i32
      %swap3A_122 = arith.constant 3 : i32
      %swap3A_123 = arith.index_cast %swap3A_122 : i32 to index
      %swap3A_124 = arith.index_cast %mul3A_121 : i32 to index
      %swap3A_125 = tpu.vector_load %arg8[%swap3A_123, %swap3A_124] {strides = array<i32>} : memref<16x5000xf32, #tpu.memory_space<vmem>>, vector<16xf32>,
      tpu.vector_store %arg8[%swap3A_123, %swap3A_124], %broadcast_in_dim3A_33 {strides = array<i32>} : memref<16x5000xf32, #tpu.memory_space<vmem>>, vector<16xf32>,
      %mul3A_126 = arith.constant 16 : i32
      %mul3A_127 = arith.muli %scan3A_101, %mul3A_126 : i32
      %swap3A_128 = arith.constant 4 : i32
      %swap3A_129 = arith.index_cast %swap3A_128 : i32 to index
      %swap3A_130 = arith.index_cast %mul3A_127 : i32 to index
      %swap3A_131 = tpu.vector_load %arg8[%swap3A_129, %swap3A_130] {strides = array<i32>} : memref<16x5000xf32, #tpu.memory_space<vmem>>, vector<16xf32>,
      tpu.vector_store %arg8[%swap3A_129, %swap3A_130], %broadcast_in_dim3A_33 {strides = array<i32>} : memref<16x5000xf32, #tpu.memory_space<vmem>>, vector<16xf32>,
      %mul3A_132 = arith.constant 16 : i32
      %mul3A_133 = arith.muli %scan3A_101, %mul3A_132 : i32
      %swap3A_134 = arith.constant 5 : i32
      %swap3A_135 = arith.index_cast %swap3A_134 : i32 to index
      %swap3A_136 = arith.index_cast %mul3A_133 : i32 to index
      %swap3A_137 = tpu.vector_load %arg8[%swap3A_135, %swap3A_136] {strides = array<i32>} : memref<16x5000xf32, #tpu.memory_space<vmem>>, vector<16xf32>,
      tpu.vector_store %arg8[%swap3A_135, %swap3A_136], %broadcast_in_dim3A_33 {strides = array<i32>} : memref<16x5000xf32, #tpu.memory_space<vmem>>, vector<16xf32>,
      %mul3A_138 = arith.constant 16 : i32
      %mul3A_139 = arith.muli %scan3A_101, %mul3A_138 : i32
      %swap3A_140 = arith.constant 6 : i32
      %swap3A_141 = arith.index_cast %swap3A_140 : i32 to index
      %swap3A_142 = arith.index_cast %mul3A_139 : i32 to index
      %swap3A_143 = tpu.vector_load %arg8[%swap3A_141, %swap3A_142] {strides = array<i32>} : memref<16x5000xf32, #tpu.memory_space<vmem>>, vector<16xf32>,
      tpu.vector_store %arg8[%swap3A_141, %swap3A_142], %broadcast_in_dim3A_33 {strides = array<i32>} : memref<16x5000xf32, #tpu.memory_space<vmem>>, vector<16xf32>,
      %mul3A_144 = arith.constant 16 : i32
      %mul3A_145 = arith.muli %scan3A_101, %mul3A_144 : i32
      %swap3A_146 = arith.constant 7 : i32
      %swap3A_147 = arith.index_cast %swap3A_146 : i32 to index
      %swap3A_148 = arith.index_cast %mul3A_145 : i32 to index
      %swap3A_149 = tpu.vector_load %arg8[%swap3A_147, %swap3A_148] {strides = array<i32>} : memref<16x5000xf32, #tpu.memory_space<vmem>>, vector<16xf32>,
      tpu.vector_store %arg8[%swap3A_147, %swap3A_148], %broadcast_in_dim3A_33 {strides = array<i32>} : memref<16x5000xf32, #tpu.memory_space<vmem>>, vector<16xf32>,
      %mul3A_150 = arith.constant 16 : i32
      %mul3A_151 = arith.muli %scan3A_101, %mul3A_150 : i32
      %swap3A_152 = arith.constant 8 : i32
      %swap3A_153 = arith.index_cast %swap3A_152 : i32 to index
      %swap3A_154 = arith.index_cast %mul3A_151 : i32 to index
      %swap3A_155 = tpu.vector_load %arg8[%swap3A_153, %swap3A_154] {strides = array<i32>} : memref<16x5000xf32, #tpu.memory_space<vmem>>, vector<16xf32>,
      tpu.vector_store %arg8[%swap3A_153, %swap3A_154], %broadcast_in_dim3A_33 {strides = array<i32>} : memref<16x5000xf32, #tpu.memory_space<vmem>>, vector<16xf32>,
      %mul3A_156 = arith.constant 16 : i32
      %mul3A_157 = arith.muli %scan3A_101, %mul3A_156 : i32
      %swap3A_158 = arith.constant 9 : i32
      %swap3A_159 = arith.index_cast %swap3A_158 : i32 to index
      %swap3A_160 = arith.index_cast %mul3A_157 : i32 to index
      %swap3A_161 = tpu.vector_load %arg8[%swap3A_159, %swap3A_160] {strides = array<i32>} : memref<16x5000xf32, #tpu.memory_space<vmem>>, vector<16xf32>,
      tpu.vector_store %arg8[%swap3A_159, %swap3A_160], %broadcast_in_dim3A_33 {strides = array<i32>} : memref<16x5000xf32, #tpu.memory_space<vmem>>, vector<16xf32>,
      %mul3A_162 = arith.constant 16 : i32
      %mul3A_163 = arith.muli %scan3A_101, %mul3A_162 : i32
      %swap3A_164 = arith.constant 10 : i32
      %swap3A_165 = arith.index_cast %swap3A_164 : i32 to index
      %swap3A_166 = arith.index_cast %mul3A_163 : i32 to index
      %swap3A_167 = tpu.vector_load %arg8[%swap3A_165, %swap3A_166] {strides = array<i32>} : memref<16x5000xf32, #tpu.memory_space<vmem>>, vector<16xf32>,
      tpu.vector_store %arg8[%swap3A_165, %swap3A_166], %broadcast_in_dim3A_33 {strides = array<i32>} : memref<16x5000xf32, #tpu.memory_space<vmem>>, vector<16xf32>,
      %mul3A_168 = arith.constant 16 : i32
      %mul3A_169 = arith.muli %scan3A_101, %mul3A_168 : i32
      %swap3A_170 = arith.constant 11 : i32
      %swap3A_171 = arith.index_cast %swap3A_170 : i32 to index
      %swap3A_172 = arith.index_cast %mul3A_169 : i32 to index
      %swap3A_173 = tpu.vector_load %arg8[%swap3A_171, %swap3A_172] {strides = array<i32>} : memref<16x5000xf32, #tpu.memory_space<vmem>>, vector<16xf32>,
      tpu.vector_store %arg8[%swap3A_171, %swap3A_172], %broadcast_in_dim3A_33 {strides = array<i32>} : memref<16x5000xf32, #tpu.memory_space<vmem>>, vector<16xf32>,
      %mul3A_174 = arith.constant 16 : i32
      %mul3A_175 = arith.muli %scan3A_101, %mul3A_174 : i32
      %swap3A_176 = arith.constant 12 : i32
      %swap3A_177 = arith.index_cast %swap3A_176 : i32 to index
      %swap3A_178 = arith.index_cast %mul3A_175 : i32 to index
      %swap3A_179 = tpu.vector_load %arg8[%swap3A_177, %swap3A_178] {strides = array<i32>} : memref<16x5000xf32, #tpu.memory_space<vmem>>, vector<16xf32>,
      tpu.vector_store %arg8[%swap3A_177, %swap3A_178], %broadcast_in_dim3A_33 {strides = array<i32>} : memref<16x5000xf32, #tpu.memory_space<vmem>>, vector<16xf32>,
      %mul3A_180 = arith.constant 16 : i32
      %mul3A_181 = arith.muli %scan3A_101, %mul3A_180 : i32
      %swap3A_182 = arith.constant 13 : i32
      %swap3A_183 = arith.index_cast %swap3A_182 : i32 to index
      %swap3A_184 = arith.index_cast %mul3A_181 : i32 to index
      %swap3A_185 = tpu.vector_load %arg8[%swap3A_183, %swap3A_184] {strides = array<i32>} : memref<16x5000xf32, #tpu.memory_space<vmem>>, vector<16xf32>,
      tpu.vector_store %arg8[%swap3A_183, %swap3A_184], %broadcast_in_dim3A_33 {strides = array<i32>} : memref<16x5000xf32, #tpu.memory_space<vmem>>, vector<16xf32>,
      %mul3A_186 = arith.constant 16 : i32
      %mul3A_187 = arith.muli %scan3A_101, %mul3A_186 : i32
      %swap3A_188 = arith.constant 14 : i32
      %swap3A_189 = arith.index_cast %swap3A_188 : i32 to index
      %swap3A_190 = arith.index_cast %mul3A_187 : i32 to index
      %swap3A_191 = tpu.vector_load %arg8[%swap3A_189, %swap3A_190] {strides = array<i32>} : memref<16x5000xf32, #tpu.memory_space<vmem>>, vector<16xf32>,
      tpu.vector_store %arg8[%swap3A_189, %swap3A_190], %broadcast_in_dim3A_33 {strides = array<i32>} : memref<16x5000xf32, #tpu.memory_space<vmem>>, vector<16xf32>,
      %mul3A_192 = arith.constant 16 : i32
      %mul3A_193 = arith.muli %scan3A_101, %mul3A_192 : i32
      %swap3A_194 = arith.constant 15 : i32
      %swap3A_195 = arith.index_cast %swap3A_194 : i32 to index
      %swap3A_196 = arith.index_cast %mul3A_193 : i32 to index
      %swap3A_197 = tpu.vector_load %arg8[%swap3A_195, %swap3A_196] {strides = array<i32>} : memref<16x5000xf32, #tpu.memory_space<vmem>>, vector<16xf32>,
      tpu.vector_store %arg8[%swap3A_195, %swap3A_196], %broadcast_in_dim3A_33 {strides = array<i32>} : memref<16x5000xf32, #tpu.memory_space<vmem>>, vector<16xf32>,
      %scan3A_198 = arith.constant 0 : i32
      scf.yield %scan3A_198 : i32
    }
    %scan3A_56 = arith.constant 312 : i32
    %scan3A_57 = arith.constant 0 : i32
    %scan3A_58 = arith.constant 0 : i32
    %scan3A_59 = arith.constant 625 : i32
    %scan3A_60 = arith.addi %scan3A_58, %scan3A_59 : i32
    %scan3A_61 = arith.constant 1 : i32
    %scan3A_62 = scf.for %scan3A_101 = %scan3A_58 to %scan3A_60 step %scan3A_61 iter_args(%scan3A_102 = %scan3A_57) -> (i32)  : i32 {
      %mul3A_103 = arith.constant 16 : i32
      %mul3A_104 = arith.muli %scan3A_101, %mul3A_103 : i32
      %get3A = arith.index_cast %mul3A_104 : i32 to index
      %get3A_105 = tpu.vector_load %arg7[%get3A] {strides = array<i32>} : memref<10000xi32, #tpu.memory_space<vmem>>, vector<16xi32>,
      %sub3A = arith.constant 5000 : i32
      %sub3A_106 = vector.broadcast %sub3A : i32 to vector<16xi32>
      %sub3A_107 = arith.subi %get3A_105, %sub3A_106 : vector<16xi32>
      %ge3A = arith.constant 0 : i32
      %ge3A_108 = vector.broadcast %ge3A : i32 to vector<16xi32>
      %ge3A_109 = arith.cmpi sge, %sub3A_107, %ge3A_108 : vector<16xi32>
      %lt3A_110 = arith.constant 5000 : i32
      %lt3A_111 = vector.broadcast %lt3A_110 : i32 to vector<16xi32>
      %lt3A_112 = arith.cmpi slt, %sub3A_107, %lt3A_111 : vector<16xi32>
      %and3A = arith.andi %ge3A_109, %lt3A_112 : vector<16xi1>
      %jit3A = arith.constant 0 : i32
      %jit3A_113 = arith.constant 4999 : i32
      %max3A = vector.broadcast %jit3A : i32 to vector<16xi32>
      %max3A_114 = arith.maxsi %max3A, %sub3A_107 : vector<16xi32>
      %min3A = vector.broadcast %jit3A_113 : i32 to vector<16xi32>
      %min3A_115 = arith.minsi %min3A, %max3A_114 : vector<16xi32>
      %gather3A = tpu.vector_load_idx %arg8[%iota3A, %min3A_115] masked %and3A : memref<16x5000xf32, #tpu.memory_space<vmem>>[vector<16xi32>, vector<16xi32>], vector<16xf32>, vector<16xi1>
      %add3A_116 = arith.addf %gather3A, %broadcast_in_dim3A_35 : vector<16xf32>
      tpu.vector_store_idx %arg8[%iota3A, %min3A_115], %add3A_116 masked %and3A : memref<16x5000xf32, #tpu.memory_space<vmem>>[vector<16xi32>, vector<16xi32>], vector<16xf32>, vector<16xi1>
      %scan3A_117 = arith.constant 0 : i32
      scf.yield %scan3A_117 : i32
    }
    %scan3A_63 = arith.constant 625 : i32
    %run_scoped3A_64 = arith.constant 1 : i32
    "tpu.region"() ({
      %run_scoped3A_101 = tpu.sem_alloc : memref<!tpu.dma_semaphore, #tpu.memory_space<semaphore_mem>>
      %dma_start3A_102 = arith.constant 0 : i32
      %dma_start3A_103 = arith.constant 0 : i32
      %dma_start3A_104 = tpu.memref_slice %arg5[%run_scoped3A_64, %arg0, %arg1, %dma_start3A_102, %dma_start3A_103] : memref<2x2x16x16x5000xf32, #tpu.memory_space<hbm>> -> memref<1x1x1x16x5000xf32, #tpu.memory_space<hbm>>
      %dma_start3A_105 = tpu.memref_squeeze %dma_start3A_104 : memref<1x1x1x16x5000xf32, #tpu.memory_space<hbm>> -> memref<16x5000xf32, #tpu.memory_space<hbm>>
      %dma_start3A_106 = arith.constant 0 : i32
      %dma_start3A_107 = arith.constant 0 : i32
      %dma_start3A_108 = tpu.memref_slice %arg5[%run_scoped3A_64, %arg0, %arg1, %dma_start3A_106, %dma_start3A_107] : memref<2x2x16x16x5000xf32, #tpu.memory_space<hbm>> -> memref<1x1x1x16x5000xf32, #tpu.memory_space<hbm>>
      %dma_start3A_109 = tpu.memref_squeeze %dma_start3A_108 : memref<1x1x1x16x5000xf32, #tpu.memory_space<hbm>> -> memref<16x5000xf32, #tpu.memory_space<hbm>>
      tpu.enqueue_dma source(%arg8 : memref<16x5000xf32, #tpu.memory_space<vmem>>) target(%dma_start3A_109 : memref<16x5000xf32, #tpu.memory_space<hbm>>) target_semaphore(%run_scoped3A_101 : memref<!tpu.dma_semaphore, #tpu.memory_space<semaphore_mem>>)
      %dma_wait3A_110 = arith.constant 0 : i32
      %dma_wait3A_111 = arith.constant 0 : i32
      %dma_wait3A_112 = tpu.memref_slice %arg5[%run_scoped3A_64, %arg0, %arg1, %dma_wait3A_110, %dma_wait3A_111] : memref<2x2x16x16x5000xf32, #tpu.memory_space<hbm>> -> memref<1x1x1x16x5000xf32, #tpu.memory_space<hbm>>
      %dma_wait3A_113 = tpu.memref_squeeze %dma_wait3A_112 : memref<1x1x1x16x5000xf32, #tpu.memory_space<hbm>> -> memref<16x5000xf32, #tpu.memory_space<hbm>>
      %dma_wait3A_114 = arith.constant 0 : i32
      %dma_wait3A_115 = arith.constant 0 : i32
      %dma_wait3A_116 = tpu.memref_slice %arg5[%run_scoped3A_64, %arg0, %arg1, %dma_wait3A_114, %dma_wait3A_115] : memref<2x2x16x16x5000xf32, #tpu.memory_space<hbm>> -> memref<1x1x1x16x5000xf32, #tpu.memory_space<hbm>>
      %dma_wait3A_117 = tpu.memref_squeeze %dma_wait3A_116 : memref<1x1x1x16x5000xf32, #tpu.memory_space<hbm>> -> memref<16x5000xf32, #tpu.memory_space<hbm>>
      tpu.wait_dma2 semaphore(%run_scoped3A_101 : memref<!tpu.dma_semaphore, #tpu.memory_space<semaphore_mem>>) src(%arg8 : memref<16x5000xf32, #tpu.memory_space<vmem>>) dst(%dma_wait3A_117 : memref<16x5000xf32, #tpu.memory_space<hbm>>)
      tpu.yield
    }) : () -> ()
    %dma_wait3A_65 = arith.constant 0 : i32
    %dma_wait3A_66 = tpu.memref_slice %arg9[%dma_wait3A_65] : memref<320xi32, #tpu.memory_space<vmem>> -> memref<80xi32, #tpu.memory_space<vmem>>
    %dma_wait3A_67 = arith.constant 0 : i32
    %dma_wait3A_68 = arith.constant 0 : i32
    %dma_wait3A_69 = tpu.memref_slice %arg4[%dma_wait3A_67, %dma_wait3A_68] : memref<100000x128xf32, #tpu.memory_space<hbm>> -> memref<100000x128xf32, #tpu.memory_space<hbm>>
    tpu.wait_indirect_dma semaphore(%arg13 : memref<!tpu.dma_semaphore, #tpu.memory_space<semaphore_mem>>) src(%dma_wait3A_69 : memref<100000x128xf32, #tpu.memory_space<hbm>>) dst(%arg10 : memref<80x128xf32, #tpu.memory_space<vmem>>)
    %mul3A_70 = arith.constant 80 : i32
    %mul3A_71 = arith.muli %add3A_8, %mul3A_70 : i32
    "tpu.region"() ({
      %run_scoped3A_101 = tpu.sem_alloc : memref<!tpu.dma_semaphore, #tpu.memory_space<semaphore_mem>>
      %dma_start3A_102 = arith.constant 0 : i32
      %dma_start3A_103 = tpu.memref_slice %arg6[%mul3A_71, %dma_start3A_102] : memref<10000x128xf32, #tpu.memory_space<hbm>> -> memref<80x128xf32, #tpu.memory_space<hbm>>
      %dma_start3A_104 = arith.constant 0 : i32
      %dma_start3A_105 = tpu.memref_slice %arg6[%mul3A_71, %dma_start3A_104] : memref<10000x128xf32, #tpu.memory_space<hbm>> -> memref<80x128xf32, #tpu.memory_space<hbm>>
      tpu.enqueue_dma source(%arg10 : memref<80x128xf32, #tpu.memory_space<vmem>>) target(%dma_start3A_105 : memref<80x128xf32, #tpu.memory_space<hbm>>) target_semaphore(%run_scoped3A_101 : memref<!tpu.dma_semaphore, #tpu.memory_space<semaphore_mem>>)
      %dma_wait3A_106 = arith.constant 0 : i32
      %dma_wait3A_107 = tpu.memref_slice %arg6[%mul3A_71, %dma_wait3A_106] : memref<10000x128xf32, #tpu.memory_space<hbm>> -> memref<80x128xf32, #tpu.memory_space<hbm>>
      %dma_wait3A_108 = arith.constant 0 : i32
      %dma_wait3A_109 = tpu.memref_slice %arg6[%mul3A_71, %dma_wait3A_108] : memref<10000x128xf32, #tpu.memory_space<hbm>> -> memref<80x128xf32, #tpu.memory_space<hbm>>
      tpu.wait_dma2 semaphore(%run_scoped3A_101 : memref<!tpu.dma_semaphore, #tpu.memory_space<semaphore_mem>>) src(%arg10 : memref<80x128xf32, #tpu.memory_space<vmem>>) dst(%dma_wait3A_109 : memref<80x128xf32, #tpu.memory_space<hbm>>)
      tpu.yield
    }) : () -> ()
    %dma_start3A_72 = arith.constant 160 : i32
    %dma_start3A_73 = tpu.memref_slice %arg9[%dma_start3A_72] : memref<320xi32, #tpu.memory_space<vmem>> -> memref<80xi32, #tpu.memory_space<vmem>>
    %dma_start3A_74 = arith.constant 0 : i32
    %dma_start3A_75 = arith.constant 0 : i32
    %dma_start3A_76 = tpu.memref_slice %arg4[%dma_start3A_74, %dma_start3A_75] : memref<100000x128xf32, #tpu.memory_space<hbm>> -> memref<100000x128xf32, #tpu.memory_space<hbm>>
    tpu.enqueue_indirect_dma source(%dma_start3A_76 : memref<100000x128xf32, #tpu.memory_space<hbm>>) target(%arg10 : memref<80x128xf32, #tpu.memory_space<vmem>>) offsets(%dma_start3A_73 : memref<80xi32, #tpu.memory_space<vmem>>) semaphore(%arg13 : memref<!tpu.dma_semaphore, #tpu.memory_space<semaphore_mem>>)
    %dma_wait3A_77 = arith.constant 80 : i32
    %dma_wait3A_78 = tpu.memref_slice %arg9[%dma_wait3A_77] : memref<320xi32, #tpu.memory_space<vmem>> -> memref<80xi32, #tpu.memory_space<vmem>>
    %dma_wait3A_79 = arith.constant 0 : i32
    %dma_wait3A_80 = arith.constant 0 : i32
    %dma_wait3A_81 = tpu.memref_slice %arg4[%dma_wait3A_79, %dma_wait3A_80] : memref<100000x128xf32, #tpu.memory_space<hbm>> -> memref<100000x128xf32, #tpu.memory_space<hbm>>
    tpu.wait_indirect_dma semaphore(%arg13 : memref<!tpu.dma_semaphore, #tpu.memory_space<semaphore_mem>>) src(%dma_wait3A_81 : memref<100000x128xf32, #tpu.memory_space<hbm>>) dst(%arg11 : memref<80x128xf32, #tpu.memory_space<vmem>>)
    %mul3A_82 = arith.constant 80 : i32
    %mul3A_83 = arith.muli %add3A_10, %mul3A_82 : i32
    "tpu.region"() ({
      %run_scoped3A_101 = tpu.sem_alloc : memref<!tpu.dma_semaphore, #tpu.memory_space<semaphore_mem>>
      %dma_start3A_102 = arith.constant 0 : i32
      %dma_start3A_103 = tpu.memref_slice %arg6[%mul3A_83, %dma_start3A_102] : memref<10000x128xf32, #tpu.memory_space<hbm>> -> memref<80x128xf32, #tpu.memory_space<hbm>>
      %dma_start3A_104 = arith.constant 0 : i32
      %dma_start3A_105 = tpu.memref_slice %arg6[%mul3A_83, %dma_start3A_104] : memref<10000x128xf32, #tpu.memory_space<hbm>> -> memref<80x128xf32, #tpu.memory_space<hbm>>
      tpu.enqueue_dma source(%arg11 : memref<80x128xf32, #tpu.memory_space<vmem>>) target(%dma_start3A_105 : memref<80x128xf32, #tpu.memory_space<hbm>>) target_semaphore(%run_scoped3A_101 : memref<!tpu.dma_semaphore, #tpu.memory_space<semaphore_mem>>)
      %dma_wait3A_106 = arith.constant 0 : i32
      %dma_wait3A_107 = tpu.memref_slice %arg6[%mul3A_83, %dma_wait3A_106] : memref<10000x128xf32, #tpu.memory_space<hbm>> -> memref<80x128xf32, #tpu.memory_space<hbm>>
      %dma_wait3A_108 = arith.constant 0 : i32
      %dma_wait3A_109 = tpu.memref_slice %arg6[%mul3A_83, %dma_wait3A_108] : memref<10000x128xf32, #tpu.memory_space<hbm>> -> memref<80x128xf32, #tpu.memory_space<hbm>>
      tpu.wait_dma2 semaphore(%run_scoped3A_101 : memref<!tpu.dma_semaphore, #tpu.memory_space<semaphore_mem>>) src(%arg11 : memref<80x128xf32, #tpu.memory_space<vmem>>) dst(%dma_wait3A_109 : memref<80x128xf32, #tpu.memory_space<hbm>>)
      tpu.yield
    }) : () -> ()
    %lt3A_84 = arith.constant 29 : i32
    %lt3A_85 = arith.cmpi slt, %add3A, %lt3A_84 : i32
    %convert_element_type3A_86 = arith.extui %lt3A_85 : i1 to i32
    %cond3A_87 = arith.constant 0 : i32
    %cond3A_88 = arith.cmpi ne, %convert_element_type3A_86, %cond3A_87 : i32
    scf.if %cond3A_88 {
      %dma_start3A_101 = arith.constant 240 : i32
      %dma_start3A_102 = tpu.memref_slice %arg9[%dma_start3A_101] : memref<320xi32, #tpu.memory_space<vmem>> -> memref<80xi32, #tpu.memory_space<vmem>>
      %dma_start3A_103 = arith.constant 0 : i32
      %dma_start3A_104 = arith.constant 0 : i32
      %dma_start3A_105 = tpu.memref_slice %arg4[%dma_start3A_103, %dma_start3A_104] : memref<100000x128xf32, #tpu.memory_space<hbm>> -> memref<100000x128xf32, #tpu.memory_space<hbm>>
      tpu.enqueue_indirect_dma source(%dma_start3A_105 : memref<100000x128xf32, #tpu.memory_space<hbm>>) target(%arg11 : memref<80x128xf32, #tpu.memory_space<vmem>>) offsets(%dma_start3A_102 : memref<80xi32, #tpu.memory_space<vmem>>) semaphore(%arg13 : memref<!tpu.dma_semaphore, #tpu.memory_space<semaphore_mem>>)
    } else {
    }
    %dma_wait3A_89 = arith.constant 160 : i32
    %dma_wait3A_90 = tpu.memref_slice %arg9[%dma_wait3A_89] : memref<320xi32, #tpu.memory_space<vmem>> -> memref<80xi32, #tpu.memory_space<vmem>>
    %dma_wait3A_91 = arith.constant 0 : i32
    %dma_wait3A_92 = arith.constant 0 : i32
    %dma_wait3A_93 = tpu.memref_slice %arg4[%dma_wait3A_91, %dma_wait3A_92] : memref<100000x128xf32, #tpu.memory_space<hbm>> -> memref<100000x128xf32, #tpu.memory_space<hbm>>
    tpu.wait_indirect_dma semaphore(%arg13 : memref<!tpu.dma_semaphore, #tpu.memory_space<semaphore_mem>>) src(%dma_wait3A_93 : memref<100000x128xf32, #tpu.memory_space<hbm>>) dst(%arg10 : memref<80x128xf32, #tpu.memory_space<vmem>>)
    %mul3A_94 = arith.constant 80 : i32
    %mul3A_95 = arith.muli %add3A_12, %mul3A_94 : i32
    "tpu.region"() ({
      %run_scoped3A_101 = tpu.sem_alloc : memref<!tpu.dma_semaphore, #tpu.memory_space<semaphore_mem>>
      %dma_start3A_102 = arith.constant 0 : i32
      %dma_start3A_103 = tpu.memref_slice %arg6[%mul3A_95, %dma_start3A_102] : memref<10000x128xf32, #tpu.memory_space<hbm>> -> memref<80x128xf32, #tpu.memory_space<hbm>>
      %dma_start3A_104 = arith.constant 0 : i32
      %dma_start3A_105 = tpu.memref_slice %arg6[%mul3A_95, %dma_start3A_104] : memref<10000x128xf32, #tpu.memory_space<hbm>> -> memref<80x128xf32, #tpu.memory_space<hbm>>
      tpu.enqueue_dma source(%arg10 : memref<80x128xf32, #tpu.memory_space<vmem>>) target(%dma_start3A_105 : memref<80x128xf32, #tpu.memory_space<hbm>>) target_semaphore(%run_scoped3A_101 : memref<!tpu.dma_semaphore, #tpu.memory_space<semaphore_mem>>)
      %dma_wait3A_106 = arith.constant 0 : i32
      %dma_wait3A_107 = tpu.memref_slice %arg6[%mul3A_95, %dma_wait3A_106] : memref<10000x128xf32, #tpu.memory_space<hbm>> -> memref<80x128xf32, #tpu.memory_space<hbm>>
      %dma_wait3A_108 = arith.constant 0 : i32
      %dma_wait3A_109 = tpu.memref_slice %arg6[%mul3A_95, %dma_wait3A_108] : memref<10000x128xf32, #tpu.memory_space<hbm>> -> memref<80x128xf32, #tpu.memory_space<hbm>>
      tpu.wait_dma2 semaphore(%run_scoped3A_101 : memref<!tpu.dma_semaphore, #tpu.memory_space<semaphore_mem>>) src(%arg10 : memref<80x128xf32, #tpu.memory_space<vmem>>) dst(%dma_wait3A_109 : memref<80x128xf32, #tpu.memory_space<hbm>>)
      tpu.yield
    }) : () -> ()
    %lt3A_96 = arith.constant 29 : i32
    %lt3A_97 = arith.cmpi slt, %add3A, %lt3A_96 : i32
    %convert_element_type3A_98 = arith.extui %lt3A_97 : i1 to i32
    %cond3A_99 = arith.constant 0 : i32
    %cond3A_100 = arith.cmpi ne, %convert_element_type3A_98, %cond3A_99 : i32
    scf.if %cond3A_100 {
      %dma_wait3A_101 = arith.constant 240 : i32
      %dma_wait3A_102 = tpu.memref_slice %arg9[%dma_wait3A_101] : memref<320xi32, #tpu.memory_space<vmem>> -> memref<80xi32, #tpu.memory_space<vmem>>
      %dma_wait3A_103 = arith.constant 0 : i32
      %dma_wait3A_104 = arith.constant 0 : i32
      %dma_wait3A_105 = tpu.memref_slice %arg4[%dma_wait3A_103, %dma_wait3A_104] : memref<100000x128xf32, #tpu.memory_space<hbm>> -> memref<100000x128xf32, #tpu.memory_space<hbm>>
      tpu.wait_indirect_dma semaphore(%arg13 : memref<!tpu.dma_semaphore, #tpu.memory_space<semaphore_mem>>) src(%dma_wait3A_105 : memref<100000x128xf32, #tpu.memory_space<hbm>>) dst(%arg11 : memref<80x128xf32, #tpu.memory_space<vmem>>)
      %mul3A_106 = arith.constant 80 : i32
      %mul3A_107 = arith.muli %add3A_20, %mul3A_106 : i32
      "tpu.region"() ({
        %run_scoped3A_108 = tpu.sem_alloc : memref<!tpu.dma_semaphore, #tpu.memory_space<semaphore_mem>>
        %dma_start3A_109 = arith.constant 0 : i32
        %dma_start3A_110 = tpu.memref_slice %arg6[%mul3A_107, %dma_start3A_109] : memref<10000x128xf32, #tpu.memory_space<hbm>> -> memref<80x128xf32, #tpu.memory_space<hbm>>
        %dma_start3A_111 = arith.constant 0 : i32
        %dma_start3A_112 = tpu.memref_slice %arg6[%mul3A_107, %dma_start3A_111] : memref<10000x128xf32, #tpu.memory_space<hbm>> -> memref<80x128xf32, #tpu.memory_space<hbm>>
        tpu.enqueue_dma source(%arg11 : memref<80x128xf32, #tpu.memory_space<vmem>>) target(%dma_start3A_112 : memref<80x128xf32, #tpu.memory_space<hbm>>) target_semaphore(%run_scoped3A_108 : memref<!tpu.dma_semaphore, #tpu.memory_space<semaphore_mem>>)
        %dma_wait3A_113 = arith.constant 0 : i32
        %dma_wait3A_114 = tpu.memref_slice %arg6[%mul3A_107, %dma_wait3A_113] : memref<10000x128xf32, #tpu.memory_space<hbm>> -> memref<80x128xf32, #tpu.memory_space<hbm>>
        %dma_wait3A_115 = arith.constant 0 : i32
        %dma_wait3A_116 = tpu.memref_slice %arg6[%mul3A_107, %dma_wait3A_115] : memref<10000x128xf32, #tpu.memory_space<hbm>> -> memref<80x128xf32, #tpu.memory_space<hbm>>
        tpu.wait_dma2 semaphore(%run_scoped3A_108 : memref<!tpu.dma_semaphore, #tpu.memory_space<semaphore_mem>>) src(%arg11 : memref<80x128xf32, #tpu.memory_space<vmem>>) dst(%dma_wait3A_116 : memref<80x128xf32, #tpu.memory_space<hbm>>)
        tpu.yield
      }) : () -> ()
    } else {
    }
    return
  }
}

#map = affine_map<(d0, d1) -> (0)>
#map1 = affine_map<(d0, d1) -> (0, 0)>
#map2 = affine_map<(d0, d1) -> (0, 0, 0)>
module attributes {stable_mosaic.version = 14 : i64} {
  func.func @_sc_edge(%arg0: i32, %arg1: i32, %arg2: memref<320000xi32, #tpu.memory_space<hbm>>, %arg3: memref<320000xi32, #tpu.memory_space<hbm>>, %arg4: memref<10000x128xf32, #tpu.memory_space<hbm>>, %arg5: memref<2x10000x128xf32, #tpu.memory_space<hbm>>, %arg6: memref<10000x128xf32, #tpu.memory_space<vmem_shared>>, %arg7: memref<80xi32, #tpu.memory_space<vmem>>, %arg8: memref<80xi32, #tpu.memory_space<vmem>>, %arg9: memref<80xi32, #tpu.memory_space<vmem>>, %arg10: memref<80xi32, #tpu.memory_space<vmem>>, %arg11: memref<80xi32, #tpu.memory_space<vmem>>, %arg12: memref<80xi32, #tpu.memory_space<vmem>>, %arg13: memref<80xi32, #tpu.memory_space<vmem>>, %arg14: memref<80xi32, #tpu.memory_space<vmem>>, %arg15: memref<80x128xf32, #tpu.memory_space<vmem>>, %arg16: memref<80x128xf32, #tpu.memory_space<vmem>>, %arg17: memref<80x128xf32, #tpu.memory_space<vmem>>, %arg18: memref<80x128xf32, #tpu.memory_space<vmem>>, %arg19: memref<!tpu.dma_semaphore, #tpu.memory_space<semaphore_mem>>, %arg20: memref<!tpu.dma_semaphore, #tpu.memory_space<semaphore_mem>>, %arg21: memref<!tpu.dma_semaphore, #tpu.memory_space<semaphore_mem>>, %arg22: memref<!tpu.dma_semaphore, #tpu.memory_space<semaphore_mem>>, %arg23: memref<!tpu.dma_semaphore, #tpu.memory_space<semaphore_mem>>, %arg24: memref<!tpu.dma_semaphore, #tpu.memory_space<semaphore_mem>>, %arg25: memref<!tpu.dma_semaphore, #tpu.memory_space<semaphore_mem>>, %arg26: memref<!tpu.dma_semaphore, #tpu.memory_space<semaphore_mem>>, %arg27: memref<!tpu.dma_semaphore, #tpu.memory_space<semaphore_mem>>, %arg28: memref<!tpu.dma_semaphore, #tpu.memory_space<semaphore_mem>>, %arg29: memref<!tpu.dma_semaphore, #tpu.memory_space<semaphore_mem>>, %arg30: memref<!tpu.dma_semaphore, #tpu.memory_space<semaphore_mem>>) attributes {dimension_semantics = [#tpu.dimension_semantics<core_parallel>, #tpu.dimension_semantics<subcore_parallel>], iteration_bounds = array<i64: 2, 16>, scalar_prefetch = 0 : i64, scratch_operands = 25 : i64, tpu.core_type = #tpu.core_type<sc_vector_subcore>, window_params = [{transform_indices = #map}, {transform_indices = #map}, {transform_indices = #map1}, {transform_indices = #map2}]} {
    %broadcast_in_dim3A = arith.constant 0.000000e+00 : f32
    %broadcast_in_dim3A_0 = vector.broadcast %broadcast_in_dim3A : f32 to vector<16xf32>
    %scan3A = arith.constant 0 : i32
    %scan3A_1 = arith.constant 0 : i32
    %scan3A_2 = arith.constant 80 : i32
    %scan3A_3 = arith.addi %scan3A_1, %scan3A_2 : i32
    %scan3A_4 = arith.constant 1 : i32
    %scan3A_5 = scf.for %scan3A_227 = %scan3A_1 to %scan3A_3 step %scan3A_4 iter_args(%scan3A_228 = %scan3A) -> (i32)  : i32 {
      %swap3A = arith.index_cast %scan3A_227 : i32 to index
      %swap3A_229 = arith.constant 0 : index
      %swap3A_230 = tpu.vector_load %arg15[%swap3A, %swap3A_229] {strides = array<i32>} : memref<80x128xf32, #tpu.memory_space<vmem>>, vector<1x16xf32>,
      %swap3A_231 = vector.shape_cast %swap3A_230 : vector<1x16xf32> to vector<16xf32>
      %swap3A_232 = vector.shape_cast %broadcast_in_dim3A_0 : vector<16xf32> to vector<1x16xf32>
      tpu.vector_store %arg15[%swap3A, %swap3A_229], %swap3A_232 {strides = array<i32>} : memref<80x128xf32, #tpu.memory_space<vmem>>, vector<1x16xf32>,
      %swap3A_233 = arith.index_cast %scan3A_227 : i32 to index
      %swap3A_234 = arith.constant 16 : index
      %swap3A_235 = tpu.vector_load %arg15[%swap3A_233, %swap3A_234] {strides = array<i32>} : memref<80x128xf32, #tpu.memory_space<vmem>>, vector<1x16xf32>,
      %swap3A_236 = vector.shape_cast %swap3A_235 : vector<1x16xf32> to vector<16xf32>
      %swap3A_237 = vector.shape_cast %broadcast_in_dim3A_0 : vector<16xf32> to vector<1x16xf32>
      tpu.vector_store %arg15[%swap3A_233, %swap3A_234], %swap3A_237 {strides = array<i32>} : memref<80x128xf32, #tpu.memory_space<vmem>>, vector<1x16xf32>,
      %swap3A_238 = arith.index_cast %scan3A_227 : i32 to index
      %swap3A_239 = arith.constant 32 : index
      %swap3A_240 = tpu.vector_load %arg15[%swap3A_238, %swap3A_239] {strides = array<i32>} : memref<80x128xf32, #tpu.memory_space<vmem>>, vector<1x16xf32>,
      %swap3A_241 = vector.shape_cast %swap3A_240 : vector<1x16xf32> to vector<16xf32>
      %swap3A_242 = vector.shape_cast %broadcast_in_dim3A_0 : vector<16xf32> to vector<1x16xf32>
      tpu.vector_store %arg15[%swap3A_238, %swap3A_239], %swap3A_242 {strides = array<i32>} : memref<80x128xf32, #tpu.memory_space<vmem>>, vector<1x16xf32>,
      %swap3A_243 = arith.index_cast %scan3A_227 : i32 to index
      %swap3A_244 = arith.constant 48 : index
      %swap3A_245 = tpu.vector_load %arg15[%swap3A_243, %swap3A_244] {strides = array<i32>} : memref<80x128xf32, #tpu.memory_space<vmem>>, vector<1x16xf32>,
      %swap3A_246 = vector.shape_cast %swap3A_245 : vector<1x16xf32> to vector<16xf32>
      %swap3A_247 = vector.shape_cast %broadcast_in_dim3A_0 : vector<16xf32> to vector<1x16xf32>
      tpu.vector_store %arg15[%swap3A_243, %swap3A_244], %swap3A_247 {strides = array<i32>} : memref<80x128xf32, #tpu.memory_space<vmem>>, vector<1x16xf32>,
      %swap3A_248 = arith.index_cast %scan3A_227 : i32 to index
      %swap3A_249 = arith.constant 64 : index
      %swap3A_250 = tpu.vector_load %arg15[%swap3A_248, %swap3A_249] {strides = array<i32>} : memref<80x128xf32, #tpu.memory_space<vmem>>, vector<1x16xf32>,
      %swap3A_251 = vector.shape_cast %swap3A_250 : vector<1x16xf32> to vector<16xf32>
      %swap3A_252 = vector.shape_cast %broadcast_in_dim3A_0 : vector<16xf32> to vector<1x16xf32>
      tpu.vector_store %arg15[%swap3A_248, %swap3A_249], %swap3A_252 {strides = array<i32>} : memref<80x128xf32, #tpu.memory_space<vmem>>, vector<1x16xf32>,
      %swap3A_253 = arith.index_cast %scan3A_227 : i32 to index
      %swap3A_254 = arith.constant 80 : index
      %swap3A_255 = tpu.vector_load %arg15[%swap3A_253, %swap3A_254] {strides = array<i32>} : memref<80x128xf32, #tpu.memory_space<vmem>>, vector<1x16xf32>,
      %swap3A_256 = vector.shape_cast %swap3A_255 : vector<1x16xf32> to vector<16xf32>
      %swap3A_257 = vector.shape_cast %broadcast_in_dim3A_0 : vector<16xf32> to vector<1x16xf32>
      tpu.vector_store %arg15[%swap3A_253, %swap3A_254], %swap3A_257 {strides = array<i32>} : memref<80x128xf32, #tpu.memory_space<vmem>>, vector<1x16xf32>,
      %swap3A_258 = arith.index_cast %scan3A_227 : i32 to index
      %swap3A_259 = arith.constant 96 : index
      %swap3A_260 = tpu.vector_load %arg15[%swap3A_258, %swap3A_259] {strides = array<i32>} : memref<80x128xf32, #tpu.memory_space<vmem>>, vector<1x16xf32>,
      %swap3A_261 = vector.shape_cast %swap3A_260 : vector<1x16xf32> to vector<16xf32>
      %swap3A_262 = vector.shape_cast %broadcast_in_dim3A_0 : vector<16xf32> to vector<1x16xf32>
      tpu.vector_store %arg15[%swap3A_258, %swap3A_259], %swap3A_262 {strides = array<i32>} : memref<80x128xf32, #tpu.memory_space<vmem>>, vector<1x16xf32>,
      %swap3A_263 = arith.index_cast %scan3A_227 : i32 to index
      %swap3A_264 = arith.constant 112 : index
      %swap3A_265 = tpu.vector_load %arg15[%swap3A_263, %swap3A_264] {strides = array<i32>} : memref<80x128xf32, #tpu.memory_space<vmem>>, vector<1x16xf32>,
      %swap3A_266 = vector.shape_cast %swap3A_265 : vector<1x16xf32> to vector<16xf32>
      %swap3A_267 = vector.shape_cast %broadcast_in_dim3A_0 : vector<16xf32> to vector<1x16xf32>
      tpu.vector_store %arg15[%swap3A_263, %swap3A_264], %swap3A_267 {strides = array<i32>} : memref<80x128xf32, #tpu.memory_space<vmem>>, vector<1x16xf32>,
      %scan3A_268 = arith.constant 0 : i32
      scf.yield %scan3A_268 : i32
    }
    %scan3A_6 = arith.constant 80 : i32
    %mul3A = arith.constant 16 : i32
    %mul3A_7 = arith.muli %arg0, %mul3A : i32
    %add3A = arith.addi %mul3A_7, %arg1 : i32
    %mul3A_8 = arith.constant 10000 : i32
    %mul3A_9 = arith.muli %add3A, %mul3A_8 : i32
    %add3A_10 = arith.constant 0 : i32
    %add3A_11 = arith.addi %mul3A_9, %add3A_10 : i32
    %multiple_of3A = tpu.assume_multiple %add3A_11, 8 : i32
    %dma_start3A = tpu.memref_slice %arg2[%multiple_of3A] : memref<320000xi32, #tpu.memory_space<hbm>> -> memref<80xi32, #tpu.memory_space<hbm>>
    %dma_start3A_12 = tpu.memref_slice %arg2[%multiple_of3A] : memref<320000xi32, #tpu.memory_space<hbm>> -> memref<80xi32, #tpu.memory_space<hbm>>
    tpu.enqueue_dma source(%dma_start3A_12 : memref<80xi32, #tpu.memory_space<hbm>>) target(%arg7 : memref<80xi32, #tpu.memory_space<vmem>>) target_semaphore(%arg19 : memref<!tpu.dma_semaphore, #tpu.memory_space<semaphore_mem>>)
    %dma_start3A_13 = tpu.memref_slice %arg3[%multiple_of3A] : memref<320000xi32, #tpu.memory_space<hbm>> -> memref<80xi32, #tpu.memory_space<hbm>>
    %dma_start3A_14 = tpu.memref_slice %arg3[%multiple_of3A] : memref<320000xi32, #tpu.memory_space<hbm>> -> memref<80xi32, #tpu.memory_space<hbm>>
    tpu.enqueue_dma source(%dma_start3A_14 : memref<80xi32, #tpu.memory_space<hbm>>) target(%arg11 : memref<80xi32, #tpu.memory_space<vmem>>) target_semaphore(%arg19 : memref<!tpu.dma_semaphore, #tpu.memory_space<semaphore_mem>>)
    %add3A_15 = arith.constant 80 : i32
    %add3A_16 = arith.addi %mul3A_9, %add3A_15 : i32
    %multiple_of3A_17 = tpu.assume_multiple %add3A_16, 8 : i32
    %dma_start3A_18 = tpu.memref_slice %arg2[%multiple_of3A_17] : memref<320000xi32, #tpu.memory_space<hbm>> -> memref<80xi32, #tpu.memory_space<hbm>>
    %dma_start3A_19 = tpu.memref_slice %arg2[%multiple_of3A_17] : memref<320000xi32, #tpu.memory_space<hbm>> -> memref<80xi32, #tpu.memory_space<hbm>>
    tpu.enqueue_dma source(%dma_start3A_19 : memref<80xi32, #tpu.memory_space<hbm>>) target(%arg8 : memref<80xi32, #tpu.memory_space<vmem>>) target_semaphore(%arg20 : memref<!tpu.dma_semaphore, #tpu.memory_space<semaphore_mem>>)
    %dma_start3A_20 = tpu.memref_slice %arg3[%multiple_of3A_17] : memref<320000xi32, #tpu.memory_space<hbm>> -> memref<80xi32, #tpu.memory_space<hbm>>
    %dma_start3A_21 = tpu.memref_slice %arg3[%multiple_of3A_17] : memref<320000xi32, #tpu.memory_space<hbm>> -> memref<80xi32, #tpu.memory_space<hbm>>
    tpu.enqueue_dma source(%dma_start3A_21 : memref<80xi32, #tpu.memory_space<hbm>>) target(%arg12 : memref<80xi32, #tpu.memory_space<vmem>>) target_semaphore(%arg20 : memref<!tpu.dma_semaphore, #tpu.memory_space<semaphore_mem>>)
    %add3A_22 = arith.constant 160 : i32
    %add3A_23 = arith.addi %mul3A_9, %add3A_22 : i32
    %multiple_of3A_24 = tpu.assume_multiple %add3A_23, 8 : i32
    %dma_start3A_25 = tpu.memref_slice %arg2[%multiple_of3A_24] : memref<320000xi32, #tpu.memory_space<hbm>> -> memref<80xi32, #tpu.memory_space<hbm>>
    %dma_start3A_26 = tpu.memref_slice %arg2[%multiple_of3A_24] : memref<320000xi32, #tpu.memory_space<hbm>> -> memref<80xi32, #tpu.memory_space<hbm>>
    tpu.enqueue_dma source(%dma_start3A_26 : memref<80xi32, #tpu.memory_space<hbm>>) target(%arg9 : memref<80xi32, #tpu.memory_space<vmem>>) target_semaphore(%arg21 : memref<!tpu.dma_semaphore, #tpu.memory_space<semaphore_mem>>)
    %dma_start3A_27 = tpu.memref_slice %arg3[%multiple_of3A_24] : memref<320000xi32, #tpu.memory_space<hbm>> -> memref<80xi32, #tpu.memory_space<hbm>>
    %dma_start3A_28 = tpu.memref_slice %arg3[%multiple_of3A_24] : memref<320000xi32, #tpu.memory_space<hbm>> -> memref<80xi32, #tpu.memory_space<hbm>>
    tpu.enqueue_dma source(%dma_start3A_28 : memref<80xi32, #tpu.memory_space<hbm>>) target(%arg13 : memref<80xi32, #tpu.memory_space<vmem>>) target_semaphore(%arg21 : memref<!tpu.dma_semaphore, #tpu.memory_space<semaphore_mem>>)
    %add3A_29 = arith.constant 0 : i32
    %add3A_30 = arith.addi %arg1, %add3A_29 : i32
    %mul3A_31 = arith.constant 80 : i32
    %mul3A_32 = arith.muli %add3A_30, %mul3A_31 : i32
    "tpu.region"() ({
      %run_scoped3A = tpu.sem_alloc : memref<!tpu.dma_semaphore, #tpu.memory_space<semaphore_mem>>
      %dma_start3A_227 = arith.constant 0 : i32
      %dma_start3A_228 = tpu.memref_slice %arg6[%mul3A_32, %dma_start3A_227] : memref<10000x128xf32, #tpu.memory_space<vmem_shared>> -> memref<80x128xf32, #tpu.memory_space<vmem_shared>>
      %dma_start3A_229 = arith.constant 0 : i32
      %dma_start3A_230 = tpu.memref_slice %arg6[%mul3A_32, %dma_start3A_229] : memref<10000x128xf32, #tpu.memory_space<vmem_shared>> -> memref<80x128xf32, #tpu.memory_space<vmem_shared>>
      tpu.enqueue_dma source(%arg15 : memref<80x128xf32, #tpu.memory_space<vmem>>) target(%dma_start3A_230 : memref<80x128xf32, #tpu.memory_space<vmem_shared>>) target_semaphore(%run_scoped3A : memref<!tpu.dma_semaphore, #tpu.memory_space<semaphore_mem>>)
      %dma_wait3A_231 = arith.constant 0 : i32
      %dma_wait3A_232 = tpu.memref_slice %arg6[%mul3A_32, %dma_wait3A_231] : memref<10000x128xf32, #tpu.memory_space<vmem_shared>> -> memref<80x128xf32, #tpu.memory_space<vmem_shared>>
      %dma_wait3A_233 = arith.constant 0 : i32
      %dma_wait3A_234 = tpu.memref_slice %arg6[%mul3A_32, %dma_wait3A_233] : memref<10000x128xf32, #tpu.memory_space<vmem_shared>> -> memref<80x128xf32, #tpu.memory_space<vmem_shared>>
      tpu.wait_dma2 semaphore(%run_scoped3A : memref<!tpu.dma_semaphore, #tpu.memory_space<semaphore_mem>>) src(%arg15 : memref<80x128xf32, #tpu.memory_space<vmem>>) dst(%dma_wait3A_234 : memref<80x128xf32, #tpu.memory_space<vmem_shared>>)
      tpu.yield
    }) : () -> ()
    %add3A_33 = arith.constant 16 : i32
    %add3A_34 = arith.addi %arg1, %add3A_33 : i32
    %mul3A_35 = arith.constant 80 : i32
    %mul3A_36 = arith.muli %add3A_34, %mul3A_35 : i32
    "tpu.region"() ({
      %run_scoped3A = tpu.sem_alloc : memref<!tpu.dma_semaphore, #tpu.memory_space<semaphore_mem>>
      %dma_start3A_227 = arith.constant 0 : i32
      %dma_start3A_228 = tpu.memref_slice %arg6[%mul3A_36, %dma_start3A_227] : memref<10000x128xf32, #tpu.memory_space<vmem_shared>> -> memref<80x128xf32, #tpu.memory_space<vmem_shared>>
      %dma_start3A_229 = arith.constant 0 : i32
      %dma_start3A_230 = tpu.memref_slice %arg6[%mul3A_36, %dma_start3A_229] : memref<10000x128xf32, #tpu.memory_space<vmem_shared>> -> memref<80x128xf32, #tpu.memory_space<vmem_shared>>
      tpu.enqueue_dma source(%arg15 : memref<80x128xf32, #tpu.memory_space<vmem>>) target(%dma_start3A_230 : memref<80x128xf32, #tpu.memory_space<vmem_shared>>) target_semaphore(%run_scoped3A : memref<!tpu.dma_semaphore, #tpu.memory_space<semaphore_mem>>)
      %dma_wait3A_231 = arith.constant 0 : i32
      %dma_wait3A_232 = tpu.memref_slice %arg6[%mul3A_36, %dma_wait3A_231] : memref<10000x128xf32, #tpu.memory_space<vmem_shared>> -> memref<80x128xf32, #tpu.memory_space<vmem_shared>>
      %dma_wait3A_233 = arith.constant 0 : i32
      %dma_wait3A_234 = tpu.memref_slice %arg6[%mul3A_36, %dma_wait3A_233] : memref<10000x128xf32, #tpu.memory_space<vmem_shared>> -> memref<80x128xf32, #tpu.memory_space<vmem_shared>>
      tpu.wait_dma2 semaphore(%run_scoped3A : memref<!tpu.dma_semaphore, #tpu.memory_space<semaphore_mem>>) src(%arg15 : memref<80x128xf32, #tpu.memory_space<vmem>>) dst(%dma_wait3A_234 : memref<80x128xf32, #tpu.memory_space<vmem_shared>>)
      tpu.yield
    }) : () -> ()
    %add3A_37 = arith.constant 32 : i32
    %add3A_38 = arith.addi %arg1, %add3A_37 : i32
    %mul3A_39 = arith.constant 80 : i32
    %mul3A_40 = arith.muli %add3A_38, %mul3A_39 : i32
    "tpu.region"() ({
      %run_scoped3A = tpu.sem_alloc : memref<!tpu.dma_semaphore, #tpu.memory_space<semaphore_mem>>
      %dma_start3A_227 = arith.constant 0 : i32
      %dma_start3A_228 = tpu.memref_slice %arg6[%mul3A_40, %dma_start3A_227] : memref<10000x128xf32, #tpu.memory_space<vmem_shared>> -> memref<80x128xf32, #tpu.memory_space<vmem_shared>>
      %dma_start3A_229 = arith.constant 0 : i32
      %dma_start3A_230 = tpu.memref_slice %arg6[%mul3A_40, %dma_start3A_229] : memref<10000x128xf32, #tpu.memory_space<vmem_shared>> -> memref<80x128xf32, #tpu.memory_space<vmem_shared>>
      tpu.enqueue_dma source(%arg15 : memref<80x128xf32, #tpu.memory_space<vmem>>) target(%dma_start3A_230 : memref<80x128xf32, #tpu.memory_space<vmem_shared>>) target_semaphore(%run_scoped3A : memref<!tpu.dma_semaphore, #tpu.memory_space<semaphore_mem>>)
      %dma_wait3A_231 = arith.constant 0 : i32
      %dma_wait3A_232 = tpu.memref_slice %arg6[%mul3A_40, %dma_wait3A_231] : memref<10000x128xf32, #tpu.memory_space<vmem_shared>> -> memref<80x128xf32, #tpu.memory_space<vmem_shared>>
      %dma_wait3A_233 = arith.constant 0 : i32
      %dma_wait3A_234 = tpu.memref_slice %arg6[%mul3A_40, %dma_wait3A_233] : memref<10000x128xf32, #tpu.memory_space<vmem_shared>> -> memref<80x128xf32, #tpu.memory_space<vmem_shared>>
      tpu.wait_dma2 semaphore(%run_scoped3A : memref<!tpu.dma_semaphore, #tpu.memory_space<semaphore_mem>>) src(%arg15 : memref<80x128xf32, #tpu.memory_space<vmem>>) dst(%dma_wait3A_234 : memref<80x128xf32, #tpu.memory_space<vmem_shared>>)
      tpu.yield
    }) : () -> ()
    %add3A_41 = arith.constant 48 : i32
    %add3A_42 = arith.addi %arg1, %add3A_41 : i32
    %mul3A_43 = arith.constant 80 : i32
    %mul3A_44 = arith.muli %add3A_42, %mul3A_43 : i32
    "tpu.region"() ({
      %run_scoped3A = tpu.sem_alloc : memref<!tpu.dma_semaphore, #tpu.memory_space<semaphore_mem>>
      %dma_start3A_227 = arith.constant 0 : i32
      %dma_start3A_228 = tpu.memref_slice %arg6[%mul3A_44, %dma_start3A_227] : memref<10000x128xf32, #tpu.memory_space<vmem_shared>> -> memref<80x128xf32, #tpu.memory_space<vmem_shared>>
      %dma_start3A_229 = arith.constant 0 : i32
      %dma_start3A_230 = tpu.memref_slice %arg6[%mul3A_44, %dma_start3A_229] : memref<10000x128xf32, #tpu.memory_space<vmem_shared>> -> memref<80x128xf32, #tpu.memory_space<vmem_shared>>
      tpu.enqueue_dma source(%arg15 : memref<80x128xf32, #tpu.memory_space<vmem>>) target(%dma_start3A_230 : memref<80x128xf32, #tpu.memory_space<vmem_shared>>) target_semaphore(%run_scoped3A : memref<!tpu.dma_semaphore, #tpu.memory_space<semaphore_mem>>)
      %dma_wait3A_231 = arith.constant 0 : i32
      %dma_wait3A_232 = tpu.memref_slice %arg6[%mul3A_44, %dma_wait3A_231] : memref<10000x128xf32, #tpu.memory_space<vmem_shared>> -> memref<80x128xf32, #tpu.memory_space<vmem_shared>>
      %dma_wait3A_233 = arith.constant 0 : i32
      %dma_wait3A_234 = tpu.memref_slice %arg6[%mul3A_44, %dma_wait3A_233] : memref<10000x128xf32, #tpu.memory_space<vmem_shared>> -> memref<80x128xf32, #tpu.memory_space<vmem_shared>>
      tpu.wait_dma2 semaphore(%run_scoped3A : memref<!tpu.dma_semaphore, #tpu.memory_space<semaphore_mem>>) src(%arg15 : memref<80x128xf32, #tpu.memory_space<vmem>>) dst(%dma_wait3A_234 : memref<80x128xf32, #tpu.memory_space<vmem_shared>>)
      tpu.yield
    }) : () -> ()
    %add3A_45 = arith.constant 64 : i32
    %add3A_46 = arith.addi %arg1, %add3A_45 : i32
    %mul3A_47 = arith.constant 80 : i32
    %mul3A_48 = arith.muli %add3A_46, %mul3A_47 : i32
    "tpu.region"() ({
      %run_scoped3A = tpu.sem_alloc : memref<!tpu.dma_semaphore, #tpu.memory_space<semaphore_mem>>
      %dma_start3A_227 = arith.constant 0 : i32
      %dma_start3A_228 = tpu.memref_slice %arg6[%mul3A_48, %dma_start3A_227] : memref<10000x128xf32, #tpu.memory_space<vmem_shared>> -> memref<80x128xf32, #tpu.memory_space<vmem_shared>>
      %dma_start3A_229 = arith.constant 0 : i32
      %dma_start3A_230 = tpu.memref_slice %arg6[%mul3A_48, %dma_start3A_229] : memref<10000x128xf32, #tpu.memory_space<vmem_shared>> -> memref<80x128xf32, #tpu.memory_space<vmem_shared>>
      tpu.enqueue_dma source(%arg15 : memref<80x128xf32, #tpu.memory_space<vmem>>) target(%dma_start3A_230 : memref<80x128xf32, #tpu.memory_space<vmem_shared>>) target_semaphore(%run_scoped3A : memref<!tpu.dma_semaphore, #tpu.memory_space<semaphore_mem>>)
      %dma_wait3A_231 = arith.constant 0 : i32
      %dma_wait3A_232 = tpu.memref_slice %arg6[%mul3A_48, %dma_wait3A_231] : memref<10000x128xf32, #tpu.memory_space<vmem_shared>> -> memref<80x128xf32, #tpu.memory_space<vmem_shared>>
      %dma_wait3A_233 = arith.constant 0 : i32
      %dma_wait3A_234 = tpu.memref_slice %arg6[%mul3A_48, %dma_wait3A_233] : memref<10000x128xf32, #tpu.memory_space<vmem_shared>> -> memref<80x128xf32, #tpu.memory_space<vmem_shared>>
      tpu.wait_dma2 semaphore(%run_scoped3A : memref<!tpu.dma_semaphore, #tpu.memory_space<semaphore_mem>>) src(%arg15 : memref<80x128xf32, #tpu.memory_space<vmem>>) dst(%dma_wait3A_234 : memref<80x128xf32, #tpu.memory_space<vmem_shared>>)
      tpu.yield
    }) : () -> ()
    %add3A_49 = arith.constant 80 : i32
    %add3A_50 = arith.addi %arg1, %add3A_49 : i32
    %mul3A_51 = arith.constant 80 : i32
    %mul3A_52 = arith.muli %add3A_50, %mul3A_51 : i32
    "tpu.region"() ({
      %run_scoped3A = tpu.sem_alloc : memref<!tpu.dma_semaphore, #tpu.memory_space<semaphore_mem>>
      %dma_start3A_227 = arith.constant 0 : i32
      %dma_start3A_228 = tpu.memref_slice %arg6[%mul3A_52, %dma_start3A_227] : memref<10000x128xf32, #tpu.memory_space<vmem_shared>> -> memref<80x128xf32, #tpu.memory_space<vmem_shared>>
      %dma_start3A_229 = arith.constant 0 : i32
      %dma_start3A_230 = tpu.memref_slice %arg6[%mul3A_52, %dma_start3A_229] : memref<10000x128xf32, #tpu.memory_space<vmem_shared>> -> memref<80x128xf32, #tpu.memory_space<vmem_shared>>
      tpu.enqueue_dma source(%arg15 : memref<80x128xf32, #tpu.memory_space<vmem>>) target(%dma_start3A_230 : memref<80x128xf32, #tpu.memory_space<vmem_shared>>) target_semaphore(%run_scoped3A : memref<!tpu.dma_semaphore, #tpu.memory_space<semaphore_mem>>)
      %dma_wait3A_231 = arith.constant 0 : i32
      %dma_wait3A_232 = tpu.memref_slice %arg6[%mul3A_52, %dma_wait3A_231] : memref<10000x128xf32, #tpu.memory_space<vmem_shared>> -> memref<80x128xf32, #tpu.memory_space<vmem_shared>>
      %dma_wait3A_233 = arith.constant 0 : i32
      %dma_wait3A_234 = tpu.memref_slice %arg6[%mul3A_52, %dma_wait3A_233] : memref<10000x128xf32, #tpu.memory_space<vmem_shared>> -> memref<80x128xf32, #tpu.memory_space<vmem_shared>>
      tpu.wait_dma2 semaphore(%run_scoped3A : memref<!tpu.dma_semaphore, #tpu.memory_space<semaphore_mem>>) src(%arg15 : memref<80x128xf32, #tpu.memory_space<vmem>>) dst(%dma_wait3A_234 : memref<80x128xf32, #tpu.memory_space<vmem_shared>>)
      tpu.yield
    }) : () -> ()
    %add3A_53 = arith.constant 96 : i32
    %add3A_54 = arith.addi %arg1, %add3A_53 : i32
    %mul3A_55 = arith.constant 80 : i32
    %mul3A_56 = arith.muli %add3A_54, %mul3A_55 : i32
    "tpu.region"() ({
      %run_scoped3A = tpu.sem_alloc : memref<!tpu.dma_semaphore, #tpu.memory_space<semaphore_mem>>
      %dma_start3A_227 = arith.constant 0 : i32
      %dma_start3A_228 = tpu.memref_slice %arg6[%mul3A_56, %dma_start3A_227] : memref<10000x128xf32, #tpu.memory_space<vmem_shared>> -> memref<80x128xf32, #tpu.memory_space<vmem_shared>>
      %dma_start3A_229 = arith.constant 0 : i32
      %dma_start3A_230 = tpu.memref_slice %arg6[%mul3A_56, %dma_start3A_229] : memref<10000x128xf32, #tpu.memory_space<vmem_shared>> -> memref<80x128xf32, #tpu.memory_space<vmem_shared>>
      tpu.enqueue_dma source(%arg15 : memref<80x128xf32, #tpu.memory_space<vmem>>) target(%dma_start3A_230 : memref<80x128xf32, #tpu.memory_space<vmem_shared>>) target_semaphore(%run_scoped3A : memref<!tpu.dma_semaphore, #tpu.memory_space<semaphore_mem>>)
      %dma_wait3A_231 = arith.constant 0 : i32
      %dma_wait3A_232 = tpu.memref_slice %arg6[%mul3A_56, %dma_wait3A_231] : memref<10000x128xf32, #tpu.memory_space<vmem_shared>> -> memref<80x128xf32, #tpu.memory_space<vmem_shared>>
      %dma_wait3A_233 = arith.constant 0 : i32
      %dma_wait3A_234 = tpu.memref_slice %arg6[%mul3A_56, %dma_wait3A_233] : memref<10000x128xf32, #tpu.memory_space<vmem_shared>> -> memref<80x128xf32, #tpu.memory_space<vmem_shared>>
      tpu.wait_dma2 semaphore(%run_scoped3A : memref<!tpu.dma_semaphore, #tpu.memory_space<semaphore_mem>>) src(%arg15 : memref<80x128xf32, #tpu.memory_space<vmem>>) dst(%dma_wait3A_234 : memref<80x128xf32, #tpu.memory_space<vmem_shared>>)
      tpu.yield
    }) : () -> ()
    %lt3A = arith.constant 13 : i32
    %lt3A_57 = arith.cmpi slt, %arg1, %lt3A : i32
    %convert_element_type3A = arith.extui %lt3A_57 : i1 to i32
    %cond3A = arith.constant 0 : i32
    %cond3A_58 = arith.cmpi ne, %convert_element_type3A, %cond3A : i32
    scf.if %cond3A_58 {
      %add3A_227 = arith.constant 112 : i32
      %add3A_228 = arith.addi %arg1, %add3A_227 : i32
      %mul3A_229 = arith.constant 80 : i32
      %mul3A_230 = arith.muli %add3A_228, %mul3A_229 : i32
      "tpu.region"() ({
        %run_scoped3A = tpu.sem_alloc : memref<!tpu.dma_semaphore, #tpu.memory_space<semaphore_mem>>
        %dma_start3A_231 = arith.constant 0 : i32
        %dma_start3A_232 = tpu.memref_slice %arg6[%mul3A_230, %dma_start3A_231] : memref<10000x128xf32, #tpu.memory_space<vmem_shared>> -> memref<80x128xf32, #tpu.memory_space<vmem_shared>>
        %dma_start3A_233 = arith.constant 0 : i32
        %dma_start3A_234 = tpu.memref_slice %arg6[%mul3A_230, %dma_start3A_233] : memref<10000x128xf32, #tpu.memory_space<vmem_shared>> -> memref<80x128xf32, #tpu.memory_space<vmem_shared>>
        tpu.enqueue_dma source(%arg15 : memref<80x128xf32, #tpu.memory_space<vmem>>) target(%dma_start3A_234 : memref<80x128xf32, #tpu.memory_space<vmem_shared>>) target_semaphore(%run_scoped3A : memref<!tpu.dma_semaphore, #tpu.memory_space<semaphore_mem>>)
        %dma_wait3A_235 = arith.constant 0 : i32
        %dma_wait3A_236 = tpu.memref_slice %arg6[%mul3A_230, %dma_wait3A_235] : memref<10000x128xf32, #tpu.memory_space<vmem_shared>> -> memref<80x128xf32, #tpu.memory_space<vmem_shared>>
        %dma_wait3A_237 = arith.constant 0 : i32
        %dma_wait3A_238 = tpu.memref_slice %arg6[%mul3A_230, %dma_wait3A_237] : memref<10000x128xf32, #tpu.memory_space<vmem_shared>> -> memref<80x128xf32, #tpu.memory_space<vmem_shared>>
        tpu.wait_dma2 semaphore(%run_scoped3A : memref<!tpu.dma_semaphore, #tpu.memory_space<semaphore_mem>>) src(%arg15 : memref<80x128xf32, #tpu.memory_space<vmem>>) dst(%dma_wait3A_238 : memref<80x128xf32, #tpu.memory_space<vmem_shared>>)
        tpu.yield
      }) : () -> ()
    } else {
    }
    %barrier3A = arith.constant 0 : index
    tpu.barrier barrier_id(%barrier3A)
    %dma_wait3A = arith.constant 0 : i32
    %dma_wait3A_59 = tpu.memref_slice %arg2[%dma_wait3A] : memref<320000xi32, #tpu.memory_space<hbm>> -> memref<80xi32, #tpu.memory_space<hbm>>
    %dma_wait3A_60 = arith.constant 0 : i32
    %dma_wait3A_61 = tpu.memref_slice %arg2[%dma_wait3A_60] : memref<320000xi32, #tpu.memory_space<hbm>> -> memref<80xi32, #tpu.memory_space<hbm>>
    tpu.wait_dma2 semaphore(%arg19 : memref<!tpu.dma_semaphore, #tpu.memory_space<semaphore_mem>>) src(%dma_wait3A_61 : memref<80xi32, #tpu.memory_space<hbm>>) dst(%arg7 : memref<80xi32, #tpu.memory_space<vmem>>)
    %dma_wait3A_62 = arith.constant 0 : i32
    %dma_wait3A_63 = tpu.memref_slice %arg3[%dma_wait3A_62] : memref<320000xi32, #tpu.memory_space<hbm>> -> memref<80xi32, #tpu.memory_space<hbm>>
    %dma_wait3A_64 = arith.constant 0 : i32
    %dma_wait3A_65 = tpu.memref_slice %arg3[%dma_wait3A_64] : memref<320000xi32, #tpu.memory_space<hbm>> -> memref<80xi32, #tpu.memory_space<hbm>>
    tpu.wait_dma2 semaphore(%arg19 : memref<!tpu.dma_semaphore, #tpu.memory_space<semaphore_mem>>) src(%dma_wait3A_65 : memref<80xi32, #tpu.memory_space<hbm>>) dst(%arg11 : memref<80xi32, #tpu.memory_space<vmem>>)
    %dma_start3A_66 = arith.constant 0 : i32
    %dma_start3A_67 = arith.constant 0 : i32
    %dma_start3A_68 = tpu.memref_slice %arg4[%dma_start3A_66, %dma_start3A_67] : memref<10000x128xf32, #tpu.memory_space<hbm>> -> memref<10000x128xf32, #tpu.memory_space<hbm>>
    tpu.enqueue_indirect_dma source(%dma_start3A_68 : memref<10000x128xf32, #tpu.memory_space<hbm>>) target(%arg15 : memref<80x128xf32, #tpu.memory_space<vmem>>) offsets(%arg7 : memref<80xi32, #tpu.memory_space<vmem>>) semaphore(%arg23 : memref<!tpu.dma_semaphore, #tpu.memory_space<semaphore_mem>>)
    %dma_wait3A_69 = arith.constant 0 : i32
    %dma_wait3A_70 = tpu.memref_slice %arg2[%dma_wait3A_69] : memref<320000xi32, #tpu.memory_space<hbm>> -> memref<80xi32, #tpu.memory_space<hbm>>
    %dma_wait3A_71 = arith.constant 0 : i32
    %dma_wait3A_72 = tpu.memref_slice %arg2[%dma_wait3A_71] : memref<320000xi32, #tpu.memory_space<hbm>> -> memref<80xi32, #tpu.memory_space<hbm>>
    tpu.wait_dma2 semaphore(%arg20 : memref<!tpu.dma_semaphore, #tpu.memory_space<semaphore_mem>>) src(%dma_wait3A_72 : memref<80xi32, #tpu.memory_space<hbm>>) dst(%arg8 : memref<80xi32, #tpu.memory_space<vmem>>)
    %dma_wait3A_73 = arith.constant 0 : i32
    %dma_wait3A_74 = tpu.memref_slice %arg3[%dma_wait3A_73] : memref<320000xi32, #tpu.memory_space<hbm>> -> memref<80xi32, #tpu.memory_space<hbm>>
    %dma_wait3A_75 = arith.constant 0 : i32
    %dma_wait3A_76 = tpu.memref_slice %arg3[%dma_wait3A_75] : memref<320000xi32, #tpu.memory_space<hbm>> -> memref<80xi32, #tpu.memory_space<hbm>>
    tpu.wait_dma2 semaphore(%arg20 : memref<!tpu.dma_semaphore, #tpu.memory_space<semaphore_mem>>) src(%dma_wait3A_76 : memref<80xi32, #tpu.memory_space<hbm>>) dst(%arg12 : memref<80xi32, #tpu.memory_space<vmem>>)
    %dma_start3A_77 = arith.constant 0 : i32
    %dma_start3A_78 = arith.constant 0 : i32
    %dma_start3A_79 = tpu.memref_slice %arg4[%dma_start3A_77, %dma_start3A_78] : memref<10000x128xf32, #tpu.memory_space<hbm>> -> memref<10000x128xf32, #tpu.memory_space<hbm>>
    tpu.enqueue_indirect_dma source(%dma_start3A_79 : memref<10000x128xf32, #tpu.memory_space<hbm>>) target(%arg16 : memref<80x128xf32, #tpu.memory_space<vmem>>) offsets(%arg8 : memref<80xi32, #tpu.memory_space<vmem>>) semaphore(%arg24 : memref<!tpu.dma_semaphore, #tpu.memory_space<semaphore_mem>>)
    %dma_wait3A_80 = arith.constant 0 : i32
    %dma_wait3A_81 = arith.constant 0 : i32
    %dma_wait3A_82 = tpu.memref_slice %arg4[%dma_wait3A_80, %dma_wait3A_81] : memref<10000x128xf32, #tpu.memory_space<hbm>> -> memref<10000x128xf32, #tpu.memory_space<hbm>>
    tpu.wait_indirect_dma semaphore(%arg23 : memref<!tpu.dma_semaphore, #tpu.memory_space<semaphore_mem>>) src(%dma_wait3A_82 : memref<10000x128xf32, #tpu.memory_space<hbm>>) dst(%arg15 : memref<80x128xf32, #tpu.memory_space<vmem>>)
    %dma_start3A_83 = arith.constant 0 : i32
    %dma_start3A_84 = arith.constant 0 : i32
    %dma_start3A_85 = tpu.memref_slice %arg6[%dma_start3A_83, %dma_start3A_84] : memref<10000x128xf32, #tpu.memory_space<vmem_shared>> -> memref<10000x128xf32, #tpu.memory_space<vmem_shared>>
    tpu.enqueue_indirect_dma source(%arg15 : memref<80x128xf32, #tpu.memory_space<vmem>>) target(%dma_start3A_85 : memref<10000x128xf32, #tpu.memory_space<vmem_shared>>) offsets(%arg11 : memref<80xi32, #tpu.memory_space<vmem>>) semaphore(%arg27 : memref<!tpu.dma_semaphore, #tpu.memory_space<semaphore_mem>>) {add = true}
    %add3A_86 = arith.constant 240 : i32
    %add3A_87 = arith.addi %mul3A_9, %add3A_86 : i32
    %multiple_of3A_88 = tpu.assume_multiple %add3A_87, 8 : i32
    %dma_start3A_89 = tpu.memref_slice %arg2[%multiple_of3A_88] : memref<320000xi32, #tpu.memory_space<hbm>> -> memref<80xi32, #tpu.memory_space<hbm>>
    %dma_start3A_90 = tpu.memref_slice %arg2[%multiple_of3A_88] : memref<320000xi32, #tpu.memory_space<hbm>> -> memref<80xi32, #tpu.memory_space<hbm>>
    tpu.enqueue_dma source(%dma_start3A_90 : memref<80xi32, #tpu.memory_space<hbm>>) target(%arg10 : memref<80xi32, #tpu.memory_space<vmem>>) target_semaphore(%arg22 : memref<!tpu.dma_semaphore, #tpu.memory_space<semaphore_mem>>)
    %dma_start3A_91 = tpu.memref_slice %arg3[%multiple_of3A_88] : memref<320000xi32, #tpu.memory_space<hbm>> -> memref<80xi32, #tpu.memory_space<hbm>>
    %dma_start3A_92 = tpu.memref_slice %arg3[%multiple_of3A_88] : memref<320000xi32, #tpu.memory_space<hbm>> -> memref<80xi32, #tpu.memory_space<hbm>>
    tpu.enqueue_dma source(%dma_start3A_92 : memref<80xi32, #tpu.memory_space<hbm>>) target(%arg14 : memref<80xi32, #tpu.memory_space<vmem>>) target_semaphore(%arg22 : memref<!tpu.dma_semaphore, #tpu.memory_space<semaphore_mem>>)
    %dma_wait3A_93 = arith.constant 0 : i32
    %dma_wait3A_94 = tpu.memref_slice %arg2[%dma_wait3A_93] : memref<320000xi32, #tpu.memory_space<hbm>> -> memref<80xi32, #tpu.memory_space<hbm>>
    %dma_wait3A_95 = arith.constant 0 : i32
    %dma_wait3A_96 = tpu.memref_slice %arg2[%dma_wait3A_95] : memref<320000xi32, #tpu.memory_space<hbm>> -> memref<80xi32, #tpu.memory_space<hbm>>
    tpu.wait_dma2 semaphore(%arg21 : memref<!tpu.dma_semaphore, #tpu.memory_space<semaphore_mem>>) src(%dma_wait3A_96 : memref<80xi32, #tpu.memory_space<hbm>>) dst(%arg9 : memref<80xi32, #tpu.memory_space<vmem>>)
    %dma_wait3A_97 = arith.constant 0 : i32
    %dma_wait3A_98 = tpu.memref_slice %arg3[%dma_wait3A_97] : memref<320000xi32, #tpu.memory_space<hbm>> -> memref<80xi32, #tpu.memory_space<hbm>>
    %dma_wait3A_99 = arith.constant 0 : i32
    %dma_wait3A_100 = tpu.memref_slice %arg3[%dma_wait3A_99] : memref<320000xi32, #tpu.memory_space<hbm>> -> memref<80xi32, #tpu.memory_space<hbm>>
    tpu.wait_dma2 semaphore(%arg21 : memref<!tpu.dma_semaphore, #tpu.memory_space<semaphore_mem>>) src(%dma_wait3A_100 : memref<80xi32, #tpu.memory_space<hbm>>) dst(%arg13 : memref<80xi32, #tpu.memory_space<vmem>>)
    %dma_start3A_101 = arith.constant 0 : i32
    %dma_start3A_102 = arith.constant 0 : i32
    %dma_start3A_103 = tpu.memref_slice %arg4[%dma_start3A_101, %dma_start3A_102] : memref<10000x128xf32, #tpu.memory_space<hbm>> -> memref<10000x128xf32, #tpu.memory_space<hbm>>
    tpu.enqueue_indirect_dma source(%dma_start3A_103 : memref<10000x128xf32, #tpu.memory_space<hbm>>) target(%arg17 : memref<80x128xf32, #tpu.memory_space<vmem>>) offsets(%arg9 : memref<80xi32, #tpu.memory_space<vmem>>) semaphore(%arg25 : memref<!tpu.dma_semaphore, #tpu.memory_space<semaphore_mem>>)
    %scan3A_104 = arith.constant 0 : i32
    %scan3A_105 = arith.constant 0 : i32
    %scan3A_106 = arith.constant 30 : i32
    %scan3A_107 = arith.addi %scan3A_105, %scan3A_106 : i32
    %scan3A_108 = arith.constant 1 : i32
    %scan3A_109 = scf.for %scan3A_227 = %scan3A_105 to %scan3A_107 step %scan3A_108 iter_args(%scan3A_228 = %scan3A_104) -> (i32)  : i32 {
      %mul3A_229 = arith.constant 4 : i32
      %mul3A_230 = arith.muli %mul3A_229, %scan3A_227 : i32
      %add3A_231 = arith.constant 1 : i32
      %add3A_232 = arith.addi %mul3A_230, %add3A_231 : i32
      %add3A_233 = arith.constant 0 : i32
      %add3A_234 = arith.addi %add3A_232, %add3A_233 : i32
      %dma_wait3A_235 = arith.constant 0 : i32
      %dma_wait3A_236 = arith.constant 0 : i32
      %dma_wait3A_237 = tpu.memref_slice %arg4[%dma_wait3A_235, %dma_wait3A_236] : memref<10000x128xf32, #tpu.memory_space<hbm>> -> memref<10000x128xf32, #tpu.memory_space<hbm>>
      tpu.wait_indirect_dma semaphore(%arg24 : memref<!tpu.dma_semaphore, #tpu.memory_space<semaphore_mem>>) src(%dma_wait3A_237 : memref<10000x128xf32, #tpu.memory_space<hbm>>) dst(%arg16 : memref<80x128xf32, #tpu.memory_space<vmem>>)
      %dma_start3A_238 = arith.constant 0 : i32
      %dma_start3A_239 = arith.constant 0 : i32
      %dma_start3A_240 = tpu.memref_slice %arg6[%dma_start3A_238, %dma_start3A_239] : memref<10000x128xf32, #tpu.memory_space<vmem_shared>> -> memref<10000x128xf32, #tpu.memory_space<vmem_shared>>
      tpu.enqueue_indirect_dma source(%arg16 : memref<80x128xf32, #tpu.memory_space<vmem>>) target(%dma_start3A_240 : memref<10000x128xf32, #tpu.memory_space<vmem_shared>>) offsets(%arg12 : memref<80xi32, #tpu.memory_space<vmem>>) semaphore(%arg28 : memref<!tpu.dma_semaphore, #tpu.memory_space<semaphore_mem>>) {add = true}
      %dma_wait3A_241 = arith.constant 0 : i32
      %dma_wait3A_242 = arith.constant 0 : i32
      %dma_wait3A_243 = tpu.memref_slice %arg6[%dma_wait3A_241, %dma_wait3A_242] : memref<10000x128xf32, #tpu.memory_space<vmem_shared>> -> memref<10000x128xf32, #tpu.memory_space<vmem_shared>>
      tpu.wait_indirect_dma semaphore(%arg27 : memref<!tpu.dma_semaphore, #tpu.memory_space<semaphore_mem>>) src(%arg15 : memref<80x128xf32, #tpu.memory_space<vmem>>) dst(%dma_wait3A_243 : memref<10000x128xf32, #tpu.memory_space<vmem_shared>>)
      %add3A_244 = arith.constant 3 : i32
      %add3A_245 = arith.addi %add3A_234, %add3A_244 : i32
      %mul3A_246 = arith.constant 80 : i32
      %mul3A_247 = arith.muli %add3A_245, %mul3A_246 : i32
      %add3A_248 = arith.addi %mul3A_9, %mul3A_247 : i32
      %multiple_of3A_249 = tpu.assume_multiple %add3A_248, 8 : i32
      %dma_start3A_250 = tpu.memref_slice %arg2[%multiple_of3A_249] : memref<320000xi32, #tpu.memory_space<hbm>> -> memref<80xi32, #tpu.memory_space<hbm>>
      %dma_start3A_251 = tpu.memref_slice %arg2[%multiple_of3A_249] : memref<320000xi32, #tpu.memory_space<hbm>> -> memref<80xi32, #tpu.memory_space<hbm>>
      tpu.enqueue_dma source(%dma_start3A_251 : memref<80xi32, #tpu.memory_space<hbm>>) target(%arg7 : memref<80xi32, #tpu.memory_space<vmem>>) target_semaphore(%arg19 : memref<!tpu.dma_semaphore, #tpu.memory_space<semaphore_mem>>)
      %dma_start3A_252 = tpu.memref_slice %arg3[%multiple_of3A_249] : memref<320000xi32, #tpu.memory_space<hbm>> -> memref<80xi32, #tpu.memory_space<hbm>>
      %dma_start3A_253 = tpu.memref_slice %arg3[%multiple_of3A_249] : memref<320000xi32, #tpu.memory_space<hbm>> -> memref<80xi32, #tpu.memory_space<hbm>>
      tpu.enqueue_dma source(%dma_start3A_253 : memref<80xi32, #tpu.memory_space<hbm>>) target(%arg11 : memref<80xi32, #tpu.memory_space<vmem>>) target_semaphore(%arg19 : memref<!tpu.dma_semaphore, #tpu.memory_space<semaphore_mem>>)
      %dma_wait3A_254 = arith.constant 0 : i32
      %dma_wait3A_255 = tpu.memref_slice %arg2[%dma_wait3A_254] : memref<320000xi32, #tpu.memory_space<hbm>> -> memref<80xi32, #tpu.memory_space<hbm>>
      %dma_wait3A_256 = arith.constant 0 : i32
      %dma_wait3A_257 = tpu.memref_slice %arg2[%dma_wait3A_256] : memref<320000xi32, #tpu.memory_space<hbm>> -> memref<80xi32, #tpu.memory_space<hbm>>
      tpu.wait_dma2 semaphore(%arg22 : memref<!tpu.dma_semaphore, #tpu.memory_space<semaphore_mem>>) src(%dma_wait3A_257 : memref<80xi32, #tpu.memory_space<hbm>>) dst(%arg10 : memref<80xi32, #tpu.memory_space<vmem>>)
      %dma_wait3A_258 = arith.constant 0 : i32
      %dma_wait3A_259 = tpu.memref_slice %arg3[%dma_wait3A_258] : memref<320000xi32, #tpu.memory_space<hbm>> -> memref<80xi32, #tpu.memory_space<hbm>>
      %dma_wait3A_260 = arith.constant 0 : i32
      %dma_wait3A_261 = tpu.memref_slice %arg3[%dma_wait3A_260] : memref<320000xi32, #tpu.memory_space<hbm>> -> memref<80xi32, #tpu.memory_space<hbm>>
      tpu.wait_dma2 semaphore(%arg22 : memref<!tpu.dma_semaphore, #tpu.memory_space<semaphore_mem>>) src(%dma_wait3A_261 : memref<80xi32, #tpu.memory_space<hbm>>) dst(%arg14 : memref<80xi32, #tpu.memory_space<vmem>>)
      %dma_start3A_262 = arith.constant 0 : i32
      %dma_start3A_263 = arith.constant 0 : i32
      %dma_start3A_264 = tpu.memref_slice %arg4[%dma_start3A_262, %dma_start3A_263] : memref<10000x128xf32, #tpu.memory_space<hbm>> -> memref<10000x128xf32, #tpu.memory_space<hbm>>
      tpu.enqueue_indirect_dma source(%dma_start3A_264 : memref<10000x128xf32, #tpu.memory_space<hbm>>) target(%arg18 : memref<80x128xf32, #tpu.memory_space<vmem>>) offsets(%arg10 : memref<80xi32, #tpu.memory_space<vmem>>) semaphore(%arg26 : memref<!tpu.dma_semaphore, #tpu.memory_space<semaphore_mem>>)
      %mul3A_265 = arith.constant 4 : i32
      %mul3A_266 = arith.muli %mul3A_265, %scan3A_227 : i32
      %add3A_267 = arith.constant 1 : i32
      %add3A_268 = arith.addi %mul3A_266, %add3A_267 : i32
      %add3A_269 = arith.constant 1 : i32
      %add3A_270 = arith.addi %add3A_268, %add3A_269 : i32
      %dma_wait3A_271 = arith.constant 0 : i32
      %dma_wait3A_272 = arith.constant 0 : i32
      %dma_wait3A_273 = tpu.memref_slice %arg4[%dma_wait3A_271, %dma_wait3A_272] : memref<10000x128xf32, #tpu.memory_space<hbm>> -> memref<10000x128xf32, #tpu.memory_space<hbm>>
      tpu.wait_indirect_dma semaphore(%arg25 : memref<!tpu.dma_semaphore, #tpu.memory_space<semaphore_mem>>) src(%dma_wait3A_273 : memref<10000x128xf32, #tpu.memory_space<hbm>>) dst(%arg17 : memref<80x128xf32, #tpu.memory_space<vmem>>)
      %dma_start3A_274 = arith.constant 0 : i32
      %dma_start3A_275 = arith.constant 0 : i32
      %dma_start3A_276 = tpu.memref_slice %arg6[%dma_start3A_274, %dma_start3A_275] : memref<10000x128xf32, #tpu.memory_space<vmem_shared>> -> memref<10000x128xf32, #tpu.memory_space<vmem_shared>>
      tpu.enqueue_indirect_dma source(%arg17 : memref<80x128xf32, #tpu.memory_space<vmem>>) target(%dma_start3A_276 : memref<10000x128xf32, #tpu.memory_space<vmem_shared>>) offsets(%arg13 : memref<80xi32, #tpu.memory_space<vmem>>) semaphore(%arg29 : memref<!tpu.dma_semaphore, #tpu.memory_space<semaphore_mem>>) {add = true}
      %dma_wait3A_277 = arith.constant 0 : i32
      %dma_wait3A_278 = arith.constant 0 : i32
      %dma_wait3A_279 = tpu.memref_slice %arg6[%dma_wait3A_277, %dma_wait3A_278] : memref<10000x128xf32, #tpu.memory_space<vmem_shared>> -> memref<10000x128xf32, #tpu.memory_space<vmem_shared>>
      tpu.wait_indirect_dma semaphore(%arg28 : memref<!tpu.dma_semaphore, #tpu.memory_space<semaphore_mem>>) src(%arg16 : memref<80x128xf32, #tpu.memory_space<vmem>>) dst(%dma_wait3A_279 : memref<10000x128xf32, #tpu.memory_space<vmem_shared>>)
      %add3A_280 = arith.constant 3 : i32
      %add3A_281 = arith.addi %add3A_270, %add3A_280 : i32
      %mul3A_282 = arith.constant 80 : i32
      %mul3A_283 = arith.muli %add3A_281, %mul3A_282 : i32
      %add3A_284 = arith.addi %mul3A_9, %mul3A_283 : i32
      %multiple_of3A_285 = tpu.assume_multiple %add3A_284, 8 : i32
      %dma_start3A_286 = tpu.memref_slice %arg2[%multiple_of3A_285] : memref<320000xi32, #tpu.memory_space<hbm>> -> memref<80xi32, #tpu.memory_space<hbm>>
      %dma_start3A_287 = tpu.memref_slice %arg2[%multiple_of3A_285] : memref<320000xi32, #tpu.memory_space<hbm>> -> memref<80xi32, #tpu.memory_space<hbm>>
      tpu.enqueue_dma source(%dma_start3A_287 : memref<80xi32, #tpu.memory_space<hbm>>) target(%arg8 : memref<80xi32, #tpu.memory_space<vmem>>) target_semaphore(%arg20 : memref<!tpu.dma_semaphore, #tpu.memory_space<semaphore_mem>>)
      %dma_start3A_288 = tpu.memref_slice %arg3[%multiple_of3A_285] : memref<320000xi32, #tpu.memory_space<hbm>> -> memref<80xi32, #tpu.memory_space<hbm>>
      %dma_start3A_289 = tpu.memref_slice %arg3[%multiple_of3A_285] : memref<320000xi32, #tpu.memory_space<hbm>> -> memref<80xi32, #tpu.memory_space<hbm>>
      tpu.enqueue_dma source(%dma_start3A_289 : memref<80xi32, #tpu.memory_space<hbm>>) target(%arg12 : memref<80xi32, #tpu.memory_space<vmem>>) target_semaphore(%arg20 : memref<!tpu.dma_semaphore, #tpu.memory_space<semaphore_mem>>)
      %dma_wait3A_290 = arith.constant 0 : i32
      %dma_wait3A_291 = tpu.memref_slice %arg2[%dma_wait3A_290] : memref<320000xi32, #tpu.memory_space<hbm>> -> memref<80xi32, #tpu.memory_space<hbm>>
      %dma_wait3A_292 = arith.constant 0 : i32
      %dma_wait3A_293 = tpu.memref_slice %arg2[%dma_wait3A_292] : memref<320000xi32, #tpu.memory_space<hbm>> -> memref<80xi32, #tpu.memory_space<hbm>>
      tpu.wait_dma2 semaphore(%arg19 : memref<!tpu.dma_semaphore, #tpu.memory_space<semaphore_mem>>) src(%dma_wait3A_293 : memref<80xi32, #tpu.memory_space<hbm>>) dst(%arg7 : memref<80xi32, #tpu.memory_space<vmem>>)
      %dma_wait3A_294 = arith.constant 0 : i32
      %dma_wait3A_295 = tpu.memref_slice %arg3[%dma_wait3A_294] : memref<320000xi32, #tpu.memory_space<hbm>> -> memref<80xi32, #tpu.memory_space<hbm>>
      %dma_wait3A_296 = arith.constant 0 : i32
      %dma_wait3A_297 = tpu.memref_slice %arg3[%dma_wait3A_296] : memref<320000xi32, #tpu.memory_space<hbm>> -> memref<80xi32, #tpu.memory_space<hbm>>
      tpu.wait_dma2 semaphore(%arg19 : memref<!tpu.dma_semaphore, #tpu.memory_space<semaphore_mem>>) src(%dma_wait3A_297 : memref<80xi32, #tpu.memory_space<hbm>>) dst(%arg11 : memref<80xi32, #tpu.memory_space<vmem>>)
      %dma_start3A_298 = arith.constant 0 : i32
      %dma_start3A_299 = arith.constant 0 : i32
      %dma_start3A_300 = tpu.memref_slice %arg4[%dma_start3A_298, %dma_start3A_299] : memref<10000x128xf32, #tpu.memory_space<hbm>> -> memref<10000x128xf32, #tpu.memory_space<hbm>>
      tpu.enqueue_indirect_dma source(%dma_start3A_300 : memref<10000x128xf32, #tpu.memory_space<hbm>>) target(%arg15 : memref<80x128xf32, #tpu.memory_space<vmem>>) offsets(%arg7 : memref<80xi32, #tpu.memory_space<vmem>>) semaphore(%arg23 : memref<!tpu.dma_semaphore, #tpu.memory_space<semaphore_mem>>)
      %mul3A_301 = arith.constant 4 : i32
      %mul3A_302 = arith.muli %mul3A_301, %scan3A_227 : i32
      %add3A_303 = arith.constant 1 : i32
      %add3A_304 = arith.addi %mul3A_302, %add3A_303 : i32
      %add3A_305 = arith.constant 2 : i32
      %add3A_306 = arith.addi %add3A_304, %add3A_305 : i32
      %dma_wait3A_307 = arith.constant 0 : i32
      %dma_wait3A_308 = arith.constant 0 : i32
      %dma_wait3A_309 = tpu.memref_slice %arg4[%dma_wait3A_307, %dma_wait3A_308] : memref<10000x128xf32, #tpu.memory_space<hbm>> -> memref<10000x128xf32, #tpu.memory_space<hbm>>
      tpu.wait_indirect_dma semaphore(%arg26 : memref<!tpu.dma_semaphore, #tpu.memory_space<semaphore_mem>>) src(%dma_wait3A_309 : memref<10000x128xf32, #tpu.memory_space<hbm>>) dst(%arg18 : memref<80x128xf32, #tpu.memory_space<vmem>>)
      %dma_start3A_310 = arith.constant 0 : i32
      %dma_start3A_311 = arith.constant 0 : i32
      %dma_start3A_312 = tpu.memref_slice %arg6[%dma_start3A_310, %dma_start3A_311] : memref<10000x128xf32, #tpu.memory_space<vmem_shared>> -> memref<10000x128xf32, #tpu.memory_space<vmem_shared>>
      tpu.enqueue_indirect_dma source(%arg18 : memref<80x128xf32, #tpu.memory_space<vmem>>) target(%dma_start3A_312 : memref<10000x128xf32, #tpu.memory_space<vmem_shared>>) offsets(%arg14 : memref<80xi32, #tpu.memory_space<vmem>>) semaphore(%arg30 : memref<!tpu.dma_semaphore, #tpu.memory_space<semaphore_mem>>) {add = true}
      %dma_wait3A_313 = arith.constant 0 : i32
      %dma_wait3A_314 = arith.constant 0 : i32
      %dma_wait3A_315 = tpu.memref_slice %arg6[%dma_wait3A_313, %dma_wait3A_314] : memref<10000x128xf32, #tpu.memory_space<vmem_shared>> -> memref<10000x128xf32, #tpu.memory_space<vmem_shared>>
      tpu.wait_indirect_dma semaphore(%arg29 : memref<!tpu.dma_semaphore, #tpu.memory_space<semaphore_mem>>) src(%arg17 : memref<80x128xf32, #tpu.memory_space<vmem>>) dst(%dma_wait3A_315 : memref<10000x128xf32, #tpu.memory_space<vmem_shared>>)
      %add3A_316 = arith.constant 3 : i32
      %add3A_317 = arith.addi %add3A_306, %add3A_316 : i32
      %mul3A_318 = arith.constant 80 : i32
      %mul3A_319 = arith.muli %add3A_317, %mul3A_318 : i32
      %add3A_320 = arith.addi %mul3A_9, %mul3A_319 : i32
      %multiple_of3A_321 = tpu.assume_multiple %add3A_320, 8 : i32
      %dma_start3A_322 = tpu.memref_slice %arg2[%multiple_of3A_321] : memref<320000xi32, #tpu.memory_space<hbm>> -> memref<80xi32, #tpu.memory_space<hbm>>
      %dma_start3A_323 = tpu.memref_slice %arg2[%multiple_of3A_321] : memref<320000xi32, #tpu.memory_space<hbm>> -> memref<80xi32, #tpu.memory_space<hbm>>
      tpu.enqueue_dma source(%dma_start3A_323 : memref<80xi32, #tpu.memory_space<hbm>>) target(%arg9 : memref<80xi32, #tpu.memory_space<vmem>>) target_semaphore(%arg21 : memref<!tpu.dma_semaphore, #tpu.memory_space<semaphore_mem>>)
      %dma_start3A_324 = tpu.memref_slice %arg3[%multiple_of3A_321] : memref<320000xi32, #tpu.memory_space<hbm>> -> memref<80xi32, #tpu.memory_space<hbm>>
      %dma_start3A_325 = tpu.memref_slice %arg3[%multiple_of3A_321] : memref<320000xi32, #tpu.memory_space<hbm>> -> memref<80xi32, #tpu.memory_space<hbm>>
      tpu.enqueue_dma source(%dma_start3A_325 : memref<80xi32, #tpu.memory_space<hbm>>) target(%arg13 : memref<80xi32, #tpu.memory_space<vmem>>) target_semaphore(%arg21 : memref<!tpu.dma_semaphore, #tpu.memory_space<semaphore_mem>>)
      %dma_wait3A_326 = arith.constant 0 : i32
      %dma_wait3A_327 = tpu.memref_slice %arg2[%dma_wait3A_326] : memref<320000xi32, #tpu.memory_space<hbm>> -> memref<80xi32, #tpu.memory_space<hbm>>
      %dma_wait3A_328 = arith.constant 0 : i32
      %dma_wait3A_329 = tpu.memref_slice %arg2[%dma_wait3A_328] : memref<320000xi32, #tpu.memory_space<hbm>> -> memref<80xi32, #tpu.memory_space<hbm>>
      tpu.wait_dma2 semaphore(%arg20 : memref<!tpu.dma_semaphore, #tpu.memory_space<semaphore_mem>>) src(%dma_wait3A_329 : memref<80xi32, #tpu.memory_space<hbm>>) dst(%arg8 : memref<80xi32, #tpu.memory_space<vmem>>)
      %dma_wait3A_330 = arith.constant 0 : i32
      %dma_wait3A_331 = tpu.memref_slice %arg3[%dma_wait3A_330] : memref<320000xi32, #tpu.memory_space<hbm>> -> memref<80xi32, #tpu.memory_space<hbm>>
      %dma_wait3A_332 = arith.constant 0 : i32
      %dma_wait3A_333 = tpu.memref_slice %arg3[%dma_wait3A_332] : memref<320000xi32, #tpu.memory_space<hbm>> -> memref<80xi32, #tpu.memory_space<hbm>>
      tpu.wait_dma2 semaphore(%arg20 : memref<!tpu.dma_semaphore, #tpu.memory_space<semaphore_mem>>) src(%dma_wait3A_333 : memref<80xi32, #tpu.memory_space<hbm>>) dst(%arg12 : memref<80xi32, #tpu.memory_space<vmem>>)
      %dma_start3A_334 = arith.constant 0 : i32
      %dma_start3A_335 = arith.constant 0 : i32
      %dma_start3A_336 = tpu.memref_slice %arg4[%dma_start3A_334, %dma_start3A_335] : memref<10000x128xf32, #tpu.memory_space<hbm>> -> memref<10000x128xf32, #tpu.memory_space<hbm>>
      tpu.enqueue_indirect_dma source(%dma_start3A_336 : memref<10000x128xf32, #tpu.memory_space<hbm>>) target(%arg16 : memref<80x128xf32, #tpu.memory_space<vmem>>) offsets(%arg8 : memref<80xi32, #tpu.memory_space<vmem>>) semaphore(%arg24 : memref<!tpu.dma_semaphore, #tpu.memory_space<semaphore_mem>>)
      %mul3A_337 = arith.constant 4 : i32
      %mul3A_338 = arith.muli %mul3A_337, %scan3A_227 : i32
      %add3A_339 = arith.constant 1 : i32
      %add3A_340 = arith.addi %mul3A_338, %add3A_339 : i32
      %add3A_341 = arith.constant 3 : i32
      %add3A_342 = arith.addi %add3A_340, %add3A_341 : i32
      %dma_wait3A_343 = arith.constant 0 : i32
      %dma_wait3A_344 = arith.constant 0 : i32
      %dma_wait3A_345 = tpu.memref_slice %arg4[%dma_wait3A_343, %dma_wait3A_344] : memref<10000x128xf32, #tpu.memory_space<hbm>> -> memref<10000x128xf32, #tpu.memory_space<hbm>>
      tpu.wait_indirect_dma semaphore(%arg23 : memref<!tpu.dma_semaphore, #tpu.memory_space<semaphore_mem>>) src(%dma_wait3A_345 : memref<10000x128xf32, #tpu.memory_space<hbm>>) dst(%arg15 : memref<80x128xf32, #tpu.memory_space<vmem>>)
      %dma_start3A_346 = arith.constant 0 : i32
      %dma_start3A_347 = arith.constant 0 : i32
      %dma_start3A_348 = tpu.memref_slice %arg6[%dma_start3A_346, %dma_start3A_347] : memref<10000x128xf32, #tpu.memory_space<vmem_shared>> -> memref<10000x128xf32, #tpu.memory_space<vmem_shared>>
      tpu.enqueue_indirect_dma source(%arg15 : memref<80x128xf32, #tpu.memory_space<vmem>>) target(%dma_start3A_348 : memref<10000x128xf32, #tpu.memory_space<vmem_shared>>) offsets(%arg11 : memref<80xi32, #tpu.memory_space<vmem>>) semaphore(%arg27 : memref<!tpu.dma_semaphore, #tpu.memory_space<semaphore_mem>>) {add = true}
      %dma_wait3A_349 = arith.constant 0 : i32
      %dma_wait3A_350 = arith.constant 0 : i32
      %dma_wait3A_351 = tpu.memref_slice %arg6[%dma_wait3A_349, %dma_wait3A_350] : memref<10000x128xf32, #tpu.memory_space<vmem_shared>> -> memref<10000x128xf32, #tpu.memory_space<vmem_shared>>
      tpu.wait_indirect_dma semaphore(%arg30 : memref<!tpu.dma_semaphore, #tpu.memory_space<semaphore_mem>>) src(%arg18 : memref<80x128xf32, #tpu.memory_space<vmem>>) dst(%dma_wait3A_351 : memref<10000x128xf32, #tpu.memory_space<vmem_shared>>)
      %add3A_352 = arith.constant 3 : i32
      %add3A_353 = arith.addi %add3A_342, %add3A_352 : i32
      %mul3A_354 = arith.constant 80 : i32
      %mul3A_355 = arith.muli %add3A_353, %mul3A_354 : i32
      %add3A_356 = arith.addi %mul3A_9, %mul3A_355 : i32
      %multiple_of3A_357 = tpu.assume_multiple %add3A_356, 8 : i32
      %dma_start3A_358 = tpu.memref_slice %arg2[%multiple_of3A_357] : memref<320000xi32, #tpu.memory_space<hbm>> -> memref<80xi32, #tpu.memory_space<hbm>>
      %dma_start3A_359 = tpu.memref_slice %arg2[%multiple_of3A_357] : memref<320000xi32, #tpu.memory_space<hbm>> -> memref<80xi32, #tpu.memory_space<hbm>>
      tpu.enqueue_dma source(%dma_start3A_359 : memref<80xi32, #tpu.memory_space<hbm>>) target(%arg10 : memref<80xi32, #tpu.memory_space<vmem>>) target_semaphore(%arg22 : memref<!tpu.dma_semaphore, #tpu.memory_space<semaphore_mem>>)
      %dma_start3A_360 = tpu.memref_slice %arg3[%multiple_of3A_357] : memref<320000xi32, #tpu.memory_space<hbm>> -> memref<80xi32, #tpu.memory_space<hbm>>
      %dma_start3A_361 = tpu.memref_slice %arg3[%multiple_of3A_357] : memref<320000xi32, #tpu.memory_space<hbm>> -> memref<80xi32, #tpu.memory_space<hbm>>
      tpu.enqueue_dma source(%dma_start3A_361 : memref<80xi32, #tpu.memory_space<hbm>>) target(%arg14 : memref<80xi32, #tpu.memory_space<vmem>>) target_semaphore(%arg22 : memref<!tpu.dma_semaphore, #tpu.memory_space<semaphore_mem>>)
      %dma_wait3A_362 = arith.constant 0 : i32
      %dma_wait3A_363 = tpu.memref_slice %arg2[%dma_wait3A_362] : memref<320000xi32, #tpu.memory_space<hbm>> -> memref<80xi32, #tpu.memory_space<hbm>>
      %dma_wait3A_364 = arith.constant 0 : i32
      %dma_wait3A_365 = tpu.memref_slice %arg2[%dma_wait3A_364] : memref<320000xi32, #tpu.memory_space<hbm>> -> memref<80xi32, #tpu.memory_space<hbm>>
      tpu.wait_dma2 semaphore(%arg21 : memref<!tpu.dma_semaphore, #tpu.memory_space<semaphore_mem>>) src(%dma_wait3A_365 : memref<80xi32, #tpu.memory_space<hbm>>) dst(%arg9 : memref<80xi32, #tpu.memory_space<vmem>>)
      %dma_wait3A_366 = arith.constant 0 : i32
      %dma_wait3A_367 = tpu.memref_slice %arg3[%dma_wait3A_366] : memref<320000xi32, #tpu.memory_space<hbm>> -> memref<80xi32, #tpu.memory_space<hbm>>
      %dma_wait3A_368 = arith.constant 0 : i32
      %dma_wait3A_369 = tpu.memref_slice %arg3[%dma_wait3A_368] : memref<320000xi32, #tpu.memory_space<hbm>> -> memref<80xi32, #tpu.memory_space<hbm>>
      tpu.wait_dma2 semaphore(%arg21 : memref<!tpu.dma_semaphore, #tpu.memory_space<semaphore_mem>>) src(%dma_wait3A_369 : memref<80xi32, #tpu.memory_space<hbm>>) dst(%arg13 : memref<80xi32, #tpu.memory_space<vmem>>)
      %dma_start3A_370 = arith.constant 0 : i32
      %dma_start3A_371 = arith.constant 0 : i32
      %dma_start3A_372 = tpu.memref_slice %arg4[%dma_start3A_370, %dma_start3A_371] : memref<10000x128xf32, #tpu.memory_space<hbm>> -> memref<10000x128xf32, #tpu.memory_space<hbm>>
      tpu.enqueue_indirect_dma source(%dma_start3A_372 : memref<10000x128xf32, #tpu.memory_space<hbm>>) target(%arg17 : memref<80x128xf32, #tpu.memory_space<vmem>>) offsets(%arg9 : memref<80xi32, #tpu.memory_space<vmem>>) semaphore(%arg25 : memref<!tpu.dma_semaphore, #tpu.memory_space<semaphore_mem>>)
      %scan3A_373 = arith.constant 0 : i32
      scf.yield %scan3A_373 : i32
    }
    %scan3A_110 = arith.constant 30 : i32
    %dma_wait3A_111 = arith.constant 0 : i32
    %dma_wait3A_112 = arith.constant 0 : i32
    %dma_wait3A_113 = tpu.memref_slice %arg4[%dma_wait3A_111, %dma_wait3A_112] : memref<10000x128xf32, #tpu.memory_space<hbm>> -> memref<10000x128xf32, #tpu.memory_space<hbm>>
    tpu.wait_indirect_dma semaphore(%arg24 : memref<!tpu.dma_semaphore, #tpu.memory_space<semaphore_mem>>) src(%dma_wait3A_113 : memref<10000x128xf32, #tpu.memory_space<hbm>>) dst(%arg16 : memref<80x128xf32, #tpu.memory_space<vmem>>)
    %dma_start3A_114 = arith.constant 0 : i32
    %dma_start3A_115 = arith.constant 0 : i32
    %dma_start3A_116 = tpu.memref_slice %arg6[%dma_start3A_114, %dma_start3A_115] : memref<10000x128xf32, #tpu.memory_space<vmem_shared>> -> memref<10000x128xf32, #tpu.memory_space<vmem_shared>>
    tpu.enqueue_indirect_dma source(%arg16 : memref<80x128xf32, #tpu.memory_space<vmem>>) target(%dma_start3A_116 : memref<10000x128xf32, #tpu.memory_space<vmem_shared>>) offsets(%arg12 : memref<80xi32, #tpu.memory_space<vmem>>) semaphore(%arg28 : memref<!tpu.dma_semaphore, #tpu.memory_space<semaphore_mem>>) {add = true}
    %dma_wait3A_117 = arith.constant 0 : i32
    %dma_wait3A_118 = arith.constant 0 : i32
    %dma_wait3A_119 = tpu.memref_slice %arg6[%dma_wait3A_117, %dma_wait3A_118] : memref<10000x128xf32, #tpu.memory_space<vmem_shared>> -> memref<10000x128xf32, #tpu.memory_space<vmem_shared>>
    tpu.wait_indirect_dma semaphore(%arg27 : memref<!tpu.dma_semaphore, #tpu.memory_space<semaphore_mem>>) src(%arg15 : memref<80x128xf32, #tpu.memory_space<vmem>>) dst(%dma_wait3A_119 : memref<10000x128xf32, #tpu.memory_space<vmem_shared>>)
    %add3A_120 = arith.constant 9920 : i32
    %add3A_121 = arith.addi %mul3A_9, %add3A_120 : i32
    %multiple_of3A_122 = tpu.assume_multiple %add3A_121, 8 : i32
    %dma_start3A_123 = tpu.memref_slice %arg2[%multiple_of3A_122] : memref<320000xi32, #tpu.memory_space<hbm>> -> memref<80xi32, #tpu.memory_space<hbm>>
    %dma_start3A_124 = tpu.memref_slice %arg2[%multiple_of3A_122] : memref<320000xi32, #tpu.memory_space<hbm>> -> memref<80xi32, #tpu.memory_space<hbm>>
    tpu.enqueue_dma source(%dma_start3A_124 : memref<80xi32, #tpu.memory_space<hbm>>) target(%arg7 : memref<80xi32, #tpu.memory_space<vmem>>) target_semaphore(%arg19 : memref<!tpu.dma_semaphore, #tpu.memory_space<semaphore_mem>>)
    %dma_start3A_125 = tpu.memref_slice %arg3[%multiple_of3A_122] : memref<320000xi32, #tpu.memory_space<hbm>> -> memref<80xi32, #tpu.memory_space<hbm>>
    %dma_start3A_126 = tpu.memref_slice %arg3[%multiple_of3A_122] : memref<320000xi32, #tpu.memory_space<hbm>> -> memref<80xi32, #tpu.memory_space<hbm>>
    tpu.enqueue_dma source(%dma_start3A_126 : memref<80xi32, #tpu.memory_space<hbm>>) target(%arg11 : memref<80xi32, #tpu.memory_space<vmem>>) target_semaphore(%arg19 : memref<!tpu.dma_semaphore, #tpu.memory_space<semaphore_mem>>)
    %dma_wait3A_127 = arith.constant 0 : i32
    %dma_wait3A_128 = tpu.memref_slice %arg2[%dma_wait3A_127] : memref<320000xi32, #tpu.memory_space<hbm>> -> memref<80xi32, #tpu.memory_space<hbm>>
    %dma_wait3A_129 = arith.constant 0 : i32
    %dma_wait3A_130 = tpu.memref_slice %arg2[%dma_wait3A_129] : memref<320000xi32, #tpu.memory_space<hbm>> -> memref<80xi32, #tpu.memory_space<hbm>>
    tpu.wait_dma2 semaphore(%arg22 : memref<!tpu.dma_semaphore, #tpu.memory_space<semaphore_mem>>) src(%dma_wait3A_130 : memref<80xi32, #tpu.memory_space<hbm>>) dst(%arg10 : memref<80xi32, #tpu.memory_space<vmem>>)
    %dma_wait3A_131 = arith.constant 0 : i32
    %dma_wait3A_132 = tpu.memref_slice %arg3[%dma_wait3A_131] : memref<320000xi32, #tpu.memory_space<hbm>> -> memref<80xi32, #tpu.memory_space<hbm>>
    %dma_wait3A_133 = arith.constant 0 : i32
    %dma_wait3A_134 = tpu.memref_slice %arg3[%dma_wait3A_133] : memref<320000xi32, #tpu.memory_space<hbm>> -> memref<80xi32, #tpu.memory_space<hbm>>
    tpu.wait_dma2 semaphore(%arg22 : memref<!tpu.dma_semaphore, #tpu.memory_space<semaphore_mem>>) src(%dma_wait3A_134 : memref<80xi32, #tpu.memory_space<hbm>>) dst(%arg14 : memref<80xi32, #tpu.memory_space<vmem>>)
    %dma_start3A_135 = arith.constant 0 : i32
    %dma_start3A_136 = arith.constant 0 : i32
    %dma_start3A_137 = tpu.memref_slice %arg4[%dma_start3A_135, %dma_start3A_136] : memref<10000x128xf32, #tpu.memory_space<hbm>> -> memref<10000x128xf32, #tpu.memory_space<hbm>>
    tpu.enqueue_indirect_dma source(%dma_start3A_137 : memref<10000x128xf32, #tpu.memory_space<hbm>>) target(%arg18 : memref<80x128xf32, #tpu.memory_space<vmem>>) offsets(%arg10 : memref<80xi32, #tpu.memory_space<vmem>>) semaphore(%arg26 : memref<!tpu.dma_semaphore, #tpu.memory_space<semaphore_mem>>)
    %dma_wait3A_138 = arith.constant 0 : i32
    %dma_wait3A_139 = arith.constant 0 : i32
    %dma_wait3A_140 = tpu.memref_slice %arg4[%dma_wait3A_138, %dma_wait3A_139] : memref<10000x128xf32, #tpu.memory_space<hbm>> -> memref<10000x128xf32, #tpu.memory_space<hbm>>
    tpu.wait_indirect_dma semaphore(%arg25 : memref<!tpu.dma_semaphore, #tpu.memory_space<semaphore_mem>>) src(%dma_wait3A_140 : memref<10000x128xf32, #tpu.memory_space<hbm>>) dst(%arg17 : memref<80x128xf32, #tpu.memory_space<vmem>>)
    %dma_start3A_141 = arith.constant 0 : i32
    %dma_start3A_142 = arith.constant 0 : i32
    %dma_start3A_143 = tpu.memref_slice %arg6[%dma_start3A_141, %dma_start3A_142] : memref<10000x128xf32, #tpu.memory_space<vmem_shared>> -> memref<10000x128xf32, #tpu.memory_space<vmem_shared>>
    tpu.enqueue_indirect_dma source(%arg17 : memref<80x128xf32, #tpu.memory_space<vmem>>) target(%dma_start3A_143 : memref<10000x128xf32, #tpu.memory_space<vmem_shared>>) offsets(%arg13 : memref<80xi32, #tpu.memory_space<vmem>>) semaphore(%arg29 : memref<!tpu.dma_semaphore, #tpu.memory_space<semaphore_mem>>) {add = true}
    %dma_wait3A_144 = arith.constant 0 : i32
    %dma_wait3A_145 = tpu.memref_slice %arg2[%dma_wait3A_144] : memref<320000xi32, #tpu.memory_space<hbm>> -> memref<80xi32, #tpu.memory_space<hbm>>
    %dma_wait3A_146 = arith.constant 0 : i32
    %dma_wait3A_147 = tpu.memref_slice %arg2[%dma_wait3A_146] : memref<320000xi32, #tpu.memory_space<hbm>> -> memref<80xi32, #tpu.memory_space<hbm>>
    tpu.wait_dma2 semaphore(%arg19 : memref<!tpu.dma_semaphore, #tpu.memory_space<semaphore_mem>>) src(%dma_wait3A_147 : memref<80xi32, #tpu.memory_space<hbm>>) dst(%arg7 : memref<80xi32, #tpu.memory_space<vmem>>)
    %dma_wait3A_148 = arith.constant 0 : i32
    %dma_wait3A_149 = tpu.memref_slice %arg3[%dma_wait3A_148] : memref<320000xi32, #tpu.memory_space<hbm>> -> memref<80xi32, #tpu.memory_space<hbm>>
    %dma_wait3A_150 = arith.constant 0 : i32
    %dma_wait3A_151 = tpu.memref_slice %arg3[%dma_wait3A_150] : memref<320000xi32, #tpu.memory_space<hbm>> -> memref<80xi32, #tpu.memory_space<hbm>>
    tpu.wait_dma2 semaphore(%arg19 : memref<!tpu.dma_semaphore, #tpu.memory_space<semaphore_mem>>) src(%dma_wait3A_151 : memref<80xi32, #tpu.memory_space<hbm>>) dst(%arg11 : memref<80xi32, #tpu.memory_space<vmem>>)
    %dma_start3A_152 = arith.constant 0 : i32
    %dma_start3A_153 = arith.constant 0 : i32
    %dma_start3A_154 = tpu.memref_slice %arg4[%dma_start3A_152, %dma_start3A_153] : memref<10000x128xf32, #tpu.memory_space<hbm>> -> memref<10000x128xf32, #tpu.memory_space<hbm>>
    tpu.enqueue_indirect_dma source(%dma_start3A_154 : memref<10000x128xf32, #tpu.memory_space<hbm>>) target(%arg15 : memref<80x128xf32, #tpu.memory_space<vmem>>) offsets(%arg7 : memref<80xi32, #tpu.memory_space<vmem>>) semaphore(%arg23 : memref<!tpu.dma_semaphore, #tpu.memory_space<semaphore_mem>>)
    %dma_wait3A_155 = arith.constant 0 : i32
    %dma_wait3A_156 = arith.constant 0 : i32
    %dma_wait3A_157 = tpu.memref_slice %arg4[%dma_wait3A_155, %dma_wait3A_156] : memref<10000x128xf32, #tpu.memory_space<hbm>> -> memref<10000x128xf32, #tpu.memory_space<hbm>>
    tpu.wait_indirect_dma semaphore(%arg26 : memref<!tpu.dma_semaphore, #tpu.memory_space<semaphore_mem>>) src(%dma_wait3A_157 : memref<10000x128xf32, #tpu.memory_space<hbm>>) dst(%arg18 : memref<80x128xf32, #tpu.memory_space<vmem>>)
    %dma_start3A_158 = arith.constant 0 : i32
    %dma_start3A_159 = arith.constant 0 : i32
    %dma_start3A_160 = tpu.memref_slice %arg6[%dma_start3A_158, %dma_start3A_159] : memref<10000x128xf32, #tpu.memory_space<vmem_shared>> -> memref<10000x128xf32, #tpu.memory_space<vmem_shared>>
    tpu.enqueue_indirect_dma source(%arg18 : memref<80x128xf32, #tpu.memory_space<vmem>>) target(%dma_start3A_160 : memref<10000x128xf32, #tpu.memory_space<vmem_shared>>) offsets(%arg14 : memref<80xi32, #tpu.memory_space<vmem>>) semaphore(%arg30 : memref<!tpu.dma_semaphore, #tpu.memory_space<semaphore_mem>>) {add = true}
    %dma_wait3A_161 = arith.constant 0 : i32
    %dma_wait3A_162 = arith.constant 0 : i32
    %dma_wait3A_163 = tpu.memref_slice %arg4[%dma_wait3A_161, %dma_wait3A_162] : memref<10000x128xf32, #tpu.memory_space<hbm>> -> memref<10000x128xf32, #tpu.memory_space<hbm>>
    tpu.wait_indirect_dma semaphore(%arg23 : memref<!tpu.dma_semaphore, #tpu.memory_space<semaphore_mem>>) src(%dma_wait3A_163 : memref<10000x128xf32, #tpu.memory_space<hbm>>) dst(%arg15 : memref<80x128xf32, #tpu.memory_space<vmem>>)
    %dma_start3A_164 = arith.constant 0 : i32
    %dma_start3A_165 = arith.constant 0 : i32
    %dma_start3A_166 = tpu.memref_slice %arg6[%dma_start3A_164, %dma_start3A_165] : memref<10000x128xf32, #tpu.memory_space<vmem_shared>> -> memref<10000x128xf32, #tpu.memory_space<vmem_shared>>
    tpu.enqueue_indirect_dma source(%arg15 : memref<80x128xf32, #tpu.memory_space<vmem>>) target(%dma_start3A_166 : memref<10000x128xf32, #tpu.memory_space<vmem_shared>>) offsets(%arg11 : memref<80xi32, #tpu.memory_space<vmem>>) semaphore(%arg27 : memref<!tpu.dma_semaphore, #tpu.memory_space<semaphore_mem>>) {add = true}
    %dma_wait3A_167 = arith.constant 0 : i32
    %dma_wait3A_168 = arith.constant 0 : i32
    %dma_wait3A_169 = tpu.memref_slice %arg6[%dma_wait3A_167, %dma_wait3A_168] : memref<10000x128xf32, #tpu.memory_space<vmem_shared>> -> memref<10000x128xf32, #tpu.memory_space<vmem_shared>>
    tpu.wait_indirect_dma semaphore(%arg28 : memref<!tpu.dma_semaphore, #tpu.memory_space<semaphore_mem>>) src(%arg16 : memref<80x128xf32, #tpu.memory_space<vmem>>) dst(%dma_wait3A_169 : memref<10000x128xf32, #tpu.memory_space<vmem_shared>>)
    %dma_wait3A_170 = arith.constant 0 : i32
    %dma_wait3A_171 = arith.constant 0 : i32
    %dma_wait3A_172 = tpu.memref_slice %arg6[%dma_wait3A_170, %dma_wait3A_171] : memref<10000x128xf32, #tpu.memory_space<vmem_shared>> -> memref<10000x128xf32, #tpu.memory_space<vmem_shared>>
    tpu.wait_indirect_dma semaphore(%arg29 : memref<!tpu.dma_semaphore, #tpu.memory_space<semaphore_mem>>) src(%arg17 : memref<80x128xf32, #tpu.memory_space<vmem>>) dst(%dma_wait3A_172 : memref<10000x128xf32, #tpu.memory_space<vmem_shared>>)
    %dma_wait3A_173 = arith.constant 0 : i32
    %dma_wait3A_174 = arith.constant 0 : i32
    %dma_wait3A_175 = tpu.memref_slice %arg6[%dma_wait3A_173, %dma_wait3A_174] : memref<10000x128xf32, #tpu.memory_space<vmem_shared>> -> memref<10000x128xf32, #tpu.memory_space<vmem_shared>>
    tpu.wait_indirect_dma semaphore(%arg30 : memref<!tpu.dma_semaphore, #tpu.memory_space<semaphore_mem>>) src(%arg18 : memref<80x128xf32, #tpu.memory_space<vmem>>) dst(%dma_wait3A_175 : memref<10000x128xf32, #tpu.memory_space<vmem_shared>>)
    %dma_wait3A_176 = arith.constant 0 : i32
    %dma_wait3A_177 = arith.constant 0 : i32
    %dma_wait3A_178 = tpu.memref_slice %arg6[%dma_wait3A_176, %dma_wait3A_177] : memref<10000x128xf32, #tpu.memory_space<vmem_shared>> -> memref<10000x128xf32, #tpu.memory_space<vmem_shared>>
    tpu.wait_indirect_dma semaphore(%arg27 : memref<!tpu.dma_semaphore, #tpu.memory_space<semaphore_mem>>) src(%arg15 : memref<80x128xf32, #tpu.memory_space<vmem>>) dst(%dma_wait3A_178 : memref<10000x128xf32, #tpu.memory_space<vmem_shared>>)
    %barrier3A_179 = arith.constant 0 : index
    tpu.barrier barrier_id(%barrier3A_179)
    %add3A_180 = arith.constant 0 : i32
    %add3A_181 = arith.addi %arg1, %add3A_180 : i32
    %mul3A_182 = arith.constant 80 : i32
    %mul3A_183 = arith.muli %add3A_181, %mul3A_182 : i32
    %mul3A_184 = arith.constant 80 : i32
    %mul3A_185 = arith.muli %add3A_181, %mul3A_184 : i32
    "tpu.region"() ({
      %run_scoped3A = tpu.sem_alloc : memref<!tpu.dma_semaphore, #tpu.memory_space<semaphore_mem>>
      %dma_start3A_227 = arith.constant 0 : i32
      %dma_start3A_228 = tpu.memref_slice %arg5[%arg0, %mul3A_185, %dma_start3A_227] : memref<2x10000x128xf32, #tpu.memory_space<hbm>> -> memref<1x80x128xf32, #tpu.memory_space<hbm>>
      %dma_start3A_229 = tpu.memref_squeeze %dma_start3A_228 : memref<1x80x128xf32, #tpu.memory_space<hbm>> -> memref<80x128xf32, #tpu.memory_space<hbm>>
      %dma_start3A_230 = arith.constant 0 : i32
      %dma_start3A_231 = tpu.memref_slice %arg6[%mul3A_183, %dma_start3A_230] : memref<10000x128xf32, #tpu.memory_space<vmem_shared>> -> memref<80x128xf32, #tpu.memory_space<vmem_shared>>
      tpu.enqueue_dma source(%dma_start3A_231 : memref<80x128xf32, #tpu.memory_space<vmem_shared>>) target(%dma_start3A_229 : memref<80x128xf32, #tpu.memory_space<hbm>>) target_semaphore(%run_scoped3A : memref<!tpu.dma_semaphore, #tpu.memory_space<semaphore_mem>>)
      %dma_wait3A_232 = arith.constant 0 : i32
      %dma_wait3A_233 = tpu.memref_slice %arg5[%arg0, %mul3A_185, %dma_wait3A_232] : memref<2x10000x128xf32, #tpu.memory_space<hbm>> -> memref<1x80x128xf32, #tpu.memory_space<hbm>>
      %dma_wait3A_234 = tpu.memref_squeeze %dma_wait3A_233 : memref<1x80x128xf32, #tpu.memory_space<hbm>> -> memref<80x128xf32, #tpu.memory_space<hbm>>
      %dma_wait3A_235 = arith.constant 0 : i32
      %dma_wait3A_236 = tpu.memref_slice %arg6[%mul3A_183, %dma_wait3A_235] : memref<10000x128xf32, #tpu.memory_space<vmem_shared>> -> memref<80x128xf32, #tpu.memory_space<vmem_shared>>
      tpu.wait_dma2 semaphore(%run_scoped3A : memref<!tpu.dma_semaphore, #tpu.memory_space<semaphore_mem>>) src(%dma_wait3A_236 : memref<80x128xf32, #tpu.memory_space<vmem_shared>>) dst(%dma_wait3A_234 : memref<80x128xf32, #tpu.memory_space<hbm>>)
      tpu.yield
    }) : () -> ()
    %add3A_186 = arith.constant 16 : i32
    %add3A_187 = arith.addi %arg1, %add3A_186 : i32
    %mul3A_188 = arith.constant 80 : i32
    %mul3A_189 = arith.muli %add3A_187, %mul3A_188 : i32
    %mul3A_190 = arith.constant 80 : i32
    %mul3A_191 = arith.muli %add3A_187, %mul3A_190 : i32
    "tpu.region"() ({
      %run_scoped3A = tpu.sem_alloc : memref<!tpu.dma_semaphore, #tpu.memory_space<semaphore_mem>>
      %dma_start3A_227 = arith.constant 0 : i32
      %dma_start3A_228 = tpu.memref_slice %arg5[%arg0, %mul3A_191, %dma_start3A_227] : memref<2x10000x128xf32, #tpu.memory_space<hbm>> -> memref<1x80x128xf32, #tpu.memory_space<hbm>>
      %dma_start3A_229 = tpu.memref_squeeze %dma_start3A_228 : memref<1x80x128xf32, #tpu.memory_space<hbm>> -> memref<80x128xf32, #tpu.memory_space<hbm>>
      %dma_start3A_230 = arith.constant 0 : i32
      %dma_start3A_231 = tpu.memref_slice %arg6[%mul3A_189, %dma_start3A_230] : memref<10000x128xf32, #tpu.memory_space<vmem_shared>> -> memref<80x128xf32, #tpu.memory_space<vmem_shared>>
      tpu.enqueue_dma source(%dma_start3A_231 : memref<80x128xf32, #tpu.memory_space<vmem_shared>>) target(%dma_start3A_229 : memref<80x128xf32, #tpu.memory_space<hbm>>) target_semaphore(%run_scoped3A : memref<!tpu.dma_semaphore, #tpu.memory_space<semaphore_mem>>)
      %dma_wait3A_232 = arith.constant 0 : i32
      %dma_wait3A_233 = tpu.memref_slice %arg5[%arg0, %mul3A_191, %dma_wait3A_232] : memref<2x10000x128xf32, #tpu.memory_space<hbm>> -> memref<1x80x128xf32, #tpu.memory_space<hbm>>
      %dma_wait3A_234 = tpu.memref_squeeze %dma_wait3A_233 : memref<1x80x128xf32, #tpu.memory_space<hbm>> -> memref<80x128xf32, #tpu.memory_space<hbm>>
      %dma_wait3A_235 = arith.constant 0 : i32
      %dma_wait3A_236 = tpu.memref_slice %arg6[%mul3A_189, %dma_wait3A_235] : memref<10000x128xf32, #tpu.memory_space<vmem_shared>> -> memref<80x128xf32, #tpu.memory_space<vmem_shared>>
      tpu.wait_dma2 semaphore(%run_scoped3A : memref<!tpu.dma_semaphore, #tpu.memory_space<semaphore_mem>>) src(%dma_wait3A_236 : memref<80x128xf32, #tpu.memory_space<vmem_shared>>) dst(%dma_wait3A_234 : memref<80x128xf32, #tpu.memory_space<hbm>>)
      tpu.yield
    }) : () -> ()
    %add3A_192 = arith.constant 32 : i32
    %add3A_193 = arith.addi %arg1, %add3A_192 : i32
    %mul3A_194 = arith.constant 80 : i32
    %mul3A_195 = arith.muli %add3A_193, %mul3A_194 : i32
    %mul3A_196 = arith.constant 80 : i32
    %mul3A_197 = arith.muli %add3A_193, %mul3A_196 : i32
    "tpu.region"() ({
      %run_scoped3A = tpu.sem_alloc : memref<!tpu.dma_semaphore, #tpu.memory_space<semaphore_mem>>
      %dma_start3A_227 = arith.constant 0 : i32
      %dma_start3A_228 = tpu.memref_slice %arg5[%arg0, %mul3A_197, %dma_start3A_227] : memref<2x10000x128xf32, #tpu.memory_space<hbm>> -> memref<1x80x128xf32, #tpu.memory_space<hbm>>
      %dma_start3A_229 = tpu.memref_squeeze %dma_start3A_228 : memref<1x80x128xf32, #tpu.memory_space<hbm>> -> memref<80x128xf32, #tpu.memory_space<hbm>>
      %dma_start3A_230 = arith.constant 0 : i32
      %dma_start3A_231 = tpu.memref_slice %arg6[%mul3A_195, %dma_start3A_230] : memref<10000x128xf32, #tpu.memory_space<vmem_shared>> -> memref<80x128xf32, #tpu.memory_space<vmem_shared>>
      tpu.enqueue_dma source(%dma_start3A_231 : memref<80x128xf32, #tpu.memory_space<vmem_shared>>) target(%dma_start3A_229 : memref<80x128xf32, #tpu.memory_space<hbm>>) target_semaphore(%run_scoped3A : memref<!tpu.dma_semaphore, #tpu.memory_space<semaphore_mem>>)
      %dma_wait3A_232 = arith.constant 0 : i32
      %dma_wait3A_233 = tpu.memref_slice %arg5[%arg0, %mul3A_197, %dma_wait3A_232] : memref<2x10000x128xf32, #tpu.memory_space<hbm>> -> memref<1x80x128xf32, #tpu.memory_space<hbm>>
      %dma_wait3A_234 = tpu.memref_squeeze %dma_wait3A_233 : memref<1x80x128xf32, #tpu.memory_space<hbm>> -> memref<80x128xf32, #tpu.memory_space<hbm>>
      %dma_wait3A_235 = arith.constant 0 : i32
      %dma_wait3A_236 = tpu.memref_slice %arg6[%mul3A_195, %dma_wait3A_235] : memref<10000x128xf32, #tpu.memory_space<vmem_shared>> -> memref<80x128xf32, #tpu.memory_space<vmem_shared>>
      tpu.wait_dma2 semaphore(%run_scoped3A : memref<!tpu.dma_semaphore, #tpu.memory_space<semaphore_mem>>) src(%dma_wait3A_236 : memref<80x128xf32, #tpu.memory_space<vmem_shared>>) dst(%dma_wait3A_234 : memref<80x128xf32, #tpu.memory_space<hbm>>)
      tpu.yield
    }) : () -> ()
    %add3A_198 = arith.constant 48 : i32
    %add3A_199 = arith.addi %arg1, %add3A_198 : i32
    %mul3A_200 = arith.constant 80 : i32
    %mul3A_201 = arith.muli %add3A_199, %mul3A_200 : i32
    %mul3A_202 = arith.constant 80 : i32
    %mul3A_203 = arith.muli %add3A_199, %mul3A_202 : i32
    "tpu.region"() ({
      %run_scoped3A = tpu.sem_alloc : memref<!tpu.dma_semaphore, #tpu.memory_space<semaphore_mem>>
      %dma_start3A_227 = arith.constant 0 : i32
      %dma_start3A_228 = tpu.memref_slice %arg5[%arg0, %mul3A_203, %dma_start3A_227] : memref<2x10000x128xf32, #tpu.memory_space<hbm>> -> memref<1x80x128xf32, #tpu.memory_space<hbm>>
      %dma_start3A_229 = tpu.memref_squeeze %dma_start3A_228 : memref<1x80x128xf32, #tpu.memory_space<hbm>> -> memref<80x128xf32, #tpu.memory_space<hbm>>
      %dma_start3A_230 = arith.constant 0 : i32
      %dma_start3A_231 = tpu.memref_slice %arg6[%mul3A_201, %dma_start3A_230] : memref<10000x128xf32, #tpu.memory_space<vmem_shared>> -> memref<80x128xf32, #tpu.memory_space<vmem_shared>>
      tpu.enqueue_dma source(%dma_start3A_231 : memref<80x128xf32, #tpu.memory_space<vmem_shared>>) target(%dma_start3A_229 : memref<80x128xf32, #tpu.memory_space<hbm>>) target_semaphore(%run_scoped3A : memref<!tpu.dma_semaphore, #tpu.memory_space<semaphore_mem>>)
      %dma_wait3A_232 = arith.constant 0 : i32
      %dma_wait3A_233 = tpu.memref_slice %arg5[%arg0, %mul3A_203, %dma_wait3A_232] : memref<2x10000x128xf32, #tpu.memory_space<hbm>> -> memref<1x80x128xf32, #tpu.memory_space<hbm>>
      %dma_wait3A_234 = tpu.memref_squeeze %dma_wait3A_233 : memref<1x80x128xf32, #tpu.memory_space<hbm>> -> memref<80x128xf32, #tpu.memory_space<hbm>>
      %dma_wait3A_235 = arith.constant 0 : i32
      %dma_wait3A_236 = tpu.memref_slice %arg6[%mul3A_201, %dma_wait3A_235] : memref<10000x128xf32, #tpu.memory_space<vmem_shared>> -> memref<80x128xf32, #tpu.memory_space<vmem_shared>>
      tpu.wait_dma2 semaphore(%run_scoped3A : memref<!tpu.dma_semaphore, #tpu.memory_space<semaphore_mem>>) src(%dma_wait3A_236 : memref<80x128xf32, #tpu.memory_space<vmem_shared>>) dst(%dma_wait3A_234 : memref<80x128xf32, #tpu.memory_space<hbm>>)
      tpu.yield
    }) : () -> ()
    %add3A_204 = arith.constant 64 : i32
    %add3A_205 = arith.addi %arg1, %add3A_204 : i32
    %mul3A_206 = arith.constant 80 : i32
    %mul3A_207 = arith.muli %add3A_205, %mul3A_206 : i32
    %mul3A_208 = arith.constant 80 : i32
    %mul3A_209 = arith.muli %add3A_205, %mul3A_208 : i32
    "tpu.region"() ({
      %run_scoped3A = tpu.sem_alloc : memref<!tpu.dma_semaphore, #tpu.memory_space<semaphore_mem>>
      %dma_start3A_227 = arith.constant 0 : i32
      %dma_start3A_228 = tpu.memref_slice %arg5[%arg0, %mul3A_209, %dma_start3A_227] : memref<2x10000x128xf32, #tpu.memory_space<hbm>> -> memref<1x80x128xf32, #tpu.memory_space<hbm>>
      %dma_start3A_229 = tpu.memref_squeeze %dma_start3A_228 : memref<1x80x128xf32, #tpu.memory_space<hbm>> -> memref<80x128xf32, #tpu.memory_space<hbm>>
      %dma_start3A_230 = arith.constant 0 : i32
      %dma_start3A_231 = tpu.memref_slice %arg6[%mul3A_207, %dma_start3A_230] : memref<10000x128xf32, #tpu.memory_space<vmem_shared>> -> memref<80x128xf32, #tpu.memory_space<vmem_shared>>
      tpu.enqueue_dma source(%dma_start3A_231 : memref<80x128xf32, #tpu.memory_space<vmem_shared>>) target(%dma_start3A_229 : memref<80x128xf32, #tpu.memory_space<hbm>>) target_semaphore(%run_scoped3A : memref<!tpu.dma_semaphore, #tpu.memory_space<semaphore_mem>>)
      %dma_wait3A_232 = arith.constant 0 : i32
      %dma_wait3A_233 = tpu.memref_slice %arg5[%arg0, %mul3A_209, %dma_wait3A_232] : memref<2x10000x128xf32, #tpu.memory_space<hbm>> -> memref<1x80x128xf32, #tpu.memory_space<hbm>>
      %dma_wait3A_234 = tpu.memref_squeeze %dma_wait3A_233 : memref<1x80x128xf32, #tpu.memory_space<hbm>> -> memref<80x128xf32, #tpu.memory_space<hbm>>
      %dma_wait3A_235 = arith.constant 0 : i32
      %dma_wait3A_236 = tpu.memref_slice %arg6[%mul3A_207, %dma_wait3A_235] : memref<10000x128xf32, #tpu.memory_space<vmem_shared>> -> memref<80x128xf32, #tpu.memory_space<vmem_shared>>
      tpu.wait_dma2 semaphore(%run_scoped3A : memref<!tpu.dma_semaphore, #tpu.memory_space<semaphore_mem>>) src(%dma_wait3A_236 : memref<80x128xf32, #tpu.memory_space<vmem_shared>>) dst(%dma_wait3A_234 : memref<80x128xf32, #tpu.memory_space<hbm>>)
      tpu.yield
    }) : () -> ()
    %add3A_210 = arith.constant 80 : i32
    %add3A_211 = arith.addi %arg1, %add3A_210 : i32
    %mul3A_212 = arith.constant 80 : i32
    %mul3A_213 = arith.muli %add3A_211, %mul3A_212 : i32
    %mul3A_214 = arith.constant 80 : i32
    %mul3A_215 = arith.muli %add3A_211, %mul3A_214 : i32
    "tpu.region"() ({
      %run_scoped3A = tpu.sem_alloc : memref<!tpu.dma_semaphore, #tpu.memory_space<semaphore_mem>>
      %dma_start3A_227 = arith.constant 0 : i32
      %dma_start3A_228 = tpu.memref_slice %arg5[%arg0, %mul3A_215, %dma_start3A_227] : memref<2x10000x128xf32, #tpu.memory_space<hbm>> -> memref<1x80x128xf32, #tpu.memory_space<hbm>>
      %dma_start3A_229 = tpu.memref_squeeze %dma_start3A_228 : memref<1x80x128xf32, #tpu.memory_space<hbm>> -> memref<80x128xf32, #tpu.memory_space<hbm>>
      %dma_start3A_230 = arith.constant 0 : i32
      %dma_start3A_231 = tpu.memref_slice %arg6[%mul3A_213, %dma_start3A_230] : memref<10000x128xf32, #tpu.memory_space<vmem_shared>> -> memref<80x128xf32, #tpu.memory_space<vmem_shared>>
      tpu.enqueue_dma source(%dma_start3A_231 : memref<80x128xf32, #tpu.memory_space<vmem_shared>>) target(%dma_start3A_229 : memref<80x128xf32, #tpu.memory_space<hbm>>) target_semaphore(%run_scoped3A : memref<!tpu.dma_semaphore, #tpu.memory_space<semaphore_mem>>)
      %dma_wait3A_232 = arith.constant 0 : i32
      %dma_wait3A_233 = tpu.memref_slice %arg5[%arg0, %mul3A_215, %dma_wait3A_232] : memref<2x10000x128xf32, #tpu.memory_space<hbm>> -> memref<1x80x128xf32, #tpu.memory_space<hbm>>
      %dma_wait3A_234 = tpu.memref_squeeze %dma_wait3A_233 : memref<1x80x128xf32, #tpu.memory_space<hbm>> -> memref<80x128xf32, #tpu.memory_space<hbm>>
      %dma_wait3A_235 = arith.constant 0 : i32
      %dma_wait3A_236 = tpu.memref_slice %arg6[%mul3A_213, %dma_wait3A_235] : memref<10000x128xf32, #tpu.memory_space<vmem_shared>> -> memref<80x128xf32, #tpu.memory_space<vmem_shared>>
      tpu.wait_dma2 semaphore(%run_scoped3A : memref<!tpu.dma_semaphore, #tpu.memory_space<semaphore_mem>>) src(%dma_wait3A_236 : memref<80x128xf32, #tpu.memory_space<vmem_shared>>) dst(%dma_wait3A_234 : memref<80x128xf32, #tpu.memory_space<hbm>>)
      tpu.yield
    }) : () -> ()
    %add3A_216 = arith.constant 96 : i32
    %add3A_217 = arith.addi %arg1, %add3A_216 : i32
    %mul3A_218 = arith.constant 80 : i32
    %mul3A_219 = arith.muli %add3A_217, %mul3A_218 : i32
    %mul3A_220 = arith.constant 80 : i32
    %mul3A_221 = arith.muli %add3A_217, %mul3A_220 : i32
    "tpu.region"() ({
      %run_scoped3A = tpu.sem_alloc : memref<!tpu.dma_semaphore, #tpu.memory_space<semaphore_mem>>
      %dma_start3A_227 = arith.constant 0 : i32
      %dma_start3A_228 = tpu.memref_slice %arg5[%arg0, %mul3A_221, %dma_start3A_227] : memref<2x10000x128xf32, #tpu.memory_space<hbm>> -> memref<1x80x128xf32, #tpu.memory_space<hbm>>
      %dma_start3A_229 = tpu.memref_squeeze %dma_start3A_228 : memref<1x80x128xf32, #tpu.memory_space<hbm>> -> memref<80x128xf32, #tpu.memory_space<hbm>>
      %dma_start3A_230 = arith.constant 0 : i32
      %dma_start3A_231 = tpu.memref_slice %arg6[%mul3A_219, %dma_start3A_230] : memref<10000x128xf32, #tpu.memory_space<vmem_shared>> -> memref<80x128xf32, #tpu.memory_space<vmem_shared>>
      tpu.enqueue_dma source(%dma_start3A_231 : memref<80x128xf32, #tpu.memory_space<vmem_shared>>) target(%dma_start3A_229 : memref<80x128xf32, #tpu.memory_space<hbm>>) target_semaphore(%run_scoped3A : memref<!tpu.dma_semaphore, #tpu.memory_space<semaphore_mem>>)
      %dma_wait3A_232 = arith.constant 0 : i32
      %dma_wait3A_233 = tpu.memref_slice %arg5[%arg0, %mul3A_221, %dma_wait3A_232] : memref<2x10000x128xf32, #tpu.memory_space<hbm>> -> memref<1x80x128xf32, #tpu.memory_space<hbm>>
      %dma_wait3A_234 = tpu.memref_squeeze %dma_wait3A_233 : memref<1x80x128xf32, #tpu.memory_space<hbm>> -> memref<80x128xf32, #tpu.memory_space<hbm>>
      %dma_wait3A_235 = arith.constant 0 : i32
      %dma_wait3A_236 = tpu.memref_slice %arg6[%mul3A_219, %dma_wait3A_235] : memref<10000x128xf32, #tpu.memory_space<vmem_shared>> -> memref<80x128xf32, #tpu.memory_space<vmem_shared>>
      tpu.wait_dma2 semaphore(%run_scoped3A : memref<!tpu.dma_semaphore, #tpu.memory_space<semaphore_mem>>) src(%dma_wait3A_236 : memref<80x128xf32, #tpu.memory_space<vmem_shared>>) dst(%dma_wait3A_234 : memref<80x128xf32, #tpu.memory_space<hbm>>)
      tpu.yield
    }) : () -> ()
    %lt3A_222 = arith.constant 13 : i32
    %lt3A_223 = arith.cmpi slt, %arg1, %lt3A_222 : i32
    %convert_element_type3A_224 = arith.extui %lt3A_223 : i1 to i32
    %cond3A_225 = arith.constant 0 : i32
    %cond3A_226 = arith.cmpi ne, %convert_element_type3A_224, %cond3A_225 : i32
    scf.if %cond3A_226 {
      %add3A_227 = arith.constant 112 : i32
      %add3A_228 = arith.addi %arg1, %add3A_227 : i32
      %mul3A_229 = arith.constant 80 : i32
      %mul3A_230 = arith.muli %add3A_228, %mul3A_229 : i32
      %mul3A_231 = arith.constant 80 : i32
      %mul3A_232 = arith.muli %add3A_228, %mul3A_231 : i32
      "tpu.region"() ({
        %run_scoped3A = tpu.sem_alloc : memref<!tpu.dma_semaphore, #tpu.memory_space<semaphore_mem>>
        %dma_start3A_233 = arith.constant 0 : i32
        %dma_start3A_234 = tpu.memref_slice %arg5[%arg0, %mul3A_232, %dma_start3A_233] : memref<2x10000x128xf32, #tpu.memory_space<hbm>> -> memref<1x80x128xf32, #tpu.memory_space<hbm>>
        %dma_start3A_235 = tpu.memref_squeeze %dma_start3A_234 : memref<1x80x128xf32, #tpu.memory_space<hbm>> -> memref<80x128xf32, #tpu.memory_space<hbm>>
        %dma_start3A_236 = arith.constant 0 : i32
        %dma_start3A_237 = tpu.memref_slice %arg6[%mul3A_230, %dma_start3A_236] : memref<10000x128xf32, #tpu.memory_space<vmem_shared>> -> memref<80x128xf32, #tpu.memory_space<vmem_shared>>
        tpu.enqueue_dma source(%dma_start3A_237 : memref<80x128xf32, #tpu.memory_space<vmem_shared>>) target(%dma_start3A_235 : memref<80x128xf32, #tpu.memory_space<hbm>>) target_semaphore(%run_scoped3A : memref<!tpu.dma_semaphore, #tpu.memory_space<semaphore_mem>>)
        %dma_wait3A_238 = arith.constant 0 : i32
        %dma_wait3A_239 = tpu.memref_slice %arg5[%arg0, %mul3A_232, %dma_wait3A_238] : memref<2x10000x128xf32, #tpu.memory_space<hbm>> -> memref<1x80x128xf32, #tpu.memory_space<hbm>>
        %dma_wait3A_240 = tpu.memref_squeeze %dma_wait3A_239 : memref<1x80x128xf32, #tpu.memory_space<hbm>> -> memref<80x128xf32, #tpu.memory_space<hbm>>
        %dma_wait3A_241 = arith.constant 0 : i32
        %dma_wait3A_242 = tpu.memref_slice %arg6[%mul3A_230, %dma_wait3A_241] : memref<10000x128xf32, #tpu.memory_space<vmem_shared>> -> memref<80x128xf32, #tpu.memory_space<vmem_shared>>
        tpu.wait_dma2 semaphore(%run_scoped3A : memref<!tpu.dma_semaphore, #tpu.memory_space<semaphore_mem>>) src(%dma_wait3A_242 : memref<80x128xf32, #tpu.memory_space<vmem_shared>>) dst(%dma_wait3A_240 : memref<80x128xf32, #tpu.memory_space<hbm>>)
        tpu.yield
      }) : () -> ()
    } else {
    }
    return
  }
}

module attributes {stable_mosaic.version = 14 : i64} {
  func.func @_tc1_body(%arg0: memref<2x512x5000xf32, #tpu.memory_space<vmem>>, %arg1: memref<10000x128xf32, #tpu.memory_space<vmem>>, %arg2: memref<128x128xf32, #tpu.memory_space<vmem>>, %arg3: memref<10000x128xf32, #tpu.memory_space<vmem>>, %arg4: memref<10000x1xf32, #tpu.memory_space<vmem>>) attributes {dimension_semantics = [], scalar_prefetch = 0 : i64, scratch_operands = 0 : i64, tpu.core_type = #tpu.core_type<tc>} {
    %broadcast_in_dim3A = arith.constant 1.000000e+00 : f32
    %broadcast_in_dim3A_0 = vector.broadcast %broadcast_in_dim3A : f32 to vector<512x1xf32>
    %get3A = arith.constant 0 : index
    %get3A_1 = arith.constant 0 : index
    %get3A_2 = arith.constant 0 : index
    %get3A_3 = vector.load %arg0[%get3A, %get3A_1, %get3A_2] : memref<2x512x5000xf32, #tpu.memory_space<vmem>>, vector<1x512x5000xf32>
    %get3A_4 = vector.shape_cast %get3A_3 : vector<1x512x5000xf32> to vector<512x5000xf32>
    %dot_general3A = arith.constant dense<0.000000e+00> : vector<5000x1xf32>
    %dot_general3A_5 = tpu.matmul %get3A_4, %broadcast_in_dim3A_0, %dot_general3A {dimension_numbers = #tpu.dot_dimension_numbers<[0], [0], [1], [1], [0, 1, 1, 1], [], []>, transpose_lhs_hint = false} : vector<512x5000xf32>, vector<512x1xf32>, vector<5000x1xf32> -> vector<5000x1xf32>
    %get3A_6 = arith.constant 1 : index
    %get3A_7 = arith.constant 0 : index
    %get3A_8 = arith.constant 0 : index
    %get3A_9 = vector.load %arg0[%get3A_6, %get3A_7, %get3A_8] : memref<2x512x5000xf32, #tpu.memory_space<vmem>>, vector<1x512x5000xf32>
    %get3A_10 = vector.shape_cast %get3A_9 : vector<1x512x5000xf32> to vector<512x5000xf32>
    %dot_general3A_11 = arith.constant dense<0.000000e+00> : vector<5000x1xf32>
    %dot_general3A_12 = tpu.matmul %get3A_10, %broadcast_in_dim3A_0, %dot_general3A_11 {dimension_numbers = #tpu.dot_dimension_numbers<[0], [0], [1], [1], [0, 1, 1, 1], [], []>, transpose_lhs_hint = false} : vector<512x5000xf32>, vector<512x1xf32>, vector<5000x1xf32> -> vector<5000x1xf32>
    %concatenate3A = tpu.concatenate %dot_general3A_5, %dot_general3A_12 in 0 : vector<5000x1xf32>, vector<5000x1xf32> -> vector<10000x1xf32>
    %add3A = arith.constant 1.000000e+00 : f32
    %add3A_13 = vector.broadcast %add3A : f32 to vector<10000x1xf32>
    %add3A_14 = arith.addf %concatenate3A, %add3A_13 : vector<10000x1xf32>
    %rsqrt3A = math.rsqrt %add3A_14 : vector<10000x1xf32>
    %get3A_15 = arith.constant 0 : index
    %get3A_16 = arith.constant 0 : index
    %get3A_17 = vector.load %arg1[%get3A_15, %get3A_16] : memref<10000x128xf32, #tpu.memory_space<vmem>>, vector<10000x128xf32>
    %get3A_18 = arith.constant 0 : index
    %get3A_19 = arith.constant 0 : index
    %get3A_20 = vector.load %arg2[%get3A_18, %get3A_19] : memref<128x128xf32, #tpu.memory_space<vmem>>, vector<128x128xf32>
    %dot_general3A_21 = arith.constant dense<0.000000e+00> : vector<10000x128xf32>
    %dot_general3A_22 = tpu.matmul %get3A_17, %get3A_20, %dot_general3A_21 {dimension_numbers = #tpu.dot_dimension_numbers<[1], [0], [0], [1], [0, 0, 1, 1], [], []>, transpose_lhs_hint = false} : vector<10000x128xf32>, vector<128x128xf32>, vector<10000x128xf32> -> vector<10000x128xf32>
    %mul3A = vector.broadcast %rsqrt3A : vector<10000x1xf32> to vector<10000x128xf32>
    %mul3A_23 = arith.mulf %dot_general3A_22, %mul3A : vector<10000x128xf32>
    %swap3A = arith.constant 0 : index
    %swap3A_24 = arith.constant 0 : index
    %swap3A_25 = vector.load %arg3[%swap3A, %swap3A_24] : memref<10000x128xf32, #tpu.memory_space<vmem>>, vector<10000x128xf32>
    tpu.vector_store %arg3[%swap3A, %swap3A_24], %mul3A_23 {strides = array<i32>} : memref<10000x128xf32, #tpu.memory_space<vmem>>, vector<10000x128xf32>,
    %swap3A_26 = arith.constant 0 : index
    %swap3A_27 = arith.constant 0 : index
    %swap3A_28 = vector.load %arg4[%swap3A_26, %swap3A_27] : memref<10000x1xf32, #tpu.memory_space<vmem>>, vector<10000x1xf32>
    tpu.vector_store %arg4[%swap3A_26, %swap3A_27], %rsqrt3A {strides = array<i32>} : memref<10000x1xf32, #tpu.memory_space<vmem>>, vector<10000x1xf32>,
    return
  }
}

module attributes {stable_mosaic.version = 14 : i64} {
  func.func @_tc2_body(%arg0: memref<2x10000x128xf32, #tpu.memory_space<vmem>>, %arg1: memref<10000x128xf32, #tpu.memory_space<vmem>>, %arg2: memref<10000x1xf32, #tpu.memory_space<vmem>>, %arg3: memref<1x128xf32, #tpu.memory_space<vmem>>, %arg4: memref<128x128xf32, #tpu.memory_space<vmem>>, %arg5: memref<10000x128xf32, #tpu.memory_space<vmem>>) attributes {dimension_semantics = [], scalar_prefetch = 0 : i64, scratch_operands = 0 : i64, tpu.core_type = #tpu.core_type<tc>} {
    %get3A = arith.constant 0 : index
    %get3A_0 = arith.constant 0 : index
    %get3A_1 = vector.load %arg2[%get3A, %get3A_0] : memref<10000x1xf32, #tpu.memory_space<vmem>>, vector<10000x1xf32>
    %get3A_2 = arith.constant 0 : index
    %get3A_3 = arith.constant 0 : index
    %get3A_4 = arith.constant 0 : index
    %get3A_5 = vector.load %arg0[%get3A_2, %get3A_3, %get3A_4] : memref<2x10000x128xf32, #tpu.memory_space<vmem>>, vector<1x10000x128xf32>
    %get3A_6 = vector.shape_cast %get3A_5 : vector<1x10000x128xf32> to vector<10000x128xf32>
    %get3A_7 = arith.constant 1 : index
    %get3A_8 = arith.constant 0 : index
    %get3A_9 = arith.constant 0 : index
    %get3A_10 = vector.load %arg0[%get3A_7, %get3A_8, %get3A_9] : memref<2x10000x128xf32, #tpu.memory_space<vmem>>, vector<1x10000x128xf32>
    %get3A_11 = vector.shape_cast %get3A_10 : vector<1x10000x128xf32> to vector<10000x128xf32>
    %add3A = arith.addf %get3A_6, %get3A_11 : vector<10000x128xf32>
    %get3A_12 = arith.constant 0 : index
    %get3A_13 = arith.constant 0 : index
    %get3A_14 = vector.load %arg1[%get3A_12, %get3A_13] : memref<10000x128xf32, #tpu.memory_space<vmem>>, vector<10000x128xf32>
    %add3A_15 = arith.addf %add3A, %get3A_14 : vector<10000x128xf32>
    %mul3A = vector.broadcast %get3A_1 : vector<10000x1xf32> to vector<10000x128xf32>
    %mul3A_16 = arith.mulf %mul3A, %add3A_15 : vector<10000x128xf32>
    %get3A_17 = arith.constant 0 : index
    %get3A_18 = arith.constant 0 : index
    %get3A_19 = vector.load %arg3[%get3A_17, %get3A_18] : memref<1x128xf32, #tpu.memory_space<vmem>>, vector<1x128xf32>
    %add3A_20 = vector.broadcast %get3A_19 : vector<1x128xf32> to vector<10000x128xf32>
    %add3A_21 = arith.addf %mul3A_16, %add3A_20 : vector<10000x128xf32>
    %max3A = arith.constant 0.000000e+00 : f32
    %max3A_22 = vector.broadcast %max3A : f32 to vector<10000x128xf32>
    %max3A_23 = arith.maximumf %add3A_21, %max3A_22 : vector<10000x128xf32>
    %get3A_24 = arith.constant 0 : index
    %get3A_25 = arith.constant 0 : index
    %get3A_26 = vector.load %arg4[%get3A_24, %get3A_25] : memref<128x128xf32, #tpu.memory_space<vmem>>, vector<128x128xf32>
    %dot_general3A = arith.constant dense<0.000000e+00> : vector<10000x128xf32>
    %dot_general3A_27 = tpu.matmul %max3A_23, %get3A_26, %dot_general3A {dimension_numbers = #tpu.dot_dimension_numbers<[1], [0], [0], [1], [0, 0, 1, 1], [], []>, transpose_lhs_hint = false} : vector<10000x128xf32>, vector<128x128xf32>, vector<10000x128xf32> -> vector<10000x128xf32>
    %mul3A_28 = vector.broadcast %get3A_1 : vector<10000x1xf32> to vector<10000x128xf32>
    %mul3A_29 = arith.mulf %dot_general3A_27, %mul3A_28 : vector<10000x128xf32>
    %swap3A = arith.constant 0 : index
    %swap3A_30 = arith.constant 0 : index
    %swap3A_31 = vector.load %arg5[%swap3A, %swap3A_30] : memref<10000x128xf32, #tpu.memory_space<vmem>>, vector<10000x128xf32>
    tpu.vector_store %arg5[%swap3A, %swap3A_30], %mul3A_29 {strides = array<i32>} : memref<10000x128xf32, #tpu.memory_space<vmem>>, vector<10000x128xf32>,
    return
  }
}

module attributes {stable_mosaic.version = 14 : i64} {
  func.func @_tc3_body(%arg0: memref<2x10000x128xf32, #tpu.memory_space<vmem>>, %arg1: memref<10000x128xf32, #tpu.memory_space<vmem>>, %arg2: memref<10000x1xf32, #tpu.memory_space<vmem>>, %arg3: memref<1x128xf32, #tpu.memory_space<vmem>>, %arg4: memref<10000x1xi32, #tpu.memory_space<vmem>>, %arg5: memref<128x16xf32, #tpu.memory_space<vmem>>, %arg6: memref<1x16xf32, #tpu.memory_space<vmem>>, %arg7: memref<128x16xf32, #tpu.memory_space<vmem>>) attributes {dimension_semantics = [], scalar_prefetch = 0 : i64, scratch_operands = 0 : i64, tpu.core_type = #tpu.core_type<tc>} {
    %get3A = arith.constant 0 : index
    %get3A_0 = arith.constant 0 : index
    %get3A_1 = vector.load %arg2[%get3A, %get3A_0] : memref<10000x1xf32, #tpu.memory_space<vmem>>, vector<10000x1xf32>
    %get3A_2 = arith.constant 0 : index
    %get3A_3 = arith.constant 0 : index
    %get3A_4 = arith.constant 0 : index
    %get3A_5 = vector.load %arg0[%get3A_2, %get3A_3, %get3A_4] : memref<2x10000x128xf32, #tpu.memory_space<vmem>>, vector<1x10000x128xf32>
    %get3A_6 = vector.shape_cast %get3A_5 : vector<1x10000x128xf32> to vector<10000x128xf32>
    %get3A_7 = arith.constant 1 : index
    %get3A_8 = arith.constant 0 : index
    %get3A_9 = arith.constant 0 : index
    %get3A_10 = vector.load %arg0[%get3A_7, %get3A_8, %get3A_9] : memref<2x10000x128xf32, #tpu.memory_space<vmem>>, vector<1x10000x128xf32>
    %get3A_11 = vector.shape_cast %get3A_10 : vector<1x10000x128xf32> to vector<10000x128xf32>
    %add3A = arith.addf %get3A_6, %get3A_11 : vector<10000x128xf32>
    %get3A_12 = arith.constant 0 : index
    %get3A_13 = arith.constant 0 : index
    %get3A_14 = vector.load %arg1[%get3A_12, %get3A_13] : memref<10000x128xf32, #tpu.memory_space<vmem>>, vector<10000x128xf32>
    %add3A_15 = arith.addf %add3A, %get3A_14 : vector<10000x128xf32>
    %mul3A = vector.broadcast %get3A_1 : vector<10000x1xf32> to vector<10000x128xf32>
    %mul3A_16 = arith.mulf %mul3A, %add3A_15 : vector<10000x128xf32>
    %get3A_17 = arith.constant 0 : index
    %get3A_18 = arith.constant 0 : index
    %get3A_19 = vector.load %arg3[%get3A_17, %get3A_18] : memref<1x128xf32, #tpu.memory_space<vmem>>, vector<1x128xf32>
    %add3A_20 = vector.broadcast %get3A_19 : vector<1x128xf32> to vector<10000x128xf32>
    %add3A_21 = arith.addf %mul3A_16, %add3A_20 : vector<10000x128xf32>
    %max3A = arith.constant 0.000000e+00 : f32
    %max3A_22 = vector.broadcast %max3A : f32 to vector<10000x128xf32>
    %max3A_23 = arith.maximumf %add3A_21, %max3A_22 : vector<10000x128xf32>
    %iota3A = tpu.iota {dimensions = array<i32: 1>} : vector<10000x128xi32>
    %get3A_24 = arith.constant 0 : index
    %get3A_25 = arith.constant 0 : index
    %get3A_26 = vector.load %arg4[%get3A_24, %get3A_25] : memref<10000x1xi32, #tpu.memory_space<vmem>>, vector<10000x1xi32>
    %eq3A = vector.broadcast %get3A_26 : vector<10000x1xi32> to vector<10000x128xi32>
    %eq3A_27 = arith.cmpi eq, %eq3A, %iota3A : vector<10000x128xi32>
    %convert_element_type3A = arith.extui %eq3A_27 : vector<10000x128xi1> to vector<10000x128xi32>
    %convert_element_type3A_28 = arith.sitofp %convert_element_type3A : vector<10000x128xi32> to vector<10000x128xf32>
    %dot_general3A = arith.constant dense<0.000000e+00> : vector<128x128xf32>
    %dot_general3A_29 = tpu.matmul %convert_element_type3A_28, %max3A_23, %dot_general3A {dimension_numbers = #tpu.dot_dimension_numbers<[0], [0], [1], [1], [0, 1, 1, 1], [], []>, transpose_lhs_hint = false} : vector<10000x128xf32>, vector<10000x128xf32>, vector<128x128xf32> -> vector<128x128xf32>
    %broadcast_in_dim3A = arith.constant 1.000000e+00 : f32
    %broadcast_in_dim3A_30 = vector.broadcast %broadcast_in_dim3A : f32 to vector<10000x1xf32>
    %dot_general3A_31 = arith.constant dense<0.000000e+00> : vector<128x1xf32>
    %dot_general3A_32 = tpu.matmul %convert_element_type3A_28, %broadcast_in_dim3A_30, %dot_general3A_31 {dimension_numbers = #tpu.dot_dimension_numbers<[0], [0], [1], [1], [0, 1, 1, 1], [], []>, transpose_lhs_hint = false} : vector<10000x128xf32>, vector<10000x1xf32>, vector<128x1xf32> -> vector<128x1xf32>
    %max3A_33 = arith.constant 1.000000e+00 : f32
    %max3A_34 = vector.broadcast %max3A_33 : f32 to vector<128x1xf32>
    %max3A_35 = arith.maximumf %dot_general3A_32, %max3A_34 : vector<128x1xf32>
    %div3A = vector.broadcast %max3A_35 : vector<128x1xf32> to vector<128x128xf32>
    %div3A_36 = arith.divf %dot_general3A_29, %div3A : vector<128x128xf32>
    %get3A_37 = arith.constant 0 : index
    %get3A_38 = arith.constant 0 : index
    %get3A_39 = vector.load %arg5[%get3A_37, %get3A_38] : memref<128x16xf32, #tpu.memory_space<vmem>>, vector<128x16xf32>
    %dot_general3A_40 = arith.constant dense<0.000000e+00> : vector<128x16xf32>
    %dot_general3A_41 = tpu.matmul %div3A_36, %get3A_39, %dot_general3A_40 {dimension_numbers = #tpu.dot_dimension_numbers<[1], [0], [0], [1], [0, 0, 1, 1], [], []>, transpose_lhs_hint = false} : vector<128x128xf32>, vector<128x16xf32>, vector<128x16xf32> -> vector<128x16xf32>
    %get3A_42 = arith.constant 0 : index
    %get3A_43 = arith.constant 0 : index
    %get3A_44 = vector.load %arg6[%get3A_42, %get3A_43] : memref<1x16xf32, #tpu.memory_space<vmem>>, vector<1x16xf32>
    %add3A_45 = vector.broadcast %get3A_44 : vector<1x16xf32> to vector<128x16xf32>
    %add3A_46 = arith.addf %dot_general3A_41, %add3A_45 : vector<128x16xf32>
    %swap3A = arith.constant 0 : index
    %swap3A_47 = arith.constant 0 : index
    %swap3A_48 = vector.load %arg7[%swap3A, %swap3A_47] : memref<128x16xf32, #tpu.memory_space<vmem>>, vector<128x16xf32>
    tpu.vector_store %arg7[%swap3A, %swap3A_47], %add3A_46 {strides = array<i32>} : memref<128x16xf32, #tpu.memory_space<vmem>>, vector<128x16xf32>,
    return
  }
}

</mosaic_0001>

<sc_bundles>
// kernel: kernel.11.cloned.1.call-start
scs
__scs_entry_jumppad:
0x0: {  	(pc) =	sbr.rel $0x88, $3  }
0x1: {  	(tag) =	ssettag $0x0;
	lr =	simm.s32 $0x1  }
0x2: {  	[smem:$0x3F97] =	sst lr;
	_ =	strace $0xD0000000  }
0x3: {  	_ = 	snop  }
0x4: {  	_ = 	snop  }
0x5: {  	_ = 	snop  }
0x6: {  	_ = 	snop  }
0x7: {  	_ = 	snop  }
__scs_overlays_trampoline_lowered:
0x8: {  	[smem:$0x3FA6] =	sst s0  }
0x9: {  	[smem:$0x3FA7] =	sst s1  }
0xa: {  	[smem:$0x3FA8] =	sst s2  }
0xb: {  	[smem:$0x3FA9] =	sst s3  }
0xc: {  	[smem:$0x3FAA] =	sst s4  }
0xd: {  	[smem:$0x3FAB] =	sst s5  }
0xe: {  	[smem:$0x3FAC] =	sst s6  }
0xf: {  	[smem:$0x3FAD] =	sst s7  }
0x10: {  	[smem:$0x3FAE] =	sst s8  }
0x11: {  	[smem:$0x3FAF] =	sst s9;
	s0 =	simm.s32 @!p0 $0x0  }
0x12: {  	s1 =	sld [smem:$0x3F95];
	s0 =	simm.s32 @p0 $0x1  }
0x13: {  	[smem:$0x3FB0] =	sst s0;
	s0 =	simm.s32 @!p1 $0x0  }
0x14: {  	s2 =	sld [smem:$0x3F94];
	s0 =	simm.s32 @p1 $0x1  }
0x15: {  	[smem:$0x3FB1] =	sst s0;
	s0 =	simm.s32 @!p2 $0x0  }
0x16: {  	s3 =	sld [smem:$0x3FDB];
	s0 =	simm.s32 @p2 $0x1  }
0x17: {  	s4 =	simm.s32 $0x1BF5;
	[smem:$0x3FB3] =	sst s0  }
0x18: {  	s0 =	sld [smem:$0x3F96];
	_ =	swait.ge [sflag:s4], $0x0  }
0x19: {  	s7 =	sld [smem:$0x3F97]  }
0x1a: {  	s8 =	sadd.s32 $0xFFFFE003, lr  }
0x1b: {  	s9 =	sadd.s32 $0xFFFFFEF7, lr;
	s5 =	simm.s32 $0xFFFFFFFF;
	p2 =	slt.u32 s8, $0xFFFFF086  }
0x1c: {  	p1 =	slt.u32 s9, $0xF7A;
	s5 =	simm.s32 @!p2 $0x0  }
0x1d: {  	s5 =	simm.s32 @p1 $0x1;
	p0 =	seq.s32 s7, s2  }
0x1e: {  	s7 =	smul.u32 @!p0 $0xF7A, s2;
	p2 =	seq.s32 @!p0 s5, $0x0  }
0x1f: {  	s9 =	smul.u32 $0xF7A, s1;
	s8 =	simm.s32 @!p0 $0x1BF5;
	p2 =	por !p2, p0  }
0x20: {  	[sflag:s8] =	ssyncset.s32 @!p0 $0xFFFFF086;
	s6 =	sadd.s32 @!p0 s3, s7;
	s7 =	simm.s32 @!p0 $0x108  }
0x21: {  	s3 =	sadd.s32 s3, s9;
	s6 =	sadd.s32 @!p0 $0x88, s6;
	s7 =	simm.s32 @p2 $0x1082  }
0x22: {  	[simem:s7], [sflag:s8] =	dma.local @!p0 [hbm:s6], $0xF7A  }
0x23: {  	s9 =	sor.u32 $0xD0000000, s2;
	s6 =	simm.s32 $0x108;
	_ =	swait.ge @!p0 [sflag:s8], $0x0  }
0x24: {  	s3 =	sadd.s32 $0x88, s3;
	s6 =	simm.s32 @!p1 $0x1082;
	[sflag:s4] =	ssyncset.s32 $0xFFFFF086  }
0x25: {  	[simem:s6], [sflag:s4] =	dma.local [hbm:s3], $0xF7A  }
0x26: {  	[smem:$0x3F97] =	sst s1;
	(tag) =	ssettag s2;
	_ =	strace s9  }
0x27: {  	s1 =	sld [smem:$0x3FA7]  }
0x28: {  	s2 =	sld [smem:$0x3FA8]  }
0x29: {  	s4 =	sld [smem:$0x3FAA]  }
0x2a: {  	p0 =	seq.s32 s5, $0x0;
	s5 =	sld [smem:$0x3FAB]  }
0x2b: {  	s6 =	sld [smem:$0x3FAC]  }
0x2c: {  	s7 =	sld [smem:$0x3FAD]  }
0x2d: {  	s3 =	simm.s32 $0x108;
	s8 =	sld [smem:$0x3FAE]  }
0x2e: {  	s3 =	simm.s32 @!p0 $0x1082;
	s9 =	sld [smem:$0x3FAF]  }
0x2f: {  	lr =	sadd.s32 s0, s3;
	s0 =	sld [smem:$0x3FA6]  }
0x30: {  	s3 =	sld [smem:$0x3FA9]  }
0x31: {  	[smem:$0x3FB2] =	sst s10  }
0x32: {  	s10 =	sld [smem:$0x3FB0];
	_ =	sdelay $0x3  }
0x33: {  	p0 =	seq.s32 s10, $0x1;
	s10 =	sld [smem:$0x3FB2];
	_ =	sdelay $0x3  }
0x34: {  	[smem:$0x3FB2] =	sst s10  }
0x35: {  	s10 =	sld [smem:$0x3FB1];
	_ =	sdelay $0x3  }
0x36: {  	p1 =	seq.s32 s10, $0x1;
	s10 =	sld [smem:$0x3FB2];
	_ =	sdelay $0x3  }
0x37: {  	[smem:$0x3FB2] =	sst s10  }
0x38: {  	s10 =	sld [smem:$0x3FB3]  }
0x39: {  	_ = 	snop;
	(pc) =	sbr.ind lr, $3  }
0x3a: {  	_ = 	snop  }
0x3b: {  	_ = 	snop  }
0x3c: {  	p2 =	seq.s32 s10, $0x1;
	s10 =	sld [smem:$0x3FB2]  }
0x3d: {  	_ =	shalt  }
0x3e: {  	_ =	shalt  }
0x3f: {  	_ =	shalt  }
0x40: {  	_ =	shalt  }
0x41: {  	_ =	shalt  }
0x42: {  	_ =	shalt  }
0x43: {  	_ =	shalt  }
0x44: {  	_ =	shalt  }
0x45: {  	_ =	shalt  }
0x46: {  	_ =	shalt  }
0x47: {  	_ =	shalt  }
0x48: {  	_ =	shalt  }
0x49: {  	_ =	shalt  }
0x4a: {  	_ =	shalt  }
0x4b: {  	_ =	shalt  }
0x4c: {  	_ =	shalt  }
0x4d: {  	_ =	shalt  }
0x4e: {  	_ =	shalt  }
0x4f: {  	_ =	shalt  }
0x50: {  	_ =	shalt  }
0x51: {  	_ =	shalt  }
0x52: {  	_ =	shalt  }
0x53: {  	_ =	shalt  }
0x54: {  	_ =	shalt  }
0x55: {  	_ =	shalt  }
0x56: {  	_ =	shalt  }
0x57: {  	_ =	shalt  }
0x58: {  	_ =	shalt  }
0x59: {  	_ =	shalt  }
0x5a: {  	_ =	shalt  }
0x5b: {  	_ =	shalt  }
0x5c: {  	_ =	shalt  }
0x5d: {  	_ =	shalt  }
0x5e: {  	_ =	shalt  }
0x5f: {  	_ =	shalt  }
0x60: {  	_ =	shalt  }
0x61: {  	_ =	shalt  }
0x62: {  	_ =	shalt  }
0x63: {  	_ =	shalt  }
0x64: {  	_ =	shalt  }
0x65: {  	_ =	shalt  }
0x66: {  	_ =	shalt  }
0x67: {  	_ =	shalt  }
0x68: {  	_ =	shalt  }
0x69: {  	_ =	shalt  }
0x6a: {  	_ =	shalt  }
0x6b: {  	_ =	shalt  }
0x6c: {  	_ =	shalt  }
0x6d: {  	_ =	shalt  }
0x6e: {  	_ =	shalt  }
0x6f: {  	_ =	shalt  }
0x70: {  	_ =	shalt  }
0x71: {  	_ =	shalt  }
0x72: {  	_ =	shalt  }
0x73: {  	_ =	shalt  }
0x74: {  	_ =	shalt  }
0x75: {  	_ =	shalt  }
0x76: {  	_ =	shalt  }
0x77: {  	_ =	shalt  }
0x78: {  	_ =	shalt  }
0x79: {  	_ =	shalt  }
0x7a: {  	_ =	shalt  }
0x7b: {  	_ =	shalt  }
0x7c: {  	_ =	shalt  }
0x7d: {  	_ =	shalt  }
0x7e: {  	_ =	shalt  }
0x7f: {  	_ =	shalt  }
0x80: {  	_ =	shalt  }
0x81: {  	_ =	shalt  }
0x82: {  	_ =	shalt  }
0x83: {  	_ =	shalt  }
0x84: {  	_ =	shalt  }
0x85: {  	_ =	shalt  }
0x86: {  	_ =	shalt  }
0x87: {  	_ =	shalt  }
.Lfunc_end0:
.L_simem_size_0:
called_computation.1_lowered:
.L_overlay_start_0:
0x88: {  	s2 =	sld [smem:$0x3FD9]  }
0x89: {  	s3 =	sld [smem:$0x3FFE];
	_ =	sdelay $0x1  }
0x8a: {  	s1 =	srdreg.scid  }
0x8b: {  	s0 =	sand.u32 $0x1, s1  }
0x8c: {  	s16 =	sshll.u32 s0, $0xA;
	s2 =	sadd.s32 s3, s2  }
0x8d: {  	s2 =	sadd.s32 s2, s16  }
0x8e: {  	[smem:$0x3FBE] =	sst s2  }
0x8f: {  	_ = 	snop  }
0x90: {  	(tm) =	ssettm $0x1  }
0x91: {  	s17 =	sld [smem:$0x3FFB];
	_ =	sdelay $0x3  }
0x92: {  	_ =	strace s17  }
0x93: {  	s2 =	sld [smem:$0x3FFC];
	_ =	sdelay $0x3  }
0x94: {  	_ =	strace s2  }
0x95: {  	s2 =	sld [smem:$0x3FFD];
	_ =	sdelay $0x3  }
0x96: {  	_ =	strace s2  }
0x97: {  	_ =	strace $0x8FFFFFFF  }
0x98: {  	s18 =	sld [smem:$0x3FDB];
	_ =	sdelay $0x1  }
0x99: {  	s19 =	simm.s32 $_scs_section_size  }
0x9a: {  	s4 =	simm.s32 $_size__tile_overlayer_lowered;
	s5 =	simm.s32 $_tile_overlayer_lowered  }
0x9b: {  	s22 =	simm.s32 $0x1BFF;
	s21 =	sshll.u32 s5, $0x1;
	s2 =	sadd.s32 s19, s18  }
0x9c: {  	s6 =	simm.s32 $0x0;
	s20 =	sshll.u32 s4, $0x1;
	s4 =	sadd.s32 s21, s2  }
0x9d: {  	[timem:s6], [sflag:s22] =	dma.local [hbm:s4], s20  }
0x9e: {  	_ =	swait.ge [sflag:s22], s20  }
0x9f: {  	s3 =	ssub.s32 $0x0, s20;
	[sflag:s22] =	ssyncset.done $0x0  }
0xa0: {  	[sflag:s22] =	ssyncadd.s32 s3;
	_ =	sdelay $0x1  }
0xa1: {  	s23 =	simm.s32 $0x1B8B  }
0xa2: {  	_ =	swait.ge [sflag:s23], $0x1  }
0xa3: {  	[sflag:s23] =	ssyncset.done $0x0  }
0xa4: {  	s25 =	simm.s32 $0x1B8E;
	s24 =	sld [smem:$0x3FFE];
	[sflag:s23] =	ssyncadd.s32 $0xFFFFFFFF  }
0xa5: {  	s26 =	simm.s32 $execute0_lowered;
	[smem:$0x3FD2] =	sst s25  }
0xa6: {  	s4 =	sshll.u32 s26, $0x1;
	_ =	strace $0x80000049;
	[dreg:$0x1] =	wrdreg $0xFFFFFFFF  }
0xa7: {  	s28 =	simm.s32 $_size_execute0_lowered;
	s2 =	sadd.s32 s2, s4;
	[dreg:$0x0] =	wrdreg $0x0  }
0xa8: {  	s4 =	sshll.u32 s28, $0x1;
	[dreg:$0x2] =	wrdreg s2  }
0xa9: {  	[dreg:$0x3] =	wrdreg s4  }
0xaa: {  	[dreg:$0x4] =	wrdreg $0xC0  }
0xab: {  	_ =	task [dreg:s6], $0x5FFFF  }
0xac: {  	[dreg:$0x1] =	wrdreg $0xFFFFFFFF  }
0xad: {  	[dreg:$0x0] =	wrdreg $0x60  }
0xae: {  	[dreg:$0x2] =	wrdreg s24  }
0xaf: {  	[dreg:$0x3] =	wrdreg $0x0  }
0xb0: {  	[dreg:$0x4] =	wrdreg $0x9  }
0xb1: {  	_ =	task.clear_ibuf [dreg:s6], $0x5FFFF;
	_ =	strace $0x90000049  }
0xb2: {  	s29 =	simm.s32 $0x9;
	_ =	strace $0x8000004B  }
0xb3: {  	_ =	swait.ge [sflag:s29], $0x1  }
0xb4: {  	[sflag:s29] =	ssyncadd.s32 $0xFFFFFFFF  }
0xb5: {  	_ =	strace $0x9000004B  }
0xb6: {  	_ =	sfence  }
0xb7: {  	s30 =	sld [smem:$0x0];
	_ =	sdelay $0x2  }
0xb8: {  	s31 =	sshll.u32 s1, $0xD;
	s1 =	sshrl.u32 s1, $0x2  }
0xb9: {  	s3 =	sand.u32 $0x4000, s31;
	s1 =	sadd.s32 s1, s30  }
0xba: {  	s0 =	sor.u32 s3, s0;
	s1 =	sshll.u32 s1, $0x11  }
0xbb: {  	s0 =	sor.u32 s1, s0  }
0xbc: {  	s0 =	sadd.s32 $0x8F2B, s0  }
0xbd: {  	[sflag:s0] =	ssyncadd.remote.s32 $0x1  }
0xbe: {  	_ =	sfence.sel $0xFFFF  }
0xbf: {  	[dreg:$0x0] =	wrdreg $0xFFFFFFFF;
	(pc) =	sbr.abs _section_cstart, $3  }
0xc0: {  	[dreg:$0x1] =	wrdreg $0xFFFFFFFF  }
0xc1: {  	_ =	task.clear_ibuf [dreg:s6], $0x2FFFF;
	_ =	strace $0x9FFFFFFF  }
0xc2: {  	(tm) =	ssettm $0x7FFFFFFF  }
0xc3: {  	_ =	shalt  }
tec
execute0_lowered:
.L_overlay_start_1:
0x0: {  	(tag) =	ssettag $0x1  }
0x1: {  	s3 =	rddreg [dreg:$0x0]  }
0x2: {  	s15 =	rddreg [dreg:$0x1];
	s2 =	simm.s32 $0x0;
	s0 =	srdreg.scid  }
0x3: {  	s19 =	stileid.u32;
	[smem:$0x7FF] =	sst s2;
	s20 =	sadd.s32 $0xC000, s3  }
0x4: {  	s21 =	sadd.s32 $0x2200, s3;
	s4 =	sand.u32 $0x1, s0;
	s9 =	smul.u32 $0x2800, s19  }
0x5: {  	s8 =	sadd.s32 $0x3D000, s3;
	s14 =	smul.u32 $0x2710, s19;
	_ =	strace $0x8000004A  }
0x6: {  	s0 =	ssub.s32 $0x2, s4;
	s6 =	sshll.u32 s4, $0x4;
	s10 =	smul.u32 $0x138800, s4  }
0x7: {  	s4 =	smul.u32 $0x27100, s4;
	s5 =	sshrl.u32 s0, $0x1;
	s24 =	sor.u32 s19, s6  }
0x8: {  	s6 =	sadd.s32 $0x50000, s9;
	s7 =	sadd.s32 $0x78000, s9;
	s13 =	sadd.s32 $0xA0000, s9  }
0x9: {  	s1 =	sadd.s32 $0xC8000, s9;
	s16 =	sadd.s32 $0xF0000, s9;
	s0 =	ssub.s32 s0, s5  }
0xa: {  	s11 =	smul.u32 $0x2710, s24;
	s5 =	sadd.s32 $0x28000, s9;
	s12 =	sadd.s32 s9, s10  }
0xb: {  	s17 =	sadd.s32 s10, s6;
	s4 =	sadd.s32 s14, s4;
	s22 =	sadd.s32 s10, s7  }
0xc: {  	s9 =	sadd.s32 $0x118000, s9;
	s6 =	sadd.s32 s6, s15;
	s12 =	sshrl.u32 s12, $0x3  }
0xd: {  	s25 =	sadd.s32 s10, s5;
	s26 =	sshrl.u32 s17, $0x3;
	s30 =	sadd.s32 $0x230, s4  }
0xe: {  	s18 =	sadd.s32 $0x1E0, s4;
	s5 =	sadd.s32 s5, s15;
	[dreg:$0x18] =	wrdreg s6  }
0xf: {  	s0 =	smax.u32 s0, $0x1;
	s12 =	sadd.s32 s8, s12;
	[dreg:$0x17] =	wrdreg s5  }
0x10: {  	s31 =	sadd.s32 s8, s26;
	s14 =	sshrl.u32 s30, $0x3;
	[smem:$0x7FA] =	sst s0  }
0x11: {  	s23 =	sshrl.u32 s18, $0x3;
	s26 =	sadd.s32 s10, s1;
	[dreg:$0xa] =	wrdreg s12  }
0x12: {  	s12 =	sshrl.u32 s25, $0x3;
	[dreg:$0xc] =	wrdreg s31;
	s17 =	sadd.s32 s14, s21  }
0x13: {  	s24 =	sadd.s32 s23, s21;
	s25 =	sadd.s32 s10, s13;
	[dreg:$0x3] =	wrdreg s17  }
0x14: {  	s31 =	sadd.s32 s23, s20;
	s12 =	sadd.s32 s8, s12;
	[dreg:$0x5] =	wrdreg s24  }
0x15: {  	s30 =	sshrl.u32 s25, $0x3;
	[dreg:$0x6] =	wrdreg s31;
	s17 =	sadd.s32 s10, s16  }
0x16: {  	[dreg:$0xb] =	wrdreg s12;
	s12 =	sadd.s32 s14, s20;
	s14 =	sshrl.u32 s22, $0x3  }
0x17: {  	s24 =	smul.u32 $0xA000, s19;
	[dreg:$0x4] =	wrdreg s12;
	s14 =	sadd.s32 s8, s14  }
0x18: {  	s12 =	sshrl.u32 s26, $0x3;
	[dreg:$0xd] =	wrdreg s14;
	s14 =	sadd.s32 s8, s30  }
0x19: {  	s10 =	sadd.s32 s10, s9;
	s12 =	sadd.s32 s8, s12;
	[dreg:$0xe] =	wrdreg s14  }
0x1a: {  	s31 =	sshrl.u32 s24, $0x2;
	[dreg:$0xf] =	wrdreg s12;
	s14 =	sadd.s32 $0x190, s4  }
0x1b: {  	s12 =	sshrl.u32 s14, $0x3;
	s14 =	sshrl.u32 s17, $0x3;
	s17 =	sadd.s32 s31, s15  }
0x1c: {  	s10 =	sshrl.u32 s10, $0x3;
	s14 =	sadd.s32 s8, s14;
	[dreg:$0x16] =	wrdreg s17  }
0x1d: {  	s29 =	simm.s32 $0xD;
	s8 =	sadd.s32 s8, s10;
	[dreg:$0x10] =	wrdreg s14  }
0x1e: {  	s28 =	simm.s32 $0x2;
	s18 =	sadd.s32 s12, s21;
	[dreg:$0x11] =	wrdreg s8  }
0x1f: {  	p0 =	sgt.u32 s19, $0xC;
	s22 =	sadd.s32 s12, s20;
	[dreg:$0x7] =	wrdreg s18  }
0x20: {  	s6 =	simm.s32 $0x0;
	s12 =	sadd.s32 s13, s15;
	[dreg:$0x8] =	wrdreg s22  }
0x21: {  	s19 =	simm.s32 $0x8;
	s13 =	sadd.s32 s1, s15;
	[dreg:$0x1a] =	wrdreg s12  }
0x22: {  	s10 =	smov.u32 s20;
	s31 =	sadd.s32 $0x118000, s17;
	[dreg:$0x1b] =	wrdreg s13  }
0x23: {  	s14 =	sadd.s32 $0x15E00, s3;
	s18 =	sadd.s32 s16, s15;
	[smem:$0x7FD] =	sst s31  }
0x24: {  	s3 =	sshrl.u32 s11, $0x3;
	s11 =	smov.u32 s21;
	[dreg:$0x1c] =	wrdreg s18  }
0x25: {  	s12 =	simm.s32 $0x13900;
	s22 =	sadd.s32 s20, s3;
	[dreg:$0x9] =	wrdreg s11  }
0x26: {  	s23 =	sadd.s32 $0xA, s3;
	s24 =	sadd.s32 s21, s3;
	[dreg:$0x1d] =	wrdreg s22  }
0x27: {  	s16 =	simm.s32 $0x13B00;
	s25 =	sadd.s32 s20, s23;
	[dreg:$0x1e] =	wrdreg s24  }
0x28: {  	s26 =	sadd.s32 $0x14, s3;
	s8 =	sadd.s32 s21, s23;
	[dreg:$0x12] =	wrdreg s25  }
0x29: {  	s18 =	simm.s32 $0x1;
	s30 =	sadd.s32 s20, s26;
	[dreg:$0x13] =	wrdreg s8  }
0x2a: {  	s23 =	sadd.s32 $0x1E, s3;
	[dreg:$0x14] =	wrdreg s30;
	s8 =	sadd.s32 s21, s26  }
0x2b: {  	s3 =	sadd.s32 $0x4D8, s3;
	s25 =	sadd.s32 s20, s23;
	[dreg:$0x15] =	wrdreg s8  }
0x2c: {  	s24 =	simm.s32 $0x7;
	s5 =	sadd.s32 s21, s23;
	[dreg:$0x1f] =	wrdreg s25  }
0x2d: {  	s26 =	sadd.s32 s20, s3;
	s3 =	sadd.s32 s21, s3;
	[smem:$0x7F7] =	sst s5  }
0x2e: {  	s30 =	sadd.s32 $0x140, s4;
	s23 =	simm.s32 $0x9;
	[smem:$0x7F8] =	sst s26  }
0x2f: {  	s21 =	simm.s32 $0x4;
	s20 =	simm.s32 $0x6;
	[smem:$0x7F9] =	sst s3  }
0x30: {  	s8 =	sadd.s32 s7, s15;
	s3 =	sadd.s32 s9, s15;
	[smem:$0x7FB] =	sst s30  }
0x31: {  	s7 =	simm.s32 $0x13C80;
	s26 =	simm.s32 $0x50;
	s25 =	simm.s32 $0x13B00  }
0x32: {  	[dreg:$0x19] =	wrdreg s8;
	s0 =	sshrl.u32 @!p0 s3, $0x3;
	s8 =	simm.s32 $0x5  }
0x33: {  	v0 =	vimm.f32 $0.0e+00;
	s3 =	simm.s32 $0x3;
	[smem:$0x7FC] =	sst s0;
	s0 =	simm.s32 $0x13B80  }
.LBB2_1:
0x34: {  	[smem:$0x7F6] =	sst s6;
	s4 =	simm.s32 $0x0;
	s5 =	simm.s32 $0x200  }
.LBB2_2:
0x35: {  	p1 =	sne.s32 s5, $0x9E00;
	[tilespmem:s4+$0x13CF0] =	vst v0  }
0x36: {  	[tilespmem:s4+$0x13C80] =	vst v0  }
0x37: {  	[tilespmem:s4+$0x13C90] =	vst v0  }
.Ltmp0:
0x38: {  	[tilespmem:s4+$0x13CA0] =	vst v0;
	(pc) =	sbr.rel @p1 .LBB2_2-.Ltmp0, $4  }
0x39: {  	[tilespmem:s4+$0x13CB0] =	vst v0  }
0x3a: {  	[tilespmem:s4+$0x13CC0] =	vst v0  }
0x3b: {  	[tilespmem:s4+$0x13CD0] =	vst v0  }
0x3c: {  	[tilespmem:s4+$0x13CE0] =	vst v0;
	s4 =	sshra.s32 s5, $0x2;
	s5 =	sadd.s32 $0x200, s5  }
0x3d: {  	[tilespmem:s4+$0x13CF0] =	vst v0  }
0x3e: {  	[tilespmem:s4+$0x13C80] =	vst v0  }
0x3f: {  	[tilespmem:s4+$0x13C90] =	vst v0  }
0x40: {  	[tilespmem:s4+$0x13CA0] =	vst v0  }
0x41: {  	[tilespmem:s4+$0x13CB0] =	vst v0  }
0x42: {  	[tilespmem:s4+$0x13CC0] =	vst v0  }
0x43: {  	[tilespmem:s4+$0x13CD0] =	vst v0  }
0x44: {  	[tilespmem:s4+$0x13CE0] =	vst v0;
	s5 =	rddreg [dreg:$0x1d];
	s1 =	simm.s32 $0x13880  }
0x45: {  	[tilespmem:s1], [sflag:$0x1] =	stream.linear.gather [hbm4b:s5+s2], $0x50, $0x38;
	[tilespmem:$0x1DC80] =	vst v63  }
0x46: {  	s6 =	rddreg [dreg:$0x1e];
	s13 =	simm.s32 $0x13A80  }
0x47: {  	[tilespmem:s13], [sflag:$0x1] =	stream.linear.gather [hbm4b:s6+s2], $0x50, $0x38;
	[tilespmem:$0x1DC80] =	vst v63  }
0x48: {  	s9 =	rddreg [dreg:$0x12]  }
0x49: {  	[tilespmem:s12], [sflag:$0x2] =	stream.linear.gather [hbm4b:s9+s2], $0x50, $0x38;
	[tilespmem:$0x1DC80] =	vst v63  }
0x4a: {  	s22 =	rddreg [dreg:$0x13]  }
0x4b: {  	[tilespmem:s16], [sflag:$0x2] =	stream.linear.gather [hbm4b:s22+s2], $0x50, $0x38;
	[tilespmem:$0x1DC80] =	vst v63  }
0x4c: {  	s30 =	rddreg [dreg:$0x14];
	s31 =	simm.s32 $0x13980  }
0x4d: {  	[tilespmem:s31], [sflag:$0x3] =	stream.linear.gather [hbm4b:s30+s2], $0x50, $0x38;
	[tilespmem:$0x1DC80] =	vst v63  }
0x4e: {  	s5 =	rddreg [dreg:$0x15]  }
0x4f: {  	[tilespmem:s0], [sflag:$0x3] =	stream.linear.gather [hbm4b:s5+s2], $0x50, $0x38;
	[tilespmem:$0x1DC80] =	vst v63  }
0x50: {  	_ = 	snop  }
0x51: {  	[spmem:s17] =	stream.linear.scatter [tilespmem:s7], [sflag:$0xD], $0x2800, $0x38;
	[tilespmem:$0x1DC80] =	vst v63  }
0x52: {  	_ =	swait.ge [sflag:s29], $0x2800  }
0x53: {  	[sflag:s29] =	ssyncset.done $0x0  }
0x54: {  	s6 =	rddreg [dreg:$0x17];
	[sflag:s29] =	ssyncadd.s32 $0xFFFFD800  }
0x55: {  	[spmem:s6] =	stream.linear.scatter [tilespmem:s7], [sflag:$0xD], $0x2800, $0x38;
	[tilespmem:$0x1DC80] =	vst v63  }
0x56: {  	_ =	swait.ge [sflag:s29], $0x2800  }
0x57: {  	[sflag:s29] =	ssyncset.done $0x0  }
0x58: {  	s9 =	rddreg [dreg:$0x18];
	[sflag:s29] =	ssyncadd.s32 $0xFFFFD800  }
0x59: {  	[spmem:s9] =	stream.linear.scatter [tilespmem:s7], [sflag:$0xD], $0x2800, $0x38;
	[tilespmem:$0x1DC80] =	vst v63  }
0x5a: {  	_ =	swait.ge [sflag:s29], $0x2800  }
0x5b: {  	[sflag:s29] =	ssyncset.done $0x0  }
0x5c: {  	s17 =	rddreg [dreg:$0x19];
	[sflag:s29] =	ssyncadd.s32 $0xFFFFD800  }
0x5d: {  	[spmem:s17] =	stream.linear.scatter [tilespmem:s7], [sflag:$0xD], $0x2800, $0x38;
	[tilespmem:$0x1DC80] =	vst v63  }
0x5e: {  	_ =	swait.ge [sflag:s29], $0x2800  }
0x5f: {  	[sflag:s29] =	ssyncset.done $0x0  }
0x60: {  	s22 =	rddreg [dreg:$0x1a];
	[sflag:s29] =	ssyncadd.s32 $0xFFFFD800  }
0x61: {  	[spmem:s22] =	stream.linear.scatter [tilespmem:s7], [sflag:$0xD], $0x2800, $0x38;
	[tilespmem:$0x1DC80] =	vst v63  }
0x62: {  	_ =	swait.ge [sflag:s29], $0x2800  }
0x63: {  	[sflag:s29] =	ssyncset.done $0x0  }
0x64: {  	s30 =	rddreg [dreg:$0x1b];
	[sflag:s29] =	ssyncadd.s32 $0xFFFFD800  }
0x65: {  	[spmem:s30] =	stream.linear.scatter [tilespmem:s7], [sflag:$0xD], $0x2800, $0x38;
	[tilespmem:$0x1DC80] =	vst v63  }
0x66: {  	_ =	swait.ge [sflag:s29], $0x2800  }
0x67: {  	[sflag:s29] =	ssyncset.done $0x0  }
0x68: {  	s5 =	rddreg [dreg:$0x1c];
	[sflag:s29] =	ssyncadd.s32 $0xFFFFD800  }
0x69: {  	[spmem:s5] =	stream.linear.scatter [tilespmem:s7], [sflag:$0xD], $0x2800, $0x38;
	[tilespmem:$0x1DC80] =	vst v63  }
0x6a: {  	_ =	swait.ge [sflag:s29], $0x2800  }
0x6b: {  	s5 =	sld [smem:$0x7FD]  }
0x6c: {  	[sflag:s29] =	ssyncset.done $0x0  }
0x6d: {  	s4 =	simm.s32 @!p0 $0x13C80;
	[sflag:s29] =	ssyncadd.s32 $0xFFFFD800  }
0x6e: {  	[spmem:s5] =	stream.linear.scatter @!p0 [tilespmem:s4], [sflag:$0xD], $0x2800, $0x38;
	[tilespmem:$0x1DC80] =	vst v63  }
0x6f: {  	s4 =	simm.s32 @!p0 $0xD  }
0x70: {  	_ =	swait.ge @!p0 [sflag:s4], $0x2800  }
0x71: {  	[sflag:s4] =	ssyncset.done @!p0 $0x0  }
0x72: {  	[sflag:s4] =	ssyncadd.s32 @!p0 $0xFFFFD800  }
0x73: {  	[bflag:$0x0] =	sbarrier.arrive $0xFFFF  }
0x74: {  	_ =	swait.ge [sflag:s18], $0x50  }
0x75: {  	[sflag:s18] =	ssyncset.done $0x0  }
0x76: {  	[sflag:s18] =	ssyncadd.s32 $0xFFFFFFB0  }
0x77: {  	_ =	swait.ge [sflag:s18], $0x50  }
0x78: {  	[sflag:s18] =	ssyncset.done $0x0  }
0x79: {  	[sflag:s18] =	ssyncadd.s32 $0xFFFFFFB0  }
0x7a: {  	[tilespmem:s7], [sflag:$0x5] =	stream.indirect.gather [hbm4b:s14+s26], $0x80, s1, s26, $0xb8;
	[tilespmem:$0x1DC80] =	vst v63  }
0x7b: {  	_ =	swait.ge [sflag:s28], $0x50  }
0x7c: {  	[sflag:s28] =	ssyncset.done $0x0  }
0x7d: {  	[sflag:s28] =	ssyncadd.s32 $0xFFFFFFB0  }
0x7e: {  	_ =	swait.ge [sflag:s28], $0x50  }
0x7f: {  	[sflag:s28] =	ssyncset.done $0x0  }
0x80: {  	s29 =	simm.s32 $0x16480;
	[sflag:s28] =	ssyncadd.s32 $0xFFFFFFB0  }
0x81: {  	[tilespmem:s29], [sflag:$0x6] =	stream.indirect.gather [hbm4b:s14+s26], $0x80, s12, s26, $0xb8;
	[tilespmem:$0x1DC80] =	vst v63  }
0x82: {  	_ =	swait.ge [sflag:s8], $0x2800  }
0x83: {  	[sflag:s8] =	ssyncset.done $0x0  }
0x84: {  	s9 =	sld [smem:$0x7F7];
	[sflag:s8] =	ssyncadd.s32 $0xFFFFD800  }
0x85: {  	[spmem:s15] =	stream.indirect.scatter.add.f32 [tilespmem:s7], [sflag:$0x9], $0x80, s13, s26, $0xb8;
	[tilespmem:$0x1DC80] =	vst v63  }
0x86: {  	s6 =	simm.s32 $0x0;
	s22 =	simm.s32 $0x13A00;
	s8 =	rddreg [dreg:$0x1f]  }
0x87: {  	[tilespmem:s22], [sflag:$0x4] =	stream.linear.gather [hbm4b:s8+s6], $0x50, $0x38;
	[tilespmem:$0x1DC80] =	vst v63  }
0x88: {  	s17 =	simm.s32 $0x13C00  }
0x89: {  	[tilespmem:s17], [sflag:$0x4] =	stream.linear.gather [hbm4b:s9+s6], $0x50, $0x38;
	[tilespmem:$0x1DC80] =	vst v63  }
0x8a: {  	_ =	swait.ge [sflag:s3], $0x50  }
0x8b: {  	[sflag:s3] =	ssyncset.done $0x0  }
0x8c: {  	[sflag:s3] =	ssyncadd.s32 $0xFFFFFFB0  }
0x8d: {  	_ =	swait.ge [sflag:s3], $0x50  }
0x8e: {  	[sflag:s3] =	ssyncset.done $0x0  }
0x8f: {  	s6 =	simm.s32 $0x18C80;
	[sflag:s3] =	ssyncadd.s32 $0xFFFFFFB0  }
0x90: {  	[tilespmem:s6], [sflag:$0x7] =	stream.indirect.gather [hbm4b:s14+s26], $0x80, s31, s26, $0xb8;
	[tilespmem:$0x1DC80] =	vst v63  }
0x91: {  	_ =	swait.ge [sflag:s20], $0x2800  }
0x92: {  	[sflag:s20] =	ssyncset.done $0x0  }
0x93: {  	[sflag:s20] =	ssyncadd.s32 $0xFFFFD800  }
0x94: {  	[spmem:s15] =	stream.indirect.scatter.add.f32 [tilespmem:s29], [sflag:$0xA], $0x80, s16, s26, $0xb8;
	[tilespmem:$0x1DC80] =	vst v63  }
0x95: {  	_ =	swait.ge [sflag:s23], $0x2800  }
0x96: {  	s9 =	sld [smem:$0x7FB];
	_ =	sdelay $0x2  }
0x97: {  	[sflag:s23] =	ssyncset.done $0x0;
	s4 =	sshrl.u32 s9, $0x3  }
0x98: {  	[sflag:s23] =	ssyncadd.s32 $0xFFFFD800;
	s30 =	sadd.s32 s10, s4  }
0x99: {  	[tilespmem:s1], [sflag:$0x1] =	stream.linear.gather [hbm4b:s30+s2], $0x50, $0x38;
	[tilespmem:$0x1DC80] =	vst v63  }
0x9a: {  	s4 =	sadd.s32 s11, s4  }
0x9b: {  	[tilespmem:s13], [sflag:$0x1] =	stream.linear.gather [hbm4b:s4+s2], $0x50, $0x38;
	[tilespmem:$0x1DC80] =	vst v63  }
0x9c: {  	_ =	swait.ge [sflag:s21], $0x50  }
0x9d: {  	[sflag:s21] =	ssyncset.done $0x0  }
0x9e: {  	[sflag:s21] =	ssyncadd.s32 $0xFFFFFFB0  }
0x9f: {  	_ =	swait.ge [sflag:s21], $0x50  }
0xa0: {  	[sflag:s21] =	ssyncset.done $0x0  }
0xa1: {  	s30 =	simm.s32 $0x1B480;
	[sflag:s21] =	ssyncadd.s32 $0xFFFFFFB0  }
0xa2: {  	[tilespmem:s30], [sflag:$0x8] =	stream.indirect.gather [hbm4b:s14+s26], $0x80, s22, s26, $0xb8;
	[tilespmem:$0x1DC80] =	vst v63  }
0xa3: {  	_ =	swait.ge [sflag:s24], $0x2800  }
0xa4: {  	[sflag:s24] =	ssyncset.done $0x0  }
0xa5: {  	s5 =	simm.s32 $0xA;
	[sflag:s24] =	ssyncadd.s32 $0xFFFFD800  }
0xa6: {  	[spmem:s15] =	stream.indirect.scatter.add.f32 [tilespmem:s6], [sflag:$0xB], $0x80, s0, s26, $0xb8;
	[tilespmem:$0x1DC80] =	vst v63  }
0xa7: {  	_ =	swait.ge [sflag:s5], $0x2800  }
0xa8: {  	s11 =	rddreg [dreg:$0x8];
	[sflag:s5] =	ssyncset.done $0x0  }
0xa9: {  	s23 =	rddreg [dreg:$0x7];
	[sflag:s5] =	ssyncadd.s32 $0xFFFFD800;
	s4 =	sadd.s32 $0x0, s11  }
0xaa: {  	[tilespmem:s12], [sflag:$0x2] =	stream.linear.gather [hbm4b:s4+s2], $0x50, $0x38;
	[tilespmem:$0x1DC80] =	vst v63  }
0xab: {  	s6 =	sadd.s32 $0x0, s23  }
0xac: {  	[tilespmem:s16], [sflag:$0x2] =	stream.linear.gather [hbm4b:s6+s2], $0x50, $0x38;
	[tilespmem:$0x1DC80] =	vst v63  }
0xad: {  	_ =	swait.ge [sflag:s18], $0x50  }
0xae: {  	[sflag:s18] =	ssyncset.done $0x0  }
0xaf: {  	[sflag:s18] =	ssyncadd.s32 $0xFFFFFFB0  }
0xb0: {  	_ =	swait.ge [sflag:s18], $0x50  }
0xb1: {  	[sflag:s18] =	ssyncset.done $0x0  }
0xb2: {  	[sflag:s18] =	ssyncadd.s32 $0xFFFFFFB0  }
0xb3: {  	[tilespmem:s7], [sflag:$0x5] =	stream.indirect.gather [hbm4b:s14+s26], $0x80, s1, s26, $0xb8;
	[tilespmem:$0x1DC80] =	vst v63  }
0xb4: {  	_ =	swait.ge [sflag:s19], $0x2800  }
0xb5: {  	[sflag:s19] =	ssyncset.done $0x0  }
0xb6: {  	s6 =	simm.s32 $0xB;
	[sflag:s19] =	ssyncadd.s32 $0xFFFFD800  }
0xb7: {  	[spmem:s15] =	stream.indirect.scatter.add.f32 [tilespmem:s30], [sflag:$0xC], $0x80, s17, s26, $0xb8;
	[tilespmem:$0x1DC80] =	vst v63  }
0xb8: {  	_ =	swait.ge [sflag:s6], $0x2800  }
0xb9: {  	s11 =	rddreg [dreg:$0x6];
	[sflag:s6] =	ssyncset.done $0x0  }
0xba: {  	s16 =	rddreg [dreg:$0x5];
	[sflag:s6] =	ssyncadd.s32 $0xFFFFD800;
	s4 =	sadd.s32 $0x0, s11  }
0xbb: {  	[tilespmem:s31], [sflag:$0x3] =	stream.linear.gather [hbm4b:s4+s2], $0x50, $0x38;
	[tilespmem:$0x1DC80] =	vst v63  }
0xbc: {  	s23 =	sadd.s32 $0x0, s16  }
0xbd: {  	[tilespmem:s0], [sflag:$0x3] =	stream.linear.gather [hbm4b:s23+s2], $0x50, $0x38;
	[tilespmem:$0x1DC80] =	vst v63  }
0xbe: {  	_ =	swait.ge [sflag:s28], $0x50  }
0xbf: {  	[sflag:s28] =	ssyncset.done $0x0  }
0xc0: {  	[sflag:s28] =	ssyncadd.s32 $0xFFFFFFB0  }
0xc1: {  	_ =	swait.ge [sflag:s28], $0x50  }
0xc2: {  	[sflag:s28] =	ssyncset.done $0x0  }
0xc3: {  	s8 =	simm.s32 $0x5;
	[sflag:s28] =	ssyncadd.s32 $0xFFFFFFB0  }
0xc4: {  	[tilespmem:s29], [sflag:$0x6] =	stream.indirect.gather [hbm4b:s14+s26], $0x80, s12, s26, $0xb8;
	[tilespmem:$0x1DC80] =	vst v63  }
0xc5: {  	_ =	swait.ge [sflag:s8], $0x2800  }
0xc6: {  	[sflag:s8] =	ssyncset.done $0x0  }
0xc7: {  	[sflag:s8] =	ssyncadd.s32 $0xFFFFD800  }
0xc8: {  	[spmem:s15] =	stream.indirect.scatter.add.f32 [tilespmem:s7], [sflag:$0x9], $0x80, s13, s26, $0xb8;
	[tilespmem:$0x1DC80] =	vst v63  }
0xc9: {  	s13 =	simm.s32 $0xC  }
0xca: {  	_ =	swait.ge [sflag:s13], $0x2800  }
0xcb: {  	s29 =	rddreg [dreg:$0x4];
	[sflag:s13] =	ssyncset.done $0x0  }
0xcc: {  	s30 =	rddreg [dreg:$0x3];
	[sflag:s13] =	ssyncadd.s32 $0xFFFFD800;
	s4 =	sadd.s32 $0x0, s29  }
0xcd: {  	[tilespmem:s22], [sflag:$0x4] =	stream.linear.gather [hbm4b:s4+s2], $0x50, $0x38;
	[tilespmem:$0x1DC80] =	vst v63  }
0xce: {  	s31 =	sadd.s32 $0x0, s30  }
0xcf: {  	[tilespmem:s17], [sflag:$0x4] =	stream.linear.gather [hbm4b:s31+s2], $0x50, $0x38;
	[tilespmem:$0x1DC80] =	vst v63  }
0xd0: {  	_ =	swait.ge [sflag:s3], $0x50  }
0xd1: {  	[sflag:s3] =	ssyncset.done $0x0  }
0xd2: {  	[sflag:s3] =	ssyncadd.s32 $0xFFFFFFB0  }
0xd3: {  	_ =	swait.ge [sflag:s3], $0x50  }
0xd4: {  	s16 =	simm.s32 $0x13900;
	[sflag:s3] =	ssyncset.done $0x0  }
0xd5: {  	s4 =	sadd.s32 $0x140, s9;
	s17 =	simm.s32 $0x28;
	[sflag:s3] =	ssyncadd.s32 $0xFFFFFFB0  }
.LBB2_4:
0xd6: {  	s22 =	simm.s32 $0x13980;
	s30 =	simm.s32 $0x18C80  }
0xd7: {  	[tilespmem:s30], [sflag:$0x7] =	stream.indirect.gather [hbm4b:s14+s26], $0x80, s22, s26, $0xb8;
	[tilespmem:$0x1DC80] =	vst v63  }
0xd8: {  	_ =	swait.ge [sflag:s20], $0x2800  }
0xd9: {  	s7 =	simm.s32 $0x16480;
	[sflag:s20] =	ssyncset.done $0x0  }
0xda: {  	s8 =	simm.s32 $0x13B00;
	s0 =	simm.s32 $0x9;
	[sflag:s20] =	ssyncadd.s32 $0xFFFFD800  }
0xdb: {  	[spmem:s15] =	stream.indirect.scatter.add.f32 [tilespmem:s7], [sflag:$0xA], $0x80, s8, s26, $0xb8;
	[tilespmem:$0x1DC80] =	vst v63  }
0xdc: {  	_ =	swait.ge [sflag:s0], $0x2800  }
0xdd: {  	s9 =	sshrl.u32 s4, $0x3;
	s31 =	simm.s32 $0x13880;
	[sflag:s0] =	ssyncset.done $0x0  }
0xde: {  	s1 =	rddreg [dreg:$0x9];
	[sflag:s0] =	ssyncadd.s32 $0xFFFFD800;
	s0 =	sadd.s32 s10, s9  }
0xdf: {  	[tilespmem:s31], [sflag:$0x1] =	stream.linear.gather [hbm4b:s0+s2], $0x50, $0x38;
	[tilespmem:$0x1DC80] =	vst v63  }
0xe0: {  	s9 =	sadd.s32 s1, s9;
	s1 =	smov.u32 s15;
	s15 =	simm.s32 $0x13A80  }
0xe1: {  	[tilespmem:s15], [sflag:$0x1] =	stream.linear.gather [hbm4b:s9+s2], $0x50, $0x38;
	[tilespmem:$0x1DC80] =	vst v63  }
0xe2: {  	_ =	swait.ge [sflag:s21], $0x50  }
0xe3: {  	[sflag:s21] =	ssyncset.done $0x0  }
0xe4: {  	[sflag:s21] =	ssyncadd.s32 $0xFFFFFFB0  }
0xe5: {  	_ =	swait.ge [sflag:s21], $0x50  }
0xe6: {  	[sflag:s21] =	ssyncset.done $0x0  }
0xe7: {  	s12 =	simm.s32 $0x13A00;
	s0 =	simm.s32 $0x1B480;
	[sflag:s21] =	ssyncadd.s32 $0xFFFFFFB0  }
0xe8: {  	[tilespmem:s0], [sflag:$0x8] =	stream.indirect.gather [hbm4b:s14+s26], $0x80, s12, s26, $0xb8;
	[tilespmem:$0x1DC80] =	vst v63  }
0xe9: {  	_ =	swait.ge [sflag:s24], $0x2800  }
0xea: {  	[sflag:s24] =	ssyncset.done $0x0  }
0xeb: {  	s29 =	simm.s32 $0x13B80;
	s23 =	simm.s32 $0xA;
	[sflag:s24] =	ssyncadd.s32 $0xFFFFD800  }
0xec: {  	[spmem:s1] =	stream.indirect.scatter.add.f32 [tilespmem:s30], [sflag:$0xB], $0x80, s29, s26, $0xb8;
	[tilespmem:$0x1DC80] =	vst v63  }
0xed: {  	s5 =	smov.u32 s17;
	_ =	swait.ge [sflag:s23], $0x2800  }
0xee: {  	s11 =	smov.u32 s10;
	s10 =	rddreg [dreg:$0x8];
	[sflag:s23] =	ssyncset.done $0x0  }
0xef: {  	s30 =	rddreg [dreg:$0x7];
	[sflag:s23] =	ssyncadd.s32 $0xFFFFD800;
	s9 =	sadd.s32 s5, s10  }
0xf0: {  	[tilespmem:s16], [sflag:$0x2] =	stream.linear.gather [hbm4b:s9+s2], $0x50, $0x38;
	[tilespmem:$0x1DC80] =	vst v63  }
0xf1: {  	s30 =	sadd.s32 s5, s30  }
0xf2: {  	[tilespmem:s8], [sflag:$0x2] =	stream.linear.gather [hbm4b:s30+s2], $0x50, $0x38;
	[tilespmem:$0x1DC80] =	vst v63  }
0xf3: {  	_ =	swait.ge [sflag:s18], $0x50  }
0xf4: {  	[sflag:s18] =	ssyncset.done $0x0  }
0xf5: {  	[sflag:s18] =	ssyncadd.s32 $0xFFFFFFB0  }
0xf6: {  	_ =	swait.ge [sflag:s18], $0x50  }
0xf7: {  	[sflag:s18] =	ssyncset.done $0x0  }
0xf8: {  	s8 =	simm.s32 $0x13C80;
	[sflag:s18] =	ssyncadd.s32 $0xFFFFFFB0  }
0xf9: {  	[tilespmem:s8], [sflag:$0x5] =	stream.indirect.gather [hbm4b:s14+s26], $0x80, s31, s26, $0xb8;
	[tilespmem:$0x1DC80] =	vst v63  }
0xfa: {  	_ =	swait.ge [sflag:s19], $0x2800  }
0xfb: {  	[sflag:s19] =	ssyncset.done $0x0  }
0xfc: {  	s30 =	simm.s32 $0x13C00;
	[sflag:s19] =	ssyncadd.s32 $0xFFFFD800  }
0xfd: {  	[spmem:s1] =	stream.indirect.scatter.add.f32 [tilespmem:s0], [sflag:$0xC], $0x80, s30, s26, $0xb8;
	[tilespmem:$0x1DC80] =	vst v63  }
0xfe: {  	_ =	swait.ge [sflag:s6], $0x2800  }
0xff: {  	s10 =	rddreg [dreg:$0x6];
	[sflag:s6] =	ssyncset.done $0x0  }
0x100: {  	s23 =	rddreg [dreg:$0x5];
	[sflag:s6] =	ssyncadd.s32 $0xFFFFD800;
	s9 =	sadd.s32 s5, s10  }
0x101: {  	[tilespmem:s22], [sflag:$0x3] =	stream.linear.gather [hbm4b:s9+s2], $0x50, $0x38;
	[tilespmem:$0x1DC80] =	vst v63  }
0x102: {  	s0 =	sadd.s32 s5, s23  }
0x103: {  	[tilespmem:s29], [sflag:$0x3] =	stream.linear.gather [hbm4b:s0+s2], $0x50, $0x38;
	[tilespmem:$0x1DC80] =	vst v63  }
0x104: {  	_ =	swait.ge [sflag:s28], $0x50  }
0x105: {  	[sflag:s28] =	ssyncset.done $0x0  }
0x106: {  	[sflag:s28] =	ssyncadd.s32 $0xFFFFFFB0  }
0x107: {  	_ =	swait.ge [sflag:s28], $0x50  }
0x108: {  	[sflag:s28] =	ssyncset.done $0x0  }
0x109: {  	s10 =	simm.s32 $0x5;
	[sflag:s28] =	ssyncadd.s32 $0xFFFFFFB0  }
0x10a: {  	[tilespmem:s7], [sflag:$0x6] =	stream.indirect.gather [hbm4b:s14+s26], $0x80, s16, s26, $0xb8;
	[tilespmem:$0x1DC80] =	vst v63  }
0x10b: {  	_ =	swait.ge [sflag:s10], $0x2800  }
0x10c: {  	[sflag:s10] =	ssyncset.done $0x0  }
0x10d: {  	[sflag:s10] =	ssyncadd.s32 $0xFFFFD800  }
0x10e: {  	[spmem:s1] =	stream.indirect.scatter.add.f32 [tilespmem:s8], [sflag:$0x9], $0x80, s15, s26, $0xb8;
	[tilespmem:$0x1DC80] =	vst v63  }
0x10f: {  	_ =	swait.ge [sflag:s13], $0x2800  }
0x110: {  	s22 =	rddreg [dreg:$0x4];
	[sflag:s13] =	ssyncset.done $0x0  }
0x111: {  	s29 =	rddreg [dreg:$0x3];
	[sflag:s13] =	ssyncadd.s32 $0xFFFFD800;
	s9 =	sadd.s32 s5, s22  }
0x112: {  	[tilespmem:s12], [sflag:$0x4] =	stream.linear.gather [hbm4b:s9+s2], $0x50, $0x38;
	[tilespmem:$0x1DC80] =	vst v63  }
0x113: {  	s5 =	sadd.s32 s5, s29  }
0x114: {  	[tilespmem:s30], [sflag:$0x4] =	stream.linear.gather [hbm4b:s5+s2], $0x50, $0x38;
	[tilespmem:$0x1DC80] =	vst v63  }
0x115: {  	p1 =	sne.s32 s17, $0x488;
	_ =	swait.ge [sflag:s3], $0x50  }
.Ltmp1:
0x116: {  	s17 =	sadd.s32 $0x28, s17;
	[sflag:s3] =	ssyncset.done $0x0;
	(pc) =	sbr.rel @p1 .LBB2_4-.Ltmp1, $4  }
0x117: {  	s4 =	sadd.s32 $0x140, s4;
	s31 =	simm.s32 $0x13980;
	[sflag:s3] =	ssyncadd.s32 $0xFFFFFFB0  }
0x118: {  	s23 =	simm.s32 $0x13B80;
	s0 =	simm.s32 $0x16480;
	_ =	swait.ge [sflag:s3], $0x50  }
0x119: {  	s10 =	smov.u32 s11;
	s11 =	simm.s32 $0x13C00;
	[sflag:s3] =	ssyncset.done $0x0  }
0x11a: {  	s15 =	smov.u32 s1;
	s22 =	simm.s32 $0x13A00;
	[sflag:s3] =	ssyncadd.s32 $0xFFFFFFB0  }
0x11b: {  	s12 =	simm.s32 $0x18C80  }
0x11c: {  	[tilespmem:s12], [sflag:$0x7] =	stream.indirect.gather [hbm4b:s14+s26], $0x80, s31, s26, $0xb8;
	[tilespmem:$0x1DC80] =	vst v63  }
0x11d: {  	_ =	swait.ge [sflag:s20], $0x2800  }
0x11e: {  	[sflag:s20] =	ssyncset.done $0x0  }
0x11f: {  	s7 =	simm.s32 $0x9;
	[sflag:s20] =	ssyncadd.s32 $0xFFFFD800  }
0x120: {  	[spmem:s15] =	stream.indirect.scatter.add.f32 [tilespmem:s0], [sflag:$0xA], $0x80, s25, s26, $0xb8;
	[tilespmem:$0x1DC80] =	vst v63  }
0x121: {  	_ =	swait.ge [sflag:s7], $0x2800  }
0x122: {  	s4 =	sld [smem:$0x7F8]  }
0x123: {  	[sflag:s7] =	ssyncset.done $0x0  }
0x124: {  	s9 =	simm.s32 $0x13880;
	s0 =	sld [smem:$0x7F9];
	[sflag:s7] =	ssyncadd.s32 $0xFFFFD800  }
0x125: {  	[tilespmem:s9], [sflag:$0x1] =	stream.linear.gather [hbm4b:s4+s2], $0x50, $0x38;
	[tilespmem:$0x1DC80] =	vst v63  }
0x126: {  	s5 =	simm.s32 $0x13A80  }
0x127: {  	[tilespmem:s5], [sflag:$0x1] =	stream.linear.gather [hbm4b:s0+s2], $0x50, $0x38;
	[tilespmem:$0x1DC80] =	vst v63  }
0x128: {  	_ =	swait.ge [sflag:s21], $0x50  }
0x129: {  	[sflag:s21] =	ssyncset.done $0x0  }
0x12a: {  	[sflag:s21] =	ssyncadd.s32 $0xFFFFFFB0  }
0x12b: {  	_ =	swait.ge [sflag:s21], $0x50  }
0x12c: {  	[sflag:s21] =	ssyncset.done $0x0  }
0x12d: {  	s8 =	simm.s32 $0x1B480;
	[sflag:s21] =	ssyncadd.s32 $0xFFFFFFB0  }
0x12e: {  	[tilespmem:s8], [sflag:$0x8] =	stream.indirect.gather [hbm4b:s14+s26], $0x80, s22, s26, $0xb8;
	[tilespmem:$0x1DC80] =	vst v63  }
0x12f: {  	_ =	swait.ge [sflag:s24], $0x2800  }
0x130: {  	[sflag:s24] =	ssyncset.done $0x0  }
0x131: {  	[sflag:s24] =	ssyncadd.s32 $0xFFFFD800  }
0x132: {  	[spmem:s1] =	stream.indirect.scatter.add.f32 [tilespmem:s12], [sflag:$0xB], $0x80, s23, s26, $0xb8;
	[tilespmem:$0x1DC80] =	vst v63  }
0x133: {  	_ =	swait.ge [sflag:s18], $0x50  }
0x134: {  	[sflag:s18] =	ssyncset.done $0x0  }
0x135: {  	[sflag:s18] =	ssyncadd.s32 $0xFFFFFFB0  }
0x136: {  	_ =	swait.ge [sflag:s18], $0x50  }
0x137: {  	[sflag:s18] =	ssyncset.done $0x0  }
0x138: {  	s15 =	simm.s32 $0x13C80;
	[sflag:s18] =	ssyncadd.s32 $0xFFFFFFB0  }
0x139: {  	[tilespmem:s15], [sflag:$0x5] =	stream.indirect.gather [hbm4b:s14+s26], $0x80, s9, s26, $0xb8;
	[tilespmem:$0x1DC80] =	vst v63  }
0x13a: {  	_ =	swait.ge [sflag:s19], $0x2800  }
0x13b: {  	[sflag:s19] =	ssyncset.done $0x0  }
0x13c: {  	s16 =	simm.s32 $0x5;
	[sflag:s19] =	ssyncadd.s32 $0xFFFFD800  }
0x13d: {  	[spmem:s1] =	stream.indirect.scatter.add.f32 [tilespmem:s8], [sflag:$0xC], $0x80, s11, s26, $0xb8;
	[tilespmem:$0x1DC80] =	vst v63  }
0x13e: {  	_ =	swait.ge [sflag:s16], $0x2800  }
0x13f: {  	[sflag:s16] =	ssyncset.done $0x0  }
0x140: {  	s17 =	simm.s32 $0xA;
	[sflag:s16] =	ssyncadd.s32 $0xFFFFD800  }
0x141: {  	[spmem:s1] =	stream.indirect.scatter.add.f32 [tilespmem:s15], [sflag:$0x9], $0x80, s5, s26, $0xb8;
	[tilespmem:$0x1DC80] =	vst v63  }
0x142: {  	_ =	swait.ge [sflag:s17], $0x2800  }
0x143: {  	[sflag:s17] =	ssyncset.done $0x0  }
0x144: {  	[sflag:s17] =	ssyncadd.s32 $0xFFFFD800  }
0x145: {  	_ =	swait.ge [sflag:s6], $0x2800  }
0x146: {  	[sflag:s6] =	ssyncset.done $0x0  }
0x147: {  	[sflag:s6] =	ssyncadd.s32 $0xFFFFD800  }
0x148: {  	_ =	swait.ge [sflag:s13], $0x2800  }
0x149: {  	[sflag:s13] =	ssyncset.done $0x0  }
0x14a: {  	[sflag:s13] =	ssyncadd.s32 $0xFFFFD800  }
0x14b: {  	_ =	swait.ge [sflag:s7], $0x2800  }
0x14c: {  	[sflag:s7] =	ssyncset.done $0x0  }
0x14d: {  	[sflag:s7] =	ssyncadd.s32 $0xFFFFD800  }
0x14e: {  	s22 =	stileid.u32;
	[bflag:$0x0] =	sbarrier.arrive $0xFFFF  }
0x14f: {  	s29 =	simm.s32 $0xD;
	s4 =	sshll.u32 s22, $0x6;
	s17 =	rddreg [dreg:$0x16]  }
0x150: {  	s4 =	sor.u32 $0x1C0D, s4;
	s30 =	rddreg [dreg:$0xa];
	s23 =	sshrl.u32 s17, $0x3  }
0x151: {  	[hbm:s30], [sflag:s4] =	dma.local [spmem:s23], $0x500  }
0x152: {  	_ =	swait.ge [sflag:s29], $0x500  }
0x153: {  	[sflag:s29] =	ssyncset.done $0x0;
	s31 =	rddreg [dreg:$0x17]  }
0x154: {  	s0 =	rddreg [dreg:$0xb];
	[sflag:s29] =	ssyncadd.s32 $0xFFFFFB00;
	s5 =	sshrl.u32 s31, $0x3  }
0x155: {  	[hbm:s0], [sflag:s4] =	dma.local [spmem:s5], $0x500  }
0x156: {  	_ =	swait.ge [sflag:s29], $0x500  }
0x157: {  	s15 =	smov.u32 s1;
	[sflag:s29] =	ssyncset.done $0x0;
	s1 =	rddreg [dreg:$0x18]  }
0x158: {  	s6 =	rddreg [dreg:$0xc];
	[sflag:s29] =	ssyncadd.s32 $0xFFFFFB00;
	s5 =	sshrl.u32 s1, $0x3  }
0x159: {  	[hbm:s6], [sflag:s4] =	dma.local [spmem:s5], $0x500  }
0x15a: {  	_ =	swait.ge [sflag:s29], $0x500  }
0x15b: {  	[sflag:s29] =	ssyncset.done $0x0;
	s7 =	rddreg [dreg:$0x19]  }
0x15c: {  	s8 =	rddreg [dreg:$0xd];
	[sflag:s29] =	ssyncadd.s32 $0xFFFFFB00;
	s5 =	sshrl.u32 s7, $0x3  }
0x15d: {  	[hbm:s8], [sflag:s4] =	dma.local [spmem:s5], $0x500  }
0x15e: {  	_ =	swait.ge [sflag:s29], $0x500  }
0x15f: {  	[sflag:s29] =	ssyncset.done $0x0;
	s11 =	rddreg [dreg:$0x1a]  }
0x160: {  	s12 =	rddreg [dreg:$0xe];
	[sflag:s29] =	ssyncadd.s32 $0xFFFFFB00;
	s5 =	sshrl.u32 s11, $0x3  }
0x161: {  	[hbm:s12], [sflag:s4] =	dma.local [spmem:s5], $0x500  }
0x162: {  	_ =	swait.ge [sflag:s29], $0x500  }
0x163: {  	[sflag:s29] =	ssyncset.done $0x0;
	s13 =	rddreg [dreg:$0x1b]  }
0x164: {  	s16 =	rddreg [dreg:$0xf];
	[sflag:s29] =	ssyncadd.s32 $0xFFFFFB00;
	s5 =	sshrl.u32 s13, $0x3  }
0x165: {  	[hbm:s16], [sflag:s4] =	dma.local [spmem:s5], $0x500  }
0x166: {  	_ =	swait.ge [sflag:s29], $0x500  }
0x167: {  	[sflag:s29] =	ssyncset.done $0x0;
	s22 =	rddreg [dreg:$0x1c]  }
0x168: {  	s23 =	rddreg [dreg:$0x10];
	[sflag:s29] =	ssyncadd.s32 $0xFFFFFB00;
	s5 =	sshrl.u32 s22, $0x3  }
0x169: {  	[hbm:s23], [sflag:s4] =	dma.local [spmem:s5], $0x500  }
0x16a: {  	_ =	swait.ge [sflag:s29], $0x500  }
0x16b: {  	s9 =	sld [smem:$0x7FC]  }
0x16c: {  	[sflag:s29] =	ssyncset.done $0x0  }
0x16d: {  	s5 =	rddreg [dreg:$0x11];
	[sflag:s29] =	ssyncadd.s32 $0xFFFFFB00  }
0x16e: {  	[hbm:s5], [sflag:s4] =	dma.local @!p0 [spmem:s9], $0x500  }
0x16f: {  	s4 =	simm.s32 @!p0 $0xD  }
0x170: {  	_ =	swait.ge @!p0 [sflag:s4], $0x500  }
0x171: {  	s30 =	sld [smem:$0x7F6]  }
0x172: {  	s31 =	sld [smem:$0x7FA];
	_ =	sdelay $0x1  }
0x173: {  	s6 =	sadd.s32 $0x1, s30  }
0x174: {  	p1 =	sne.s32 s6, s31  }
.Ltmp2:
0x175: {  	_ = 	snop;
	(pc) =	sbr.rel @p1 .LBB2_1-.Ltmp2, $4  }
0x176: {  	_ = 	snop  }
0x177: {  	s0 =	simm.s32 $0x13B80;
	s7 =	simm.s32 $0x13C80;
	s8 =	simm.s32 $0x5  }
0x178: {  	s12 =	simm.s32 $0x13900;
	s16 =	simm.s32 $0x13B00;
	[sflag:s4] =	ssyncset.done @!p0 $0x0  }
0x179: {  	s23 =	simm.s32 $0x9;
	s11 =	rddreg [dreg:$0x9];
	[sflag:s4] =	ssyncadd.s32 @!p0 $0xFFFFFB00  }
0x17a: {  	_ =	sfence.sel $0x180000  }
0x17b: {  	[bflag:$0x0] =	sbarrier.arrive $0xFFFF  }
0x17c: {  	_ =	strace $0x9000004A  }
0x17d: {  	s0 =	stileid.u32;
	[bflag:$0x2] =	sbarrier.arrive $0xFFFF  }
0x17e: {  	p0 =	sne.s32 s0, $0x0;
	s0 =	rddreg [dreg:$0x2]  }
0x17f: {  	s0 =	sadd.s32 @!p0 $0x100000, s0  }
0x180: {  	[sflag:s0] =	ssyncadd.tile.s32 @!p0 $0x1;
	_ =	shalt  }
.Lfunc_end2:
_tile_overlayer_lowered:
.L_overlay_start_2:
0x181: {  	(tag) =	ssettag $0x2  }
0x182: {  	s0 =	rddreg [dreg:$0x0];
	s2 =	stileid.u32  }
0x183: {  	s1 =	rddreg [dreg:$0x1];
	p0 =	sne.s32 s2, $0x0  }
0x184: {  	s3 =	rddreg [dreg:$0x2];
	[bflag:$0x3] =	sbarrier.arrive $0xFFFF;
	s2 =	simm.s32 @!p0 $0x1C0D  }
0x185: {  	[timem:s3], [sflag:s2] =	dma.local @!p0 [hbm:s0], s1  }
0x186: {  	s0 =	simm.s32 @!p0 $0xD  }
0x187: {  	_ =	swait.ge @!p0 [sflag:s0], s1  }
0x188: {  	s1 =	ssub.s32 @!p0 $0x0, s1;
	[sflag:s0] =	ssyncset.done @!p0 $0x0  }
0x189: {  	[sflag:s0] =	ssyncadd.s32 @!p0 s1  }
0x18a: {  	[bflag:$0x3] =	sbarrier.arrive $0xFFFF  }
0x18b: {  	_ =	shalt  }

// kernel: kernel.14.cloned.1.call-start
scs
__scs_entry_jumppad:
0x0: {  	(pc) =	sbr.rel $0x88, $3  }
0x1: {  	(tag) =	ssettag $0x0;
	lr =	simm.s32 $0x1  }
0x2: {  	[smem:$0x3F97] =	sst lr;
	_ =	strace $0xD0000000  }
0x3: {  	_ = 	snop  }
0x4: {  	_ = 	snop  }
0x5: {  	_ = 	snop  }
0x6: {  	_ = 	snop  }
0x7: {  	_ = 	snop  }
__scs_overlays_trampoline_lowered:
0x8: {  	[smem:$0x3FA6] =	sst s0  }
0x9: {  	[smem:$0x3FA7] =	sst s1  }
0xa: {  	[smem:$0x3FA8] =	sst s2  }
0xb: {  	[smem:$0x3FA9] =	sst s3  }
0xc: {  	[smem:$0x3FAA] =	sst s4  }
0xd: {  	[smem:$0x3FAB] =	sst s5  }
0xe: {  	[smem:$0x3FAC] =	sst s6  }
0xf: {  	[smem:$0x3FAD] =	sst s7  }
0x10: {  	[smem:$0x3FAE] =	sst s8  }
0x11: {  	[smem:$0x3FAF] =	sst s9;
	s0 =	simm.s32 @!p0 $0x0  }
0x12: {  	s1 =	sld [smem:$0x3F95];
	s0 =	simm.s32 @p0 $0x1  }
0x13: {  	[smem:$0x3FB0] =	sst s0;
	s0 =	simm.s32 @!p1 $0x0  }
0x14: {  	s2 =	sld [smem:$0x3F94];
	s0 =	simm.s32 @p1 $0x1  }
0x15: {  	[smem:$0x3FB1] =	sst s0;
	s0 =	simm.s32 @!p2 $0x0  }
0x16: {  	s3 =	sld [smem:$0x3FDB];
	s0 =	simm.s32 @p2 $0x1  }
0x17: {  	s4 =	simm.s32 $0x1BF5;
	[smem:$0x3FB3] =	sst s0  }
0x18: {  	s0 =	sld [smem:$0x3F96];
	_ =	swait.ge [sflag:s4], $0x0  }
0x19: {  	s7 =	sld [smem:$0x3F97]  }
0x1a: {  	s8 =	sadd.s32 $0xFFFFE003, lr  }
0x1b: {  	s9 =	sadd.s32 $0xFFFFFEF7, lr;
	s5 =	simm.s32 $0xFFFFFFFF;
	p2 =	slt.u32 s8, $0xFFFFF086  }
0x1c: {  	p1 =	slt.u32 s9, $0xF7A;
	s5 =	simm.s32 @!p2 $0x0  }
0x1d: {  	s5 =	simm.s32 @p1 $0x1;
	p0 =	seq.s32 s7, s2  }
0x1e: {  	s7 =	smul.u32 @!p0 $0xF7A, s2;
	p2 =	seq.s32 @!p0 s5, $0x0  }
0x1f: {  	s9 =	smul.u32 $0xF7A, s1;
	s8 =	simm.s32 @!p0 $0x1BF5;
	p2 =	por !p2, p0  }
0x20: {  	[sflag:s8] =	ssyncset.s32 @!p0 $0xFFFFF086;
	s6 =	sadd.s32 @!p0 s3, s7;
	s7 =	simm.s32 @!p0 $0x108  }
0x21: {  	s3 =	sadd.s32 s3, s9;
	s6 =	sadd.s32 @!p0 $0x88, s6;
	s7 =	simm.s32 @p2 $0x1082  }
0x22: {  	[simem:s7], [sflag:s8] =	dma.local @!p0 [hbm:s6], $0xF7A  }
0x23: {  	s9 =	sor.u32 $0xD0000000, s2;
	s6 =	simm.s32 $0x108;
	_ =	swait.ge @!p0 [sflag:s8], $0x0  }
0x24: {  	s3 =	sadd.s32 $0x88, s3;
	s6 =	simm.s32 @!p1 $0x1082;
	[sflag:s4] =	ssyncset.s32 $0xFFFFF086  }
0x25: {  	[simem:s6], [sflag:s4] =	dma.local [hbm:s3], $0xF7A  }
0x26: {  	[smem:$0x3F97] =	sst s1;
	(tag) =	ssettag s2;
	_ =	strace s9  }
0x27: {  	s1 =	sld [smem:$0x3FA7]  }
0x28: {  	s2 =	sld [smem:$0x3FA8]  }
0x29: {  	s4 =	sld [smem:$0x3FAA]  }
0x2a: {  	p0 =	seq.s32 s5, $0x0;
	s5 =	sld [smem:$0x3FAB]  }
0x2b: {  	s6 =	sld [smem:$0x3FAC]  }
0x2c: {  	s7 =	sld [smem:$0x3FAD]  }
0x2d: {  	s3 =	simm.s32 $0x108;
	s8 =	sld [smem:$0x3FAE]  }
0x2e: {  	s3 =	simm.s32 @!p0 $0x1082;
	s9 =	sld [smem:$0x3FAF]  }
0x2f: {  	lr =	sadd.s32 s0, s3;
	s0 =	sld [smem:$0x3FA6]  }
0x30: {  	s3 =	sld [smem:$0x3FA9]  }
0x31: {  	[smem:$0x3FB2] =	sst s10  }
0x32: {  	s10 =	sld [smem:$0x3FB0];
	_ =	sdelay $0x3  }
0x33: {  	p0 =	seq.s32 s10, $0x1;
	s10 =	sld [smem:$0x3FB2];
	_ =	sdelay $0x3  }
0x34: {  	[smem:$0x3FB2] =	sst s10  }
0x35: {  	s10 =	sld [smem:$0x3FB1];
	_ =	sdelay $0x3  }
0x36: {  	p1 =	seq.s32 s10, $0x1;
	s10 =	sld [smem:$0x3FB2];
	_ =	sdelay $0x3  }
0x37: {  	[smem:$0x3FB2] =	sst s10  }
0x38: {  	s10 =	sld [smem:$0x3FB3]  }
0x39: {  	_ = 	snop;
	(pc) =	sbr.ind lr, $3  }
0x3a: {  	_ = 	snop  }
0x3b: {  	_ = 	snop  }
0x3c: {  	p2 =	seq.s32 s10, $0x1;
	s10 =	sld [smem:$0x3FB2]  }
0x3d: {  	_ =	shalt  }
0x3e: {  	_ =	shalt  }
0x3f: {  	_ =	shalt  }
0x40: {  	_ =	shalt  }
0x41: {  	_ =	shalt  }
0x42: {  	_ =	shalt  }
0x43: {  	_ =	shalt  }
0x44: {  	_ =	shalt  }
0x45: {  	_ =	shalt  }
0x46: {  	_ =	shalt  }
0x47: {  	_ =	shalt  }
0x48: {  	_ =	shalt  }
0x49: {  	_ =	shalt  }
0x4a: {  	_ =	shalt  }
0x4b: {  	_ =	shalt  }
0x4c: {  	_ =	shalt  }
0x4d: {  	_ =	shalt  }
0x4e: {  	_ =	shalt  }
0x4f: {  	_ =	shalt  }
0x50: {  	_ =	shalt  }
0x51: {  	_ =	shalt  }
0x52: {  	_ =	shalt  }
0x53: {  	_ =	shalt  }
0x54: {  	_ =	shalt  }
0x55: {  	_ =	shalt  }
0x56: {  	_ =	shalt  }
0x57: {  	_ =	shalt  }
0x58: {  	_ =	shalt  }
0x59: {  	_ =	shalt  }
0x5a: {  	_ =	shalt  }
0x5b: {  	_ =	shalt  }
0x5c: {  	_ =	shalt  }
0x5d: {  	_ =	shalt  }
0x5e: {  	_ =	shalt  }
0x5f: {  	_ =	shalt  }
0x60: {  	_ =	shalt  }
0x61: {  	_ =	shalt  }
0x62: {  	_ =	shalt  }
0x63: {  	_ =	shalt  }
0x64: {  	_ =	shalt  }
0x65: {  	_ =	shalt  }
0x66: {  	_ =	shalt  }
0x67: {  	_ =	shalt  }
0x68: {  	_ =	shalt  }
0x69: {  	_ =	shalt  }
0x6a: {  	_ =	shalt  }
0x6b: {  	_ =	shalt  }
0x6c: {  	_ =	shalt  }
0x6d: {  	_ =	shalt  }
0x6e: {  	_ =	shalt  }
0x6f: {  	_ =	shalt  }
0x70: {  	_ =	shalt  }
0x71: {  	_ =	shalt  }
0x72: {  	_ =	shalt  }
0x73: {  	_ =	shalt  }
0x74: {  	_ =	shalt  }
0x75: {  	_ =	shalt  }
0x76: {  	_ =	shalt  }
0x77: {  	_ =	shalt  }
0x78: {  	_ =	shalt  }
0x79: {  	_ =	shalt  }
0x7a: {  	_ =	shalt  }
0x7b: {  	_ =	shalt  }
0x7c: {  	_ =	shalt  }
0x7d: {  	_ =	shalt  }
0x7e: {  	_ =	shalt  }
0x7f: {  	_ =	shalt  }
0x80: {  	_ =	shalt  }
0x81: {  	_ =	shalt  }
0x82: {  	_ =	shalt  }
0x83: {  	_ =	shalt  }
0x84: {  	_ =	shalt  }
0x85: {  	_ =	shalt  }
0x86: {  	_ =	shalt  }
0x87: {  	_ =	shalt  }
.Lfunc_end0:
.L_simem_size_0:
called_computation.2_lowered:
.L_overlay_start_0:
0x88: {  	s2 =	sld [smem:$0x3FD9]  }
0x89: {  	s3 =	sld [smem:$0x3FFE];
	_ =	sdelay $0x1  }
0x8a: {  	s1 =	srdreg.scid  }
0x8b: {  	s0 =	sand.u32 $0x1, s1  }
0x8c: {  	s16 =	sshll.u32 s0, $0xA;
	s2 =	sadd.s32 s3, s2  }
0x8d: {  	s2 =	sadd.s32 s2, s16  }
0x8e: {  	[smem:$0x3FBE] =	sst s2  }
0x8f: {  	_ = 	snop  }
0x90: {  	(tm) =	ssettm $0x1  }
0x91: {  	s17 =	sld [smem:$0x3FFB];
	_ =	sdelay $0x3  }
0x92: {  	_ =	strace s17  }
0x93: {  	s2 =	sld [smem:$0x3FFC];
	_ =	sdelay $0x3  }
0x94: {  	_ =	strace s2  }
0x95: {  	s2 =	sld [smem:$0x3FFD];
	_ =	sdelay $0x3  }
0x96: {  	_ =	strace s2  }
0x97: {  	_ =	strace $0x8FFFFFFF  }
0x98: {  	s18 =	sld [smem:$0x3FDB];
	_ =	sdelay $0x1  }
0x99: {  	s19 =	simm.s32 $_scs_section_size  }
0x9a: {  	s4 =	simm.s32 $_size__tile_overlayer_lowered;
	s5 =	simm.s32 $_tile_overlayer_lowered  }
0x9b: {  	s22 =	simm.s32 $0x1BFF;
	s21 =	sshll.u32 s5, $0x1;
	s2 =	sadd.s32 s19, s18  }
0x9c: {  	s6 =	simm.s32 $0x0;
	s20 =	sshll.u32 s4, $0x1;
	s4 =	sadd.s32 s21, s2  }
0x9d: {  	[timem:s6], [sflag:s22] =	dma.local [hbm:s4], s20  }
0x9e: {  	_ =	swait.ge [sflag:s22], s20  }
0x9f: {  	s3 =	ssub.s32 $0x0, s20;
	[sflag:s22] =	ssyncset.done $0x0  }
0xa0: {  	[sflag:s22] =	ssyncadd.s32 s3;
	_ =	sdelay $0x1  }
0xa1: {  	s23 =	simm.s32 $0x1B8B  }
0xa2: {  	_ =	swait.ge [sflag:s23], $0x1  }
0xa3: {  	[sflag:s23] =	ssyncset.done $0x0  }
0xa4: {  	s25 =	simm.s32 $0x1B8E;
	s24 =	sld [smem:$0x3FFE];
	[sflag:s23] =	ssyncadd.s32 $0xFFFFFFFF  }
0xa5: {  	s26 =	simm.s32 $execute0_lowered;
	[smem:$0x3FD2] =	sst s25  }
0xa6: {  	s4 =	sshll.u32 s26, $0x1;
	_ =	strace $0x8000004C;
	[dreg:$0x1] =	wrdreg $0xFFFFFFFF  }
0xa7: {  	s28 =	simm.s32 $_size_execute0_lowered;
	s2 =	sadd.s32 s2, s4;
	[dreg:$0x0] =	wrdreg $0x0  }
0xa8: {  	s4 =	sshll.u32 s28, $0x1;
	[dreg:$0x2] =	wrdreg s2  }
0xa9: {  	[dreg:$0x3] =	wrdreg s4  }
0xaa: {  	[dreg:$0x4] =	wrdreg $0xC0  }
0xab: {  	_ =	task [dreg:s6], $0x5FFFF  }
0xac: {  	[dreg:$0x1] =	wrdreg $0xFFFFFFFF  }
0xad: {  	[dreg:$0x0] =	wrdreg $0x60  }
0xae: {  	[dreg:$0x2] =	wrdreg s24  }
0xaf: {  	[dreg:$0x3] =	wrdreg $0x0  }
0xb0: {  	[dreg:$0x4] =	wrdreg $0x9  }
0xb1: {  	_ =	task.clear_ibuf [dreg:s6], $0x5FFFF;
	_ =	strace $0x9000004C  }
0xb2: {  	s29 =	simm.s32 $0x9;
	_ =	strace $0x8000004E  }
0xb3: {  	_ =	swait.ge [sflag:s29], $0x1  }
0xb4: {  	[sflag:s29] =	ssyncadd.s32 $0xFFFFFFFF  }
0xb5: {  	_ =	strace $0x9000004E  }
0xb6: {  	_ =	sfence  }
0xb7: {  	s30 =	sld [smem:$0x0];
	_ =	sdelay $0x2  }
0xb8: {  	s31 =	sshll.u32 s1, $0xD;
	s1 =	sshrl.u32 s1, $0x2  }
0xb9: {  	s3 =	sand.u32 $0x4000, s31;
	s1 =	sadd.s32 s1, s30  }
0xba: {  	s0 =	sor.u32 s3, s0;
	s1 =	sshll.u32 s1, $0x11  }
0xbb: {  	s0 =	sor.u32 s1, s0  }
0xbc: {  	s0 =	sadd.s32 $0x8F2B, s0  }
0xbd: {  	[sflag:s0] =	ssyncadd.remote.s32 $0x1  }
0xbe: {  	_ =	sfence.sel $0xFFFF  }
0xbf: {  	[dreg:$0x0] =	wrdreg $0xFFFFFFFF;
	(pc) =	sbr.abs _section_cstart, $3  }
0xc0: {  	[dreg:$0x1] =	wrdreg $0xFFFFFFFF  }
0xc1: {  	_ =	task.clear_ibuf [dreg:s6], $0x2FFFF;
	_ =	strace $0x9FFFFFFF  }
0xc2: {  	(tm) =	ssettm $0x7FFFFFFF  }
0xc3: {  	_ =	shalt  }
tec
execute0_lowered:
.L_overlay_start_1:
0x0: {  	(tag) =	ssettag $0x1  }
0x1: {  	s3 =	rddreg [dreg:$0x0]  }
0x2: {  	s15 =	rddreg [dreg:$0x1];
	s2 =	simm.s32 $0x0;
	s0 =	srdreg.scid  }
0x3: {  	s19 =	stileid.u32;
	[smem:$0x7FF] =	sst s2;
	s20 =	sadd.s32 $0xC000, s3  }
0x4: {  	s21 =	sadd.s32 $0x2200, s3;
	s4 =	sand.u32 $0x1, s0;
	s9 =	smul.u32 $0x2800, s19  }
0x5: {  	s8 =	sadd.s32 $0x3D000, s3;
	s14 =	smul.u32 $0x2710, s19;
	_ =	strace $0x8000004D  }
0x6: {  	s0 =	ssub.s32 $0x2, s4;
	s6 =	sshll.u32 s4, $0x4;
	s10 =	smul.u32 $0x138800, s4  }
0x7: {  	s4 =	smul.u32 $0x27100, s4;
	s5 =	sshrl.u32 s0, $0x1;
	s24 =	sor.u32 s19, s6  }
0x8: {  	s6 =	sadd.s32 $0x50000, s9;
	s7 =	sadd.s32 $0x78000, s9;
	s13 =	sadd.s32 $0xA0000, s9  }
0x9: {  	s1 =	sadd.s32 $0xC8000, s9;
	s16 =	sadd.s32 $0xF0000, s9;
	s0 =	ssub.s32 s0, s5  }
0xa: {  	s11 =	smul.u32 $0x2710, s24;
	s5 =	sadd.s32 $0x28000, s9;
	s12 =	sadd.s32 s9, s10  }
0xb: {  	s17 =	sadd.s32 s10, s6;
	s4 =	sadd.s32 s14, s4;
	s22 =	sadd.s32 s10, s7  }
0xc: {  	s9 =	sadd.s32 $0x118000, s9;
	s6 =	sadd.s32 s6, s15;
	s12 =	sshrl.u32 s12, $0x3  }
0xd: {  	s25 =	sadd.s32 s10, s5;
	s26 =	sshrl.u32 s17, $0x3;
	s30 =	sadd.s32 $0x230, s4  }
0xe: {  	s18 =	sadd.s32 $0x1E0, s4;
	s5 =	sadd.s32 s5, s15;
	[dreg:$0x18] =	wrdreg s6  }
0xf: {  	s0 =	smax.u32 s0, $0x1;
	s12 =	sadd.s32 s8, s12;
	[dreg:$0x17] =	wrdreg s5  }
0x10: {  	s31 =	sadd.s32 s8, s26;
	s14 =	sshrl.u32 s30, $0x3;
	[smem:$0x7FA] =	sst s0  }
0x11: {  	s23 =	sshrl.u32 s18, $0x3;
	s26 =	sadd.s32 s10, s1;
	[dreg:$0xa] =	wrdreg s12  }
0x12: {  	s12 =	sshrl.u32 s25, $0x3;
	[dreg:$0xc] =	wrdreg s31;
	s17 =	sadd.s32 s14, s21  }
0x13: {  	s24 =	sadd.s32 s23, s21;
	s25 =	sadd.s32 s10, s13;
	[dreg:$0x3] =	wrdreg s17  }
0x14: {  	s31 =	sadd.s32 s23, s20;
	s12 =	sadd.s32 s8, s12;
	[dreg:$0x5] =	wrdreg s24  }
0x15: {  	s30 =	sshrl.u32 s25, $0x3;
	[dreg:$0x6] =	wrdreg s31;
	s17 =	sadd.s32 s10, s16  }
0x16: {  	[dreg:$0xb] =	wrdreg s12;
	s12 =	sadd.s32 s14, s20;
	s14 =	sshrl.u32 s22, $0x3  }
0x17: {  	s24 =	smul.u32 $0xA000, s19;
	[dreg:$0x4] =	wrdreg s12;
	s14 =	sadd.s32 s8, s14  }
0x18: {  	s12 =	sshrl.u32 s26, $0x3;
	[dreg:$0xd] =	wrdreg s14;
	s14 =	sadd.s32 s8, s30  }
0x19: {  	s10 =	sadd.s32 s10, s9;
	s12 =	sadd.s32 s8, s12;
	[dreg:$0xe] =	wrdreg s14  }
0x1a: {  	s31 =	sshrl.u32 s24, $0x2;
	[dreg:$0xf] =	wrdreg s12;
	s14 =	sadd.s32 $0x190, s4  }
0x1b: {  	s12 =	sshrl.u32 s14, $0x3;
	s14 =	sshrl.u32 s17, $0x3;
	s17 =	sadd.s32 s31, s15  }
0x1c: {  	s10 =	sshrl.u32 s10, $0x3;
	s14 =	sadd.s32 s8, s14;
	[dreg:$0x16] =	wrdreg s17  }
0x1d: {  	s29 =	simm.s32 $0xD;
	s8 =	sadd.s32 s8, s10;
	[dreg:$0x10] =	wrdreg s14  }
0x1e: {  	s28 =	simm.s32 $0x2;
	s18 =	sadd.s32 s12, s21;
	[dreg:$0x11] =	wrdreg s8  }
0x1f: {  	p0 =	sgt.u32 s19, $0xC;
	s22 =	sadd.s32 s12, s20;
	[dreg:$0x7] =	wrdreg s18  }
0x20: {  	s6 =	simm.s32 $0x0;
	s12 =	sadd.s32 s13, s15;
	[dreg:$0x8] =	wrdreg s22  }
0x21: {  	s19 =	simm.s32 $0x8;
	s13 =	sadd.s32 s1, s15;
	[dreg:$0x1a] =	wrdreg s12  }
0x22: {  	s10 =	smov.u32 s20;
	s31 =	sadd.s32 $0x118000, s17;
	[dreg:$0x1b] =	wrdreg s13  }
0x23: {  	s14 =	sadd.s32 $0x15E00, s3;
	s18 =	sadd.s32 s16, s15;
	[smem:$0x7FD] =	sst s31  }
0x24: {  	s3 =	sshrl.u32 s11, $0x3;
	s11 =	smov.u32 s21;
	[dreg:$0x1c] =	wrdreg s18  }
0x25: {  	s12 =	simm.s32 $0x13900;
	s22 =	sadd.s32 s20, s3;
	[dreg:$0x9] =	wrdreg s11  }
0x26: {  	s23 =	sadd.s32 $0xA, s3;
	s24 =	sadd.s32 s21, s3;
	[dreg:$0x1d] =	wrdreg s22  }
0x27: {  	s16 =	simm.s32 $0x13B00;
	s25 =	sadd.s32 s20, s23;
	[dreg:$0x1e] =	wrdreg s24  }
0x28: {  	s26 =	sadd.s32 $0x14, s3;
	s8 =	sadd.s32 s21, s23;
	[dreg:$0x12] =	wrdreg s25  }
0x29: {  	s18 =	simm.s32 $0x1;
	s30 =	sadd.s32 s20, s26;
	[dreg:$0x13] =	wrdreg s8  }
0x2a: {  	s23 =	sadd.s32 $0x1E, s3;
	[dreg:$0x14] =	wrdreg s30;
	s8 =	sadd.s32 s21, s26  }
0x2b: {  	s3 =	sadd.s32 $0x4D8, s3;
	s25 =	sadd.s32 s20, s23;
	[dreg:$0x15] =	wrdreg s8  }
0x2c: {  	s24 =	simm.s32 $0x7;
	s5 =	sadd.s32 s21, s23;
	[dreg:$0x1f] =	wrdreg s25  }
0x2d: {  	s26 =	sadd.s32 s20, s3;
	s3 =	sadd.s32 s21, s3;
	[smem:$0x7F7] =	sst s5  }
0x2e: {  	s30 =	sadd.s32 $0x140, s4;
	s23 =	simm.s32 $0x9;
	[smem:$0x7F8] =	sst s26  }
0x2f: {  	s21 =	simm.s32 $0x4;
	s20 =	simm.s32 $0x6;
	[smem:$0x7F9] =	sst s3  }
0x30: {  	s8 =	sadd.s32 s7, s15;
	s3 =	sadd.s32 s9, s15;
	[smem:$0x7FB] =	sst s30  }
0x31: {  	s7 =	simm.s32 $0x13C80;
	s26 =	simm.s32 $0x50;
	s25 =	simm.s32 $0x13B00  }
0x32: {  	[dreg:$0x19] =	wrdreg s8;
	s0 =	sshrl.u32 @!p0 s3, $0x3;
	s8 =	simm.s32 $0x5  }
0x33: {  	v0 =	vimm.f32 $0.0e+00;
	s3 =	simm.s32 $0x3;
	[smem:$0x7FC] =	sst s0;
	s0 =	simm.s32 $0x13B80  }
.LBB2_1:
0x34: {  	[smem:$0x7F6] =	sst s6;
	s4 =	simm.s32 $0x0;
	s5 =	simm.s32 $0x200  }
.LBB2_2:
0x35: {  	p1 =	sne.s32 s5, $0x9E00;
	[tilespmem:s4+$0x13CF0] =	vst v0  }
0x36: {  	[tilespmem:s4+$0x13C80] =	vst v0  }
0x37: {  	[tilespmem:s4+$0x13C90] =	vst v0  }
.Ltmp0:
0x38: {  	[tilespmem:s4+$0x13CA0] =	vst v0;
	(pc) =	sbr.rel @p1 .LBB2_2-.Ltmp0, $4  }
0x39: {  	[tilespmem:s4+$0x13CB0] =	vst v0  }
0x3a: {  	[tilespmem:s4+$0x13CC0] =	vst v0  }
0x3b: {  	[tilespmem:s4+$0x13CD0] =	vst v0  }
0x3c: {  	[tilespmem:s4+$0x13CE0] =	vst v0;
	s4 =	sshra.s32 s5, $0x2;
	s5 =	sadd.s32 $0x200, s5  }
0x3d: {  	[tilespmem:s4+$0x13CF0] =	vst v0  }
0x3e: {  	[tilespmem:s4+$0x13C80] =	vst v0  }
0x3f: {  	[tilespmem:s4+$0x13C90] =	vst v0  }
0x40: {  	[tilespmem:s4+$0x13CA0] =	vst v0  }
0x41: {  	[tilespmem:s4+$0x13CB0] =	vst v0  }
0x42: {  	[tilespmem:s4+$0x13CC0] =	vst v0  }
0x43: {  	[tilespmem:s4+$0x13CD0] =	vst v0  }
0x44: {  	[tilespmem:s4+$0x13CE0] =	vst v0;
	s5 =	rddreg [dreg:$0x1d];
	s1 =	simm.s32 $0x13880  }
0x45: {  	[tilespmem:s1], [sflag:$0x1] =	stream.linear.gather [hbm4b:s5+s2], $0x50, $0x38;
	[tilespmem:$0x1DC80] =	vst v63  }
0x46: {  	s6 =	rddreg [dreg:$0x1e];
	s13 =	simm.s32 $0x13A80  }
0x47: {  	[tilespmem:s13], [sflag:$0x1] =	stream.linear.gather [hbm4b:s6+s2], $0x50, $0x38;
	[tilespmem:$0x1DC80] =	vst v63  }
0x48: {  	s9 =	rddreg [dreg:$0x12]  }
0x49: {  	[tilespmem:s12], [sflag:$0x2] =	stream.linear.gather [hbm4b:s9+s2], $0x50, $0x38;
	[tilespmem:$0x1DC80] =	vst v63  }
0x4a: {  	s22 =	rddreg [dreg:$0x13]  }
0x4b: {  	[tilespmem:s16], [sflag:$0x2] =	stream.linear.gather [hbm4b:s22+s2], $0x50, $0x38;
	[tilespmem:$0x1DC80] =	vst v63  }
0x4c: {  	s30 =	rddreg [dreg:$0x14];
	s31 =	simm.s32 $0x13980  }
0x4d: {  	[tilespmem:s31], [sflag:$0x3] =	stream.linear.gather [hbm4b:s30+s2], $0x50, $0x38;
	[tilespmem:$0x1DC80] =	vst v63  }
0x4e: {  	s5 =	rddreg [dreg:$0x15]  }
0x4f: {  	[tilespmem:s0], [sflag:$0x3] =	stream.linear.gather [hbm4b:s5+s2], $0x50, $0x38;
	[tilespmem:$0x1DC80] =	vst v63  }
0x50: {  	_ = 	snop  }
0x51: {  	[spmem:s17] =	stream.linear.scatter [tilespmem:s7], [sflag:$0xD], $0x2800, $0x38;
	[tilespmem:$0x1DC80] =	vst v63  }
0x52: {  	_ =	swait.ge [sflag:s29], $0x2800  }
0x53: {  	[sflag:s29] =	ssyncset.done $0x0  }
0x54: {  	s6 =	rddreg [dreg:$0x17];
	[sflag:s29] =	ssyncadd.s32 $0xFFFFD800  }
0x55: {  	[spmem:s6] =	stream.linear.scatter [tilespmem:s7], [sflag:$0xD], $0x2800, $0x38;
	[tilespmem:$0x1DC80] =	vst v63  }
0x56: {  	_ =	swait.ge [sflag:s29], $0x2800  }
0x57: {  	[sflag:s29] =	ssyncset.done $0x0  }
0x58: {  	s9 =	rddreg [dreg:$0x18];
	[sflag:s29] =	ssyncadd.s32 $0xFFFFD800  }
0x59: {  	[spmem:s9] =	stream.linear.scatter [tilespmem:s7], [sflag:$0xD], $0x2800, $0x38;
	[tilespmem:$0x1DC80] =	vst v63  }
0x5a: {  	_ =	swait.ge [sflag:s29], $0x2800  }
0x5b: {  	[sflag:s29] =	ssyncset.done $0x0  }
0x5c: {  	s17 =	rddreg [dreg:$0x19];
	[sflag:s29] =	ssyncadd.s32 $0xFFFFD800  }
0x5d: {  	[spmem:s17] =	stream.linear.scatter [tilespmem:s7], [sflag:$0xD], $0x2800, $0x38;
	[tilespmem:$0x1DC80] =	vst v63  }
0x5e: {  	_ =	swait.ge [sflag:s29], $0x2800  }
0x5f: {  	[sflag:s29] =	ssyncset.done $0x0  }
0x60: {  	s22 =	rddreg [dreg:$0x1a];
	[sflag:s29] =	ssyncadd.s32 $0xFFFFD800  }
0x61: {  	[spmem:s22] =	stream.linear.scatter [tilespmem:s7], [sflag:$0xD], $0x2800, $0x38;
	[tilespmem:$0x1DC80] =	vst v63  }
0x62: {  	_ =	swait.ge [sflag:s29], $0x2800  }
0x63: {  	[sflag:s29] =	ssyncset.done $0x0  }
0x64: {  	s30 =	rddreg [dreg:$0x1b];
	[sflag:s29] =	ssyncadd.s32 $0xFFFFD800  }
0x65: {  	[spmem:s30] =	stream.linear.scatter [tilespmem:s7], [sflag:$0xD], $0x2800, $0x38;
	[tilespmem:$0x1DC80] =	vst v63  }
0x66: {  	_ =	swait.ge [sflag:s29], $0x2800  }
0x67: {  	[sflag:s29] =	ssyncset.done $0x0  }
0x68: {  	s5 =	rddreg [dreg:$0x1c];
	[sflag:s29] =	ssyncadd.s32 $0xFFFFD800  }
0x69: {  	[spmem:s5] =	stream.linear.scatter [tilespmem:s7], [sflag:$0xD], $0x2800, $0x38;
	[tilespmem:$0x1DC80] =	vst v63  }
0x6a: {  	_ =	swait.ge [sflag:s29], $0x2800  }
0x6b: {  	s5 =	sld [smem:$0x7FD]  }
0x6c: {  	[sflag:s29] =	ssyncset.done $0x0  }
0x6d: {  	s4 =	simm.s32 @!p0 $0x13C80;
	[sflag:s29] =	ssyncadd.s32 $0xFFFFD800  }
0x6e: {  	[spmem:s5] =	stream.linear.scatter @!p0 [tilespmem:s4], [sflag:$0xD], $0x2800, $0x38;
	[tilespmem:$0x1DC80] =	vst v63  }
0x6f: {  	s4 =	simm.s32 @!p0 $0xD  }
0x70: {  	_ =	swait.ge @!p0 [sflag:s4], $0x2800  }
0x71: {  	[sflag:s4] =	ssyncset.done @!p0 $0x0  }
0x72: {  	[sflag:s4] =	ssyncadd.s32 @!p0 $0xFFFFD800  }
0x73: {  	[bflag:$0x0] =	sbarrier.arrive $0xFFFF  }
0x74: {  	_ =	swait.ge [sflag:s18], $0x50  }
0x75: {  	[sflag:s18] =	ssyncset.done $0x0  }
0x76: {  	[sflag:s18] =	ssyncadd.s32 $0xFFFFFFB0  }
0x77: {  	_ =	swait.ge [sflag:s18], $0x50  }
0x78: {  	[sflag:s18] =	ssyncset.done $0x0  }
0x79: {  	[sflag:s18] =	ssyncadd.s32 $0xFFFFFFB0  }
0x7a: {  	[tilespmem:s7], [sflag:$0x5] =	stream.indirect.gather [hbm4b:s14+s26], $0x80, s1, s26, $0xb8;
	[tilespmem:$0x1DC80] =	vst v63  }
0x7b: {  	_ =	swait.ge [sflag:s28], $0x50  }
0x7c: {  	[sflag:s28] =	ssyncset.done $0x0  }
0x7d: {  	[sflag:s28] =	ssyncadd.s32 $0xFFFFFFB0  }
0x7e: {  	_ =	swait.ge [sflag:s28], $0x50  }
0x7f: {  	[sflag:s28] =	ssyncset.done $0x0  }
0x80: {  	s29 =	simm.s32 $0x16480;
	[sflag:s28] =	ssyncadd.s32 $0xFFFFFFB0  }
0x81: {  	[tilespmem:s29], [sflag:$0x6] =	stream.indirect.gather [hbm4b:s14+s26], $0x80, s12, s26, $0xb8;
	[tilespmem:$0x1DC80] =	vst v63  }
0x82: {  	_ =	swait.ge [sflag:s8], $0x2800  }
0x83: {  	[sflag:s8] =	ssyncset.done $0x0  }
0x84: {  	s9 =	sld [smem:$0x7F7];
	[sflag:s8] =	ssyncadd.s32 $0xFFFFD800  }
0x85: {  	[spmem:s15] =	stream.indirect.scatter.add.f32 [tilespmem:s7], [sflag:$0x9], $0x80, s13, s26, $0xb8;
	[tilespmem:$0x1DC80] =	vst v63  }
0x86: {  	s6 =	simm.s32 $0x0;
	s22 =	simm.s32 $0x13A00;
	s8 =	rddreg [dreg:$0x1f]  }
0x87: {  	[tilespmem:s22], [sflag:$0x4] =	stream.linear.gather [hbm4b:s8+s6], $0x50, $0x38;
	[tilespmem:$0x1DC80] =	vst v63  }
0x88: {  	s17 =	simm.s32 $0x13C00  }
0x89: {  	[tilespmem:s17], [sflag:$0x4] =	stream.linear.gather [hbm4b:s9+s6], $0x50, $0x38;
	[tilespmem:$0x1DC80] =	vst v63  }
0x8a: {  	_ =	swait.ge [sflag:s3], $0x50  }
0x8b: {  	[sflag:s3] =	ssyncset.done $0x0  }
0x8c: {  	[sflag:s3] =	ssyncadd.s32 $0xFFFFFFB0  }
0x8d: {  	_ =	swait.ge [sflag:s3], $0x50  }
0x8e: {  	[sflag:s3] =	ssyncset.done $0x0  }
0x8f: {  	s6 =	simm.s32 $0x18C80;
	[sflag:s3] =	ssyncadd.s32 $0xFFFFFFB0  }
0x90: {  	[tilespmem:s6], [sflag:$0x7] =	stream.indirect.gather [hbm4b:s14+s26], $0x80, s31, s26, $0xb8;
	[tilespmem:$0x1DC80] =	vst v63  }
0x91: {  	_ =	swait.ge [sflag:s20], $0x2800  }
0x92: {  	[sflag:s20] =	ssyncset.done $0x0  }
0x93: {  	[sflag:s20] =	ssyncadd.s32 $0xFFFFD800  }
0x94: {  	[spmem:s15] =	stream.indirect.scatter.add.f32 [tilespmem:s29], [sflag:$0xA], $0x80, s16, s26, $0xb8;
	[tilespmem:$0x1DC80] =	vst v63  }
0x95: {  	_ =	swait.ge [sflag:s23], $0x2800  }
0x96: {  	s9 =	sld [smem:$0x7FB];
	_ =	sdelay $0x2  }
0x97: {  	[sflag:s23] =	ssyncset.done $0x0;
	s4 =	sshrl.u32 s9, $0x3  }
0x98: {  	[sflag:s23] =	ssyncadd.s32 $0xFFFFD800;
	s30 =	sadd.s32 s10, s4  }
0x99: {  	[tilespmem:s1], [sflag:$0x1] =	stream.linear.gather [hbm4b:s30+s2], $0x50, $0x38;
	[tilespmem:$0x1DC80] =	vst v63  }
0x9a: {  	s4 =	sadd.s32 s11, s4  }
0x9b: {  	[tilespmem:s13], [sflag:$0x1] =	stream.linear.gather [hbm4b:s4+s2], $0x50, $0x38;
	[tilespmem:$0x1DC80] =	vst v63  }
0x9c: {  	_ =	swait.ge [sflag:s21], $0x50  }
0x9d: {  	[sflag:s21] =	ssyncset.done $0x0  }
0x9e: {  	[sflag:s21] =	ssyncadd.s32 $0xFFFFFFB0  }
0x9f: {  	_ =	swait.ge [sflag:s21], $0x50  }
0xa0: {  	[sflag:s21] =	ssyncset.done $0x0  }
0xa1: {  	s30 =	simm.s32 $0x1B480;
	[sflag:s21] =	ssyncadd.s32 $0xFFFFFFB0  }
0xa2: {  	[tilespmem:s30], [sflag:$0x8] =	stream.indirect.gather [hbm4b:s14+s26], $0x80, s22, s26, $0xb8;
	[tilespmem:$0x1DC80] =	vst v63  }
0xa3: {  	_ =	swait.ge [sflag:s24], $0x2800  }
0xa4: {  	[sflag:s24] =	ssyncset.done $0x0  }
0xa5: {  	s5 =	simm.s32 $0xA;
	[sflag:s24] =	ssyncadd.s32 $0xFFFFD800  }
0xa6: {  	[spmem:s15] =	stream.indirect.scatter.add.f32 [tilespmem:s6], [sflag:$0xB], $0x80, s0, s26, $0xb8;
	[tilespmem:$0x1DC80] =	vst v63  }
0xa7: {  	_ =	swait.ge [sflag:s5], $0x2800  }
0xa8: {  	s11 =	rddreg [dreg:$0x8];
	[sflag:s5] =	ssyncset.done $0x0  }
0xa9: {  	s23 =	rddreg [dreg:$0x7];
	[sflag:s5] =	ssyncadd.s32 $0xFFFFD800;
	s4 =	sadd.s32 $0x0, s11  }
0xaa: {  	[tilespmem:s12], [sflag:$0x2] =	stream.linear.gather [hbm4b:s4+s2], $0x50, $0x38;
	[tilespmem:$0x1DC80] =	vst v63  }
0xab: {  	s6 =	sadd.s32 $0x0, s23  }
0xac: {  	[tilespmem:s16], [sflag:$0x2] =	stream.linear.gather [hbm4b:s6+s2], $0x50, $0x38;
	[tilespmem:$0x1DC80] =	vst v63  }
0xad: {  	_ =	swait.ge [sflag:s18], $0x50  }
0xae: {  	[sflag:s18] =	ssyncset.done $0x0  }
0xaf: {  	[sflag:s18] =	ssyncadd.s32 $0xFFFFFFB0  }
0xb0: {  	_ =	swait.ge [sflag:s18], $0x50  }
0xb1: {  	[sflag:s18] =	ssyncset.done $0x0  }
0xb2: {  	[sflag:s18] =	ssyncadd.s32 $0xFFFFFFB0  }
0xb3: {  	[tilespmem:s7], [sflag:$0x5] =	stream.indirect.gather [hbm4b:s14+s26], $0x80, s1, s26, $0xb8;
	[tilespmem:$0x1DC80] =	vst v63  }
0xb4: {  	_ =	swait.ge [sflag:s19], $0x2800  }
0xb5: {  	[sflag:s19] =	ssyncset.done $0x0  }
0xb6: {  	s6 =	simm.s32 $0xB;
	[sflag:s19] =	ssyncadd.s32 $0xFFFFD800  }
0xb7: {  	[spmem:s15] =	stream.indirect.scatter.add.f32 [tilespmem:s30], [sflag:$0xC], $0x80, s17, s26, $0xb8;
	[tilespmem:$0x1DC80] =	vst v63  }
0xb8: {  	_ =	swait.ge [sflag:s6], $0x2800  }
0xb9: {  	s11 =	rddreg [dreg:$0x6];
	[sflag:s6] =	ssyncset.done $0x0  }
0xba: {  	s16 =	rddreg [dreg:$0x5];
	[sflag:s6] =	ssyncadd.s32 $0xFFFFD800;
	s4 =	sadd.s32 $0x0, s11  }
0xbb: {  	[tilespmem:s31], [sflag:$0x3] =	stream.linear.gather [hbm4b:s4+s2], $0x50, $0x38;
	[tilespmem:$0x1DC80] =	vst v63  }
0xbc: {  	s23 =	sadd.s32 $0x0, s16  }
0xbd: {  	[tilespmem:s0], [sflag:$0x3] =	stream.linear.gather [hbm4b:s23+s2], $0x50, $0x38;
	[tilespmem:$0x1DC80] =	vst v63  }
0xbe: {  	_ =	swait.ge [sflag:s28], $0x50  }
0xbf: {  	[sflag:s28] =	ssyncset.done $0x0  }
0xc0: {  	[sflag:s28] =	ssyncadd.s32 $0xFFFFFFB0  }
0xc1: {  	_ =	swait.ge [sflag:s28], $0x50  }
0xc2: {  	[sflag:s28] =	ssyncset.done $0x0  }
0xc3: {  	s8 =	simm.s32 $0x5;
	[sflag:s28] =	ssyncadd.s32 $0xFFFFFFB0  }
0xc4: {  	[tilespmem:s29], [sflag:$0x6] =	stream.indirect.gather [hbm4b:s14+s26], $0x80, s12, s26, $0xb8;
	[tilespmem:$0x1DC80] =	vst v63  }
0xc5: {  	_ =	swait.ge [sflag:s8], $0x2800  }
0xc6: {  	[sflag:s8] =	ssyncset.done $0x0  }
0xc7: {  	[sflag:s8] =	ssyncadd.s32 $0xFFFFD800  }
0xc8: {  	[spmem:s15] =	stream.indirect.scatter.add.f32 [tilespmem:s7], [sflag:$0x9], $0x80, s13, s26, $0xb8;
	[tilespmem:$0x1DC80] =	vst v63  }
0xc9: {  	s13 =	simm.s32 $0xC  }
0xca: {  	_ =	swait.ge [sflag:s13], $0x2800  }
0xcb: {  	s29 =	rddreg [dreg:$0x4];
	[sflag:s13] =	ssyncset.done $0x0  }
0xcc: {  	s30 =	rddreg [dreg:$0x3];
	[sflag:s13] =	ssyncadd.s32 $0xFFFFD800;
	s4 =	sadd.s32 $0x0, s29  }
0xcd: {  	[tilespmem:s22], [sflag:$0x4] =	stream.linear.gather [hbm4b:s4+s2], $0x50, $0x38;
	[tilespmem:$0x1DC80] =	vst v63  }
0xce: {  	s31 =	sadd.s32 $0x0, s30  }
0xcf: {  	[tilespmem:s17], [sflag:$0x4] =	stream.linear.gather [hbm4b:s31+s2], $0x50, $0x38;
	[tilespmem:$0x1DC80] =	vst v63  }
0xd0: {  	_ =	swait.ge [sflag:s3], $0x50  }
0xd1: {  	[sflag:s3] =	ssyncset.done $0x0  }
0xd2: {  	[sflag:s3] =	ssyncadd.s32 $0xFFFFFFB0  }
0xd3: {  	_ =	swait.ge [sflag:s3], $0x50  }
0xd4: {  	s16 =	simm.s32 $0x13900;
	[sflag:s3] =	ssyncset.done $0x0  }
0xd5: {  	s4 =	sadd.s32 $0x140, s9;
	s17 =	simm.s32 $0x28;
	[sflag:s3] =	ssyncadd.s32 $0xFFFFFFB0  }
.LBB2_4:
0xd6: {  	s22 =	simm.s32 $0x13980;
	s30 =	simm.s32 $0x18C80  }
0xd7: {  	[tilespmem:s30], [sflag:$0x7] =	stream.indirect.gather [hbm4b:s14+s26], $0x80, s22, s26, $0xb8;
	[tilespmem:$0x1DC80] =	vst v63  }
0xd8: {  	_ =	swait.ge [sflag:s20], $0x2800  }
0xd9: {  	s7 =	simm.s32 $0x16480;
	[sflag:s20] =	ssyncset.done $0x0  }
0xda: {  	s8 =	simm.s32 $0x13B00;
	s0 =	simm.s32 $0x9;
	[sflag:s20] =	ssyncadd.s32 $0xFFFFD800  }
0xdb: {  	[spmem:s15] =	stream.indirect.scatter.add.f32 [tilespmem:s7], [sflag:$0xA], $0x80, s8, s26, $0xb8;
	[tilespmem:$0x1DC80] =	vst v63  }
0xdc: {  	_ =	swait.ge [sflag:s0], $0x2800  }
0xdd: {  	s9 =	sshrl.u32 s4, $0x3;
	s31 =	simm.s32 $0x13880;
	[sflag:s0] =	ssyncset.done $0x0  }
0xde: {  	s1 =	rddreg [dreg:$0x9];
	[sflag:s0] =	ssyncadd.s32 $0xFFFFD800;
	s0 =	sadd.s32 s10, s9  }
0xdf: {  	[tilespmem:s31], [sflag:$0x1] =	stream.linear.gather [hbm4b:s0+s2], $0x50, $0x38;
	[tilespmem:$0x1DC80] =	vst v63  }
0xe0: {  	s9 =	sadd.s32 s1, s9;
	s1 =	smov.u32 s15;
	s15 =	simm.s32 $0x13A80  }
0xe1: {  	[tilespmem:s15], [sflag:$0x1] =	stream.linear.gather [hbm4b:s9+s2], $0x50, $0x38;
	[tilespmem:$0x1DC80] =	vst v63  }
0xe2: {  	_ =	swait.ge [sflag:s21], $0x50  }
0xe3: {  	[sflag:s21] =	ssyncset.done $0x0  }
0xe4: {  	[sflag:s21] =	ssyncadd.s32 $0xFFFFFFB0  }
0xe5: {  	_ =	swait.ge [sflag:s21], $0x50  }
0xe6: {  	[sflag:s21] =	ssyncset.done $0x0  }
0xe7: {  	s12 =	simm.s32 $0x13A00;
	s0 =	simm.s32 $0x1B480;
	[sflag:s21] =	ssyncadd.s32 $0xFFFFFFB0  }
0xe8: {  	[tilespmem:s0], [sflag:$0x8] =	stream.indirect.gather [hbm4b:s14+s26], $0x80, s12, s26, $0xb8;
	[tilespmem:$0x1DC80] =	vst v63  }
0xe9: {  	_ =	swait.ge [sflag:s24], $0x2800  }
0xea: {  	[sflag:s24] =	ssyncset.done $0x0  }
0xeb: {  	s29 =	simm.s32 $0x13B80;
	s23 =	simm.s32 $0xA;
	[sflag:s24] =	ssyncadd.s32 $0xFFFFD800  }
0xec: {  	[spmem:s1] =	stream.indirect.scatter.add.f32 [tilespmem:s30], [sflag:$0xB], $0x80, s29, s26, $0xb8;
	[tilespmem:$0x1DC80] =	vst v63  }
0xed: {  	s5 =	smov.u32 s17;
	_ =	swait.ge [sflag:s23], $0x2800  }
0xee: {  	s11 =	smov.u32 s10;
	s10 =	rddreg [dreg:$0x8];
	[sflag:s23] =	ssyncset.done $0x0  }
0xef: {  	s30 =	rddreg [dreg:$0x7];
	[sflag:s23] =	ssyncadd.s32 $0xFFFFD800;
	s9 =	sadd.s32 s5, s10  }
0xf0: {  	[tilespmem:s16], [sflag:$0x2] =	stream.linear.gather [hbm4b:s9+s2], $0x50, $0x38;
	[tilespmem:$0x1DC80] =	vst v63  }
0xf1: {  	s30 =	sadd.s32 s5, s30  }
0xf2: {  	[tilespmem:s8], [sflag:$0x2] =	stream.linear.gather [hbm4b:s30+s2], $0x50, $0x38;
	[tilespmem:$0x1DC80] =	vst v63  }
0xf3: {  	_ =	swait.ge [sflag:s18], $0x50  }
0xf4: {  	[sflag:s18] =	ssyncset.done $0x0  }
0xf5: {  	[sflag:s18] =	ssyncadd.s32 $0xFFFFFFB0  }
0xf6: {  	_ =	swait.ge [sflag:s18], $0x50  }
0xf7: {  	[sflag:s18] =	ssyncset.done $0x0  }
0xf8: {  	s8 =	simm.s32 $0x13C80;
	[sflag:s18] =	ssyncadd.s32 $0xFFFFFFB0  }
0xf9: {  	[tilespmem:s8], [sflag:$0x5] =	stream.indirect.gather [hbm4b:s14+s26], $0x80, s31, s26, $0xb8;
	[tilespmem:$0x1DC80] =	vst v63  }
0xfa: {  	_ =	swait.ge [sflag:s19], $0x2800  }
0xfb: {  	[sflag:s19] =	ssyncset.done $0x0  }
0xfc: {  	s30 =	simm.s32 $0x13C00;
	[sflag:s19] =	ssyncadd.s32 $0xFFFFD800  }
0xfd: {  	[spmem:s1] =	stream.indirect.scatter.add.f32 [tilespmem:s0], [sflag:$0xC], $0x80, s30, s26, $0xb8;
	[tilespmem:$0x1DC80] =	vst v63  }
0xfe: {  	_ =	swait.ge [sflag:s6], $0x2800  }
0xff: {  	s10 =	rddreg [dreg:$0x6];
	[sflag:s6] =	ssyncset.done $0x0  }
0x100: {  	s23 =	rddreg [dreg:$0x5];
	[sflag:s6] =	ssyncadd.s32 $0xFFFFD800;
	s9 =	sadd.s32 s5, s10  }
0x101: {  	[tilespmem:s22], [sflag:$0x3] =	stream.linear.gather [hbm4b:s9+s2], $0x50, $0x38;
	[tilespmem:$0x1DC80] =	vst v63  }
0x102: {  	s0 =	sadd.s32 s5, s23  }
0x103: {  	[tilespmem:s29], [sflag:$0x3] =	stream.linear.gather [hbm4b:s0+s2], $0x50, $0x38;
	[tilespmem:$0x1DC80] =	vst v63  }
0x104: {  	_ =	swait.ge [sflag:s28], $0x50  }
0x105: {  	[sflag:s28] =	ssyncset.done $0x0  }
0x106: {  	[sflag:s28] =	ssyncadd.s32 $0xFFFFFFB0  }
0x107: {  	_ =	swait.ge [sflag:s28], $0x50  }
0x108: {  	[sflag:s28] =	ssyncset.done $0x0  }
0x109: {  	s10 =	simm.s32 $0x5;
	[sflag:s28] =	ssyncadd.s32 $0xFFFFFFB0  }
0x10a: {  	[tilespmem:s7], [sflag:$0x6] =	stream.indirect.gather [hbm4b:s14+s26], $0x80, s16, s26, $0xb8;
	[tilespmem:$0x1DC80] =	vst v63  }
0x10b: {  	_ =	swait.ge [sflag:s10], $0x2800  }
0x10c: {  	[sflag:s10] =	ssyncset.done $0x0  }
0x10d: {  	[sflag:s10] =	ssyncadd.s32 $0xFFFFD800  }
0x10e: {  	[spmem:s1] =	stream.indirect.scatter.add.f32 [tilespmem:s8], [sflag:$0x9], $0x80, s15, s26, $0xb8;
	[tilespmem:$0x1DC80] =	vst v63  }
0x10f: {  	_ =	swait.ge [sflag:s13], $0x2800  }
0x110: {  	s22 =	rddreg [dreg:$0x4];
	[sflag:s13] =	ssyncset.done $0x0  }
0x111: {  	s29 =	rddreg [dreg:$0x3];
	[sflag:s13] =	ssyncadd.s32 $0xFFFFD800;
	s9 =	sadd.s32 s5, s22  }
0x112: {  	[tilespmem:s12], [sflag:$0x4] =	stream.linear.gather [hbm4b:s9+s2], $0x50, $0x38;
	[tilespmem:$0x1DC80] =	vst v63  }
0x113: {  	s5 =	sadd.s32 s5, s29  }
0x114: {  	[tilespmem:s30], [sflag:$0x4] =	stream.linear.gather [hbm4b:s5+s2], $0x50, $0x38;
	[tilespmem:$0x1DC80] =	vst v63  }
0x115: {  	p1 =	sne.s32 s17, $0x488;
	_ =	swait.ge [sflag:s3], $0x50  }
.Ltmp1:
0x116: {  	s17 =	sadd.s32 $0x28, s17;
	[sflag:s3] =	ssyncset.done $0x0;
	(pc) =	sbr.rel @p1 .LBB2_4-.Ltmp1, $4  }
0x117: {  	s4 =	sadd.s32 $0x140, s4;
	s31 =	simm.s32 $0x13980;
	[sflag:s3] =	ssyncadd.s32 $0xFFFFFFB0  }
0x118: {  	s23 =	simm.s32 $0x13B80;
	s0 =	simm.s32 $0x16480;
	_ =	swait.ge [sflag:s3], $0x50  }
0x119: {  	s10 =	smov.u32 s11;
	s11 =	simm.s32 $0x13C00;
	[sflag:s3] =	ssyncset.done $0x0  }
0x11a: {  	s15 =	smov.u32 s1;
	s22 =	simm.s32 $0x13A00;
	[sflag:s3] =	ssyncadd.s32 $0xFFFFFFB0  }
0x11b: {  	s12 =	simm.s32 $0x18C80  }
0x11c: {  	[tilespmem:s12], [sflag:$0x7] =	stream.indirect.gather [hbm4b:s14+s26], $0x80, s31, s26, $0xb8;
	[tilespmem:$0x1DC80] =	vst v63  }
0x11d: {  	_ =	swait.ge [sflag:s20], $0x2800  }
0x11e: {  	[sflag:s20] =	ssyncset.done $0x0  }
0x11f: {  	s7 =	simm.s32 $0x9;
	[sflag:s20] =	ssyncadd.s32 $0xFFFFD800  }
0x120: {  	[spmem:s15] =	stream.indirect.scatter.add.f32 [tilespmem:s0], [sflag:$0xA], $0x80, s25, s26, $0xb8;
	[tilespmem:$0x1DC80] =	vst v63  }
0x121: {  	_ =	swait.ge [sflag:s7], $0x2800  }
0x122: {  	s4 =	sld [smem:$0x7F8]  }
0x123: {  	[sflag:s7] =	ssyncset.done $0x0  }
0x124: {  	s9 =	simm.s32 $0x13880;
	s0 =	sld [smem:$0x7F9];
	[sflag:s7] =	ssyncadd.s32 $0xFFFFD800  }
0x125: {  	[tilespmem:s9], [sflag:$0x1] =	stream.linear.gather [hbm4b:s4+s2], $0x50, $0x38;
	[tilespmem:$0x1DC80] =	vst v63  }
0x126: {  	s5 =	simm.s32 $0x13A80  }
0x127: {  	[tilespmem:s5], [sflag:$0x1] =	stream.linear.gather [hbm4b:s0+s2], $0x50, $0x38;
	[tilespmem:$0x1DC80] =	vst v63  }
0x128: {  	_ =	swait.ge [sflag:s21], $0x50  }
0x129: {  	[sflag:s21] =	ssyncset.done $0x0  }
0x12a: {  	[sflag:s21] =	ssyncadd.s32 $0xFFFFFFB0  }
0x12b: {  	_ =	swait.ge [sflag:s21], $0x50  }
0x12c: {  	[sflag:s21] =	ssyncset.done $0x0  }
0x12d: {  	s8 =	simm.s32 $0x1B480;
	[sflag:s21] =	ssyncadd.s32 $0xFFFFFFB0  }
0x12e: {  	[tilespmem:s8], [sflag:$0x8] =	stream.indirect.gather [hbm4b:s14+s26], $0x80, s22, s26, $0xb8;
	[tilespmem:$0x1DC80] =	vst v63  }
0x12f: {  	_ =	swait.ge [sflag:s24], $0x2800  }
0x130: {  	[sflag:s24] =	ssyncset.done $0x0  }
0x131: {  	[sflag:s24] =	ssyncadd.s32 $0xFFFFD800  }
0x132: {  	[spmem:s1] =	stream.indirect.scatter.add.f32 [tilespmem:s12], [sflag:$0xB], $0x80, s23, s26, $0xb8;
	[tilespmem:$0x1DC80] =	vst v63  }
0x133: {  	_ =	swait.ge [sflag:s18], $0x50  }
0x134: {  	[sflag:s18] =	ssyncset.done $0x0  }
0x135: {  	[sflag:s18] =	ssyncadd.s32 $0xFFFFFFB0  }
0x136: {  	_ =	swait.ge [sflag:s18], $0x50  }
0x137: {  	[sflag:s18] =	ssyncset.done $0x0  }
0x138: {  	s15 =	simm.s32 $0x13C80;
	[sflag:s18] =	ssyncadd.s32 $0xFFFFFFB0  }
0x139: {  	[tilespmem:s15], [sflag:$0x5] =	stream.indirect.gather [hbm4b:s14+s26], $0x80, s9, s26, $0xb8;
	[tilespmem:$0x1DC80] =	vst v63  }
0x13a: {  	_ =	swait.ge [sflag:s19], $0x2800  }
0x13b: {  	[sflag:s19] =	ssyncset.done $0x0  }
0x13c: {  	s16 =	simm.s32 $0x5;
	[sflag:s19] =	ssyncadd.s32 $0xFFFFD800  }
0x13d: {  	[spmem:s1] =	stream.indirect.scatter.add.f32 [tilespmem:s8], [sflag:$0xC], $0x80, s11, s26, $0xb8;
	[tilespmem:$0x1DC80] =	vst v63  }
0x13e: {  	_ =	swait.ge [sflag:s16], $0x2800  }
0x13f: {  	[sflag:s16] =	ssyncset.done $0x0  }
0x140: {  	s17 =	simm.s32 $0xA;
	[sflag:s16] =	ssyncadd.s32 $0xFFFFD800  }
0x141: {  	[spmem:s1] =	stream.indirect.scatter.add.f32 [tilespmem:s15], [sflag:$0x9], $0x80, s5, s26, $0xb8;
	[tilespmem:$0x1DC80] =	vst v63  }
0x142: {  	_ =	swait.ge [sflag:s17], $0x2800  }
0x143: {  	[sflag:s17] =	ssyncset.done $0x0  }
0x144: {  	[sflag:s17] =	ssyncadd.s32 $0xFFFFD800  }
0x145: {  	_ =	swait.ge [sflag:s6], $0x2800  }
0x146: {  	[sflag:s6] =	ssyncset.done $0x0  }
0x147: {  	[sflag:s6] =	ssyncadd.s32 $0xFFFFD800  }
0x148: {  	_ =	swait.ge [sflag:s13], $0x2800  }
0x149: {  	[sflag:s13] =	ssyncset.done $0x0  }
0x14a: {  	[sflag:s13] =	ssyncadd.s32 $0xFFFFD800  }
0x14b: {  	_ =	swait.ge [sflag:s7], $0x2800  }
0x14c: {  	[sflag:s7] =	ssyncset.done $0x0  }
0x14d: {  	[sflag:s7] =	ssyncadd.s32 $0xFFFFD800  }
0x14e: {  	s22 =	stileid.u32;
	[bflag:$0x0] =	sbarrier.arrive $0xFFFF  }
0x14f: {  	s29 =	simm.s32 $0xD;
	s4 =	sshll.u32 s22, $0x6;
	s17 =	rddreg [dreg:$0x16]  }
0x150: {  	s4 =	sor.u32 $0x1C0D, s4;
	s30 =	rddreg [dreg:$0xa];
	s23 =	sshrl.u32 s17, $0x3  }
0x151: {  	[hbm:s30], [sflag:s4] =	dma.local [spmem:s23], $0x500  }
0x152: {  	_ =	swait.ge [sflag:s29], $0x500  }
0x153: {  	[sflag:s29] =	ssyncset.done $0x0;
	s31 =	rddreg [dreg:$0x17]  }
0x154: {  	s0 =	rddreg [dreg:$0xb];
	[sflag:s29] =	ssyncadd.s32 $0xFFFFFB00;
	s5 =	sshrl.u32 s31, $0x3  }
0x155: {  	[hbm:s0], [sflag:s4] =	dma.local [spmem:s5], $0x500  }
0x156: {  	_ =	swait.ge [sflag:s29], $0x500  }
0x157: {  	s15 =	smov.u32 s1;
	[sflag:s29] =	ssyncset.done $0x0;
	s1 =	rddreg [dreg:$0x18]  }
0x158: {  	s6 =	rddreg [dreg:$0xc];
	[sflag:s29] =	ssyncadd.s32 $0xFFFFFB00;
	s5 =	sshrl.u32 s1, $0x3  }
0x159: {  	[hbm:s6], [sflag:s4] =	dma.local [spmem:s5], $0x500  }
0x15a: {  	_ =	swait.ge [sflag:s29], $0x500  }
0x15b: {  	[sflag:s29] =	ssyncset.done $0x0;
	s7 =	rddreg [dreg:$0x19]  }
0x15c: {  	s8 =	rddreg [dreg:$0xd];
	[sflag:s29] =	ssyncadd.s32 $0xFFFFFB00;
	s5 =	sshrl.u32 s7, $0x3  }
0x15d: {  	[hbm:s8], [sflag:s4] =	dma.local [spmem:s5], $0x500  }
0x15e: {  	_ =	swait.ge [sflag:s29], $0x500  }
0x15f: {  	[sflag:s29] =	ssyncset.done $0x0;
	s11 =	rddreg [dreg:$0x1a]  }
0x160: {  	s12 =	rddreg [dreg:$0xe];
	[sflag:s29] =	ssyncadd.s32 $0xFFFFFB00;
	s5 =	sshrl.u32 s11, $0x3  }
0x161: {  	[hbm:s12], [sflag:s4] =	dma.local [spmem:s5], $0x500  }
0x162: {  	_ =	swait.ge [sflag:s29], $0x500  }
0x163: {  	[sflag:s29] =	ssyncset.done $0x0;
	s13 =	rddreg [dreg:$0x1b]  }
0x164: {  	s16 =	rddreg [dreg:$0xf];
	[sflag:s29] =	ssyncadd.s32 $0xFFFFFB00;
	s5 =	sshrl.u32 s13, $0x3  }
0x165: {  	[hbm:s16], [sflag:s4] =	dma.local [spmem:s5], $0x500  }
0x166: {  	_ =	swait.ge [sflag:s29], $0x500  }
0x167: {  	[sflag:s29] =	ssyncset.done $0x0;
	s22 =	rddreg [dreg:$0x1c]  }
0x168: {  	s23 =	rddreg [dreg:$0x10];
	[sflag:s29] =	ssyncadd.s32 $0xFFFFFB00;
	s5 =	sshrl.u32 s22, $0x3  }
0x169: {  	[hbm:s23], [sflag:s4] =	dma.local [spmem:s5], $0x500  }
0x16a: {  	_ =	swait.ge [sflag:s29], $0x500  }
0x16b: {  	s9 =	sld [smem:$0x7FC]  }
0x16c: {  	[sflag:s29] =	ssyncset.done $0x0  }
0x16d: {  	s5 =	rddreg [dreg:$0x11];
	[sflag:s29] =	ssyncadd.s32 $0xFFFFFB00  }
0x16e: {  	[hbm:s5], [sflag:s4] =	dma.local @!p0 [spmem:s9], $0x500  }
0x16f: {  	s4 =	simm.s32 @!p0 $0xD  }
0x170: {  	_ =	swait.ge @!p0 [sflag:s4], $0x500  }
0x171: {  	s30 =	sld [smem:$0x7F6]  }
0x172: {  	s31 =	sld [smem:$0x7FA];
	_ =	sdelay $0x1  }
0x173: {  	s6 =	sadd.s32 $0x1, s30  }
0x174: {  	p1 =	sne.s32 s6, s31  }
.Ltmp2:
0x175: {  	_ = 	snop;
	(pc) =	sbr.rel @p1 .LBB2_1-.Ltmp2, $4  }
0x176: {  	_ = 	snop  }
0x177: {  	s0 =	simm.s32 $0x13B80;
	s7 =	simm.s32 $0x13C80;
	s8 =	simm.s32 $0x5  }
0x178: {  	s12 =	simm.s32 $0x13900;
	s16 =	simm.s32 $0x13B00;
	[sflag:s4] =	ssyncset.done @!p0 $0x0  }
0x179: {  	s23 =	simm.s32 $0x9;
	s11 =	rddreg [dreg:$0x9];
	[sflag:s4] =	ssyncadd.s32 @!p0 $0xFFFFFB00  }
0x17a: {  	_ =	sfence.sel $0x180000  }
0x17b: {  	[bflag:$0x0] =	sbarrier.arrive $0xFFFF  }
0x17c: {  	_ =	strace $0x9000004D  }
0x17d: {  	s0 =	stileid.u32;
	[bflag:$0x2] =	sbarrier.arrive $0xFFFF  }
0x17e: {  	p0 =	sne.s32 s0, $0x0;
	s0 =	rddreg [dreg:$0x2]  }
0x17f: {  	s0 =	sadd.s32 @!p0 $0x100000, s0  }
0x180: {  	[sflag:s0] =	ssyncadd.tile.s32 @!p0 $0x1;
	_ =	shalt  }
.Lfunc_end2:
_tile_overlayer_lowered:
.L_overlay_start_2:
0x181: {  	(tag) =	ssettag $0x2  }
0x182: {  	s0 =	rddreg [dreg:$0x0];
	s2 =	stileid.u32  }
0x183: {  	s1 =	rddreg [dreg:$0x1];
	p0 =	sne.s32 s2, $0x0  }
0x184: {  	s3 =	rddreg [dreg:$0x2];
	[bflag:$0x3] =	sbarrier.arrive $0xFFFF;
	s2 =	simm.s32 @!p0 $0x1C0D  }
0x185: {  	[timem:s3], [sflag:s2] =	dma.local @!p0 [hbm:s0], s1  }
0x186: {  	s0 =	simm.s32 @!p0 $0xD  }
0x187: {  	_ =	swait.ge @!p0 [sflag:s0], s1  }
0x188: {  	s1 =	ssub.s32 @!p0 $0x0, s1;
	[sflag:s0] =	ssyncset.done @!p0 $0x0  }
0x189: {  	[sflag:s0] =	ssyncadd.s32 @!p0 s1  }
0x18a: {  	[bflag:$0x3] =	sbarrier.arrive $0xFFFF  }
0x18b: {  	_ =	shalt  }

// kernel: kernel.8.cloned.1.call-start
scs
__scs_entry_jumppad:
0x0: {  	(pc) =	sbr.rel $0x88, $3  }
0x1: {  	(tag) =	ssettag $0x0;
	lr =	simm.s32 $0x1  }
0x2: {  	[smem:$0x3F97] =	sst lr;
	_ =	strace $0xD0000000  }
0x3: {  	_ = 	snop  }
0x4: {  	_ = 	snop  }
0x5: {  	_ = 	snop  }
0x6: {  	_ = 	snop  }
0x7: {  	_ = 	snop  }
__scs_overlays_trampoline_lowered:
0x8: {  	[smem:$0x3FA6] =	sst s0  }
0x9: {  	[smem:$0x3FA7] =	sst s1  }
0xa: {  	[smem:$0x3FA8] =	sst s2  }
0xb: {  	[smem:$0x3FA9] =	sst s3  }
0xc: {  	[smem:$0x3FAA] =	sst s4  }
0xd: {  	[smem:$0x3FAB] =	sst s5  }
0xe: {  	[smem:$0x3FAC] =	sst s6  }
0xf: {  	[smem:$0x3FAD] =	sst s7  }
0x10: {  	[smem:$0x3FAE] =	sst s8  }
0x11: {  	[smem:$0x3FAF] =	sst s9;
	s0 =	simm.s32 @!p0 $0x0  }
0x12: {  	s1 =	sld [smem:$0x3F95];
	s0 =	simm.s32 @p0 $0x1  }
0x13: {  	[smem:$0x3FB0] =	sst s0;
	s0 =	simm.s32 @!p1 $0x0  }
0x14: {  	s2 =	sld [smem:$0x3F94];
	s0 =	simm.s32 @p1 $0x1  }
0x15: {  	[smem:$0x3FB1] =	sst s0;
	s0 =	simm.s32 @!p2 $0x0  }
0x16: {  	s3 =	sld [smem:$0x3FDB];
	s0 =	simm.s32 @p2 $0x1  }
0x17: {  	s4 =	simm.s32 $0x1BF5;
	[smem:$0x3FB3] =	sst s0  }
0x18: {  	s0 =	sld [smem:$0x3F96];
	_ =	swait.ge [sflag:s4], $0x0  }
0x19: {  	s7 =	sld [smem:$0x3F97]  }
0x1a: {  	s8 =	sadd.s32 $0xFFFFE003, lr  }
0x1b: {  	s9 =	sadd.s32 $0xFFFFFEF7, lr;
	s5 =	simm.s32 $0xFFFFFFFF;
	p2 =	slt.u32 s8, $0xFFFFF086  }
0x1c: {  	p1 =	slt.u32 s9, $0xF7A;
	s5 =	simm.s32 @!p2 $0x0  }
0x1d: {  	s5 =	simm.s32 @p1 $0x1;
	p0 =	seq.s32 s7, s2  }
0x1e: {  	s7 =	smul.u32 @!p0 $0xF7A, s2;
	p2 =	seq.s32 @!p0 s5, $0x0  }
0x1f: {  	s9 =	smul.u32 $0xF7A, s1;
	s8 =	simm.s32 @!p0 $0x1BF5;
	p2 =	por !p2, p0  }
0x20: {  	[sflag:s8] =	ssyncset.s32 @!p0 $0xFFFFF086;
	s6 =	sadd.s32 @!p0 s3, s7;
	s7 =	simm.s32 @!p0 $0x108  }
0x21: {  	s3 =	sadd.s32 s3, s9;
	s6 =	sadd.s32 @!p0 $0x88, s6;
	s7 =	simm.s32 @p2 $0x1082  }
0x22: {  	[simem:s7], [sflag:s8] =	dma.local @!p0 [hbm:s6], $0xF7A  }
0x23: {  	s9 =	sor.u32 $0xD0000000, s2;
	s6 =	simm.s32 $0x108;
	_ =	swait.ge @!p0 [sflag:s8], $0x0  }
0x24: {  	s3 =	sadd.s32 $0x88, s3;
	s6 =	simm.s32 @!p1 $0x1082;
	[sflag:s4] =	ssyncset.s32 $0xFFFFF086  }
0x25: {  	[simem:s6], [sflag:s4] =	dma.local [hbm:s3], $0xF7A  }
0x26: {  	[smem:$0x3F97] =	sst s1;
	(tag) =	ssettag s2;
	_ =	strace s9  }
0x27: {  	s1 =	sld [smem:$0x3FA7]  }
0x28: {  	s2 =	sld [smem:$0x3FA8]  }
0x29: {  	s4 =	sld [smem:$0x3FAA]  }
0x2a: {  	p0 =	seq.s32 s5, $0x0;
	s5 =	sld [smem:$0x3FAB]  }
0x2b: {  	s6 =	sld [smem:$0x3FAC]  }
0x2c: {  	s7 =	sld [smem:$0x3FAD]  }
0x2d: {  	s3 =	simm.s32 $0x108;
	s8 =	sld [smem:$0x3FAE]  }
0x2e: {  	s3 =	simm.s32 @!p0 $0x1082;
	s9 =	sld [smem:$0x3FAF]  }
0x2f: {  	lr =	sadd.s32 s0, s3;
	s0 =	sld [smem:$0x3FA6]  }
0x30: {  	s3 =	sld [smem:$0x3FA9]  }
0x31: {  	[smem:$0x3FB2] =	sst s10  }
0x32: {  	s10 =	sld [smem:$0x3FB0];
	_ =	sdelay $0x3  }
0x33: {  	p0 =	seq.s32 s10, $0x1;
	s10 =	sld [smem:$0x3FB2];
	_ =	sdelay $0x3  }
0x34: {  	[smem:$0x3FB2] =	sst s10  }
0x35: {  	s10 =	sld [smem:$0x3FB1];
	_ =	sdelay $0x3  }
0x36: {  	p1 =	seq.s32 s10, $0x1;
	s10 =	sld [smem:$0x3FB2];
	_ =	sdelay $0x3  }
0x37: {  	[smem:$0x3FB2] =	sst s10  }
0x38: {  	s10 =	sld [smem:$0x3FB3]  }
0x39: {  	_ = 	snop;
	(pc) =	sbr.ind lr, $3  }
0x3a: {  	_ = 	snop  }
0x3b: {  	_ = 	snop  }
0x3c: {  	p2 =	seq.s32 s10, $0x1;
	s10 =	sld [smem:$0x3FB2]  }
0x3d: {  	_ =	shalt  }
0x3e: {  	_ =	shalt  }
0x3f: {  	_ =	shalt  }
0x40: {  	_ =	shalt  }
0x41: {  	_ =	shalt  }
0x42: {  	_ =	shalt  }
0x43: {  	_ =	shalt  }
0x44: {  	_ =	shalt  }
0x45: {  	_ =	shalt  }
0x46: {  	_ =	shalt  }
0x47: {  	_ =	shalt  }
0x48: {  	_ =	shalt  }
0x49: {  	_ =	shalt  }
0x4a: {  	_ =	shalt  }
0x4b: {  	_ =	shalt  }
0x4c: {  	_ =	shalt  }
0x4d: {  	_ =	shalt  }
0x4e: {  	_ =	shalt  }
0x4f: {  	_ =	shalt  }
0x50: {  	_ =	shalt  }
0x51: {  	_ =	shalt  }
0x52: {  	_ =	shalt  }
0x53: {  	_ =	shalt  }
0x54: {  	_ =	shalt  }
0x55: {  	_ =	shalt  }
0x56: {  	_ =	shalt  }
0x57: {  	_ =	shalt  }
0x58: {  	_ =	shalt  }
0x59: {  	_ =	shalt  }
0x5a: {  	_ =	shalt  }
0x5b: {  	_ =	shalt  }
0x5c: {  	_ =	shalt  }
0x5d: {  	_ =	shalt  }
0x5e: {  	_ =	shalt  }
0x5f: {  	_ =	shalt  }
0x60: {  	_ =	shalt  }
0x61: {  	_ =	shalt  }
0x62: {  	_ =	shalt  }
0x63: {  	_ =	shalt  }
0x64: {  	_ =	shalt  }
0x65: {  	_ =	shalt  }
0x66: {  	_ =	shalt  }
0x67: {  	_ =	shalt  }
0x68: {  	_ =	shalt  }
0x69: {  	_ =	shalt  }
0x6a: {  	_ =	shalt  }
0x6b: {  	_ =	shalt  }
0x6c: {  	_ =	shalt  }
0x6d: {  	_ =	shalt  }
0x6e: {  	_ =	shalt  }
0x6f: {  	_ =	shalt  }
0x70: {  	_ =	shalt  }
0x71: {  	_ =	shalt  }
0x72: {  	_ =	shalt  }
0x73: {  	_ =	shalt  }
0x74: {  	_ =	shalt  }
0x75: {  	_ =	shalt  }
0x76: {  	_ =	shalt  }
0x77: {  	_ =	shalt  }
0x78: {  	_ =	shalt  }
0x79: {  	_ =	shalt  }
0x7a: {  	_ =	shalt  }
0x7b: {  	_ =	shalt  }
0x7c: {  	_ =	shalt  }
0x7d: {  	_ =	shalt  }
0x7e: {  	_ =	shalt  }
0x7f: {  	_ =	shalt  }
0x80: {  	_ =	shalt  }
0x81: {  	_ =	shalt  }
0x82: {  	_ =	shalt  }
0x83: {  	_ =	shalt  }
0x84: {  	_ =	shalt  }
0x85: {  	_ =	shalt  }
0x86: {  	_ =	shalt  }
0x87: {  	_ =	shalt  }
.Lfunc_end0:
.L_simem_size_0:
called_computation_lowered:
.L_overlay_start_0:
0x88: {  	s2 =	sld [smem:$0x3FD9]  }
0x89: {  	s3 =	sld [smem:$0x3FFE];
	_ =	sdelay $0x1  }
0x8a: {  	s1 =	srdreg.scid  }
0x8b: {  	s0 =	sand.u32 $0x1, s1  }
0x8c: {  	s17 =	sshll.u32 s0, $0xA;
	s2 =	sadd.s32 s3, s2  }
0x8d: {  	s2 =	sadd.s32 s2, s17  }
0x8e: {  	[smem:$0x3FBE] =	sst s2  }
0x8f: {  	_ = 	snop  }
0x90: {  	s2 =	sld [smem:$0x3FC9]  }
0x91: {  	s18 =	sld [smem:$0x3FC6];
	(tm) =	ssettm $0x1  }
0x92: {  	s4 =	sld [smem:$0x3FFB];
	_ =	sdelay $0x3  }
0x93: {  	_ =	strace s4  }
0x94: {  	s4 =	sld [smem:$0x3FFC];
	_ =	sdelay $0x3  }
0x95: {  	_ =	strace s4  }
0x96: {  	s4 =	sld [smem:$0x3FFD];
	_ =	sdelay $0x3  }
0x97: {  	_ =	strace s4  }
0x98: {  	_ =	strace $0x8FFFFFFF  }
0x99: {  	s19 =	sld [smem:$0x3FDB];
	_ =	sdelay $0x1  }
0x9a: {  	s5 =	simm.s32 $_scs_section_size  }
0x9b: {  	s6 =	simm.s32 $_size__tile_overlayer_lowered;
	s7 =	simm.s32 $_tile_overlayer_lowered  }
0x9c: {  	s22 =	simm.s32 $0x1BFF;
	s21 =	sshll.u32 s7, $0x1;
	s4 =	sadd.s32 s5, s19  }
0x9d: {  	s8 =	simm.s32 $0x0;
	s20 =	sshll.u32 s6, $0x1;
	s6 =	sadd.s32 s21, s4  }
0x9e: {  	[timem:s8], [sflag:s22] =	dma.local [hbm:s6], s20  }
0x9f: {  	_ =	swait.ge [sflag:s22], s20  }
0xa0: {  	s5 =	ssub.s32 $0x0, s20;
	[sflag:s22] =	ssyncset.done $0x0  }
0xa1: {  	[sflag:s22] =	ssyncadd.s32 s5;
	_ =	sdelay $0x1  }
0xa2: {  	s23 =	simm.s32 $0x1B8B  }
0xa3: {  	_ =	swait.ge [sflag:s23], $0x1  }
0xa4: {  	[sflag:s23] =	ssyncset.done $0x0  }
0xa5: {  	s25 =	simm.s32 $0x1B8E;
	s24 =	sld [smem:$0x3FFE];
	[sflag:s23] =	ssyncadd.s32 $0xFFFFFFFF  }
0xa6: {  	s26 =	simm.s32 $execute0_lowered;
	[smem:$0x3FD2] =	sst s25  }
0xa7: {  	s6 =	sshll.u32 s26, $0x1;
	_ =	strace $0x80000046;
	[dreg:$0x1] =	wrdreg $0xFFFFFFFF  }
0xa8: {  	s28 =	simm.s32 $_size_execute0_lowered;
	s4 =	sadd.s32 s4, s6;
	[dreg:$0x0] =	wrdreg $0x0  }
0xa9: {  	s6 =	sshll.u32 s28, $0x1;
	[dreg:$0x2] =	wrdreg s4  }
0xaa: {  	[dreg:$0x3] =	wrdreg s6  }
0xab: {  	[dreg:$0x4] =	wrdreg $0xC0  }
0xac: {  	_ =	task [dreg:s8], $0x5FFFF  }
0xad: {  	[dreg:$0x1] =	wrdreg $0xFFFFFFFF  }
0xae: {  	[dreg:$0x0] =	wrdreg $0x60  }
0xaf: {  	[dreg:$0x2] =	wrdreg s24  }
0xb0: {  	[dreg:$0x3] =	wrdreg s2  }
0xb1: {  	[dreg:$0x4] =	wrdreg s18  }
0xb2: {  	[dreg:$0x5] =	wrdreg $0x9  }
0xb3: {  	_ =	task.clear_ibuf [dreg:s8], $0x6FFFF;
	_ =	strace $0x90000046  }
0xb4: {  	s29 =	simm.s32 $0x9;
	_ =	strace $0x80000048  }
0xb5: {  	_ =	swait.ge [sflag:s29], $0x1  }
0xb6: {  	[sflag:s29] =	ssyncadd.s32 $0xFFFFFFFF  }
0xb7: {  	_ =	strace $0x90000048  }
0xb8: {  	_ =	sfence  }
0xb9: {  	s30 =	sld [smem:$0x0];
	_ =	sdelay $0x2  }
0xba: {  	s31 =	sshll.u32 s1, $0xD;
	s1 =	sshrl.u32 s1, $0x2  }
0xbb: {  	s3 =	sand.u32 $0x4000, s31;
	s1 =	sadd.s32 s1, s30  }
0xbc: {  	s0 =	sor.u32 s3, s0;
	s1 =	sshll.u32 s1, $0x11  }
0xbd: {  	s0 =	sor.u32 s1, s0  }
0xbe: {  	s0 =	sadd.s32 $0x8F2B, s0  }
0xbf: {  	[sflag:s0] =	ssyncadd.remote.s32 $0x1  }
0xc0: {  	_ =	sfence.sel $0xFFFF  }
0xc1: {  	[dreg:$0x0] =	wrdreg $0xFFFFFFFF;
	(pc) =	sbr.abs _section_cstart, $3  }
0xc2: {  	[dreg:$0x1] =	wrdreg $0xFFFFFFFF  }
0xc3: {  	_ =	task.clear_ibuf [dreg:s8], $0x2FFFF;
	_ =	strace $0x9FFFFFFF  }
0xc4: {  	(tm) =	ssettm $0x7FFFFFFF  }
0xc5: {  	_ =	shalt  }
tec
execute0_lowered:
.L_overlay_start_1:
0x0: {  	(tag) =	ssettag $0x1  }
0x1: {  	s0 =	srdreg.scid;
	s4 =	rddreg [dreg:$0x0]  }
0x2: {  	s23 =	stileid.u32;
	s8 =	rddreg [dreg:$0x1]  }
0x3: {  	s3 =	simm.s32 $0x0;
	s18 =	simm.s32 $0x167D0;
	s19 =	simm.s32 $0x16820  }
0x4: {  	s20 =	simm.s32 $0x50;
	s21 =	simm.s32 $0x16900;
	s1 =	sand.u32 $0x1, s0  }
0x5: {  	s7 =	smul.u32 $0x14000, s23;
	s9 =	sshll.u32 s23, $0x1;
	s2 =	sshll.u32 s1, $0x4  }
0x6: {  	v0 =	vimm.s32 $0xA380;
	vm0 =	vcmask $0x300;
	s6 =	smul.u32 $0x140000, s1;
	s24 =	ssub.s32 $0x2, s1;
	s1 =	sor.u32 s1, s9  }
0x7: {  	vm14 =	vcmask $0x704;
	s22 =	simm.s32 $0x19100;
	[smem:$0x7FF] =	sst s3;
	v0 =	vsel vm0, $0x0, v0;
	s26 =	smul.u32 $0x50, s1  }
0x8: {  	vm15 =	vcmask $0xB08;
	s14 =	sadd.s32 $0x15E00, s4;
	v0 =	vsel vm14, $0x80, v0;
	s2 =	sor.u32 s23, s2;
	s28 =	smul.u32 $0xA, s1  }
0x9: {  	vm4 =	vcmask $0xF0C;
	s25 =	sshrl.u32 s24, $0x1;
	v0 =	vsel vm15, $0x100, v0;
	s11 =	sor.u32 $0x60, s1;
	s16 =	smul.u32 $0x500, s1  }
0xa: {  	vm5 =	vcmask $0x1310;
	p0 =	sgt.u32 s1, $0x1C;
	s23 =	simm.s32 $0x1;
	s5 =	smul.u32 $0x4E2, s2;
	v0 =	vsel vm4, $0x180, v0  }
0xb: {  	vm6 =	vcmask $0x1714;
	s2 =	rddreg [dreg:$0x2];
	_ =	strace $0x80000047;
	s29 =	smul.u32 $0xA, s11;
	v0 =	vsel vm5, $0x200, v0  }
0xc: {  	vm7 =	vcmask $0x1B18;
	s6 =	sadd.s32 s7, s6;
	s15 =	ssub.s32 s24, s25;
	s17 =	smul.u32 $0x500, s11;
	v0 =	vsel vm6, $0x280, v0  }
0xd: {  	vm8 =	vcmask $0x1F1C;
	s24 =	simm.s32 $0x2780;
	s25 =	simm.s32 $0x2;
	s6 =	sshrl.u32 s6, $0x3;
	v0 =	vsel vm7, $0x300, v0  }
0xe: {  	vm9 =	vcmask $0x2320;
	s12 =	sadd.s32 $0xA00, s26;
	s13 =	sadd.s32 $0x1400, s26;
	s11 =	sadd.s32 s14, s16;
	v0 =	vsel vm8, $0x380, v0  }
0xf: {  	vm10 =	vcmask $0x2724;
	s15 =	smax.u32 s15, $0x1;
	s16 =	simm.s32 $0x16780;
	s26 =	simm.s32 $0x0;
	v0 =	vsel vm9, $0xA000, v0  }
0x10: {  	vm11 =	vcmask $0x2B28;
	s5 =	sadd.s32 s5, s4;
	s10 =	sadd.s32 s6, s4;
	s30 =	sshrl.u32 s12, $0x3;
	v0 =	vsel vm10, $0xA080, v0  }
0x11: {  	vm12 =	vcmask $0x2F2C;
	s31 =	sshrl.u32 s13, $0x3;
	s12 =	sshll.u32 s12, $0x4;
	s13 =	sshll.u32 s13, $0x4;
	v0 =	vsel vm11, $0xA100, v0  }
0x12: {  	vm13 =	vcmask $0x3330;
	s4 =	sadd.s32 $0x2200, s5;
	s5 =	sadd.s32 s8, s28;
	s6 =	sadd.s32 s8, s30;
	v0 =	vsel vm12, $0xA180, v0  }
0x13: {  	vm14 =	vcmask $0x3734;
	s7 =	sadd.s32 s8, s31;
	s8 =	sadd.s32 s8, s29;
	s9 =	sadd.s32 $0x3D000, s10;
	v0 =	vsel vm13, $0xA200, v0  }
0x14: {  	vm15 =	vcmask $0x3B38;
	s12 =	sadd.s32 s14, s12;
	s13 =	sadd.s32 s14, s13;
	s14 =	sadd.s32 s14, s17;
	v1 =	vsel vm14, $0xA280, v0  }
0x15: {  	s10 =	sadd.s32 $0x8D000, s10;
	s17 =	simm.s32 $0x3;
	s14 =	smov.u32 @p0 s13;
	v0 =	vimm.f32 $0.0e+00;
	v1 =	vsel vm15, $0xA300, v1  }
.LBB2_1:
0x16: {  	[tilespmem:s3], [sflag:$0x1] =	stream.linear.gather [hbm4b:s4+s3], $0x2710, $0x38;
	[tilespmem:$0x1B900] =	vst v63  }
0x17: {  	_ = 	snop  }
0x18: {  	[tilespmem:s16], [sflag:$0x3] =	stream.linear.gather [hbm4b:s5+s3], $0x50, $0x38;
	[tilespmem:$0x1B900] =	vst v63  }
0x19: {  	_ =	swait.ge [sflag:s17], $0x50  }
0x1a: {  	[sflag:s17] =	ssyncset.done $0x0  }
0x1b: {  	[sflag:s17] =	ssyncadd.s32 $0xFFFFFFB0  }
0x1c: {  	[tilespmem:s18], [sflag:$0x3] =	stream.linear.gather [hbm4b:s6+s3], $0x50, $0x38;
	[tilespmem:$0x1B900] =	vst v63  }
0x1d: {  	_ =	swait.ge [sflag:s17], $0x50  }
0x1e: {  	[sflag:s17] =	ssyncset.done $0x0  }
0x1f: {  	[sflag:s17] =	ssyncadd.s32 $0xFFFFFFB0  }
0x20: {  	[tilespmem:s19], [sflag:$0x3] =	stream.linear.gather [hbm4b:s7+s3], $0x50, $0x38;
	[tilespmem:$0x1B900] =	vst v63  }
0x21: {  	_ =	swait.ge [sflag:s17], $0x50  }
0x22: {  	[sflag:s17] =	ssyncset.done $0x0  }
0x23: {  	s1 =	simm.s32 @!p0 $0x0;
	s28 =	simm.s32 @!p0 $0x16870;
	[sflag:s17] =	ssyncadd.s32 $0xFFFFFFB0  }
0x24: {  	[tilespmem:s28], [sflag:$0x3] =	stream.linear.gather @!p0 [hbm4b:s8+s1], $0x50, $0x38;
	[tilespmem:$0x1B900] =	vst v63  }
0x25: {  	s1 =	simm.s32 @!p0 $0x3  }
0x26: {  	_ =	swait.ge @!p0 [sflag:s1], $0x50  }
0x27: {  	[sflag:s1] =	ssyncset.done @!p0 $0x0  }
0x28: {  	[sflag:s1] =	ssyncadd.s32 @!p0 $0xFFFFFFB0  }
0x29: {  	[tilespmem:s21], [sflag:$0x2] =	stream.indirect.gather [hbm4b:s2+s20], $0x80, s16, s20, $0xb8;
	[tilespmem:$0x1B900] =	vst v63  }
0x2a: {  	_ = 	snop  }
0x2b: {  	[tilespmem:s22], [sflag:$0x2] =	stream.indirect.gather [hbm4b:s2+s20], $0x80, s18, s20, $0xb8;
	[tilespmem:$0x1B900] =	vst v63  }
0x2c: {  	_ =	swait.ge [sflag:s23], $0x2710  }
0x2d: {  	s0 =	sand.u32 $0x70, s3;
	s28 =	sand.u32 $0xFC00, s3;
	[sflag:s23] =	ssyncset.done $0x0  }
0x2e: {  	s28 =	sor.u32 s0, s28;
	[sflag:s23] =	ssyncadd.s32 $0xFFFFD8F0  }
0x2f: {  	[tilespmem:s28+$0x2800] =	vst v0  }
0x30: {  	[tilespmem:s28+$0x2880] =	vst v0  }
0x31: {  	s30 =	simm.s32 $0x10;
	[tilespmem:s28+$0x2900] =	vst v0  }
0x32: {  	s29 =	simm.s32 $0x0;
	s31 =	simm.s32 $0x0;
	s1 =	sand.u32 $0x7, s3;
	[tilespmem:s28+$0x2980] =	vst v0  }
.LBB2_2:
0x33: {  	p1 =	sne.s32 s30, $0x1370;
	s1 =	sshll.u32 s1, $0x4;
	[tilespmem:s28+$0x2A00] =	vst v0  }
0x34: {  	s1 =	sadd.s32 s1, s29;
	[tilespmem:s28+$0x2A80] =	vst v0  }
0x35: {  	[tilespmem:s28+$0x2780] =	vst v0;
	s1 =	sor.u32 $0x380, s1  }
0x36: {  	[tilespmem:s1+$0x2780] =	vst v0  }
0x37: {  	[tilespmem:s28+$0xC780] =	vst v0  }
0x38: {  	[tilespmem:s28+$0xC800] =	vst v0  }
0x39: {  	[tilespmem:s28+$0xC880] =	vst v0  }
0x3a: {  	[tilespmem:s28+$0xC900] =	vst v0  }
0x3b: {  	[tilespmem:s28+$0xC980] =	vst v0  }
0x3c: {  	s29 =	sadd.s32 $0x80, s29;
	[tilespmem:s28+$0xCA00] =	vst v0  }
0x3d: {  	s0 =	sand.u32 $0xFC00, s29;
	s1 =	sand.u32 $0x70, s30;
	[tilespmem:s28+$0xCA80] =	vst v0  }
.Ltmp0:
0x3e: {  	[tilespmem:s28+$0xCB00] =	vst v0;
	s28 =	sor.u32 s1, s0;
	(pc) =	sbr.rel @p1 .LBB2_2-.Ltmp0, $4  }
0x3f: {  	[tilespmem:s28+$0x2800] =	vst v0  }
0x40: {  	[tilespmem:s28+$0x2880] =	vst v0  }
0x41: {  	s31 =	sadd.s32 $0x1, s31;
	[tilespmem:s28+$0x2900] =	vst v0  }
0x42: {  	s30 =	sadd.s32 $0x10, s30;
	s1 =	sand.u32 $0x7, s31;
	[tilespmem:s28+$0x2980] =	vst v0  }
0x43: {  	s0 =	sshll.u32 s1, $0x4;
	[tilespmem:s28+$0x2A00] =	vst v0  }
0x44: {  	[tilespmem:s28+$0x2A80] =	vst v0;
	s0 =	sadd.s32 s0, s29  }
0x45: {  	[tilespmem:s28+$0x2780] =	vst v0;
	s0 =	sor.u32 $0x380, s0  }
0x46: {  	[tilespmem:s0+$0x2780] =	vst v0  }
0x47: {  	[tilespmem:s28+$0xC780] =	vst v0  }
0x48: {  	[tilespmem:s28+$0xC800] =	vst v0  }
0x49: {  	[tilespmem:s28+$0xC880] =	vst v0  }
0x4a: {  	[tilespmem:s28+$0xC900] =	vst v0  }
0x4b: {  	[tilespmem:s28+$0xC980] =	vst v0  }
0x4c: {  	[tilespmem:s28+$0xCA00] =	vst v0  }
0x4d: {  	[tilespmem:s28+$0xCA80] =	vst v0  }
0x4e: {  	s1 =	simm.s32 $0x0;
	[tilespmem:s28+$0xCB00] =	vst v0;
	s28 =	simm.s32 $0x40  }
.LBB2_4:
0x4f: {  	p1 =	sne.s32 s28, $0x9C00;
	v2 =	vld [tilespmem:s1+$0x0];
	_ =	sdelay $0x4  }
0x50: {  	vm0 =	vgt.s32 v2, $0x0  }
0x51: {  	v3 =	vnsel vm0, $0x0, v2  }
0x52: {  	v3 =	vmin.u32 v3, $0x1387  }
0x53: {  	v4 =	vshll.u32 v3, $0x3  }
0x54: {  	v3 =	vand.u32 $0x7F, v3;
	v4 =	vand.u32 $0xFC00, v4  }
0x55: {  	vm0 =	vlt.u32 v2, $0x1388;
	v2 =	vor.u32 v3, v4  }
0x56: {  	v2 =	vadd.s32 v1, v2;
	_ =	sdelay $0x4  }
0x57: {  	v3 =	vld.idx.msk [tilespmem:v2+s24+$0x0], vm0;
	_ =	sdelay $0x3  }
.Ltmp1:
0x58: {  	(pc) =	sbr.rel @p1 .LBB2_4-.Ltmp1, $3  }
0x59: {  	_ = 	snop  }
0x5a: {  	v3 =	vadd.f32 $1.000000000e+00, v3;
	_ =	sdelay $0x1  }
0x5b: {  	s1 =	sshra.s32 s28, $0x2;
	s28 =	sadd.s32 $0x40, s28;
	[tilespmem:v2+s24+$0x0] =	vst.idx.msk vm0, v3  }
0x5c: {  	v2 =	vld [tilespmem:s1+$0x0];
	_ =	sdelay $0x4  }
0x5d: {  	vm0 =	vgt.s32 v2, $0x0  }
0x5e: {  	v3 =	vnsel vm0, $0x0, v2  }
0x5f: {  	v3 =	vmin.u32 v3, $0x1387  }
0x60: {  	v4 =	vshll.u32 v3, $0x3  }
0x61: {  	v3 =	vand.u32 $0x7F, v3;
	v4 =	vand.u32 $0xFC00, v4  }
0x62: {  	vm15 =	vlt.u32 v2, $0x1388;
	v2 =	vor.u32 v3, v4  }
0x63: {  	v2 =	vadd.s32 v1, v2;
	_ =	sdelay $0x4  }
0x64: {  	v3 =	vld.idx.msk [tilespmem:v2+s24+$0x0], vm15;
	_ =	sdelay $0x4  }
0x65: {  	v3 =	vadd.f32 $1.000000000e+00, v3;
	_ =	sdelay $0x1  }
0x66: {  	s29 =	simm.s32 $0x0;
	[tilespmem:v2+s24+$0x0] =	vst.idx.msk vm15, v3  }
0x67: {  	[hbm4b:s9+s29] =	stream.linear.scatter [tilespmem:s24], [sflag:$0x3], $0x14000, $0x38;
	[tilespmem:$0x1B900] =	vst v63  }
0x68: {  	_ =	swait.ge [sflag:s17], $0x14000  }
0x69: {  	s0 =	sand.u32 $0x70, s29;
	s1 =	sand.u32 $0xFC00, s29;
	[sflag:s17] =	ssyncset.done $0x0  }
0x6a: {  	s28 =	sor.u32 s0, s1;
	[sflag:s17] =	ssyncadd.s32 $0xFFFEC000  }
0x6b: {  	[tilespmem:s28+$0x2800] =	vst v0  }
0x6c: {  	[tilespmem:s28+$0x2880] =	vst v0  }
0x6d: {  	[tilespmem:s28+$0x2900] =	vst v0  }
0x6e: {  	s30 =	simm.s32 $0x10;
	s31 =	simm.s32 $0x0;
	s1 =	sand.u32 $0x7, s29;
	[tilespmem:s28+$0x2980] =	vst v0  }
.LBB2_6:
0x6f: {  	p1 =	sne.s32 s30, $0x1370;
	s0 =	sshll.u32 s1, $0x4;
	[tilespmem:s28+$0x2A00] =	vst v0  }
0x70: {  	s0 =	sadd.s32 s0, s29;
	[tilespmem:s28+$0x2A80] =	vst v0  }
0x71: {  	[tilespmem:s28+$0x2780] =	vst v0;
	s0 =	sor.u32 $0x380, s0  }
0x72: {  	[tilespmem:s0+$0x2780] =	vst v0  }
0x73: {  	[tilespmem:s28+$0xC780] =	vst v0  }
0x74: {  	[tilespmem:s28+$0xC800] =	vst v0  }
0x75: {  	[tilespmem:s28+$0xC880] =	vst v0  }
0x76: {  	[tilespmem:s28+$0xC900] =	vst v0  }
0x77: {  	[tilespmem:s28+$0xC980] =	vst v0  }
0x78: {  	s29 =	sadd.s32 $0x80, s29;
	[tilespmem:s28+$0xCA00] =	vst v0  }
0x79: {  	s1 =	sand.u32 $0xFC00, s29;
	s0 =	sand.u32 $0x70, s30;
	[tilespmem:s28+$0xCA80] =	vst v0  }
.Ltmp2:
0x7a: {  	[tilespmem:s28+$0xCB00] =	vst v0;
	s28 =	sor.u32 s0, s1;
	(pc) =	sbr.rel @p1 .LBB2_6-.Ltmp2, $4  }
0x7b: {  	[tilespmem:s28+$0x2800] =	vst v0  }
0x7c: {  	[tilespmem:s28+$0x2880] =	vst v0  }
0x7d: {  	s31 =	sadd.s32 $0x1, s31;
	[tilespmem:s28+$0x2900] =	vst v0  }
0x7e: {  	s30 =	sadd.s32 $0x10, s30;
	s1 =	sand.u32 $0x7, s31;
	[tilespmem:s28+$0x2980] =	vst v0  }
0x7f: {  	s0 =	sshll.u32 s1, $0x4;
	[tilespmem:s28+$0x2A00] =	vst v0  }
0x80: {  	[tilespmem:s28+$0x2A80] =	vst v0;
	s0 =	sadd.s32 s0, s29  }
0x81: {  	[tilespmem:s28+$0x2780] =	vst v0;
	s0 =	sor.u32 $0x380, s0  }
0x82: {  	[tilespmem:s0+$0x2780] =	vst v0  }
0x83: {  	[tilespmem:s28+$0xC780] =	vst v0  }
0x84: {  	[tilespmem:s28+$0xC800] =	vst v0  }
0x85: {  	[tilespmem:s28+$0xC880] =	vst v0  }
0x86: {  	[tilespmem:s28+$0xC900] =	vst v0  }
0x87: {  	[tilespmem:s28+$0xC980] =	vst v0  }
0x88: {  	[tilespmem:s28+$0xCA00] =	vst v0  }
0x89: {  	[tilespmem:s28+$0xCA80] =	vst v0  }
0x8a: {  	s1 =	simm.s32 $0x0;
	[tilespmem:s28+$0xCB00] =	vst v0;
	s28 =	simm.s32 $0x40  }
.LBB2_8:
0x8b: {  	p1 =	sne.s32 s28, $0x9C00;
	v2 =	vld [tilespmem:s1+$0x0];
	_ =	sdelay $0x4  }
0x8c: {  	v2 =	vadd.s32 $0xFFFFEC78, v2  }
0x8d: {  	vm0 =	vgt.s32 v2, $0x0  }
0x8e: {  	v3 =	vnsel vm0, $0x0, v2  }
0x8f: {  	v3 =	vmin.u32 v3, $0x1387  }
0x90: {  	v4 =	vshll.u32 v3, $0x3  }
0x91: {  	v3 =	vand.u32 $0x7F, v3;
	v4 =	vand.u32 $0xFC00, v4  }
0x92: {  	vm0 =	vlt.u32 v2, $0x1388;
	v2 =	vor.u32 v3, v4  }
0x93: {  	v2 =	vadd.s32 v1, v2;
	_ =	sdelay $0x4  }
0x94: {  	v3 =	vld.idx.msk [tilespmem:v2+s24+$0x0], vm0;
	_ =	sdelay $0x3  }
.Ltmp3:
0x95: {  	(pc) =	sbr.rel @p1 .LBB2_8-.Ltmp3, $3  }
0x96: {  	_ = 	snop  }
0x97: {  	v3 =	vadd.f32 $1.000000000e+00, v3;
	_ =	sdelay $0x1  }
0x98: {  	s1 =	sshra.s32 s28, $0x2;
	s28 =	sadd.s32 $0x40, s28;
	[tilespmem:v2+s24+$0x0] =	vst.idx.msk vm0, v3  }
0x99: {  	v2 =	vld [tilespmem:s1+$0x0];
	_ =	sdelay $0x4  }
0x9a: {  	v2 =	vadd.s32 $0xFFFFEC78, v2  }
0x9b: {  	vm0 =	vgt.s32 v2, $0x0  }
0x9c: {  	v3 =	vnsel vm0, $0x0, v2  }
0x9d: {  	v3 =	vmin.u32 v3, $0x1387  }
0x9e: {  	v4 =	vshll.u32 v3, $0x3  }
0x9f: {  	v3 =	vand.u32 $0x7F, v3;
	v4 =	vand.u32 $0xFC00, v4  }
0xa0: {  	vm15 =	vlt.u32 v2, $0x1388;
	v2 =	vor.u32 v3, v4  }
0xa1: {  	v2 =	vadd.s32 v1, v2;
	_ =	sdelay $0x4  }
0xa2: {  	v3 =	vld.idx.msk [tilespmem:v2+s24+$0x0], vm15;
	_ =	sdelay $0x4  }
0xa3: {  	v3 =	vadd.f32 $1.000000000e+00, v3;
	_ =	sdelay $0x1  }
0xa4: {  	[tilespmem:v2+s24+$0x0] =	vst.idx.msk vm15, v3  }
0xa5: {  	[hbm4b:s10+s3] =	stream.linear.scatter [tilespmem:s24], [sflag:$0x3], $0x14000, $0x38;
	[tilespmem:$0x1B900] =	vst v63  }
0xa6: {  	_ =	swait.ge [sflag:s17], $0x14000  }
0xa7: {  	[sflag:s17] =	ssyncset.done $0x0  }
0xa8: {  	[sflag:s17] =	ssyncadd.s32 $0xFFFEC000  }
0xa9: {  	_ =	swait.ge [sflag:s25], $0x2800  }
0xaa: {  	[sflag:s25] =	ssyncset.done $0x0  }
0xab: {  	[sflag:s25] =	ssyncadd.s32 $0xFFFFD800  }
0xac: {  	[hbm4b:s11+s3] =	stream.linear.scatter [tilespmem:s21], [sflag:$0x3], $0x2800, $0x38;
	[tilespmem:$0x1B900] =	vst v63  }
0xad: {  	_ =	swait.ge [sflag:s17], $0x2800  }
0xae: {  	[sflag:s17] =	ssyncset.done $0x0  }
0xaf: {  	[sflag:s17] =	ssyncadd.s32 $0xFFFFD800  }
0xb0: {  	[tilespmem:s21], [sflag:$0x2] =	stream.indirect.gather [hbm4b:s2+s20], $0x80, s19, s20, $0xb8;
	[tilespmem:$0x1B900] =	vst v63  }
0xb1: {  	_ =	swait.ge [sflag:s25], $0x2800  }
0xb2: {  	[sflag:s25] =	ssyncset.done $0x0  }
0xb3: {  	[sflag:s25] =	ssyncadd.s32 $0xFFFFD800  }
0xb4: {  	[hbm4b:s12+s3] =	stream.linear.scatter [tilespmem:s22], [sflag:$0x3], $0x2800, $0x38;
	[tilespmem:$0x1B900] =	vst v63  }
0xb5: {  	_ =	swait.ge [sflag:s17], $0x2800  }
0xb6: {  	s0 =	simm.s32 @!p0 $0x50;
	[sflag:s17] =	ssyncset.done $0x0  }
0xb7: {  	s1 =	simm.s32 @!p0 $0x16870;
	s28 =	simm.s32 @!p0 $0x19100;
	[sflag:s17] =	ssyncadd.s32 $0xFFFFD800  }
0xb8: {  	[tilespmem:s28], [sflag:$0x2] =	stream.indirect.gather @!p0 [hbm4b:s2+s0], $0x80, s1, s0, $0xb8;
	[tilespmem:$0x1B900] =	vst v63  }
0xb9: {  	s0 =	simm.s32 @!p0 $0x2  }
0xba: {  	_ =	swait.ge @!p0 [sflag:s0], $0x2800  }
0xbb: {  	[sflag:s0] =	ssyncset.done @!p0 $0x0  }
0xbc: {  	s1 =	simm.s32 @!p0 $0x16900;
	[sflag:s0] =	ssyncadd.s32 @!p0 $0xFFFFD800;
	s0 =	simm.s32 @!p0 $0x0  }
0xbd: {  	[hbm4b:s13+s0] =	stream.linear.scatter @!p0 [tilespmem:s1], [sflag:$0x3], $0x2800, $0x38;
	[tilespmem:$0x1B900] =	vst v63  }
0xbe: {  	s0 =	simm.s32 @!p0 $0x3  }
0xbf: {  	_ =	swait.ge @!p0 [sflag:s0], $0x2800  }
0xc0: {  	[sflag:s0] =	ssyncset.done @!p0 $0x0  }
0xc1: {  	[sflag:s0] =	ssyncadd.s32 @!p0 $0xFFFFD800  }
0xc2: {  	s26 =	sadd.s32 $0x1, s26;
	_ =	swait.ge [sflag:s25], $0x2800  }
0xc3: {  	p1 =	sne.s32 s26, s15;
	[sflag:s25] =	ssyncset.done $0x0  }
.Ltmp4:
0xc4: {  	s28 =	simm.s32 @p0 $0x16900;
	[sflag:s25] =	ssyncadd.s32 $0xFFFFD800;
	(pc) =	sbr.rel @p1 .LBB2_1-.Ltmp4, $4  }
0xc5: {  	[hbm4b:s14+s3] =	stream.linear.scatter [tilespmem:s28], [sflag:$0x3], $0x2800, $0x38;
	[tilespmem:$0x1B900] =	vst v63  }
0xc6: {  	_ =	swait.ge [sflag:s17], $0x2800  }
0xc7: {  	[sflag:s17] =	ssyncset.done $0x0  }
0xc8: {  	[sflag:s17] =	ssyncadd.s32 $0xFFFFD800  }
0xc9: {  	_ =	sfence.sel $0x180000  }
0xca: {  	[bflag:$0x0] =	sbarrier.arrive $0xFFFF  }
0xcb: {  	_ =	strace $0x90000047  }
0xcc: {  	s0 =	stileid.u32;
	[bflag:$0x2] =	sbarrier.arrive $0xFFFF  }
0xcd: {  	p0 =	sne.s32 s0, $0x0;
	s0 =	rddreg [dreg:$0x3]  }
0xce: {  	s0 =	sadd.s32 @!p0 $0x100000, s0  }
0xcf: {  	[sflag:s0] =	ssyncadd.tile.s32 @!p0 $0x1;
	_ =	shalt  }
.Lfunc_end2:
_tile_overlayer_lowered:
.L_overlay_start_2:
0xd0: {  	(tag) =	ssettag $0x2  }
0xd1: {  	s0 =	rddreg [dreg:$0x0];
	s2 =	stileid.u32  }
0xd2: {  	s1 =	rddreg [dreg:$0x1];
	p0 =	sne.s32 s2, $0x0  }
0xd3: {  	s3 =	rddreg [dreg:$0x2];
	[bflag:$0x3] =	sbarrier.arrive $0xFFFF;
	s2 =	simm.s32 @!p0 $0x1C03  }
0xd4: {  	[timem:s3], [sflag:s2] =	dma.local @!p0 [hbm:s0], s1  }
0xd5: {  	s0 =	simm.s32 @!p0 $0x3  }
0xd6: {  	_ =	swait.ge @!p0 [sflag:s0], s1  }
0xd7: {  	s1 =	ssub.s32 @!p0 $0x0, s1;
	[sflag:s0] =	ssyncset.done @!p0 $0x0  }
0xd8: {  	[sflag:s0] =	ssyncadd.s32 @!p0 s1  }
0xd9: {  	[bflag:$0x3] =	sbarrier.arrive $0xFFFF  }
0xda: {  	_ =	shalt  }

</sc_bundles>
